<compile_context>
chip_gen: v7x
topology: tpu7x:2x2x1
jax: 0.10.2.dev20260603
libtpu: 0.0.44.dev20260713+nightly
codegen_flags: <defaults>
</compile_context>

<pallas_src>
import functools

import jax
import jax.numpy as jnp
import numpy as np
from jax import lax
from jax.experimental import pallas as pl
from jax.experimental.pallas import tpu as pltpu
from jax.experimental.pallas import tpu_sc as plsc

N = 500000
NBATCH = 4
GX, GY, GZ = 352, 400, 10
NUM_CELLS = GX * GY * GZ
NKEY = NBATCH * NUM_CELLS
SENT = NKEY
NSEG = 240000
NSEG_P = 240128
ROWS_PER_TILE = NSEG_P // 16

LOW0, LOW1, LOW2 = np.float32(0.0), np.float32(-40.0), np.float32(-3.0)
VS0, VS1, VS2 = np.float32(0.2), np.float32(0.2), np.float32(0.4)

NW = 32
NRANGE = 64
RNG = NKEY // NRANGE
W_CELLS = NKEY // NW
CHUNK = 2000
NCHUNK = N // CHUNK
CCHUNK = 2000
NCC = W_CELLS // CCHUNK
STG = 4096

_MESH = plsc.VectorSubcoreMesh(core_axis_name="c", subcore_axis_name="s")
_SC_PARAMS = pltpu.CompilerParams(needs_layout_passes=False)


def _wid():
    return lax.axis_index("s") * 2 + lax.axis_index("c")


def _k1_body(xs, ys, zs, bi, keys, xb, yb, zb, bb, kb):
    w = _wid()

    def chunk(ch):
        off = pl.multiple_of(ch * CHUNK, 8)
        pltpu.sync_copy(xs.at[pl.ds(off, CHUNK)], xb)
        pltpu.sync_copy(ys.at[pl.ds(off, CHUNK)], yb)
        pltpu.sync_copy(zs.at[pl.ds(off, CHUNK)], zb)
        pltpu.sync_copy(bi.at[pl.ds(off, CHUNK)], bb)

        def vec(i, _):
            s = pl.ds(i * 16, 16)
            vx = ((xb[s] - LOW0) / VS0).astype(jnp.int32)
            vy = ((yb[s] - LOW1) / VS1).astype(jnp.int32)
            vz = ((zb[s] - LOW2) / VS2).astype(jnp.int32)
            inr = ((vx >= 0) & (vx < GX) & (vy >= 0) & (vy < GY)
                   & (vz >= 0) & (vz < GZ))
            key = bb[s] * NUM_CELLS + (vz * GY + vy) * GX + vx
            kb[s] = jnp.where(inr, key, SENT)
            return 0

        lax.fori_loop(0, CHUNK // 16, vec, 0)
        pltpu.sync_copy(kb, keys.at[pl.ds(off, CHUNK)])

    for c in range(8):
        ch = c * NW + w

        @pl.when(ch < NCHUNK)
        def _():
            chunk(ch)


def _k2a_body(keys, counts, occ, hist, kb, ob):
    w = _wid()
    ones = jnp.full((16,), 1, jnp.int32)

    for p in range(2):
        r = p * NW + w
        base = r * RNG

        def zero(i, _):
            hist[pl.ds(i * 16, 16)] = jnp.zeros((16,), jnp.int32)
            return 0

        lax.fori_loop(0, RNG // 16, zero, 0)

        def cb(t, _):
            pltpu.sync_copy(keys.at[pl.ds(pl.multiple_of(t * CHUNK, 8),
                                          CHUNK)], kb)

            def vb(i, _):
                idx = kb[pl.ds(i * 16, 16)] - base
                m = (idx >= 0) & (idx < RNG)
                plsc.addupdate_scatter(hist, [jnp.where(m, idx, 0)], ones,
                                       mask=m)
                return 0

            lax.fori_loop(0, CHUNK // 16, vb, 0)
            return 0

        lax.fori_loop(0, NCHUNK, cb, 0)

        def of(i, acc):
            c16 = hist[pl.ds(i * 16, 16)]
            return acc + jnp.where(c16 > 0, 1, 0).astype(jnp.int32)

        acc = lax.fori_loop(0, RNG // 16, of, jnp.zeros((16,), jnp.int32))
        ob[...] = acc
        pltpu.sync_copy(ob, occ.at[r])
        pltpu.sync_copy(hist, counts.at[pl.ds(pl.multiple_of(base, 8), RNG)])


def _k2b_body(counts, occ, ranks, uniq, cnt, tot, ob, cbuf, rb, idxs, cells,
              cnts, tb):
    w = _wid()
    lanes = lax.iota(jnp.int32, 16)
    pltpu.sync_copy(occ, ob)

    def pf(r, carry):
        run, p0 = carry
        t = jnp.sum(ob[r])
        p0 = jnp.where(r == 2 * w, run, p0)
        return (run + t, p0)

    total, pref0 = lax.fori_loop(0, NRANGE, pf, (0, 0))

    @pl.when(w == 0)
    def _():
        tb[...] = jnp.zeros((16,), jnp.int32) + total
        pltpu.sync_copy(tb, tot)

    def inits(i, _):
        idxs[pl.ds(i * 16, 16)] = NSEG + ((w * 16 + lanes + i) & 127)
        return 0

    lax.fori_loop(0, STG // 16, inits, 0)

    gbase = w * W_CELLS

    def cc(t, carry):
        rank_run, n = carry
        coff = pl.multiple_of(gbase + t * CCHUNK, 8)
        pltpu.sync_copy(counts.at[pl.ds(coff, CCHUNK)], cbuf)

        def vb(i, carry2):
            rank_run, n = carry2
            c16 = cbuf[pl.ds(i * 16, 16)]
            f = (c16 > 0).astype(jnp.int32)
            excl = plsc.cumsum(f) - f
            rank16 = excl + rank_run
            rb[pl.ds(i * 16, 16)] = rank16
            m = (c16 > 0) & (rank16 < NSEG)
            plsc.store_compressed(idxs.at[pl.ds(n, 16)], rank16, mask=m)
            plsc.store_compressed(cells.at[pl.ds(n, 16)],
                                  coff + i * 16 + lanes, mask=m)
            plsc.store_compressed(cnts.at[pl.ds(n, 16)],
                                  c16.astype(jnp.float32), mask=m)
            return (rank_run + jnp.sum(f),
                    n + jnp.sum(jnp.where(m, 1, 0).astype(jnp.int32)))

        rank_run, n = lax.fori_loop(0, CCHUNK // 16, vb, (rank_run, n))
        pltpu.sync_copy(rb, ranks.at[pl.ds(coff, CCHUNK)])
        flush = n >= STG // 2

        @pl.when(flush)
        def _():
            pltpu.sync_copy(cells, uniq.at[idxs])
            pltpu.sync_copy(cnts, cnt.at[idxs])

        return (rank_run, jnp.where(flush, 0, n))

    lax.fori_loop(0, NCC, cc, (pref0, 0))
    pltpu.sync_copy(cells, uniq.at[idxs])
    pltpu.sync_copy(cnts, cnt.at[idxs])


def _k3_body(keys, xs, ys, zs, it, ranks, psum,
             kb, gb, rkb, fxb, xb, yb, zb, ib, zbuf, s0, s1, s2, s3, sem):
    w = _wid()
    core = lax.axis_index("c")
    sub = lax.axis_index("s")
    lanes = lax.iota(jnp.int32, 16)
    tslice = pl.ds(sub * ROWS_PER_TILE, ROWS_PER_TILE)

    def zv(i, _):
        zbuf[pl.ds(i * 16, 16)] = jnp.zeros((16,), jnp.float32)
        return 0

    lax.fori_loop(0, ROWS_PER_TILE // 16, zv, 0)
    for sx in (s0, s1, s2, s3):
        pltpu.sync_copy(zbuf, sx.at[tslice])
    plsc.subcore_barrier()

    def chunk(ch):
        off = pl.multiple_of(ch * CHUNK, 8)
        pltpu.sync_copy(keys.at[pl.ds(off, CHUNK)], kb)

        def clampv(i, _):
            gb[pl.ds(i * 16, 16)] = jnp.minimum(kb[pl.ds(i * 16, 16)],
                                                NKEY - 1)
            return 0

        lax.fori_loop(0, CHUNK // 16, clampv, 0)
        pltpu.async_copy(ranks.at[gb], rkb, sem).wait()
        pltpu.sync_copy(xs.at[pl.ds(off, CHUNK)], xb)
        pltpu.sync_copy(ys.at[pl.ds(off, CHUNK)], yb)
        pltpu.sync_copy(zs.at[pl.ds(off, CHUNK)], zb)
        pltpu.sync_copy(it.at[pl.ds(off, CHUNK)], ib)

        def fixv(i, _):
            r16 = rkb[pl.ds(i * 16, 16)]
            k16 = kb[pl.ds(i * 16, 16)]
            valid = (k16 < SENT) & (r16 < NSEG)
            dump = NSEG + ((w * 16 + lanes + i) & 127)
            fxb[pl.ds(i * 16, 16)] = jnp.where(valid, r16, dump)
            return 0

        lax.fori_loop(0, CHUNK // 16, fixv, 0)
        pltpu.sync_copy(xb, s0.at[fxb], add=True)
        pltpu.sync_copy(yb, s1.at[fxb], add=True)
        pltpu.sync_copy(zb, s2.at[fxb], add=True)
        pltpu.sync_copy(ib, s3.at[fxb], add=True)

    for c in range(8):
        ch = c * NW + w

        @pl.when(ch < NCHUNK)
        def _():
            chunk(ch)

    plsc.subcore_barrier()
    for j, sx in enumerate((s0, s1, s2, s3)):
        po = pl.multiple_of((core * 4 + j) * NSEG_P + sub * ROWS_PER_TILE, 8)
        pltpu.sync_copy(sx.at[tslice], zbuf)
        pltpu.sync_copy(zbuf, psum.at[pl.ds(po, ROWS_PER_TILE)])


def _k4_body(tot, u, cn, a0, a1, a2, a3, b0, b1, b2, b3,
             e0, e1, e2, e3, cb, czb, cyb, cxb, vn):
    pid = pl.program_id(0)
    row = lax.broadcasted_iota(jnp.int32, (128, 128), 0)
    lane = lax.broadcasted_iota(jnp.int32, (128, 128), 1)
    idx = (pid * 128 + row) * 128 + lane
    valid = idx < tot[0]
    c = jnp.where(valid, cn[...], jnp.float32(0.0))
    norm = jnp.maximum(c, jnp.float32(1.0))
    vn[...] = c
    e0[...] = (a0[...] + b0[...]) / norm
    e1[...] = (a1[...] + b1[...]) / norm
    e2[...] = (a2[...] + b2[...]) / norm
    e3[...] = (a3[...] + b3[...]) / norm
    cell = jnp.where(valid, u[...], 0)
    b = lax.div(cell, jnp.int32(NUM_CELLS))
    rem = cell - b * NUM_CELLS
    vz = lax.div(rem, jnp.int32(GX * GY))
    r2 = rem - vz * (GX * GY)
    vy = lax.div(r2, jnp.int32(GX))
    vx = r2 - vy * GX
    cb[...] = b
    czb[...] = vz
    cyb[...] = vy
    cxb[...] = vx


_k1 = pl.kernel(
    _k1_body,
    out_type=jax.ShapeDtypeStruct((N,), jnp.int32),
    mesh=_MESH,
    compiler_params=_SC_PARAMS,
    scratch_types=[
        pltpu.VMEM((CHUNK,), jnp.float32),
        pltpu.VMEM((CHUNK,), jnp.float32),
        pltpu.VMEM((CHUNK,), jnp.float32),
        pltpu.VMEM((CHUNK,), jnp.int32),
        pltpu.VMEM((CHUNK,), jnp.int32),
    ],
)

_k2a = pl.kernel(
    _k2a_body,
    out_type=(
        jax.ShapeDtypeStruct((NKEY,), jnp.int32),
        jax.ShapeDtypeStruct((NRANGE, 16), jnp.int32),
    ),
    mesh=_MESH,
    compiler_params=_SC_PARAMS,
    scratch_types=[
        pltpu.VMEM((RNG,), jnp.int32),
        pltpu.VMEM((CHUNK,), jnp.int32),
        pltpu.VMEM((16,), jnp.int32),
    ],
)

_k2b = pl.kernel(
    _k2b_body,
    out_type=(
        jax.ShapeDtypeStruct((NKEY,), jnp.int32),
        jax.ShapeDtypeStruct((NSEG_P,), jnp.int32),
        jax.ShapeDtypeStruct((NSEG_P,), jnp.float32),
        jax.ShapeDtypeStruct((16,), jnp.int32),
    ),
    mesh=_MESH,
    compiler_params=_SC_PARAMS,
    scratch_types=[
        pltpu.VMEM((NRANGE, 16), jnp.int32),
        pltpu.VMEM((CCHUNK,), jnp.int32),
        pltpu.VMEM((CCHUNK,), jnp.int32),
        pltpu.VMEM((STG,), jnp.int32),
        pltpu.VMEM((STG,), jnp.int32),
        pltpu.VMEM((STG,), jnp.float32),
        pltpu.VMEM((16,), jnp.int32),
    ],
)

_k3 = pl.kernel(
    _k3_body,
    out_type=jax.ShapeDtypeStruct((8 * NSEG_P,), jnp.float32),
    mesh=_MESH,
    compiler_params=_SC_PARAMS,
    scratch_types=[
        pltpu.VMEM((CHUNK,), jnp.int32),
        pltpu.VMEM((CHUNK,), jnp.int32),
        pltpu.VMEM((CHUNK,), jnp.int32),
        pltpu.VMEM((CHUNK,), jnp.int32),
        pltpu.VMEM((CHUNK,), jnp.float32),
        pltpu.VMEM((CHUNK,), jnp.float32),
        pltpu.VMEM((CHUNK,), jnp.float32),
        pltpu.VMEM((CHUNK,), jnp.float32),
        pltpu.VMEM((ROWS_PER_TILE,), jnp.float32),
        pltpu.VMEM_SHARED((NSEG_P,), jnp.float32),
        pltpu.VMEM_SHARED((NSEG_P,), jnp.float32),
        pltpu.VMEM_SHARED((NSEG_P,), jnp.float32),
        pltpu.VMEM_SHARED((NSEG_P,), jnp.float32),
        pltpu.SemaphoreType.DMA,
    ],
)

NPAD = 245760


def _pad2d(x):
    return jnp.pad(x, (0, NPAD - NSEG)).reshape(1920, 128)


@functools.partial(jax.jit, static_argnums=(2,))
def _run(ldr_pc_64, pts_batch_indices, _unused=0):
    ldrT = jnp.swapaxes(ldr_pc_64, 0, 1)
    xs = ldrT[0]
    ys = ldrT[1]
    zs = ldrT[2]
    it = ldrT[3]
    keys = _k1(xs, ys, zs, pts_batch_indices)
    counts, occ = _k2a(keys)
    ranks, uniq, cnt, tot = _k2b(counts, occ)
    psum = _k3(keys, xs, ys, zs, it, ranks)

    totc = jnp.minimum(tot[:1], NSEG)
    u2 = _pad2d(uniq[:NSEG])
    cn2 = _pad2d(cnt[:NSEG])
    pcols = [_pad2d(psum[k * NSEG_P:k * NSEG_P + NSEG]) for k in range(8)]

    grid = 15
    bspec = pl.BlockSpec((128, 128), lambda i: (i, 0))
    outs = pl.pallas_call(
        _k4_body,
        grid=(grid,),
        in_specs=[pl.BlockSpec(memory_space=pltpu.SMEM)] + [bspec] * 10,
        out_specs=[bspec] * 9,
        out_shape=[jax.ShapeDtypeStruct((1920, 128), jnp.float32)] * 4
        + [jax.ShapeDtypeStruct((1920, 128), jnp.int32)] * 4
        + [jax.ShapeDtypeStruct((1920, 128), jnp.float32)],
    )(totc, u2, cn2, pcols[0], pcols[1], pcols[2], pcols[3],
      pcols[4], pcols[5], pcols[6], pcols[7])
    e = [o.reshape(-1)[:NSEG] for o in outs[:4]]
    co = [o.reshape(-1)[:NSEG] for o in outs[4:8]]
    vn = outs[8].reshape(-1)[:NSEG]
    encoded = jnp.stack(e, axis=1)
    coords = jnp.stack(co, axis=1)
    return encoded, coords, vn


def kernel(ldr_pc_64, pts_batch_indices, batch_size):
    del batch_size
    return _run(ldr_pc_64, pts_batch_indices)

# --- scband reference (transcript-rebuilt; emitter-appended) ---
"""Pipeline reference for scband-mean-voxel-encoder-266287972911 (READ-ONLY COPY).

The authoritative reference and input builder live on the scoring server;
editing this copy changes nothing except your own understanding.
"""

import jax, jax.numpy as jnp
import numpy as np

N_POINTS = 500000
BATCH_SIZE = 4
PC_RANGE = np.array([0.0, -40.0, -3.0, 70.4, 40.0, 1.0], dtype=np.float32)
VOXEL_SIZE = np.array([0.2, 0.2, 0.4], dtype=np.float32)
GX, GY, GZ = 352, 400, 10
NUM_CELLS = GX * GY * GZ
MAX_NUM_VOXELS = 60000
NUM_SEGMENTS = BATCH_SIZE * MAX_NUM_VOXELS


def setup_inputs(seed: int = 0):
    key = jax.random.key(seed)
    k1, k2, k3 = jax.random.split(key, 3)
    low = jnp.array(PC_RANGE[:3])
    high = jnp.array(PC_RANGE[3:])
    xyz = low + jax.random.uniform(k1, (N_POINTS, 3)) * (high - low)
    inten = jax.random.uniform(k2, (N_POINTS, 1))
    ldr_pc_64 = jnp.concatenate([xyz, inten], axis=1).astype(jnp.float32)
    pts_batch_indices = jnp.sort(jax.random.randint(k3, (N_POINTS,), 0, BATCH_SIZE)).astype(jnp.int32)
    return {"ldr_pc_64": ldr_pc_64, "pts_batch_indices": pts_batch_indices, "batch_size": BATCH_SIZE}


def _voxel_keys(ldr, batch_idx):
    low = jnp.array(PC_RANGE[:3])
    vs = jnp.array(VOXEL_SIZE)
    v = jnp.floor((ldr[:, :3] - low) / vs).astype(jnp.int32)
    vx, vy, vz = v[:, 0], v[:, 1], v[:, 2]
    in_range = (vx >= 0) & (vx < GX) & (vy >= 0) & (vy < GY) & (vz >= 0) & (vz < GZ)
    lin = (vz * GY + vy) * GX + vx
    key = batch_idx.astype(jnp.int32) * NUM_CELLS + lin
    sentinel = BATCH_SIZE * NUM_CELLS
    key = jnp.where(in_range, key, sentinel)
    return key, in_range


def reference(ldr_pc_64, pts_batch_indices, batch_size):
    # Voxelize: assign every point a (batch, voxel) key, then mean-reduce point
    # features per occupied voxel (equivalent to PointToVoxel + mean VFE).
    key, valid = _voxel_keys(ldr_pc_64, pts_batch_indices)
    sentinel = BATCH_SIZE * NUM_CELLS
    uniq, inv = jnp.unique(key, size=NUM_SEGMENTS, fill_value=sentinel, return_inverse=True)
    inv = inv.reshape(-1)
    w = valid.astype(ldr_pc_64.dtype)
    pts_sum = jax.ops.segment_sum(ldr_pc_64 * w[:, None], inv, num_segments=NUM_SEGMENTS)
    counts = jax.ops.segment_sum(w, inv, num_segments=NUM_SEGMENTS)
    normalizer = jnp.clip(counts, 1.0, None)
    encoded_voxels = pts_sum / normalizer[:, None]
    seg_valid = uniq < sentinel
    b = jnp.where(seg_valid, uniq // NUM_CELLS, 0)
    rem = jnp.where(seg_valid, uniq % NUM_CELLS, 0)
    vx = rem % GX
    vy = (rem // GX) % GY
    vz = rem // (GX * GY)
    voxel_coords = jnp.stack([b, vz, vy, vx], axis=1)  # (batch, z, y, x) like spconv
    voxel_num_points = counts
    return encoded_voxels, voxel_coords, voxel_num_points

if __name__ == "__main__":
    import jax
    _d = setup_inputs()
    print(jax.jit(kernel)(*tuple(_d.values())))

</pallas_src>

<mosaic_0001>
#map = affine_map<(d0, d1) -> (0)>
module attributes {stable_mosaic.version = 14 : i64} {
  func.func @_k1_body(%arg0: i32, %arg1: i32, %arg2: memref<500000xf32, #tpu.memory_space<hbm>>, %arg3: memref<500000xf32, #tpu.memory_space<hbm>>, %arg4: memref<500000xf32, #tpu.memory_space<hbm>>, %arg5: memref<500000xi32, #tpu.memory_space<hbm>>, %arg6: memref<500000xi32, #tpu.memory_space<hbm>>, %arg7: memref<2000xf32, #tpu.memory_space<vmem>>, %arg8: memref<2000xf32, #tpu.memory_space<vmem>>, %arg9: memref<2000xf32, #tpu.memory_space<vmem>>, %arg10: memref<2000xi32, #tpu.memory_space<vmem>>, %arg11: memref<2000xi32, #tpu.memory_space<vmem>>) attributes {dimension_semantics = [#tpu.dimension_semantics<core_parallel>, #tpu.dimension_semantics<subcore_parallel>], iteration_bounds = array<i64: 2, 16>, scalar_prefetch = 0 : i64, scratch_operands = 5 : i64, tpu.core_type = #tpu.core_type<sc_vector_subcore>, window_params = [{transform_indices = #map}, {transform_indices = #map}, {transform_indices = #map}, {transform_indices = #map}, {transform_indices = #map}]} {
    %mul3A = arith.constant 2 : i32
    %mul3A_0 = arith.muli %arg1, %mul3A : i32
    %add3A = arith.addi %mul3A_0, %arg0 : i32
    %add3A_1 = arith.constant 0 : i32
    %add3A_2 = arith.addi %add3A_1, %add3A : i32
    %lt3A = arith.constant 250 : i32
    %lt3A_3 = arith.cmpi slt, %add3A_2, %lt3A : i32
    %convert_element_type3A = arith.extui %lt3A_3 : i1 to i32
    %cond3A = arith.constant 0 : i32
    %cond3A_4 = arith.cmpi ne, %convert_element_type3A, %cond3A : i32
    scf.if %cond3A_4 {
      %mul3A_54 = arith.constant 2000 : i32
      %mul3A_55 = arith.muli %add3A_2, %mul3A_54 : i32
      %multiple_of3A = tpu.assume_multiple %mul3A_55, 8 : i32
      "tpu.region"() ({
        %run_scoped3A = tpu.sem_alloc : memref<!tpu.dma_semaphore, #tpu.memory_space<semaphore_mem>>
        %dma_start3A = tpu.memref_slice %arg2[%multiple_of3A] : memref<500000xf32, #tpu.memory_space<hbm>> -> memref<2000xf32, #tpu.memory_space<hbm>>
        %dma_start3A_62 = tpu.memref_slice %arg2[%multiple_of3A] : memref<500000xf32, #tpu.memory_space<hbm>> -> memref<2000xf32, #tpu.memory_space<hbm>>
        tpu.enqueue_dma source(%dma_start3A_62 : memref<2000xf32, #tpu.memory_space<hbm>>) target(%arg7 : memref<2000xf32, #tpu.memory_space<vmem>>) target_semaphore(%run_scoped3A : memref<!tpu.dma_semaphore, #tpu.memory_space<semaphore_mem>>)
        %dma_wait3A = tpu.memref_slice %arg2[%multiple_of3A] : memref<500000xf32, #tpu.memory_space<hbm>> -> memref<2000xf32, #tpu.memory_space<hbm>>
        %dma_wait3A_63 = tpu.memref_slice %arg2[%multiple_of3A] : memref<500000xf32, #tpu.memory_space<hbm>> -> memref<2000xf32, #tpu.memory_space<hbm>>
        tpu.wait_dma2 semaphore(%run_scoped3A : memref<!tpu.dma_semaphore, #tpu.memory_space<semaphore_mem>>) src(%dma_wait3A_63 : memref<2000xf32, #tpu.memory_space<hbm>>) dst(%arg7 : memref<2000xf32, #tpu.memory_space<vmem>>)
        tpu.yield
      }) : () -> ()
      "tpu.region"() ({
        %run_scoped3A = tpu.sem_alloc : memref<!tpu.dma_semaphore, #tpu.memory_space<semaphore_mem>>
        %dma_start3A = tpu.memref_slice %arg3[%multiple_of3A] : memref<500000xf32, #tpu.memory_space<hbm>> -> memref<2000xf32, #tpu.memory_space<hbm>>
        %dma_start3A_62 = tpu.memref_slice %arg3[%multiple_of3A] : memref<500000xf32, #tpu.memory_space<hbm>> -> memref<2000xf32, #tpu.memory_space<hbm>>
        tpu.enqueue_dma source(%dma_start3A_62 : memref<2000xf32, #tpu.memory_space<hbm>>) target(%arg8 : memref<2000xf32, #tpu.memory_space<vmem>>) target_semaphore(%run_scoped3A : memref<!tpu.dma_semaphore, #tpu.memory_space<semaphore_mem>>)
        %dma_wait3A = tpu.memref_slice %arg3[%multiple_of3A] : memref<500000xf32, #tpu.memory_space<hbm>> -> memref<2000xf32, #tpu.memory_space<hbm>>
        %dma_wait3A_63 = tpu.memref_slice %arg3[%multiple_of3A] : memref<500000xf32, #tpu.memory_space<hbm>> -> memref<2000xf32, #tpu.memory_space<hbm>>
        tpu.wait_dma2 semaphore(%run_scoped3A : memref<!tpu.dma_semaphore, #tpu.memory_space<semaphore_mem>>) src(%dma_wait3A_63 : memref<2000xf32, #tpu.memory_space<hbm>>) dst(%arg8 : memref<2000xf32, #tpu.memory_space<vmem>>)
        tpu.yield
      }) : () -> ()
      "tpu.region"() ({
        %run_scoped3A = tpu.sem_alloc : memref<!tpu.dma_semaphore, #tpu.memory_space<semaphore_mem>>
        %dma_start3A = tpu.memref_slice %arg4[%multiple_of3A] : memref<500000xf32, #tpu.memory_space<hbm>> -> memref<2000xf32, #tpu.memory_space<hbm>>
        %dma_start3A_62 = tpu.memref_slice %arg4[%multiple_of3A] : memref<500000xf32, #tpu.memory_space<hbm>> -> memref<2000xf32, #tpu.memory_space<hbm>>
        tpu.enqueue_dma source(%dma_start3A_62 : memref<2000xf32, #tpu.memory_space<hbm>>) target(%arg9 : memref<2000xf32, #tpu.memory_space<vmem>>) target_semaphore(%run_scoped3A : memref<!tpu.dma_semaphore, #tpu.memory_space<semaphore_mem>>)
        %dma_wait3A = tpu.memref_slice %arg4[%multiple_of3A] : memref<500000xf32, #tpu.memory_space<hbm>> -> memref<2000xf32, #tpu.memory_space<hbm>>
        %dma_wait3A_63 = tpu.memref_slice %arg4[%multiple_of3A] : memref<500000xf32, #tpu.memory_space<hbm>> -> memref<2000xf32, #tpu.memory_space<hbm>>
        tpu.wait_dma2 semaphore(%run_scoped3A : memref<!tpu.dma_semaphore, #tpu.memory_space<semaphore_mem>>) src(%dma_wait3A_63 : memref<2000xf32, #tpu.memory_space<hbm>>) dst(%arg9 : memref<2000xf32, #tpu.memory_space<vmem>>)
        tpu.yield
      }) : () -> ()
      "tpu.region"() ({
        %run_scoped3A = tpu.sem_alloc : memref<!tpu.dma_semaphore, #tpu.memory_space<semaphore_mem>>
        %dma_start3A = tpu.memref_slice %arg5[%multiple_of3A] : memref<500000xi32, #tpu.memory_space<hbm>> -> memref<2000xi32, #tpu.memory_space<hbm>>
        %dma_start3A_62 = tpu.memref_slice %arg5[%multiple_of3A] : memref<500000xi32, #tpu.memory_space<hbm>> -> memref<2000xi32, #tpu.memory_space<hbm>>
        tpu.enqueue_dma source(%dma_start3A_62 : memref<2000xi32, #tpu.memory_space<hbm>>) target(%arg10 : memref<2000xi32, #tpu.memory_space<vmem>>) target_semaphore(%run_scoped3A : memref<!tpu.dma_semaphore, #tpu.memory_space<semaphore_mem>>)
        %dma_wait3A = tpu.memref_slice %arg5[%multiple_of3A] : memref<500000xi32, #tpu.memory_space<hbm>> -> memref<2000xi32, #tpu.memory_space<hbm>>
        %dma_wait3A_63 = tpu.memref_slice %arg5[%multiple_of3A] : memref<500000xi32, #tpu.memory_space<hbm>> -> memref<2000xi32, #tpu.memory_space<hbm>>
        tpu.wait_dma2 semaphore(%run_scoped3A : memref<!tpu.dma_semaphore, #tpu.memory_space<semaphore_mem>>) src(%dma_wait3A_63 : memref<2000xi32, #tpu.memory_space<hbm>>) dst(%arg10 : memref<2000xi32, #tpu.memory_space<vmem>>)
        tpu.yield
      }) : () -> ()
      %scan3A = arith.constant 0 : i32
      %scan3A_56 = arith.constant 0 : i32
      %scan3A_57 = arith.constant 125 : i32
      %scan3A_58 = arith.addi %scan3A_56, %scan3A_57 : i32
      %scan3A_59 = arith.constant 1 : i32
      %scan3A_60 = scf.for %scan3A_62 = %scan3A_56 to %scan3A_58 step %scan3A_59 iter_args(%scan3A_63 = %scan3A) -> (i32)  : i32 {
        %mul3A_64 = arith.constant 16 : i32
        %mul3A_65 = arith.muli %scan3A_62, %mul3A_64 : i32
        %get3A = arith.index_cast %mul3A_65 : i32 to index
        %get3A_66 = tpu.vector_load %arg7[%get3A] {strides = array<i32>} : memref<2000xf32, #tpu.memory_space<vmem>>, vector<16xf32>,
        %sub3A = arith.constant 0.000000e+00 : f32
        %sub3A_67 = vector.broadcast %sub3A : f32 to vector<16xf32>
        %sub3A_68 = arith.subf %get3A_66, %sub3A_67 : vector<16xf32>
        %div3A = arith.constant 2.000000e-01 : f32
        %div3A_69 = vector.broadcast %div3A : f32 to vector<16xf32>
        %div3A_70 = arith.divf %sub3A_68, %div3A_69 : vector<16xf32>
        %convert_element_type3A_71 = arith.fptosi %div3A_70 : vector<16xf32> to vector<16xi32>
        %get3A_72 = arith.index_cast %mul3A_65 : i32 to index
        %get3A_73 = tpu.vector_load %arg8[%get3A_72] {strides = array<i32>} : memref<2000xf32, #tpu.memory_space<vmem>>, vector<16xf32>,
        %sub3A_74 = arith.constant -4.000000e+01 : f32
        %sub3A_75 = vector.broadcast %sub3A_74 : f32 to vector<16xf32>
        %sub3A_76 = arith.subf %get3A_73, %sub3A_75 : vector<16xf32>
        %div3A_77 = arith.constant 2.000000e-01 : f32
        %div3A_78 = vector.broadcast %div3A_77 : f32 to vector<16xf32>
        %div3A_79 = arith.divf %sub3A_76, %div3A_78 : vector<16xf32>
        %convert_element_type3A_80 = arith.fptosi %div3A_79 : vector<16xf32> to vector<16xi32>
        %get3A_81 = arith.index_cast %mul3A_65 : i32 to index
        %get3A_82 = tpu.vector_load %arg9[%get3A_81] {strides = array<i32>} : memref<2000xf32, #tpu.memory_space<vmem>>, vector<16xf32>,
        %sub3A_83 = arith.constant -3.000000e+00 : f32
        %sub3A_84 = vector.broadcast %sub3A_83 : f32 to vector<16xf32>
        %sub3A_85 = arith.subf %get3A_82, %sub3A_84 : vector<16xf32>
        %div3A_86 = arith.constant 4.000000e-01 : f32
        %div3A_87 = vector.broadcast %div3A_86 : f32 to vector<16xf32>
        %div3A_88 = arith.divf %sub3A_85, %div3A_87 : vector<16xf32>
        %convert_element_type3A_89 = arith.fptosi %div3A_88 : vector<16xf32> to vector<16xi32>
        %ge3A = arith.constant 0 : i32
        %ge3A_90 = vector.broadcast %ge3A : i32 to vector<16xi32>
        %ge3A_91 = arith.cmpi sge, %convert_element_type3A_71, %ge3A_90 : vector<16xi32>
        %lt3A_92 = arith.constant 352 : i32
        %lt3A_93 = vector.broadcast %lt3A_92 : i32 to vector<16xi32>
        %lt3A_94 = arith.cmpi slt, %convert_element_type3A_71, %lt3A_93 : vector<16xi32>
        %and3A = arith.andi %ge3A_91, %lt3A_94 : vector<16xi1>
        %ge3A_95 = arith.constant 0 : i32
        %ge3A_96 = vector.broadcast %ge3A_95 : i32 to vector<16xi32>
        %ge3A_97 = arith.cmpi sge, %convert_element_type3A_80, %ge3A_96 : vector<16xi32>
        %and3A_98 = arith.andi %and3A, %ge3A_97 : vector<16xi1>
        %lt3A_99 = arith.constant 400 : i32
        %lt3A_100 = vector.broadcast %lt3A_99 : i32 to vector<16xi32>
        %lt3A_101 = arith.cmpi slt, %convert_element_type3A_80, %lt3A_100 : vector<16xi32>
        %and3A_102 = arith.andi %and3A_98, %lt3A_101 : vector<16xi1>
        %ge3A_103 = arith.constant 0 : i32
        %ge3A_104 = vector.broadcast %ge3A_103 : i32 to vector<16xi32>
        %ge3A_105 = arith.cmpi sge, %convert_element_type3A_89, %ge3A_104 : vector<16xi32>
        %and3A_106 = arith.andi %and3A_102, %ge3A_105 : vector<16xi1>
        %lt3A_107 = arith.constant 10 : i32
        %lt3A_108 = vector.broadcast %lt3A_107 : i32 to vector<16xi32>
        %lt3A_109 = arith.cmpi slt, %convert_element_type3A_89, %lt3A_108 : vector<16xi32>
        %and3A_110 = arith.andi %and3A_106, %lt3A_109 : vector<16xi1>
        %get3A_111 = arith.index_cast %mul3A_65 : i32 to index
        %get3A_112 = tpu.vector_load %arg10[%get3A_111] {strides = array<i32>} : memref<2000xi32, #tpu.memory_space<vmem>>, vector<16xi32>,
        %mul3A_113 = arith.constant 1408000 : i32
        %mul3A_114 = vector.broadcast %mul3A_113 : i32 to vector<16xi32>
        %mul3A_115 = arith.muli %get3A_112, %mul3A_114 : vector<16xi32>
        %mul3A_116 = arith.constant 400 : i32
        %mul3A_117 = vector.broadcast %mul3A_116 : i32 to vector<16xi32>
        %mul3A_118 = arith.muli %convert_element_type3A_89, %mul3A_117 : vector<16xi32>
        %add3A_119 = arith.addi %mul3A_118, %convert_element_type3A_80 : vector<16xi32>
        %mul3A_120 = arith.constant 352 : i32
        %mul3A_121 = vector.broadcast %mul3A_120 : i32 to vector<16xi32>
        %mul3A_122 = arith.muli %add3A_119, %mul3A_121 : vector<16xi32>
        %add3A_123 = arith.addi %mul3A_115, %mul3A_122 : vector<16xi32>
        %add3A_124 = arith.addi %add3A_123, %convert_element_type3A_71 : vector<16xi32>
        %jit3A = arith.constant 5632000 : i32
        %broadcast_in_dim3A = vector.broadcast %jit3A : i32 to vector<16xi32>
        %select_n3A = arith.select %and3A_110, %add3A_124, %broadcast_in_dim3A : vector<16xi1>, vector<16xi32>
        %swap3A = arith.index_cast %mul3A_65 : i32 to index
        %swap3A_125 = tpu.vector_load %arg11[%swap3A] {strides = array<i32>} : memref<2000xi32, #tpu.memory_space<vmem>>, vector<16xi32>,
        tpu.vector_store %arg11[%swap3A], %select_n3A {strides = array<i32>} : memref<2000xi32, #tpu.memory_space<vmem>>, vector<16xi32>,
        %scan3A_126 = arith.constant 0 : i32
        scf.yield %scan3A_126 : i32
      }
      %scan3A_61 = arith.constant 125 : i32
      "tpu.region"() ({
        %run_scoped3A = tpu.sem_alloc : memref<!tpu.dma_semaphore, #tpu.memory_space<semaphore_mem>>
        %dma_start3A = tpu.memref_slice %arg6[%multiple_of3A] : memref<500000xi32, #tpu.memory_space<hbm>> -> memref<2000xi32, #tpu.memory_space<hbm>>
        %dma_start3A_62 = tpu.memref_slice %arg6[%multiple_of3A] : memref<500000xi32, #tpu.memory_space<hbm>> -> memref<2000xi32, #tpu.memory_space<hbm>>
        tpu.enqueue_dma source(%arg11 : memref<2000xi32, #tpu.memory_space<vmem>>) target(%dma_start3A_62 : memref<2000xi32, #tpu.memory_space<hbm>>) target_semaphore(%run_scoped3A : memref<!tpu.dma_semaphore, #tpu.memory_space<semaphore_mem>>)
        %dma_wait3A = tpu.memref_slice %arg6[%multiple_of3A] : memref<500000xi32, #tpu.memory_space<hbm>> -> memref<2000xi32, #tpu.memory_space<hbm>>
        %dma_wait3A_63 = tpu.memref_slice %arg6[%multiple_of3A] : memref<500000xi32, #tpu.memory_space<hbm>> -> memref<2000xi32, #tpu.memory_space<hbm>>
        tpu.wait_dma2 semaphore(%run_scoped3A : memref<!tpu.dma_semaphore, #tpu.memory_space<semaphore_mem>>) src(%arg11 : memref<2000xi32, #tpu.memory_space<vmem>>) dst(%dma_wait3A_63 : memref<2000xi32, #tpu.memory_space<hbm>>)
        tpu.yield
      }) : () -> ()
    } else {
    }
    %add3A_5 = arith.constant 32 : i32
    %add3A_6 = arith.addi %add3A_5, %add3A : i32
    %lt3A_7 = arith.constant 250 : i32
    %lt3A_8 = arith.cmpi slt, %add3A_6, %lt3A_7 : i32
    %convert_element_type3A_9 = arith.extui %lt3A_8 : i1 to i32
    %cond3A_10 = arith.constant 0 : i32
    %cond3A_11 = arith.cmpi ne, %convert_element_type3A_9, %cond3A_10 : i32
    scf.if %cond3A_11 {
      %mul3A_54 = arith.constant 2000 : i32
      %mul3A_55 = arith.muli %add3A_6, %mul3A_54 : i32
      %multiple_of3A = tpu.assume_multiple %mul3A_55, 8 : i32
      "tpu.region"() ({
        %run_scoped3A = tpu.sem_alloc : memref<!tpu.dma_semaphore, #tpu.memory_space<semaphore_mem>>
        %dma_start3A = tpu.memref_slice %arg2[%multiple_of3A] : memref<500000xf32, #tpu.memory_space<hbm>> -> memref<2000xf32, #tpu.memory_space<hbm>>
        %dma_start3A_62 = tpu.memref_slice %arg2[%multiple_of3A] : memref<500000xf32, #tpu.memory_space<hbm>> -> memref<2000xf32, #tpu.memory_space<hbm>>
        tpu.enqueue_dma source(%dma_start3A_62 : memref<2000xf32, #tpu.memory_space<hbm>>) target(%arg7 : memref<2000xf32, #tpu.memory_space<vmem>>) target_semaphore(%run_scoped3A : memref<!tpu.dma_semaphore, #tpu.memory_space<semaphore_mem>>)
        %dma_wait3A = tpu.memref_slice %arg2[%multiple_of3A] : memref<500000xf32, #tpu.memory_space<hbm>> -> memref<2000xf32, #tpu.memory_space<hbm>>
        %dma_wait3A_63 = tpu.memref_slice %arg2[%multiple_of3A] : memref<500000xf32, #tpu.memory_space<hbm>> -> memref<2000xf32, #tpu.memory_space<hbm>>
        tpu.wait_dma2 semaphore(%run_scoped3A : memref<!tpu.dma_semaphore, #tpu.memory_space<semaphore_mem>>) src(%dma_wait3A_63 : memref<2000xf32, #tpu.memory_space<hbm>>) dst(%arg7 : memref<2000xf32, #tpu.memory_space<vmem>>)
        tpu.yield
      }) : () -> ()
      "tpu.region"() ({
        %run_scoped3A = tpu.sem_alloc : memref<!tpu.dma_semaphore, #tpu.memory_space<semaphore_mem>>
        %dma_start3A = tpu.memref_slice %arg3[%multiple_of3A] : memref<500000xf32, #tpu.memory_space<hbm>> -> memref<2000xf32, #tpu.memory_space<hbm>>
        %dma_start3A_62 = tpu.memref_slice %arg3[%multiple_of3A] : memref<500000xf32, #tpu.memory_space<hbm>> -> memref<2000xf32, #tpu.memory_space<hbm>>
        tpu.enqueue_dma source(%dma_start3A_62 : memref<2000xf32, #tpu.memory_space<hbm>>) target(%arg8 : memref<2000xf32, #tpu.memory_space<vmem>>) target_semaphore(%run_scoped3A : memref<!tpu.dma_semaphore, #tpu.memory_space<semaphore_mem>>)
        %dma_wait3A = tpu.memref_slice %arg3[%multiple_of3A] : memref<500000xf32, #tpu.memory_space<hbm>> -> memref<2000xf32, #tpu.memory_space<hbm>>
        %dma_wait3A_63 = tpu.memref_slice %arg3[%multiple_of3A] : memref<500000xf32, #tpu.memory_space<hbm>> -> memref<2000xf32, #tpu.memory_space<hbm>>
        tpu.wait_dma2 semaphore(%run_scoped3A : memref<!tpu.dma_semaphore, #tpu.memory_space<semaphore_mem>>) src(%dma_wait3A_63 : memref<2000xf32, #tpu.memory_space<hbm>>) dst(%arg8 : memref<2000xf32, #tpu.memory_space<vmem>>)
        tpu.yield
      }) : () -> ()
      "tpu.region"() ({
        %run_scoped3A = tpu.sem_alloc : memref<!tpu.dma_semaphore, #tpu.memory_space<semaphore_mem>>
        %dma_start3A = tpu.memref_slice %arg4[%multiple_of3A] : memref<500000xf32, #tpu.memory_space<hbm>> -> memref<2000xf32, #tpu.memory_space<hbm>>
        %dma_start3A_62 = tpu.memref_slice %arg4[%multiple_of3A] : memref<500000xf32, #tpu.memory_space<hbm>> -> memref<2000xf32, #tpu.memory_space<hbm>>
        tpu.enqueue_dma source(%dma_start3A_62 : memref<2000xf32, #tpu.memory_space<hbm>>) target(%arg9 : memref<2000xf32, #tpu.memory_space<vmem>>) target_semaphore(%run_scoped3A : memref<!tpu.dma_semaphore, #tpu.memory_space<semaphore_mem>>)
        %dma_wait3A = tpu.memref_slice %arg4[%multiple_of3A] : memref<500000xf32, #tpu.memory_space<hbm>> -> memref<2000xf32, #tpu.memory_space<hbm>>
        %dma_wait3A_63 = tpu.memref_slice %arg4[%multiple_of3A] : memref<500000xf32, #tpu.memory_space<hbm>> -> memref<2000xf32, #tpu.memory_space<hbm>>
        tpu.wait_dma2 semaphore(%run_scoped3A : memref<!tpu.dma_semaphore, #tpu.memory_space<semaphore_mem>>) src(%dma_wait3A_63 : memref<2000xf32, #tpu.memory_space<hbm>>) dst(%arg9 : memref<2000xf32, #tpu.memory_space<vmem>>)
        tpu.yield
      }) : () -> ()
      "tpu.region"() ({
        %run_scoped3A = tpu.sem_alloc : memref<!tpu.dma_semaphore, #tpu.memory_space<semaphore_mem>>
        %dma_start3A = tpu.memref_slice %arg5[%multiple_of3A] : memref<500000xi32, #tpu.memory_space<hbm>> -> memref<2000xi32, #tpu.memory_space<hbm>>
        %dma_start3A_62 = tpu.memref_slice %arg5[%multiple_of3A] : memref<500000xi32, #tpu.memory_space<hbm>> -> memref<2000xi32, #tpu.memory_space<hbm>>
        tpu.enqueue_dma source(%dma_start3A_62 : memref<2000xi32, #tpu.memory_space<hbm>>) target(%arg10 : memref<2000xi32, #tpu.memory_space<vmem>>) target_semaphore(%run_scoped3A : memref<!tpu.dma_semaphore, #tpu.memory_space<semaphore_mem>>)
        %dma_wait3A = tpu.memref_slice %arg5[%multiple_of3A] : memref<500000xi32, #tpu.memory_space<hbm>> -> memref<2000xi32, #tpu.memory_space<hbm>>
        %dma_wait3A_63 = tpu.memref_slice %arg5[%multiple_of3A] : memref<500000xi32, #tpu.memory_space<hbm>> -> memref<2000xi32, #tpu.memory_space<hbm>>
        tpu.wait_dma2 semaphore(%run_scoped3A : memref<!tpu.dma_semaphore, #tpu.memory_space<semaphore_mem>>) src(%dma_wait3A_63 : memref<2000xi32, #tpu.memory_space<hbm>>) dst(%arg10 : memref<2000xi32, #tpu.memory_space<vmem>>)
        tpu.yield
      }) : () -> ()
      %scan3A = arith.constant 0 : i32
      %scan3A_56 = arith.constant 0 : i32
      %scan3A_57 = arith.constant 125 : i32
      %scan3A_58 = arith.addi %scan3A_56, %scan3A_57 : i32
      %scan3A_59 = arith.constant 1 : i32
      %scan3A_60 = scf.for %scan3A_62 = %scan3A_56 to %scan3A_58 step %scan3A_59 iter_args(%scan3A_63 = %scan3A) -> (i32)  : i32 {
        %mul3A_64 = arith.constant 16 : i32
        %mul3A_65 = arith.muli %scan3A_62, %mul3A_64 : i32
        %get3A = arith.index_cast %mul3A_65 : i32 to index
        %get3A_66 = tpu.vector_load %arg7[%get3A] {strides = array<i32>} : memref<2000xf32, #tpu.memory_space<vmem>>, vector<16xf32>,
        %sub3A = arith.constant 0.000000e+00 : f32
        %sub3A_67 = vector.broadcast %sub3A : f32 to vector<16xf32>
        %sub3A_68 = arith.subf %get3A_66, %sub3A_67 : vector<16xf32>
        %div3A = arith.constant 2.000000e-01 : f32
        %div3A_69 = vector.broadcast %div3A : f32 to vector<16xf32>
        %div3A_70 = arith.divf %sub3A_68, %div3A_69 : vector<16xf32>
        %convert_element_type3A_71 = arith.fptosi %div3A_70 : vector<16xf32> to vector<16xi32>
        %get3A_72 = arith.index_cast %mul3A_65 : i32 to index
        %get3A_73 = tpu.vector_load %arg8[%get3A_72] {strides = array<i32>} : memref<2000xf32, #tpu.memory_space<vmem>>, vector<16xf32>,
        %sub3A_74 = arith.constant -4.000000e+01 : f32
        %sub3A_75 = vector.broadcast %sub3A_74 : f32 to vector<16xf32>
        %sub3A_76 = arith.subf %get3A_73, %sub3A_75 : vector<16xf32>
        %div3A_77 = arith.constant 2.000000e-01 : f32
        %div3A_78 = vector.broadcast %div3A_77 : f32 to vector<16xf32>
        %div3A_79 = arith.divf %sub3A_76, %div3A_78 : vector<16xf32>
        %convert_element_type3A_80 = arith.fptosi %div3A_79 : vector<16xf32> to vector<16xi32>
        %get3A_81 = arith.index_cast %mul3A_65 : i32 to index
        %get3A_82 = tpu.vector_load %arg9[%get3A_81] {strides = array<i32>} : memref<2000xf32, #tpu.memory_space<vmem>>, vector<16xf32>,
        %sub3A_83 = arith.constant -3.000000e+00 : f32
        %sub3A_84 = vector.broadcast %sub3A_83 : f32 to vector<16xf32>
        %sub3A_85 = arith.subf %get3A_82, %sub3A_84 : vector<16xf32>
        %div3A_86 = arith.constant 4.000000e-01 : f32
        %div3A_87 = vector.broadcast %div3A_86 : f32 to vector<16xf32>
        %div3A_88 = arith.divf %sub3A_85, %div3A_87 : vector<16xf32>
        %convert_element_type3A_89 = arith.fptosi %div3A_88 : vector<16xf32> to vector<16xi32>
        %ge3A = arith.constant 0 : i32
        %ge3A_90 = vector.broadcast %ge3A : i32 to vector<16xi32>
        %ge3A_91 = arith.cmpi sge, %convert_element_type3A_71, %ge3A_90 : vector<16xi32>
        %lt3A_92 = arith.constant 352 : i32
        %lt3A_93 = vector.broadcast %lt3A_92 : i32 to vector<16xi32>
        %lt3A_94 = arith.cmpi slt, %convert_element_type3A_71, %lt3A_93 : vector<16xi32>
        %and3A = arith.andi %ge3A_91, %lt3A_94 : vector<16xi1>
        %ge3A_95 = arith.constant 0 : i32
        %ge3A_96 = vector.broadcast %ge3A_95 : i32 to vector<16xi32>
        %ge3A_97 = arith.cmpi sge, %convert_element_type3A_80, %ge3A_96 : vector<16xi32>
        %and3A_98 = arith.andi %and3A, %ge3A_97 : vector<16xi1>
        %lt3A_99 = arith.constant 400 : i32
        %lt3A_100 = vector.broadcast %lt3A_99 : i32 to vector<16xi32>
        %lt3A_101 = arith.cmpi slt, %convert_element_type3A_80, %lt3A_100 : vector<16xi32>
        %and3A_102 = arith.andi %and3A_98, %lt3A_101 : vector<16xi1>
        %ge3A_103 = arith.constant 0 : i32
        %ge3A_104 = vector.broadcast %ge3A_103 : i32 to vector<16xi32>
        %ge3A_105 = arith.cmpi sge, %convert_element_type3A_89, %ge3A_104 : vector<16xi32>
        %and3A_106 = arith.andi %and3A_102, %ge3A_105 : vector<16xi1>
        %lt3A_107 = arith.constant 10 : i32
        %lt3A_108 = vector.broadcast %lt3A_107 : i32 to vector<16xi32>
        %lt3A_109 = arith.cmpi slt, %convert_element_type3A_89, %lt3A_108 : vector<16xi32>
        %and3A_110 = arith.andi %and3A_106, %lt3A_109 : vector<16xi1>
        %get3A_111 = arith.index_cast %mul3A_65 : i32 to index
        %get3A_112 = tpu.vector_load %arg10[%get3A_111] {strides = array<i32>} : memref<2000xi32, #tpu.memory_space<vmem>>, vector<16xi32>,
        %mul3A_113 = arith.constant 1408000 : i32
        %mul3A_114 = vector.broadcast %mul3A_113 : i32 to vector<16xi32>
        %mul3A_115 = arith.muli %get3A_112, %mul3A_114 : vector<16xi32>
        %mul3A_116 = arith.constant 400 : i32
        %mul3A_117 = vector.broadcast %mul3A_116 : i32 to vector<16xi32>
        %mul3A_118 = arith.muli %convert_element_type3A_89, %mul3A_117 : vector<16xi32>
        %add3A_119 = arith.addi %mul3A_118, %convert_element_type3A_80 : vector<16xi32>
        %mul3A_120 = arith.constant 352 : i32
        %mul3A_121 = vector.broadcast %mul3A_120 : i32 to vector<16xi32>
        %mul3A_122 = arith.muli %add3A_119, %mul3A_121 : vector<16xi32>
        %add3A_123 = arith.addi %mul3A_115, %mul3A_122 : vector<16xi32>
        %add3A_124 = arith.addi %add3A_123, %convert_element_type3A_71 : vector<16xi32>
        %jit3A = arith.constant 5632000 : i32
        %broadcast_in_dim3A = vector.broadcast %jit3A : i32 to vector<16xi32>
        %select_n3A = arith.select %and3A_110, %add3A_124, %broadcast_in_dim3A : vector<16xi1>, vector<16xi32>
        %swap3A = arith.index_cast %mul3A_65 : i32 to index
        %swap3A_125 = tpu.vector_load %arg11[%swap3A] {strides = array<i32>} : memref<2000xi32, #tpu.memory_space<vmem>>, vector<16xi32>,
        tpu.vector_store %arg11[%swap3A], %select_n3A {strides = array<i32>} : memref<2000xi32, #tpu.memory_space<vmem>>, vector<16xi32>,
        %scan3A_126 = arith.constant 0 : i32
        scf.yield %scan3A_126 : i32
      }
      %scan3A_61 = arith.constant 125 : i32
      "tpu.region"() ({
        %run_scoped3A = tpu.sem_alloc : memref<!tpu.dma_semaphore, #tpu.memory_space<semaphore_mem>>
        %dma_start3A = tpu.memref_slice %arg6[%multiple_of3A] : memref<500000xi32, #tpu.memory_space<hbm>> -> memref<2000xi32, #tpu.memory_space<hbm>>
        %dma_start3A_62 = tpu.memref_slice %arg6[%multiple_of3A] : memref<500000xi32, #tpu.memory_space<hbm>> -> memref<2000xi32, #tpu.memory_space<hbm>>
        tpu.enqueue_dma source(%arg11 : memref<2000xi32, #tpu.memory_space<vmem>>) target(%dma_start3A_62 : memref<2000xi32, #tpu.memory_space<hbm>>) target_semaphore(%run_scoped3A : memref<!tpu.dma_semaphore, #tpu.memory_space<semaphore_mem>>)
        %dma_wait3A = tpu.memref_slice %arg6[%multiple_of3A] : memref<500000xi32, #tpu.memory_space<hbm>> -> memref<2000xi32, #tpu.memory_space<hbm>>
        %dma_wait3A_63 = tpu.memref_slice %arg6[%multiple_of3A] : memref<500000xi32, #tpu.memory_space<hbm>> -> memref<2000xi32, #tpu.memory_space<hbm>>
        tpu.wait_dma2 semaphore(%run_scoped3A : memref<!tpu.dma_semaphore, #tpu.memory_space<semaphore_mem>>) src(%arg11 : memref<2000xi32, #tpu.memory_space<vmem>>) dst(%dma_wait3A_63 : memref<2000xi32, #tpu.memory_space<hbm>>)
        tpu.yield
      }) : () -> ()
    } else {
    }
    %add3A_12 = arith.constant 64 : i32
    %add3A_13 = arith.addi %add3A_12, %add3A : i32
    %lt3A_14 = arith.constant 250 : i32
    %lt3A_15 = arith.cmpi slt, %add3A_13, %lt3A_14 : i32
    %convert_element_type3A_16 = arith.extui %lt3A_15 : i1 to i32
    %cond3A_17 = arith.constant 0 : i32
    %cond3A_18 = arith.cmpi ne, %convert_element_type3A_16, %cond3A_17 : i32
    scf.if %cond3A_18 {
      %mul3A_54 = arith.constant 2000 : i32
      %mul3A_55 = arith.muli %add3A_13, %mul3A_54 : i32
      %multiple_of3A = tpu.assume_multiple %mul3A_55, 8 : i32
      "tpu.region"() ({
        %run_scoped3A = tpu.sem_alloc : memref<!tpu.dma_semaphore, #tpu.memory_space<semaphore_mem>>
        %dma_start3A = tpu.memref_slice %arg2[%multiple_of3A] : memref<500000xf32, #tpu.memory_space<hbm>> -> memref<2000xf32, #tpu.memory_space<hbm>>
        %dma_start3A_62 = tpu.memref_slice %arg2[%multiple_of3A] : memref<500000xf32, #tpu.memory_space<hbm>> -> memref<2000xf32, #tpu.memory_space<hbm>>
        tpu.enqueue_dma source(%dma_start3A_62 : memref<2000xf32, #tpu.memory_space<hbm>>) target(%arg7 : memref<2000xf32, #tpu.memory_space<vmem>>) target_semaphore(%run_scoped3A : memref<!tpu.dma_semaphore, #tpu.memory_space<semaphore_mem>>)
        %dma_wait3A = tpu.memref_slice %arg2[%multiple_of3A] : memref<500000xf32, #tpu.memory_space<hbm>> -> memref<2000xf32, #tpu.memory_space<hbm>>
        %dma_wait3A_63 = tpu.memref_slice %arg2[%multiple_of3A] : memref<500000xf32, #tpu.memory_space<hbm>> -> memref<2000xf32, #tpu.memory_space<hbm>>
        tpu.wait_dma2 semaphore(%run_scoped3A : memref<!tpu.dma_semaphore, #tpu.memory_space<semaphore_mem>>) src(%dma_wait3A_63 : memref<2000xf32, #tpu.memory_space<hbm>>) dst(%arg7 : memref<2000xf32, #tpu.memory_space<vmem>>)
        tpu.yield
      }) : () -> ()
      "tpu.region"() ({
        %run_scoped3A = tpu.sem_alloc : memref<!tpu.dma_semaphore, #tpu.memory_space<semaphore_mem>>
        %dma_start3A = tpu.memref_slice %arg3[%multiple_of3A] : memref<500000xf32, #tpu.memory_space<hbm>> -> memref<2000xf32, #tpu.memory_space<hbm>>
        %dma_start3A_62 = tpu.memref_slice %arg3[%multiple_of3A] : memref<500000xf32, #tpu.memory_space<hbm>> -> memref<2000xf32, #tpu.memory_space<hbm>>
        tpu.enqueue_dma source(%dma_start3A_62 : memref<2000xf32, #tpu.memory_space<hbm>>) target(%arg8 : memref<2000xf32, #tpu.memory_space<vmem>>) target_semaphore(%run_scoped3A : memref<!tpu.dma_semaphore, #tpu.memory_space<semaphore_mem>>)
        %dma_wait3A = tpu.memref_slice %arg3[%multiple_of3A] : memref<500000xf32, #tpu.memory_space<hbm>> -> memref<2000xf32, #tpu.memory_space<hbm>>
        %dma_wait3A_63 = tpu.memref_slice %arg3[%multiple_of3A] : memref<500000xf32, #tpu.memory_space<hbm>> -> memref<2000xf32, #tpu.memory_space<hbm>>
        tpu.wait_dma2 semaphore(%run_scoped3A : memref<!tpu.dma_semaphore, #tpu.memory_space<semaphore_mem>>) src(%dma_wait3A_63 : memref<2000xf32, #tpu.memory_space<hbm>>) dst(%arg8 : memref<2000xf32, #tpu.memory_space<vmem>>)
        tpu.yield
      }) : () -> ()
      "tpu.region"() ({
        %run_scoped3A = tpu.sem_alloc : memref<!tpu.dma_semaphore, #tpu.memory_space<semaphore_mem>>
        %dma_start3A = tpu.memref_slice %arg4[%multiple_of3A] : memref<500000xf32, #tpu.memory_space<hbm>> -> memref<2000xf32, #tpu.memory_space<hbm>>
        %dma_start3A_62 = tpu.memref_slice %arg4[%multiple_of3A] : memref<500000xf32, #tpu.memory_space<hbm>> -> memref<2000xf32, #tpu.memory_space<hbm>>
        tpu.enqueue_dma source(%dma_start3A_62 : memref<2000xf32, #tpu.memory_space<hbm>>) target(%arg9 : memref<2000xf32, #tpu.memory_space<vmem>>) target_semaphore(%run_scoped3A : memref<!tpu.dma_semaphore, #tpu.memory_space<semaphore_mem>>)
        %dma_wait3A = tpu.memref_slice %arg4[%multiple_of3A] : memref<500000xf32, #tpu.memory_space<hbm>> -> memref<2000xf32, #tpu.memory_space<hbm>>
        %dma_wait3A_63 = tpu.memref_slice %arg4[%multiple_of3A] : memref<500000xf32, #tpu.memory_space<hbm>> -> memref<2000xf32, #tpu.memory_space<hbm>>
        tpu.wait_dma2 semaphore(%run_scoped3A : memref<!tpu.dma_semaphore, #tpu.memory_space<semaphore_mem>>) src(%dma_wait3A_63 : memref<2000xf32, #tpu.memory_space<hbm>>) dst(%arg9 : memref<2000xf32, #tpu.memory_space<vmem>>)
        tpu.yield
      }) : () -> ()
      "tpu.region"() ({
        %run_scoped3A = tpu.sem_alloc : memref<!tpu.dma_semaphore, #tpu.memory_space<semaphore_mem>>
        %dma_start3A = tpu.memref_slice %arg5[%multiple_of3A] : memref<500000xi32, #tpu.memory_space<hbm>> -> memref<2000xi32, #tpu.memory_space<hbm>>
        %dma_start3A_62 = tpu.memref_slice %arg5[%multiple_of3A] : memref<500000xi32, #tpu.memory_space<hbm>> -> memref<2000xi32, #tpu.memory_space<hbm>>
        tpu.enqueue_dma source(%dma_start3A_62 : memref<2000xi32, #tpu.memory_space<hbm>>) target(%arg10 : memref<2000xi32, #tpu.memory_space<vmem>>) target_semaphore(%run_scoped3A : memref<!tpu.dma_semaphore, #tpu.memory_space<semaphore_mem>>)
        %dma_wait3A = tpu.memref_slice %arg5[%multiple_of3A] : memref<500000xi32, #tpu.memory_space<hbm>> -> memref<2000xi32, #tpu.memory_space<hbm>>
        %dma_wait3A_63 = tpu.memref_slice %arg5[%multiple_of3A] : memref<500000xi32, #tpu.memory_space<hbm>> -> memref<2000xi32, #tpu.memory_space<hbm>>
        tpu.wait_dma2 semaphore(%run_scoped3A : memref<!tpu.dma_semaphore, #tpu.memory_space<semaphore_mem>>) src(%dma_wait3A_63 : memref<2000xi32, #tpu.memory_space<hbm>>) dst(%arg10 : memref<2000xi32, #tpu.memory_space<vmem>>)
        tpu.yield
      }) : () -> ()
      %scan3A = arith.constant 0 : i32
      %scan3A_56 = arith.constant 0 : i32
      %scan3A_57 = arith.constant 125 : i32
      %scan3A_58 = arith.addi %scan3A_56, %scan3A_57 : i32
      %scan3A_59 = arith.constant 1 : i32
      %scan3A_60 = scf.for %scan3A_62 = %scan3A_56 to %scan3A_58 step %scan3A_59 iter_args(%scan3A_63 = %scan3A) -> (i32)  : i32 {
        %mul3A_64 = arith.constant 16 : i32
        %mul3A_65 = arith.muli %scan3A_62, %mul3A_64 : i32
        %get3A = arith.index_cast %mul3A_65 : i32 to index
        %get3A_66 = tpu.vector_load %arg7[%get3A] {strides = array<i32>} : memref<2000xf32, #tpu.memory_space<vmem>>, vector<16xf32>,
        %sub3A = arith.constant 0.000000e+00 : f32
        %sub3A_67 = vector.broadcast %sub3A : f32 to vector<16xf32>
        %sub3A_68 = arith.subf %get3A_66, %sub3A_67 : vector<16xf32>
        %div3A = arith.constant 2.000000e-01 : f32
        %div3A_69 = vector.broadcast %div3A : f32 to vector<16xf32>
        %div3A_70 = arith.divf %sub3A_68, %div3A_69 : vector<16xf32>
        %convert_element_type3A_71 = arith.fptosi %div3A_70 : vector<16xf32> to vector<16xi32>
        %get3A_72 = arith.index_cast %mul3A_65 : i32 to index
        %get3A_73 = tpu.vector_load %arg8[%get3A_72] {strides = array<i32>} : memref<2000xf32, #tpu.memory_space<vmem>>, vector<16xf32>,
        %sub3A_74 = arith.constant -4.000000e+01 : f32
        %sub3A_75 = vector.broadcast %sub3A_74 : f32 to vector<16xf32>
        %sub3A_76 = arith.subf %get3A_73, %sub3A_75 : vector<16xf32>
        %div3A_77 = arith.constant 2.000000e-01 : f32
        %div3A_78 = vector.broadcast %div3A_77 : f32 to vector<16xf32>
        %div3A_79 = arith.divf %sub3A_76, %div3A_78 : vector<16xf32>
        %convert_element_type3A_80 = arith.fptosi %div3A_79 : vector<16xf32> to vector<16xi32>
        %get3A_81 = arith.index_cast %mul3A_65 : i32 to index
        %get3A_82 = tpu.vector_load %arg9[%get3A_81] {strides = array<i32>} : memref<2000xf32, #tpu.memory_space<vmem>>, vector<16xf32>,
        %sub3A_83 = arith.constant -3.000000e+00 : f32
        %sub3A_84 = vector.broadcast %sub3A_83 : f32 to vector<16xf32>
        %sub3A_85 = arith.subf %get3A_82, %sub3A_84 : vector<16xf32>
        %div3A_86 = arith.constant 4.000000e-01 : f32
        %div3A_87 = vector.broadcast %div3A_86 : f32 to vector<16xf32>
        %div3A_88 = arith.divf %sub3A_85, %div3A_87 : vector<16xf32>
        %convert_element_type3A_89 = arith.fptosi %div3A_88 : vector<16xf32> to vector<16xi32>
        %ge3A = arith.constant 0 : i32
        %ge3A_90 = vector.broadcast %ge3A : i32 to vector<16xi32>
        %ge3A_91 = arith.cmpi sge, %convert_element_type3A_71, %ge3A_90 : vector<16xi32>
        %lt3A_92 = arith.constant 352 : i32
        %lt3A_93 = vector.broadcast %lt3A_92 : i32 to vector<16xi32>
        %lt3A_94 = arith.cmpi slt, %convert_element_type3A_71, %lt3A_93 : vector<16xi32>
        %and3A = arith.andi %ge3A_91, %lt3A_94 : vector<16xi1>
        %ge3A_95 = arith.constant 0 : i32
        %ge3A_96 = vector.broadcast %ge3A_95 : i32 to vector<16xi32>
        %ge3A_97 = arith.cmpi sge, %convert_element_type3A_80, %ge3A_96 : vector<16xi32>
        %and3A_98 = arith.andi %and3A, %ge3A_97 : vector<16xi1>
        %lt3A_99 = arith.constant 400 : i32
        %lt3A_100 = vector.broadcast %lt3A_99 : i32 to vector<16xi32>
        %lt3A_101 = arith.cmpi slt, %convert_element_type3A_80, %lt3A_100 : vector<16xi32>
        %and3A_102 = arith.andi %and3A_98, %lt3A_101 : vector<16xi1>
        %ge3A_103 = arith.constant 0 : i32
        %ge3A_104 = vector.broadcast %ge3A_103 : i32 to vector<16xi32>
        %ge3A_105 = arith.cmpi sge, %convert_element_type3A_89, %ge3A_104 : vector<16xi32>
        %and3A_106 = arith.andi %and3A_102, %ge3A_105 : vector<16xi1>
        %lt3A_107 = arith.constant 10 : i32
        %lt3A_108 = vector.broadcast %lt3A_107 : i32 to vector<16xi32>
        %lt3A_109 = arith.cmpi slt, %convert_element_type3A_89, %lt3A_108 : vector<16xi32>
        %and3A_110 = arith.andi %and3A_106, %lt3A_109 : vector<16xi1>
        %get3A_111 = arith.index_cast %mul3A_65 : i32 to index
        %get3A_112 = tpu.vector_load %arg10[%get3A_111] {strides = array<i32>} : memref<2000xi32, #tpu.memory_space<vmem>>, vector<16xi32>,
        %mul3A_113 = arith.constant 1408000 : i32
        %mul3A_114 = vector.broadcast %mul3A_113 : i32 to vector<16xi32>
        %mul3A_115 = arith.muli %get3A_112, %mul3A_114 : vector<16xi32>
        %mul3A_116 = arith.constant 400 : i32
        %mul3A_117 = vector.broadcast %mul3A_116 : i32 to vector<16xi32>
        %mul3A_118 = arith.muli %convert_element_type3A_89, %mul3A_117 : vector<16xi32>
        %add3A_119 = arith.addi %mul3A_118, %convert_element_type3A_80 : vector<16xi32>
        %mul3A_120 = arith.constant 352 : i32
        %mul3A_121 = vector.broadcast %mul3A_120 : i32 to vector<16xi32>
        %mul3A_122 = arith.muli %add3A_119, %mul3A_121 : vector<16xi32>
        %add3A_123 = arith.addi %mul3A_115, %mul3A_122 : vector<16xi32>
        %add3A_124 = arith.addi %add3A_123, %convert_element_type3A_71 : vector<16xi32>
        %jit3A = arith.constant 5632000 : i32
        %broadcast_in_dim3A = vector.broadcast %jit3A : i32 to vector<16xi32>
        %select_n3A = arith.select %and3A_110, %add3A_124, %broadcast_in_dim3A : vector<16xi1>, vector<16xi32>
        %swap3A = arith.index_cast %mul3A_65 : i32 to index
        %swap3A_125 = tpu.vector_load %arg11[%swap3A] {strides = array<i32>} : memref<2000xi32, #tpu.memory_space<vmem>>, vector<16xi32>,
        tpu.vector_store %arg11[%swap3A], %select_n3A {strides = array<i32>} : memref<2000xi32, #tpu.memory_space<vmem>>, vector<16xi32>,
        %scan3A_126 = arith.constant 0 : i32
        scf.yield %scan3A_126 : i32
      }
      %scan3A_61 = arith.constant 125 : i32
      "tpu.region"() ({
        %run_scoped3A = tpu.sem_alloc : memref<!tpu.dma_semaphore, #tpu.memory_space<semaphore_mem>>
        %dma_start3A = tpu.memref_slice %arg6[%multiple_of3A] : memref<500000xi32, #tpu.memory_space<hbm>> -> memref<2000xi32, #tpu.memory_space<hbm>>
        %dma_start3A_62 = tpu.memref_slice %arg6[%multiple_of3A] : memref<500000xi32, #tpu.memory_space<hbm>> -> memref<2000xi32, #tpu.memory_space<hbm>>
        tpu.enqueue_dma source(%arg11 : memref<2000xi32, #tpu.memory_space<vmem>>) target(%dma_start3A_62 : memref<2000xi32, #tpu.memory_space<hbm>>) target_semaphore(%run_scoped3A : memref<!tpu.dma_semaphore, #tpu.memory_space<semaphore_mem>>)
        %dma_wait3A = tpu.memref_slice %arg6[%multiple_of3A] : memref<500000xi32, #tpu.memory_space<hbm>> -> memref<2000xi32, #tpu.memory_space<hbm>>
        %dma_wait3A_63 = tpu.memref_slice %arg6[%multiple_of3A] : memref<500000xi32, #tpu.memory_space<hbm>> -> memref<2000xi32, #tpu.memory_space<hbm>>
        tpu.wait_dma2 semaphore(%run_scoped3A : memref<!tpu.dma_semaphore, #tpu.memory_space<semaphore_mem>>) src(%arg11 : memref<2000xi32, #tpu.memory_space<vmem>>) dst(%dma_wait3A_63 : memref<2000xi32, #tpu.memory_space<hbm>>)
        tpu.yield
      }) : () -> ()
    } else {
    }
    %add3A_19 = arith.constant 96 : i32
    %add3A_20 = arith.addi %add3A_19, %add3A : i32
    %lt3A_21 = arith.constant 250 : i32
    %lt3A_22 = arith.cmpi slt, %add3A_20, %lt3A_21 : i32
    %convert_element_type3A_23 = arith.extui %lt3A_22 : i1 to i32
    %cond3A_24 = arith.constant 0 : i32
    %cond3A_25 = arith.cmpi ne, %convert_element_type3A_23, %cond3A_24 : i32
    scf.if %cond3A_25 {
      %mul3A_54 = arith.constant 2000 : i32
      %mul3A_55 = arith.muli %add3A_20, %mul3A_54 : i32
      %multiple_of3A = tpu.assume_multiple %mul3A_55, 8 : i32
      "tpu.region"() ({
        %run_scoped3A = tpu.sem_alloc : memref<!tpu.dma_semaphore, #tpu.memory_space<semaphore_mem>>
        %dma_start3A = tpu.memref_slice %arg2[%multiple_of3A] : memref<500000xf32, #tpu.memory_space<hbm>> -> memref<2000xf32, #tpu.memory_space<hbm>>
        %dma_start3A_62 = tpu.memref_slice %arg2[%multiple_of3A] : memref<500000xf32, #tpu.memory_space<hbm>> -> memref<2000xf32, #tpu.memory_space<hbm>>
        tpu.enqueue_dma source(%dma_start3A_62 : memref<2000xf32, #tpu.memory_space<hbm>>) target(%arg7 : memref<2000xf32, #tpu.memory_space<vmem>>) target_semaphore(%run_scoped3A : memref<!tpu.dma_semaphore, #tpu.memory_space<semaphore_mem>>)
        %dma_wait3A = tpu.memref_slice %arg2[%multiple_of3A] : memref<500000xf32, #tpu.memory_space<hbm>> -> memref<2000xf32, #tpu.memory_space<hbm>>
        %dma_wait3A_63 = tpu.memref_slice %arg2[%multiple_of3A] : memref<500000xf32, #tpu.memory_space<hbm>> -> memref<2000xf32, #tpu.memory_space<hbm>>
        tpu.wait_dma2 semaphore(%run_scoped3A : memref<!tpu.dma_semaphore, #tpu.memory_space<semaphore_mem>>) src(%dma_wait3A_63 : memref<2000xf32, #tpu.memory_space<hbm>>) dst(%arg7 : memref<2000xf32, #tpu.memory_space<vmem>>)
        tpu.yield
      }) : () -> ()
      "tpu.region"() ({
        %run_scoped3A = tpu.sem_alloc : memref<!tpu.dma_semaphore, #tpu.memory_space<semaphore_mem>>
        %dma_start3A = tpu.memref_slice %arg3[%multiple_of3A] : memref<500000xf32, #tpu.memory_space<hbm>> -> memref<2000xf32, #tpu.memory_space<hbm>>
        %dma_start3A_62 = tpu.memref_slice %arg3[%multiple_of3A] : memref<500000xf32, #tpu.memory_space<hbm>> -> memref<2000xf32, #tpu.memory_space<hbm>>
        tpu.enqueue_dma source(%dma_start3A_62 : memref<2000xf32, #tpu.memory_space<hbm>>) target(%arg8 : memref<2000xf32, #tpu.memory_space<vmem>>) target_semaphore(%run_scoped3A : memref<!tpu.dma_semaphore, #tpu.memory_space<semaphore_mem>>)
        %dma_wait3A = tpu.memref_slice %arg3[%multiple_of3A] : memref<500000xf32, #tpu.memory_space<hbm>> -> memref<2000xf32, #tpu.memory_space<hbm>>
        %dma_wait3A_63 = tpu.memref_slice %arg3[%multiple_of3A] : memref<500000xf32, #tpu.memory_space<hbm>> -> memref<2000xf32, #tpu.memory_space<hbm>>
        tpu.wait_dma2 semaphore(%run_scoped3A : memref<!tpu.dma_semaphore, #tpu.memory_space<semaphore_mem>>) src(%dma_wait3A_63 : memref<2000xf32, #tpu.memory_space<hbm>>) dst(%arg8 : memref<2000xf32, #tpu.memory_space<vmem>>)
        tpu.yield
      }) : () -> ()
      "tpu.region"() ({
        %run_scoped3A = tpu.sem_alloc : memref<!tpu.dma_semaphore, #tpu.memory_space<semaphore_mem>>
        %dma_start3A = tpu.memref_slice %arg4[%multiple_of3A] : memref<500000xf32, #tpu.memory_space<hbm>> -> memref<2000xf32, #tpu.memory_space<hbm>>
        %dma_start3A_62 = tpu.memref_slice %arg4[%multiple_of3A] : memref<500000xf32, #tpu.memory_space<hbm>> -> memref<2000xf32, #tpu.memory_space<hbm>>
        tpu.enqueue_dma source(%dma_start3A_62 : memref<2000xf32, #tpu.memory_space<hbm>>) target(%arg9 : memref<2000xf32, #tpu.memory_space<vmem>>) target_semaphore(%run_scoped3A : memref<!tpu.dma_semaphore, #tpu.memory_space<semaphore_mem>>)
        %dma_wait3A = tpu.memref_slice %arg4[%multiple_of3A] : memref<500000xf32, #tpu.memory_space<hbm>> -> memref<2000xf32, #tpu.memory_space<hbm>>
        %dma_wait3A_63 = tpu.memref_slice %arg4[%multiple_of3A] : memref<500000xf32, #tpu.memory_space<hbm>> -> memref<2000xf32, #tpu.memory_space<hbm>>
        tpu.wait_dma2 semaphore(%run_scoped3A : memref<!tpu.dma_semaphore, #tpu.memory_space<semaphore_mem>>) src(%dma_wait3A_63 : memref<2000xf32, #tpu.memory_space<hbm>>) dst(%arg9 : memref<2000xf32, #tpu.memory_space<vmem>>)
        tpu.yield
      }) : () -> ()
      "tpu.region"() ({
        %run_scoped3A = tpu.sem_alloc : memref<!tpu.dma_semaphore, #tpu.memory_space<semaphore_mem>>
        %dma_start3A = tpu.memref_slice %arg5[%multiple_of3A] : memref<500000xi32, #tpu.memory_space<hbm>> -> memref<2000xi32, #tpu.memory_space<hbm>>
        %dma_start3A_62 = tpu.memref_slice %arg5[%multiple_of3A] : memref<500000xi32, #tpu.memory_space<hbm>> -> memref<2000xi32, #tpu.memory_space<hbm>>
        tpu.enqueue_dma source(%dma_start3A_62 : memref<2000xi32, #tpu.memory_space<hbm>>) target(%arg10 : memref<2000xi32, #tpu.memory_space<vmem>>) target_semaphore(%run_scoped3A : memref<!tpu.dma_semaphore, #tpu.memory_space<semaphore_mem>>)
        %dma_wait3A = tpu.memref_slice %arg5[%multiple_of3A] : memref<500000xi32, #tpu.memory_space<hbm>> -> memref<2000xi32, #tpu.memory_space<hbm>>
        %dma_wait3A_63 = tpu.memref_slice %arg5[%multiple_of3A] : memref<500000xi32, #tpu.memory_space<hbm>> -> memref<2000xi32, #tpu.memory_space<hbm>>
        tpu.wait_dma2 semaphore(%run_scoped3A : memref<!tpu.dma_semaphore, #tpu.memory_space<semaphore_mem>>) src(%dma_wait3A_63 : memref<2000xi32, #tpu.memory_space<hbm>>) dst(%arg10 : memref<2000xi32, #tpu.memory_space<vmem>>)
        tpu.yield
      }) : () -> ()
      %scan3A = arith.constant 0 : i32
      %scan3A_56 = arith.constant 0 : i32
      %scan3A_57 = arith.constant 125 : i32
      %scan3A_58 = arith.addi %scan3A_56, %scan3A_57 : i32
      %scan3A_59 = arith.constant 1 : i32
      %scan3A_60 = scf.for %scan3A_62 = %scan3A_56 to %scan3A_58 step %scan3A_59 iter_args(%scan3A_63 = %scan3A) -> (i32)  : i32 {
        %mul3A_64 = arith.constant 16 : i32
        %mul3A_65 = arith.muli %scan3A_62, %mul3A_64 : i32
        %get3A = arith.index_cast %mul3A_65 : i32 to index
        %get3A_66 = tpu.vector_load %arg7[%get3A] {strides = array<i32>} : memref<2000xf32, #tpu.memory_space<vmem>>, vector<16xf32>,
        %sub3A = arith.constant 0.000000e+00 : f32
        %sub3A_67 = vector.broadcast %sub3A : f32 to vector<16xf32>
        %sub3A_68 = arith.subf %get3A_66, %sub3A_67 : vector<16xf32>
        %div3A = arith.constant 2.000000e-01 : f32
        %div3A_69 = vector.broadcast %div3A : f32 to vector<16xf32>
        %div3A_70 = arith.divf %sub3A_68, %div3A_69 : vector<16xf32>
        %convert_element_type3A_71 = arith.fptosi %div3A_70 : vector<16xf32> to vector<16xi32>
        %get3A_72 = arith.index_cast %mul3A_65 : i32 to index
        %get3A_73 = tpu.vector_load %arg8[%get3A_72] {strides = array<i32>} : memref<2000xf32, #tpu.memory_space<vmem>>, vector<16xf32>,
        %sub3A_74 = arith.constant -4.000000e+01 : f32
        %sub3A_75 = vector.broadcast %sub3A_74 : f32 to vector<16xf32>
        %sub3A_76 = arith.subf %get3A_73, %sub3A_75 : vector<16xf32>
        %div3A_77 = arith.constant 2.000000e-01 : f32
        %div3A_78 = vector.broadcast %div3A_77 : f32 to vector<16xf32>
        %div3A_79 = arith.divf %sub3A_76, %div3A_78 : vector<16xf32>
        %convert_element_type3A_80 = arith.fptosi %div3A_79 : vector<16xf32> to vector<16xi32>
        %get3A_81 = arith.index_cast %mul3A_65 : i32 to index
        %get3A_82 = tpu.vector_load %arg9[%get3A_81] {strides = array<i32>} : memref<2000xf32, #tpu.memory_space<vmem>>, vector<16xf32>,
        %sub3A_83 = arith.constant -3.000000e+00 : f32
        %sub3A_84 = vector.broadcast %sub3A_83 : f32 to vector<16xf32>
        %sub3A_85 = arith.subf %get3A_82, %sub3A_84 : vector<16xf32>
        %div3A_86 = arith.constant 4.000000e-01 : f32
        %div3A_87 = vector.broadcast %div3A_86 : f32 to vector<16xf32>
        %div3A_88 = arith.divf %sub3A_85, %div3A_87 : vector<16xf32>
        %convert_element_type3A_89 = arith.fptosi %div3A_88 : vector<16xf32> to vector<16xi32>
        %ge3A = arith.constant 0 : i32
        %ge3A_90 = vector.broadcast %ge3A : i32 to vector<16xi32>
        %ge3A_91 = arith.cmpi sge, %convert_element_type3A_71, %ge3A_90 : vector<16xi32>
        %lt3A_92 = arith.constant 352 : i32
        %lt3A_93 = vector.broadcast %lt3A_92 : i32 to vector<16xi32>
        %lt3A_94 = arith.cmpi slt, %convert_element_type3A_71, %lt3A_93 : vector<16xi32>
        %and3A = arith.andi %ge3A_91, %lt3A_94 : vector<16xi1>
        %ge3A_95 = arith.constant 0 : i32
        %ge3A_96 = vector.broadcast %ge3A_95 : i32 to vector<16xi32>
        %ge3A_97 = arith.cmpi sge, %convert_element_type3A_80, %ge3A_96 : vector<16xi32>
        %and3A_98 = arith.andi %and3A, %ge3A_97 : vector<16xi1>
        %lt3A_99 = arith.constant 400 : i32
        %lt3A_100 = vector.broadcast %lt3A_99 : i32 to vector<16xi32>
        %lt3A_101 = arith.cmpi slt, %convert_element_type3A_80, %lt3A_100 : vector<16xi32>
        %and3A_102 = arith.andi %and3A_98, %lt3A_101 : vector<16xi1>
        %ge3A_103 = arith.constant 0 : i32
        %ge3A_104 = vector.broadcast %ge3A_103 : i32 to vector<16xi32>
        %ge3A_105 = arith.cmpi sge, %convert_element_type3A_89, %ge3A_104 : vector<16xi32>
        %and3A_106 = arith.andi %and3A_102, %ge3A_105 : vector<16xi1>
        %lt3A_107 = arith.constant 10 : i32
        %lt3A_108 = vector.broadcast %lt3A_107 : i32 to vector<16xi32>
        %lt3A_109 = arith.cmpi slt, %convert_element_type3A_89, %lt3A_108 : vector<16xi32>
        %and3A_110 = arith.andi %and3A_106, %lt3A_109 : vector<16xi1>
        %get3A_111 = arith.index_cast %mul3A_65 : i32 to index
        %get3A_112 = tpu.vector_load %arg10[%get3A_111] {strides = array<i32>} : memref<2000xi32, #tpu.memory_space<vmem>>, vector<16xi32>,
        %mul3A_113 = arith.constant 1408000 : i32
        %mul3A_114 = vector.broadcast %mul3A_113 : i32 to vector<16xi32>
        %mul3A_115 = arith.muli %get3A_112, %mul3A_114 : vector<16xi32>
        %mul3A_116 = arith.constant 400 : i32
        %mul3A_117 = vector.broadcast %mul3A_116 : i32 to vector<16xi32>
        %mul3A_118 = arith.muli %convert_element_type3A_89, %mul3A_117 : vector<16xi32>
        %add3A_119 = arith.addi %mul3A_118, %convert_element_type3A_80 : vector<16xi32>
        %mul3A_120 = arith.constant 352 : i32
        %mul3A_121 = vector.broadcast %mul3A_120 : i32 to vector<16xi32>
        %mul3A_122 = arith.muli %add3A_119, %mul3A_121 : vector<16xi32>
        %add3A_123 = arith.addi %mul3A_115, %mul3A_122 : vector<16xi32>
        %add3A_124 = arith.addi %add3A_123, %convert_element_type3A_71 : vector<16xi32>
        %jit3A = arith.constant 5632000 : i32
        %broadcast_in_dim3A = vector.broadcast %jit3A : i32 to vector<16xi32>
        %select_n3A = arith.select %and3A_110, %add3A_124, %broadcast_in_dim3A : vector<16xi1>, vector<16xi32>
        %swap3A = arith.index_cast %mul3A_65 : i32 to index
        %swap3A_125 = tpu.vector_load %arg11[%swap3A] {strides = array<i32>} : memref<2000xi32, #tpu.memory_space<vmem>>, vector<16xi32>,
        tpu.vector_store %arg11[%swap3A], %select_n3A {strides = array<i32>} : memref<2000xi32, #tpu.memory_space<vmem>>, vector<16xi32>,
        %scan3A_126 = arith.constant 0 : i32
        scf.yield %scan3A_126 : i32
      }
      %scan3A_61 = arith.constant 125 : i32
      "tpu.region"() ({
        %run_scoped3A = tpu.sem_alloc : memref<!tpu.dma_semaphore, #tpu.memory_space<semaphore_mem>>
        %dma_start3A = tpu.memref_slice %arg6[%multiple_of3A] : memref<500000xi32, #tpu.memory_space<hbm>> -> memref<2000xi32, #tpu.memory_space<hbm>>
        %dma_start3A_62 = tpu.memref_slice %arg6[%multiple_of3A] : memref<500000xi32, #tpu.memory_space<hbm>> -> memref<2000xi32, #tpu.memory_space<hbm>>
        tpu.enqueue_dma source(%arg11 : memref<2000xi32, #tpu.memory_space<vmem>>) target(%dma_start3A_62 : memref<2000xi32, #tpu.memory_space<hbm>>) target_semaphore(%run_scoped3A : memref<!tpu.dma_semaphore, #tpu.memory_space<semaphore_mem>>)
        %dma_wait3A = tpu.memref_slice %arg6[%multiple_of3A] : memref<500000xi32, #tpu.memory_space<hbm>> -> memref<2000xi32, #tpu.memory_space<hbm>>
        %dma_wait3A_63 = tpu.memref_slice %arg6[%multiple_of3A] : memref<500000xi32, #tpu.memory_space<hbm>> -> memref<2000xi32, #tpu.memory_space<hbm>>
        tpu.wait_dma2 semaphore(%run_scoped3A : memref<!tpu.dma_semaphore, #tpu.memory_space<semaphore_mem>>) src(%arg11 : memref<2000xi32, #tpu.memory_space<vmem>>) dst(%dma_wait3A_63 : memref<2000xi32, #tpu.memory_space<hbm>>)
        tpu.yield
      }) : () -> ()
    } else {
    }
    %add3A_26 = arith.constant 128 : i32
    %add3A_27 = arith.addi %add3A_26, %add3A : i32
    %lt3A_28 = arith.constant 250 : i32
    %lt3A_29 = arith.cmpi slt, %add3A_27, %lt3A_28 : i32
    %convert_element_type3A_30 = arith.extui %lt3A_29 : i1 to i32
    %cond3A_31 = arith.constant 0 : i32
    %cond3A_32 = arith.cmpi ne, %convert_element_type3A_30, %cond3A_31 : i32
    scf.if %cond3A_32 {
      %mul3A_54 = arith.constant 2000 : i32
      %mul3A_55 = arith.muli %add3A_27, %mul3A_54 : i32
      %multiple_of3A = tpu.assume_multiple %mul3A_55, 8 : i32
      "tpu.region"() ({
        %run_scoped3A = tpu.sem_alloc : memref<!tpu.dma_semaphore, #tpu.memory_space<semaphore_mem>>
        %dma_start3A = tpu.memref_slice %arg2[%multiple_of3A] : memref<500000xf32, #tpu.memory_space<hbm>> -> memref<2000xf32, #tpu.memory_space<hbm>>
        %dma_start3A_62 = tpu.memref_slice %arg2[%multiple_of3A] : memref<500000xf32, #tpu.memory_space<hbm>> -> memref<2000xf32, #tpu.memory_space<hbm>>
        tpu.enqueue_dma source(%dma_start3A_62 : memref<2000xf32, #tpu.memory_space<hbm>>) target(%arg7 : memref<2000xf32, #tpu.memory_space<vmem>>) target_semaphore(%run_scoped3A : memref<!tpu.dma_semaphore, #tpu.memory_space<semaphore_mem>>)
        %dma_wait3A = tpu.memref_slice %arg2[%multiple_of3A] : memref<500000xf32, #tpu.memory_space<hbm>> -> memref<2000xf32, #tpu.memory_space<hbm>>
        %dma_wait3A_63 = tpu.memref_slice %arg2[%multiple_of3A] : memref<500000xf32, #tpu.memory_space<hbm>> -> memref<2000xf32, #tpu.memory_space<hbm>>
        tpu.wait_dma2 semaphore(%run_scoped3A : memref<!tpu.dma_semaphore, #tpu.memory_space<semaphore_mem>>) src(%dma_wait3A_63 : memref<2000xf32, #tpu.memory_space<hbm>>) dst(%arg7 : memref<2000xf32, #tpu.memory_space<vmem>>)
        tpu.yield
      }) : () -> ()
      "tpu.region"() ({
        %run_scoped3A = tpu.sem_alloc : memref<!tpu.dma_semaphore, #tpu.memory_space<semaphore_mem>>
        %dma_start3A = tpu.memref_slice %arg3[%multiple_of3A] : memref<500000xf32, #tpu.memory_space<hbm>> -> memref<2000xf32, #tpu.memory_space<hbm>>
        %dma_start3A_62 = tpu.memref_slice %arg3[%multiple_of3A] : memref<500000xf32, #tpu.memory_space<hbm>> -> memref<2000xf32, #tpu.memory_space<hbm>>
        tpu.enqueue_dma source(%dma_start3A_62 : memref<2000xf32, #tpu.memory_space<hbm>>) target(%arg8 : memref<2000xf32, #tpu.memory_space<vmem>>) target_semaphore(%run_scoped3A : memref<!tpu.dma_semaphore, #tpu.memory_space<semaphore_mem>>)
        %dma_wait3A = tpu.memref_slice %arg3[%multiple_of3A] : memref<500000xf32, #tpu.memory_space<hbm>> -> memref<2000xf32, #tpu.memory_space<hbm>>
        %dma_wait3A_63 = tpu.memref_slice %arg3[%multiple_of3A] : memref<500000xf32, #tpu.memory_space<hbm>> -> memref<2000xf32, #tpu.memory_space<hbm>>
        tpu.wait_dma2 semaphore(%run_scoped3A : memref<!tpu.dma_semaphore, #tpu.memory_space<semaphore_mem>>) src(%dma_wait3A_63 : memref<2000xf32, #tpu.memory_space<hbm>>) dst(%arg8 : memref<2000xf32, #tpu.memory_space<vmem>>)
        tpu.yield
      }) : () -> ()
      "tpu.region"() ({
        %run_scoped3A = tpu.sem_alloc : memref<!tpu.dma_semaphore, #tpu.memory_space<semaphore_mem>>
        %dma_start3A = tpu.memref_slice %arg4[%multiple_of3A] : memref<500000xf32, #tpu.memory_space<hbm>> -> memref<2000xf32, #tpu.memory_space<hbm>>
        %dma_start3A_62 = tpu.memref_slice %arg4[%multiple_of3A] : memref<500000xf32, #tpu.memory_space<hbm>> -> memref<2000xf32, #tpu.memory_space<hbm>>
        tpu.enqueue_dma source(%dma_start3A_62 : memref<2000xf32, #tpu.memory_space<hbm>>) target(%arg9 : memref<2000xf32, #tpu.memory_space<vmem>>) target_semaphore(%run_scoped3A : memref<!tpu.dma_semaphore, #tpu.memory_space<semaphore_mem>>)
        %dma_wait3A = tpu.memref_slice %arg4[%multiple_of3A] : memref<500000xf32, #tpu.memory_space<hbm>> -> memref<2000xf32, #tpu.memory_space<hbm>>
        %dma_wait3A_63 = tpu.memref_slice %arg4[%multiple_of3A] : memref<500000xf32, #tpu.memory_space<hbm>> -> memref<2000xf32, #tpu.memory_space<hbm>>
        tpu.wait_dma2 semaphore(%run_scoped3A : memref<!tpu.dma_semaphore, #tpu.memory_space<semaphore_mem>>) src(%dma_wait3A_63 : memref<2000xf32, #tpu.memory_space<hbm>>) dst(%arg9 : memref<2000xf32, #tpu.memory_space<vmem>>)
        tpu.yield
      }) : () -> ()
      "tpu.region"() ({
        %run_scoped3A = tpu.sem_alloc : memref<!tpu.dma_semaphore, #tpu.memory_space<semaphore_mem>>
        %dma_start3A = tpu.memref_slice %arg5[%multiple_of3A] : memref<500000xi32, #tpu.memory_space<hbm>> -> memref<2000xi32, #tpu.memory_space<hbm>>
        %dma_start3A_62 = tpu.memref_slice %arg5[%multiple_of3A] : memref<500000xi32, #tpu.memory_space<hbm>> -> memref<2000xi32, #tpu.memory_space<hbm>>
        tpu.enqueue_dma source(%dma_start3A_62 : memref<2000xi32, #tpu.memory_space<hbm>>) target(%arg10 : memref<2000xi32, #tpu.memory_space<vmem>>) target_semaphore(%run_scoped3A : memref<!tpu.dma_semaphore, #tpu.memory_space<semaphore_mem>>)
        %dma_wait3A = tpu.memref_slice %arg5[%multiple_of3A] : memref<500000xi32, #tpu.memory_space<hbm>> -> memref<2000xi32, #tpu.memory_space<hbm>>
        %dma_wait3A_63 = tpu.memref_slice %arg5[%multiple_of3A] : memref<500000xi32, #tpu.memory_space<hbm>> -> memref<2000xi32, #tpu.memory_space<hbm>>
        tpu.wait_dma2 semaphore(%run_scoped3A : memref<!tpu.dma_semaphore, #tpu.memory_space<semaphore_mem>>) src(%dma_wait3A_63 : memref<2000xi32, #tpu.memory_space<hbm>>) dst(%arg10 : memref<2000xi32, #tpu.memory_space<vmem>>)
        tpu.yield
      }) : () -> ()
      %scan3A = arith.constant 0 : i32
      %scan3A_56 = arith.constant 0 : i32
      %scan3A_57 = arith.constant 125 : i32
      %scan3A_58 = arith.addi %scan3A_56, %scan3A_57 : i32
      %scan3A_59 = arith.constant 1 : i32
      %scan3A_60 = scf.for %scan3A_62 = %scan3A_56 to %scan3A_58 step %scan3A_59 iter_args(%scan3A_63 = %scan3A) -> (i32)  : i32 {
        %mul3A_64 = arith.constant 16 : i32
        %mul3A_65 = arith.muli %scan3A_62, %mul3A_64 : i32
        %get3A = arith.index_cast %mul3A_65 : i32 to index
        %get3A_66 = tpu.vector_load %arg7[%get3A] {strides = array<i32>} : memref<2000xf32, #tpu.memory_space<vmem>>, vector<16xf32>,
        %sub3A = arith.constant 0.000000e+00 : f32
        %sub3A_67 = vector.broadcast %sub3A : f32 to vector<16xf32>
        %sub3A_68 = arith.subf %get3A_66, %sub3A_67 : vector<16xf32>
        %div3A = arith.constant 2.000000e-01 : f32
        %div3A_69 = vector.broadcast %div3A : f32 to vector<16xf32>
        %div3A_70 = arith.divf %sub3A_68, %div3A_69 : vector<16xf32>
        %convert_element_type3A_71 = arith.fptosi %div3A_70 : vector<16xf32> to vector<16xi32>
        %get3A_72 = arith.index_cast %mul3A_65 : i32 to index
        %get3A_73 = tpu.vector_load %arg8[%get3A_72] {strides = array<i32>} : memref<2000xf32, #tpu.memory_space<vmem>>, vector<16xf32>,
        %sub3A_74 = arith.constant -4.000000e+01 : f32
        %sub3A_75 = vector.broadcast %sub3A_74 : f32 to vector<16xf32>
        %sub3A_76 = arith.subf %get3A_73, %sub3A_75 : vector<16xf32>
        %div3A_77 = arith.constant 2.000000e-01 : f32
        %div3A_78 = vector.broadcast %div3A_77 : f32 to vector<16xf32>
        %div3A_79 = arith.divf %sub3A_76, %div3A_78 : vector<16xf32>
        %convert_element_type3A_80 = arith.fptosi %div3A_79 : vector<16xf32> to vector<16xi32>
        %get3A_81 = arith.index_cast %mul3A_65 : i32 to index
        %get3A_82 = tpu.vector_load %arg9[%get3A_81] {strides = array<i32>} : memref<2000xf32, #tpu.memory_space<vmem>>, vector<16xf32>,
        %sub3A_83 = arith.constant -3.000000e+00 : f32
        %sub3A_84 = vector.broadcast %sub3A_83 : f32 to vector<16xf32>
        %sub3A_85 = arith.subf %get3A_82, %sub3A_84 : vector<16xf32>
        %div3A_86 = arith.constant 4.000000e-01 : f32
        %div3A_87 = vector.broadcast %div3A_86 : f32 to vector<16xf32>
        %div3A_88 = arith.divf %sub3A_85, %div3A_87 : vector<16xf32>
        %convert_element_type3A_89 = arith.fptosi %div3A_88 : vector<16xf32> to vector<16xi32>
        %ge3A = arith.constant 0 : i32
        %ge3A_90 = vector.broadcast %ge3A : i32 to vector<16xi32>
        %ge3A_91 = arith.cmpi sge, %convert_element_type3A_71, %ge3A_90 : vector<16xi32>
        %lt3A_92 = arith.constant 352 : i32
        %lt3A_93 = vector.broadcast %lt3A_92 : i32 to vector<16xi32>
        %lt3A_94 = arith.cmpi slt, %convert_element_type3A_71, %lt3A_93 : vector<16xi32>
        %and3A = arith.andi %ge3A_91, %lt3A_94 : vector<16xi1>
        %ge3A_95 = arith.constant 0 : i32
        %ge3A_96 = vector.broadcast %ge3A_95 : i32 to vector<16xi32>
        %ge3A_97 = arith.cmpi sge, %convert_element_type3A_80, %ge3A_96 : vector<16xi32>
        %and3A_98 = arith.andi %and3A, %ge3A_97 : vector<16xi1>
        %lt3A_99 = arith.constant 400 : i32
        %lt3A_100 = vector.broadcast %lt3A_99 : i32 to vector<16xi32>
        %lt3A_101 = arith.cmpi slt, %convert_element_type3A_80, %lt3A_100 : vector<16xi32>
        %and3A_102 = arith.andi %and3A_98, %lt3A_101 : vector<16xi1>
        %ge3A_103 = arith.constant 0 : i32
        %ge3A_104 = vector.broadcast %ge3A_103 : i32 to vector<16xi32>
        %ge3A_105 = arith.cmpi sge, %convert_element_type3A_89, %ge3A_104 : vector<16xi32>
        %and3A_106 = arith.andi %and3A_102, %ge3A_105 : vector<16xi1>
        %lt3A_107 = arith.constant 10 : i32
        %lt3A_108 = vector.broadcast %lt3A_107 : i32 to vector<16xi32>
        %lt3A_109 = arith.cmpi slt, %convert_element_type3A_89, %lt3A_108 : vector<16xi32>
        %and3A_110 = arith.andi %and3A_106, %lt3A_109 : vector<16xi1>
        %get3A_111 = arith.index_cast %mul3A_65 : i32 to index
        %get3A_112 = tpu.vector_load %arg10[%get3A_111] {strides = array<i32>} : memref<2000xi32, #tpu.memory_space<vmem>>, vector<16xi32>,
        %mul3A_113 = arith.constant 1408000 : i32
        %mul3A_114 = vector.broadcast %mul3A_113 : i32 to vector<16xi32>
        %mul3A_115 = arith.muli %get3A_112, %mul3A_114 : vector<16xi32>
        %mul3A_116 = arith.constant 400 : i32
        %mul3A_117 = vector.broadcast %mul3A_116 : i32 to vector<16xi32>
        %mul3A_118 = arith.muli %convert_element_type3A_89, %mul3A_117 : vector<16xi32>
        %add3A_119 = arith.addi %mul3A_118, %convert_element_type3A_80 : vector<16xi32>
        %mul3A_120 = arith.constant 352 : i32
        %mul3A_121 = vector.broadcast %mul3A_120 : i32 to vector<16xi32>
        %mul3A_122 = arith.muli %add3A_119, %mul3A_121 : vector<16xi32>
        %add3A_123 = arith.addi %mul3A_115, %mul3A_122 : vector<16xi32>
        %add3A_124 = arith.addi %add3A_123, %convert_element_type3A_71 : vector<16xi32>
        %jit3A = arith.constant 5632000 : i32
        %broadcast_in_dim3A = vector.broadcast %jit3A : i32 to vector<16xi32>
        %select_n3A = arith.select %and3A_110, %add3A_124, %broadcast_in_dim3A : vector<16xi1>, vector<16xi32>
        %swap3A = arith.index_cast %mul3A_65 : i32 to index
        %swap3A_125 = tpu.vector_load %arg11[%swap3A] {strides = array<i32>} : memref<2000xi32, #tpu.memory_space<vmem>>, vector<16xi32>,
        tpu.vector_store %arg11[%swap3A], %select_n3A {strides = array<i32>} : memref<2000xi32, #tpu.memory_space<vmem>>, vector<16xi32>,
        %scan3A_126 = arith.constant 0 : i32
        scf.yield %scan3A_126 : i32
      }
      %scan3A_61 = arith.constant 125 : i32
      "tpu.region"() ({
        %run_scoped3A = tpu.sem_alloc : memref<!tpu.dma_semaphore, #tpu.memory_space<semaphore_mem>>
        %dma_start3A = tpu.memref_slice %arg6[%multiple_of3A] : memref<500000xi32, #tpu.memory_space<hbm>> -> memref<2000xi32, #tpu.memory_space<hbm>>
        %dma_start3A_62 = tpu.memref_slice %arg6[%multiple_of3A] : memref<500000xi32, #tpu.memory_space<hbm>> -> memref<2000xi32, #tpu.memory_space<hbm>>
        tpu.enqueue_dma source(%arg11 : memref<2000xi32, #tpu.memory_space<vmem>>) target(%dma_start3A_62 : memref<2000xi32, #tpu.memory_space<hbm>>) target_semaphore(%run_scoped3A : memref<!tpu.dma_semaphore, #tpu.memory_space<semaphore_mem>>)
        %dma_wait3A = tpu.memref_slice %arg6[%multiple_of3A] : memref<500000xi32, #tpu.memory_space<hbm>> -> memref<2000xi32, #tpu.memory_space<hbm>>
        %dma_wait3A_63 = tpu.memref_slice %arg6[%multiple_of3A] : memref<500000xi32, #tpu.memory_space<hbm>> -> memref<2000xi32, #tpu.memory_space<hbm>>
        tpu.wait_dma2 semaphore(%run_scoped3A : memref<!tpu.dma_semaphore, #tpu.memory_space<semaphore_mem>>) src(%arg11 : memref<2000xi32, #tpu.memory_space<vmem>>) dst(%dma_wait3A_63 : memref<2000xi32, #tpu.memory_space<hbm>>)
        tpu.yield
      }) : () -> ()
    } else {
    }
    %add3A_33 = arith.constant 160 : i32
    %add3A_34 = arith.addi %add3A_33, %add3A : i32
    %lt3A_35 = arith.constant 250 : i32
    %lt3A_36 = arith.cmpi slt, %add3A_34, %lt3A_35 : i32
    %convert_element_type3A_37 = arith.extui %lt3A_36 : i1 to i32
    %cond3A_38 = arith.constant 0 : i32
    %cond3A_39 = arith.cmpi ne, %convert_element_type3A_37, %cond3A_38 : i32
    scf.if %cond3A_39 {
      %mul3A_54 = arith.constant 2000 : i32
      %mul3A_55 = arith.muli %add3A_34, %mul3A_54 : i32
      %multiple_of3A = tpu.assume_multiple %mul3A_55, 8 : i32
      "tpu.region"() ({
        %run_scoped3A = tpu.sem_alloc : memref<!tpu.dma_semaphore, #tpu.memory_space<semaphore_mem>>
        %dma_start3A = tpu.memref_slice %arg2[%multiple_of3A] : memref<500000xf32, #tpu.memory_space<hbm>> -> memref<2000xf32, #tpu.memory_space<hbm>>
        %dma_start3A_62 = tpu.memref_slice %arg2[%multiple_of3A] : memref<500000xf32, #tpu.memory_space<hbm>> -> memref<2000xf32, #tpu.memory_space<hbm>>
        tpu.enqueue_dma source(%dma_start3A_62 : memref<2000xf32, #tpu.memory_space<hbm>>) target(%arg7 : memref<2000xf32, #tpu.memory_space<vmem>>) target_semaphore(%run_scoped3A : memref<!tpu.dma_semaphore, #tpu.memory_space<semaphore_mem>>)
        %dma_wait3A = tpu.memref_slice %arg2[%multiple_of3A] : memref<500000xf32, #tpu.memory_space<hbm>> -> memref<2000xf32, #tpu.memory_space<hbm>>
        %dma_wait3A_63 = tpu.memref_slice %arg2[%multiple_of3A] : memref<500000xf32, #tpu.memory_space<hbm>> -> memref<2000xf32, #tpu.memory_space<hbm>>
        tpu.wait_dma2 semaphore(%run_scoped3A : memref<!tpu.dma_semaphore, #tpu.memory_space<semaphore_mem>>) src(%dma_wait3A_63 : memref<2000xf32, #tpu.memory_space<hbm>>) dst(%arg7 : memref<2000xf32, #tpu.memory_space<vmem>>)
        tpu.yield
      }) : () -> ()
      "tpu.region"() ({
        %run_scoped3A = tpu.sem_alloc : memref<!tpu.dma_semaphore, #tpu.memory_space<semaphore_mem>>
        %dma_start3A = tpu.memref_slice %arg3[%multiple_of3A] : memref<500000xf32, #tpu.memory_space<hbm>> -> memref<2000xf32, #tpu.memory_space<hbm>>
        %dma_start3A_62 = tpu.memref_slice %arg3[%multiple_of3A] : memref<500000xf32, #tpu.memory_space<hbm>> -> memref<2000xf32, #tpu.memory_space<hbm>>
        tpu.enqueue_dma source(%dma_start3A_62 : memref<2000xf32, #tpu.memory_space<hbm>>) target(%arg8 : memref<2000xf32, #tpu.memory_space<vmem>>) target_semaphore(%run_scoped3A : memref<!tpu.dma_semaphore, #tpu.memory_space<semaphore_mem>>)
        %dma_wait3A = tpu.memref_slice %arg3[%multiple_of3A] : memref<500000xf32, #tpu.memory_space<hbm>> -> memref<2000xf32, #tpu.memory_space<hbm>>
        %dma_wait3A_63 = tpu.memref_slice %arg3[%multiple_of3A] : memref<500000xf32, #tpu.memory_space<hbm>> -> memref<2000xf32, #tpu.memory_space<hbm>>
        tpu.wait_dma2 semaphore(%run_scoped3A : memref<!tpu.dma_semaphore, #tpu.memory_space<semaphore_mem>>) src(%dma_wait3A_63 : memref<2000xf32, #tpu.memory_space<hbm>>) dst(%arg8 : memref<2000xf32, #tpu.memory_space<vmem>>)
        tpu.yield
      }) : () -> ()
      "tpu.region"() ({
        %run_scoped3A = tpu.sem_alloc : memref<!tpu.dma_semaphore, #tpu.memory_space<semaphore_mem>>
        %dma_start3A = tpu.memref_slice %arg4[%multiple_of3A] : memref<500000xf32, #tpu.memory_space<hbm>> -> memref<2000xf32, #tpu.memory_space<hbm>>
        %dma_start3A_62 = tpu.memref_slice %arg4[%multiple_of3A] : memref<500000xf32, #tpu.memory_space<hbm>> -> memref<2000xf32, #tpu.memory_space<hbm>>
        tpu.enqueue_dma source(%dma_start3A_62 : memref<2000xf32, #tpu.memory_space<hbm>>) target(%arg9 : memref<2000xf32, #tpu.memory_space<vmem>>) target_semaphore(%run_scoped3A : memref<!tpu.dma_semaphore, #tpu.memory_space<semaphore_mem>>)
        %dma_wait3A = tpu.memref_slice %arg4[%multiple_of3A] : memref<500000xf32, #tpu.memory_space<hbm>> -> memref<2000xf32, #tpu.memory_space<hbm>>
        %dma_wait3A_63 = tpu.memref_slice %arg4[%multiple_of3A] : memref<500000xf32, #tpu.memory_space<hbm>> -> memref<2000xf32, #tpu.memory_space<hbm>>
        tpu.wait_dma2 semaphore(%run_scoped3A : memref<!tpu.dma_semaphore, #tpu.memory_space<semaphore_mem>>) src(%dma_wait3A_63 : memref<2000xf32, #tpu.memory_space<hbm>>) dst(%arg9 : memref<2000xf32, #tpu.memory_space<vmem>>)
        tpu.yield
      }) : () -> ()
      "tpu.region"() ({
        %run_scoped3A = tpu.sem_alloc : memref<!tpu.dma_semaphore, #tpu.memory_space<semaphore_mem>>
        %dma_start3A = tpu.memref_slice %arg5[%multiple_of3A] : memref<500000xi32, #tpu.memory_space<hbm>> -> memref<2000xi32, #tpu.memory_space<hbm>>
        %dma_start3A_62 = tpu.memref_slice %arg5[%multiple_of3A] : memref<500000xi32, #tpu.memory_space<hbm>> -> memref<2000xi32, #tpu.memory_space<hbm>>
        tpu.enqueue_dma source(%dma_start3A_62 : memref<2000xi32, #tpu.memory_space<hbm>>) target(%arg10 : memref<2000xi32, #tpu.memory_space<vmem>>) target_semaphore(%run_scoped3A : memref<!tpu.dma_semaphore, #tpu.memory_space<semaphore_mem>>)
        %dma_wait3A = tpu.memref_slice %arg5[%multiple_of3A] : memref<500000xi32, #tpu.memory_space<hbm>> -> memref<2000xi32, #tpu.memory_space<hbm>>
        %dma_wait3A_63 = tpu.memref_slice %arg5[%multiple_of3A] : memref<500000xi32, #tpu.memory_space<hbm>> -> memref<2000xi32, #tpu.memory_space<hbm>>
        tpu.wait_dma2 semaphore(%run_scoped3A : memref<!tpu.dma_semaphore, #tpu.memory_space<semaphore_mem>>) src(%dma_wait3A_63 : memref<2000xi32, #tpu.memory_space<hbm>>) dst(%arg10 : memref<2000xi32, #tpu.memory_space<vmem>>)
        tpu.yield
      }) : () -> ()
      %scan3A = arith.constant 0 : i32
      %scan3A_56 = arith.constant 0 : i32
      %scan3A_57 = arith.constant 125 : i32
      %scan3A_58 = arith.addi %scan3A_56, %scan3A_57 : i32
      %scan3A_59 = arith.constant 1 : i32
      %scan3A_60 = scf.for %scan3A_62 = %scan3A_56 to %scan3A_58 step %scan3A_59 iter_args(%scan3A_63 = %scan3A) -> (i32)  : i32 {
        %mul3A_64 = arith.constant 16 : i32
        %mul3A_65 = arith.muli %scan3A_62, %mul3A_64 : i32
        %get3A = arith.index_cast %mul3A_65 : i32 to index
        %get3A_66 = tpu.vector_load %arg7[%get3A] {strides = array<i32>} : memref<2000xf32, #tpu.memory_space<vmem>>, vector<16xf32>,
        %sub3A = arith.constant 0.000000e+00 : f32
        %sub3A_67 = vector.broadcast %sub3A : f32 to vector<16xf32>
        %sub3A_68 = arith.subf %get3A_66, %sub3A_67 : vector<16xf32>
        %div3A = arith.constant 2.000000e-01 : f32
        %div3A_69 = vector.broadcast %div3A : f32 to vector<16xf32>
        %div3A_70 = arith.divf %sub3A_68, %div3A_69 : vector<16xf32>
        %convert_element_type3A_71 = arith.fptosi %div3A_70 : vector<16xf32> to vector<16xi32>
        %get3A_72 = arith.index_cast %mul3A_65 : i32 to index
        %get3A_73 = tpu.vector_load %arg8[%get3A_72] {strides = array<i32>} : memref<2000xf32, #tpu.memory_space<vmem>>, vector<16xf32>,
        %sub3A_74 = arith.constant -4.000000e+01 : f32
        %sub3A_75 = vector.broadcast %sub3A_74 : f32 to vector<16xf32>
        %sub3A_76 = arith.subf %get3A_73, %sub3A_75 : vector<16xf32>
        %div3A_77 = arith.constant 2.000000e-01 : f32
        %div3A_78 = vector.broadcast %div3A_77 : f32 to vector<16xf32>
        %div3A_79 = arith.divf %sub3A_76, %div3A_78 : vector<16xf32>
        %convert_element_type3A_80 = arith.fptosi %div3A_79 : vector<16xf32> to vector<16xi32>
        %get3A_81 = arith.index_cast %mul3A_65 : i32 to index
        %get3A_82 = tpu.vector_load %arg9[%get3A_81] {strides = array<i32>} : memref<2000xf32, #tpu.memory_space<vmem>>, vector<16xf32>,
        %sub3A_83 = arith.constant -3.000000e+00 : f32
        %sub3A_84 = vector.broadcast %sub3A_83 : f32 to vector<16xf32>
        %sub3A_85 = arith.subf %get3A_82, %sub3A_84 : vector<16xf32>
        %div3A_86 = arith.constant 4.000000e-01 : f32
        %div3A_87 = vector.broadcast %div3A_86 : f32 to vector<16xf32>
        %div3A_88 = arith.divf %sub3A_85, %div3A_87 : vector<16xf32>
        %convert_element_type3A_89 = arith.fptosi %div3A_88 : vector<16xf32> to vector<16xi32>
        %ge3A = arith.constant 0 : i32
        %ge3A_90 = vector.broadcast %ge3A : i32 to vector<16xi32>
        %ge3A_91 = arith.cmpi sge, %convert_element_type3A_71, %ge3A_90 : vector<16xi32>
        %lt3A_92 = arith.constant 352 : i32
        %lt3A_93 = vector.broadcast %lt3A_92 : i32 to vector<16xi32>
        %lt3A_94 = arith.cmpi slt, %convert_element_type3A_71, %lt3A_93 : vector<16xi32>
        %and3A = arith.andi %ge3A_91, %lt3A_94 : vector<16xi1>
        %ge3A_95 = arith.constant 0 : i32
        %ge3A_96 = vector.broadcast %ge3A_95 : i32 to vector<16xi32>
        %ge3A_97 = arith.cmpi sge, %convert_element_type3A_80, %ge3A_96 : vector<16xi32>
        %and3A_98 = arith.andi %and3A, %ge3A_97 : vector<16xi1>
        %lt3A_99 = arith.constant 400 : i32
        %lt3A_100 = vector.broadcast %lt3A_99 : i32 to vector<16xi32>
        %lt3A_101 = arith.cmpi slt, %convert_element_type3A_80, %lt3A_100 : vector<16xi32>
        %and3A_102 = arith.andi %and3A_98, %lt3A_101 : vector<16xi1>
        %ge3A_103 = arith.constant 0 : i32
        %ge3A_104 = vector.broadcast %ge3A_103 : i32 to vector<16xi32>
        %ge3A_105 = arith.cmpi sge, %convert_element_type3A_89, %ge3A_104 : vector<16xi32>
        %and3A_106 = arith.andi %and3A_102, %ge3A_105 : vector<16xi1>
        %lt3A_107 = arith.constant 10 : i32
        %lt3A_108 = vector.broadcast %lt3A_107 : i32 to vector<16xi32>
        %lt3A_109 = arith.cmpi slt, %convert_element_type3A_89, %lt3A_108 : vector<16xi32>
        %and3A_110 = arith.andi %and3A_106, %lt3A_109 : vector<16xi1>
        %get3A_111 = arith.index_cast %mul3A_65 : i32 to index
        %get3A_112 = tpu.vector_load %arg10[%get3A_111] {strides = array<i32>} : memref<2000xi32, #tpu.memory_space<vmem>>, vector<16xi32>,
        %mul3A_113 = arith.constant 1408000 : i32
        %mul3A_114 = vector.broadcast %mul3A_113 : i32 to vector<16xi32>
        %mul3A_115 = arith.muli %get3A_112, %mul3A_114 : vector<16xi32>
        %mul3A_116 = arith.constant 400 : i32
        %mul3A_117 = vector.broadcast %mul3A_116 : i32 to vector<16xi32>
        %mul3A_118 = arith.muli %convert_element_type3A_89, %mul3A_117 : vector<16xi32>
        %add3A_119 = arith.addi %mul3A_118, %convert_element_type3A_80 : vector<16xi32>
        %mul3A_120 = arith.constant 352 : i32
        %mul3A_121 = vector.broadcast %mul3A_120 : i32 to vector<16xi32>
        %mul3A_122 = arith.muli %add3A_119, %mul3A_121 : vector<16xi32>
        %add3A_123 = arith.addi %mul3A_115, %mul3A_122 : vector<16xi32>
        %add3A_124 = arith.addi %add3A_123, %convert_element_type3A_71 : vector<16xi32>
        %jit3A = arith.constant 5632000 : i32
        %broadcast_in_dim3A = vector.broadcast %jit3A : i32 to vector<16xi32>
        %select_n3A = arith.select %and3A_110, %add3A_124, %broadcast_in_dim3A : vector<16xi1>, vector<16xi32>
        %swap3A = arith.index_cast %mul3A_65 : i32 to index
        %swap3A_125 = tpu.vector_load %arg11[%swap3A] {strides = array<i32>} : memref<2000xi32, #tpu.memory_space<vmem>>, vector<16xi32>,
        tpu.vector_store %arg11[%swap3A], %select_n3A {strides = array<i32>} : memref<2000xi32, #tpu.memory_space<vmem>>, vector<16xi32>,
        %scan3A_126 = arith.constant 0 : i32
        scf.yield %scan3A_126 : i32
      }
      %scan3A_61 = arith.constant 125 : i32
      "tpu.region"() ({
        %run_scoped3A = tpu.sem_alloc : memref<!tpu.dma_semaphore, #tpu.memory_space<semaphore_mem>>
        %dma_start3A = tpu.memref_slice %arg6[%multiple_of3A] : memref<500000xi32, #tpu.memory_space<hbm>> -> memref<2000xi32, #tpu.memory_space<hbm>>
        %dma_start3A_62 = tpu.memref_slice %arg6[%multiple_of3A] : memref<500000xi32, #tpu.memory_space<hbm>> -> memref<2000xi32, #tpu.memory_space<hbm>>
        tpu.enqueue_dma source(%arg11 : memref<2000xi32, #tpu.memory_space<vmem>>) target(%dma_start3A_62 : memref<2000xi32, #tpu.memory_space<hbm>>) target_semaphore(%run_scoped3A : memref<!tpu.dma_semaphore, #tpu.memory_space<semaphore_mem>>)
        %dma_wait3A = tpu.memref_slice %arg6[%multiple_of3A] : memref<500000xi32, #tpu.memory_space<hbm>> -> memref<2000xi32, #tpu.memory_space<hbm>>
        %dma_wait3A_63 = tpu.memref_slice %arg6[%multiple_of3A] : memref<500000xi32, #tpu.memory_space<hbm>> -> memref<2000xi32, #tpu.memory_space<hbm>>
        tpu.wait_dma2 semaphore(%run_scoped3A : memref<!tpu.dma_semaphore, #tpu.memory_space<semaphore_mem>>) src(%arg11 : memref<2000xi32, #tpu.memory_space<vmem>>) dst(%dma_wait3A_63 : memref<2000xi32, #tpu.memory_space<hbm>>)
        tpu.yield
      }) : () -> ()
    } else {
    }
    %add3A_40 = arith.constant 192 : i32
    %add3A_41 = arith.addi %add3A_40, %add3A : i32
    %lt3A_42 = arith.constant 250 : i32
    %lt3A_43 = arith.cmpi slt, %add3A_41, %lt3A_42 : i32
    %convert_element_type3A_44 = arith.extui %lt3A_43 : i1 to i32
    %cond3A_45 = arith.constant 0 : i32
    %cond3A_46 = arith.cmpi ne, %convert_element_type3A_44, %cond3A_45 : i32
    scf.if %cond3A_46 {
      %mul3A_54 = arith.constant 2000 : i32
      %mul3A_55 = arith.muli %add3A_41, %mul3A_54 : i32
      %multiple_of3A = tpu.assume_multiple %mul3A_55, 8 : i32
      "tpu.region"() ({
        %run_scoped3A = tpu.sem_alloc : memref<!tpu.dma_semaphore, #tpu.memory_space<semaphore_mem>>
        %dma_start3A = tpu.memref_slice %arg2[%multiple_of3A] : memref<500000xf32, #tpu.memory_space<hbm>> -> memref<2000xf32, #tpu.memory_space<hbm>>
        %dma_start3A_62 = tpu.memref_slice %arg2[%multiple_of3A] : memref<500000xf32, #tpu.memory_space<hbm>> -> memref<2000xf32, #tpu.memory_space<hbm>>
        tpu.enqueue_dma source(%dma_start3A_62 : memref<2000xf32, #tpu.memory_space<hbm>>) target(%arg7 : memref<2000xf32, #tpu.memory_space<vmem>>) target_semaphore(%run_scoped3A : memref<!tpu.dma_semaphore, #tpu.memory_space<semaphore_mem>>)
        %dma_wait3A = tpu.memref_slice %arg2[%multiple_of3A] : memref<500000xf32, #tpu.memory_space<hbm>> -> memref<2000xf32, #tpu.memory_space<hbm>>
        %dma_wait3A_63 = tpu.memref_slice %arg2[%multiple_of3A] : memref<500000xf32, #tpu.memory_space<hbm>> -> memref<2000xf32, #tpu.memory_space<hbm>>
        tpu.wait_dma2 semaphore(%run_scoped3A : memref<!tpu.dma_semaphore, #tpu.memory_space<semaphore_mem>>) src(%dma_wait3A_63 : memref<2000xf32, #tpu.memory_space<hbm>>) dst(%arg7 : memref<2000xf32, #tpu.memory_space<vmem>>)
        tpu.yield
      }) : () -> ()
      "tpu.region"() ({
        %run_scoped3A = tpu.sem_alloc : memref<!tpu.dma_semaphore, #tpu.memory_space<semaphore_mem>>
        %dma_start3A = tpu.memref_slice %arg3[%multiple_of3A] : memref<500000xf32, #tpu.memory_space<hbm>> -> memref<2000xf32, #tpu.memory_space<hbm>>
        %dma_start3A_62 = tpu.memref_slice %arg3[%multiple_of3A] : memref<500000xf32, #tpu.memory_space<hbm>> -> memref<2000xf32, #tpu.memory_space<hbm>>
        tpu.enqueue_dma source(%dma_start3A_62 : memref<2000xf32, #tpu.memory_space<hbm>>) target(%arg8 : memref<2000xf32, #tpu.memory_space<vmem>>) target_semaphore(%run_scoped3A : memref<!tpu.dma_semaphore, #tpu.memory_space<semaphore_mem>>)
        %dma_wait3A = tpu.memref_slice %arg3[%multiple_of3A] : memref<500000xf32, #tpu.memory_space<hbm>> -> memref<2000xf32, #tpu.memory_space<hbm>>
        %dma_wait3A_63 = tpu.memref_slice %arg3[%multiple_of3A] : memref<500000xf32, #tpu.memory_space<hbm>> -> memref<2000xf32, #tpu.memory_space<hbm>>
        tpu.wait_dma2 semaphore(%run_scoped3A : memref<!tpu.dma_semaphore, #tpu.memory_space<semaphore_mem>>) src(%dma_wait3A_63 : memref<2000xf32, #tpu.memory_space<hbm>>) dst(%arg8 : memref<2000xf32, #tpu.memory_space<vmem>>)
        tpu.yield
      }) : () -> ()
      "tpu.region"() ({
        %run_scoped3A = tpu.sem_alloc : memref<!tpu.dma_semaphore, #tpu.memory_space<semaphore_mem>>
        %dma_start3A = tpu.memref_slice %arg4[%multiple_of3A] : memref<500000xf32, #tpu.memory_space<hbm>> -> memref<2000xf32, #tpu.memory_space<hbm>>
        %dma_start3A_62 = tpu.memref_slice %arg4[%multiple_of3A] : memref<500000xf32, #tpu.memory_space<hbm>> -> memref<2000xf32, #tpu.memory_space<hbm>>
        tpu.enqueue_dma source(%dma_start3A_62 : memref<2000xf32, #tpu.memory_space<hbm>>) target(%arg9 : memref<2000xf32, #tpu.memory_space<vmem>>) target_semaphore(%run_scoped3A : memref<!tpu.dma_semaphore, #tpu.memory_space<semaphore_mem>>)
        %dma_wait3A = tpu.memref_slice %arg4[%multiple_of3A] : memref<500000xf32, #tpu.memory_space<hbm>> -> memref<2000xf32, #tpu.memory_space<hbm>>
        %dma_wait3A_63 = tpu.memref_slice %arg4[%multiple_of3A] : memref<500000xf32, #tpu.memory_space<hbm>> -> memref<2000xf32, #tpu.memory_space<hbm>>
        tpu.wait_dma2 semaphore(%run_scoped3A : memref<!tpu.dma_semaphore, #tpu.memory_space<semaphore_mem>>) src(%dma_wait3A_63 : memref<2000xf32, #tpu.memory_space<hbm>>) dst(%arg9 : memref<2000xf32, #tpu.memory_space<vmem>>)
        tpu.yield
      }) : () -> ()
      "tpu.region"() ({
        %run_scoped3A = tpu.sem_alloc : memref<!tpu.dma_semaphore, #tpu.memory_space<semaphore_mem>>
        %dma_start3A = tpu.memref_slice %arg5[%multiple_of3A] : memref<500000xi32, #tpu.memory_space<hbm>> -> memref<2000xi32, #tpu.memory_space<hbm>>
        %dma_start3A_62 = tpu.memref_slice %arg5[%multiple_of3A] : memref<500000xi32, #tpu.memory_space<hbm>> -> memref<2000xi32, #tpu.memory_space<hbm>>
        tpu.enqueue_dma source(%dma_start3A_62 : memref<2000xi32, #tpu.memory_space<hbm>>) target(%arg10 : memref<2000xi32, #tpu.memory_space<vmem>>) target_semaphore(%run_scoped3A : memref<!tpu.dma_semaphore, #tpu.memory_space<semaphore_mem>>)
        %dma_wait3A = tpu.memref_slice %arg5[%multiple_of3A] : memref<500000xi32, #tpu.memory_space<hbm>> -> memref<2000xi32, #tpu.memory_space<hbm>>
        %dma_wait3A_63 = tpu.memref_slice %arg5[%multiple_of3A] : memref<500000xi32, #tpu.memory_space<hbm>> -> memref<2000xi32, #tpu.memory_space<hbm>>
        tpu.wait_dma2 semaphore(%run_scoped3A : memref<!tpu.dma_semaphore, #tpu.memory_space<semaphore_mem>>) src(%dma_wait3A_63 : memref<2000xi32, #tpu.memory_space<hbm>>) dst(%arg10 : memref<2000xi32, #tpu.memory_space<vmem>>)
        tpu.yield
      }) : () -> ()
      %scan3A = arith.constant 0 : i32
      %scan3A_56 = arith.constant 0 : i32
      %scan3A_57 = arith.constant 125 : i32
      %scan3A_58 = arith.addi %scan3A_56, %scan3A_57 : i32
      %scan3A_59 = arith.constant 1 : i32
      %scan3A_60 = scf.for %scan3A_62 = %scan3A_56 to %scan3A_58 step %scan3A_59 iter_args(%scan3A_63 = %scan3A) -> (i32)  : i32 {
        %mul3A_64 = arith.constant 16 : i32
        %mul3A_65 = arith.muli %scan3A_62, %mul3A_64 : i32
        %get3A = arith.index_cast %mul3A_65 : i32 to index
        %get3A_66 = tpu.vector_load %arg7[%get3A] {strides = array<i32>} : memref<2000xf32, #tpu.memory_space<vmem>>, vector<16xf32>,
        %sub3A = arith.constant 0.000000e+00 : f32
        %sub3A_67 = vector.broadcast %sub3A : f32 to vector<16xf32>
        %sub3A_68 = arith.subf %get3A_66, %sub3A_67 : vector<16xf32>
        %div3A = arith.constant 2.000000e-01 : f32
        %div3A_69 = vector.broadcast %div3A : f32 to vector<16xf32>
        %div3A_70 = arith.divf %sub3A_68, %div3A_69 : vector<16xf32>
        %convert_element_type3A_71 = arith.fptosi %div3A_70 : vector<16xf32> to vector<16xi32>
        %get3A_72 = arith.index_cast %mul3A_65 : i32 to index
        %get3A_73 = tpu.vector_load %arg8[%get3A_72] {strides = array<i32>} : memref<2000xf32, #tpu.memory_space<vmem>>, vector<16xf32>,
        %sub3A_74 = arith.constant -4.000000e+01 : f32
        %sub3A_75 = vector.broadcast %sub3A_74 : f32 to vector<16xf32>
        %sub3A_76 = arith.subf %get3A_73, %sub3A_75 : vector<16xf32>
        %div3A_77 = arith.constant 2.000000e-01 : f32
        %div3A_78 = vector.broadcast %div3A_77 : f32 to vector<16xf32>
        %div3A_79 = arith.divf %sub3A_76, %div3A_78 : vector<16xf32>
        %convert_element_type3A_80 = arith.fptosi %div3A_79 : vector<16xf32> to vector<16xi32>
        %get3A_81 = arith.index_cast %mul3A_65 : i32 to index
        %get3A_82 = tpu.vector_load %arg9[%get3A_81] {strides = array<i32>} : memref<2000xf32, #tpu.memory_space<vmem>>, vector<16xf32>,
        %sub3A_83 = arith.constant -3.000000e+00 : f32
        %sub3A_84 = vector.broadcast %sub3A_83 : f32 to vector<16xf32>
        %sub3A_85 = arith.subf %get3A_82, %sub3A_84 : vector<16xf32>
        %div3A_86 = arith.constant 4.000000e-01 : f32
        %div3A_87 = vector.broadcast %div3A_86 : f32 to vector<16xf32>
        %div3A_88 = arith.divf %sub3A_85, %div3A_87 : vector<16xf32>
        %convert_element_type3A_89 = arith.fptosi %div3A_88 : vector<16xf32> to vector<16xi32>
        %ge3A = arith.constant 0 : i32
        %ge3A_90 = vector.broadcast %ge3A : i32 to vector<16xi32>
        %ge3A_91 = arith.cmpi sge, %convert_element_type3A_71, %ge3A_90 : vector<16xi32>
        %lt3A_92 = arith.constant 352 : i32
        %lt3A_93 = vector.broadcast %lt3A_92 : i32 to vector<16xi32>
        %lt3A_94 = arith.cmpi slt, %convert_element_type3A_71, %lt3A_93 : vector<16xi32>
        %and3A = arith.andi %ge3A_91, %lt3A_94 : vector<16xi1>
        %ge3A_95 = arith.constant 0 : i32
        %ge3A_96 = vector.broadcast %ge3A_95 : i32 to vector<16xi32>
        %ge3A_97 = arith.cmpi sge, %convert_element_type3A_80, %ge3A_96 : vector<16xi32>
        %and3A_98 = arith.andi %and3A, %ge3A_97 : vector<16xi1>
        %lt3A_99 = arith.constant 400 : i32
        %lt3A_100 = vector.broadcast %lt3A_99 : i32 to vector<16xi32>
        %lt3A_101 = arith.cmpi slt, %convert_element_type3A_80, %lt3A_100 : vector<16xi32>
        %and3A_102 = arith.andi %and3A_98, %lt3A_101 : vector<16xi1>
        %ge3A_103 = arith.constant 0 : i32
        %ge3A_104 = vector.broadcast %ge3A_103 : i32 to vector<16xi32>
        %ge3A_105 = arith.cmpi sge, %convert_element_type3A_89, %ge3A_104 : vector<16xi32>
        %and3A_106 = arith.andi %and3A_102, %ge3A_105 : vector<16xi1>
        %lt3A_107 = arith.constant 10 : i32
        %lt3A_108 = vector.broadcast %lt3A_107 : i32 to vector<16xi32>
        %lt3A_109 = arith.cmpi slt, %convert_element_type3A_89, %lt3A_108 : vector<16xi32>
        %and3A_110 = arith.andi %and3A_106, %lt3A_109 : vector<16xi1>
        %get3A_111 = arith.index_cast %mul3A_65 : i32 to index
        %get3A_112 = tpu.vector_load %arg10[%get3A_111] {strides = array<i32>} : memref<2000xi32, #tpu.memory_space<vmem>>, vector<16xi32>,
        %mul3A_113 = arith.constant 1408000 : i32
        %mul3A_114 = vector.broadcast %mul3A_113 : i32 to vector<16xi32>
        %mul3A_115 = arith.muli %get3A_112, %mul3A_114 : vector<16xi32>
        %mul3A_116 = arith.constant 400 : i32
        %mul3A_117 = vector.broadcast %mul3A_116 : i32 to vector<16xi32>
        %mul3A_118 = arith.muli %convert_element_type3A_89, %mul3A_117 : vector<16xi32>
        %add3A_119 = arith.addi %mul3A_118, %convert_element_type3A_80 : vector<16xi32>
        %mul3A_120 = arith.constant 352 : i32
        %mul3A_121 = vector.broadcast %mul3A_120 : i32 to vector<16xi32>
        %mul3A_122 = arith.muli %add3A_119, %mul3A_121 : vector<16xi32>
        %add3A_123 = arith.addi %mul3A_115, %mul3A_122 : vector<16xi32>
        %add3A_124 = arith.addi %add3A_123, %convert_element_type3A_71 : vector<16xi32>
        %jit3A = arith.constant 5632000 : i32
        %broadcast_in_dim3A = vector.broadcast %jit3A : i32 to vector<16xi32>
        %select_n3A = arith.select %and3A_110, %add3A_124, %broadcast_in_dim3A : vector<16xi1>, vector<16xi32>
        %swap3A = arith.index_cast %mul3A_65 : i32 to index
        %swap3A_125 = tpu.vector_load %arg11[%swap3A] {strides = array<i32>} : memref<2000xi32, #tpu.memory_space<vmem>>, vector<16xi32>,
        tpu.vector_store %arg11[%swap3A], %select_n3A {strides = array<i32>} : memref<2000xi32, #tpu.memory_space<vmem>>, vector<16xi32>,
        %scan3A_126 = arith.constant 0 : i32
        scf.yield %scan3A_126 : i32
      }
      %scan3A_61 = arith.constant 125 : i32
      "tpu.region"() ({
        %run_scoped3A = tpu.sem_alloc : memref<!tpu.dma_semaphore, #tpu.memory_space<semaphore_mem>>
        %dma_start3A = tpu.memref_slice %arg6[%multiple_of3A] : memref<500000xi32, #tpu.memory_space<hbm>> -> memref<2000xi32, #tpu.memory_space<hbm>>
        %dma_start3A_62 = tpu.memref_slice %arg6[%multiple_of3A] : memref<500000xi32, #tpu.memory_space<hbm>> -> memref<2000xi32, #tpu.memory_space<hbm>>
        tpu.enqueue_dma source(%arg11 : memref<2000xi32, #tpu.memory_space<vmem>>) target(%dma_start3A_62 : memref<2000xi32, #tpu.memory_space<hbm>>) target_semaphore(%run_scoped3A : memref<!tpu.dma_semaphore, #tpu.memory_space<semaphore_mem>>)
        %dma_wait3A = tpu.memref_slice %arg6[%multiple_of3A] : memref<500000xi32, #tpu.memory_space<hbm>> -> memref<2000xi32, #tpu.memory_space<hbm>>
        %dma_wait3A_63 = tpu.memref_slice %arg6[%multiple_of3A] : memref<500000xi32, #tpu.memory_space<hbm>> -> memref<2000xi32, #tpu.memory_space<hbm>>
        tpu.wait_dma2 semaphore(%run_scoped3A : memref<!tpu.dma_semaphore, #tpu.memory_space<semaphore_mem>>) src(%arg11 : memref<2000xi32, #tpu.memory_space<vmem>>) dst(%dma_wait3A_63 : memref<2000xi32, #tpu.memory_space<hbm>>)
        tpu.yield
      }) : () -> ()
    } else {
    }
    %add3A_47 = arith.constant 224 : i32
    %add3A_48 = arith.addi %add3A_47, %add3A : i32
    %lt3A_49 = arith.constant 250 : i32
    %lt3A_50 = arith.cmpi slt, %add3A_48, %lt3A_49 : i32
    %convert_element_type3A_51 = arith.extui %lt3A_50 : i1 to i32
    %cond3A_52 = arith.constant 0 : i32
    %cond3A_53 = arith.cmpi ne, %convert_element_type3A_51, %cond3A_52 : i32
    scf.if %cond3A_53 {
      %mul3A_54 = arith.constant 2000 : i32
      %mul3A_55 = arith.muli %add3A_48, %mul3A_54 : i32
      %multiple_of3A = tpu.assume_multiple %mul3A_55, 8 : i32
      "tpu.region"() ({
        %run_scoped3A = tpu.sem_alloc : memref<!tpu.dma_semaphore, #tpu.memory_space<semaphore_mem>>
        %dma_start3A = tpu.memref_slice %arg2[%multiple_of3A] : memref<500000xf32, #tpu.memory_space<hbm>> -> memref<2000xf32, #tpu.memory_space<hbm>>
        %dma_start3A_62 = tpu.memref_slice %arg2[%multiple_of3A] : memref<500000xf32, #tpu.memory_space<hbm>> -> memref<2000xf32, #tpu.memory_space<hbm>>
        tpu.enqueue_dma source(%dma_start3A_62 : memref<2000xf32, #tpu.memory_space<hbm>>) target(%arg7 : memref<2000xf32, #tpu.memory_space<vmem>>) target_semaphore(%run_scoped3A : memref<!tpu.dma_semaphore, #tpu.memory_space<semaphore_mem>>)
        %dma_wait3A = tpu.memref_slice %arg2[%multiple_of3A] : memref<500000xf32, #tpu.memory_space<hbm>> -> memref<2000xf32, #tpu.memory_space<hbm>>
        %dma_wait3A_63 = tpu.memref_slice %arg2[%multiple_of3A] : memref<500000xf32, #tpu.memory_space<hbm>> -> memref<2000xf32, #tpu.memory_space<hbm>>
        tpu.wait_dma2 semaphore(%run_scoped3A : memref<!tpu.dma_semaphore, #tpu.memory_space<semaphore_mem>>) src(%dma_wait3A_63 : memref<2000xf32, #tpu.memory_space<hbm>>) dst(%arg7 : memref<2000xf32, #tpu.memory_space<vmem>>)
        tpu.yield
      }) : () -> ()
      "tpu.region"() ({
        %run_scoped3A = tpu.sem_alloc : memref<!tpu.dma_semaphore, #tpu.memory_space<semaphore_mem>>
        %dma_start3A = tpu.memref_slice %arg3[%multiple_of3A] : memref<500000xf32, #tpu.memory_space<hbm>> -> memref<2000xf32, #tpu.memory_space<hbm>>
        %dma_start3A_62 = tpu.memref_slice %arg3[%multiple_of3A] : memref<500000xf32, #tpu.memory_space<hbm>> -> memref<2000xf32, #tpu.memory_space<hbm>>
        tpu.enqueue_dma source(%dma_start3A_62 : memref<2000xf32, #tpu.memory_space<hbm>>) target(%arg8 : memref<2000xf32, #tpu.memory_space<vmem>>) target_semaphore(%run_scoped3A : memref<!tpu.dma_semaphore, #tpu.memory_space<semaphore_mem>>)
        %dma_wait3A = tpu.memref_slice %arg3[%multiple_of3A] : memref<500000xf32, #tpu.memory_space<hbm>> -> memref<2000xf32, #tpu.memory_space<hbm>>
        %dma_wait3A_63 = tpu.memref_slice %arg3[%multiple_of3A] : memref<500000xf32, #tpu.memory_space<hbm>> -> memref<2000xf32, #tpu.memory_space<hbm>>
        tpu.wait_dma2 semaphore(%run_scoped3A : memref<!tpu.dma_semaphore, #tpu.memory_space<semaphore_mem>>) src(%dma_wait3A_63 : memref<2000xf32, #tpu.memory_space<hbm>>) dst(%arg8 : memref<2000xf32, #tpu.memory_space<vmem>>)
        tpu.yield
      }) : () -> ()
      "tpu.region"() ({
        %run_scoped3A = tpu.sem_alloc : memref<!tpu.dma_semaphore, #tpu.memory_space<semaphore_mem>>
        %dma_start3A = tpu.memref_slice %arg4[%multiple_of3A] : memref<500000xf32, #tpu.memory_space<hbm>> -> memref<2000xf32, #tpu.memory_space<hbm>>
        %dma_start3A_62 = tpu.memref_slice %arg4[%multiple_of3A] : memref<500000xf32, #tpu.memory_space<hbm>> -> memref<2000xf32, #tpu.memory_space<hbm>>
        tpu.enqueue_dma source(%dma_start3A_62 : memref<2000xf32, #tpu.memory_space<hbm>>) target(%arg9 : memref<2000xf32, #tpu.memory_space<vmem>>) target_semaphore(%run_scoped3A : memref<!tpu.dma_semaphore, #tpu.memory_space<semaphore_mem>>)
        %dma_wait3A = tpu.memref_slice %arg4[%multiple_of3A] : memref<500000xf32, #tpu.memory_space<hbm>> -> memref<2000xf32, #tpu.memory_space<hbm>>
        %dma_wait3A_63 = tpu.memref_slice %arg4[%multiple_of3A] : memref<500000xf32, #tpu.memory_space<hbm>> -> memref<2000xf32, #tpu.memory_space<hbm>>
        tpu.wait_dma2 semaphore(%run_scoped3A : memref<!tpu.dma_semaphore, #tpu.memory_space<semaphore_mem>>) src(%dma_wait3A_63 : memref<2000xf32, #tpu.memory_space<hbm>>) dst(%arg9 : memref<2000xf32, #tpu.memory_space<vmem>>)
        tpu.yield
      }) : () -> ()
      "tpu.region"() ({
        %run_scoped3A = tpu.sem_alloc : memref<!tpu.dma_semaphore, #tpu.memory_space<semaphore_mem>>
        %dma_start3A = tpu.memref_slice %arg5[%multiple_of3A] : memref<500000xi32, #tpu.memory_space<hbm>> -> memref<2000xi32, #tpu.memory_space<hbm>>
        %dma_start3A_62 = tpu.memref_slice %arg5[%multiple_of3A] : memref<500000xi32, #tpu.memory_space<hbm>> -> memref<2000xi32, #tpu.memory_space<hbm>>
        tpu.enqueue_dma source(%dma_start3A_62 : memref<2000xi32, #tpu.memory_space<hbm>>) target(%arg10 : memref<2000xi32, #tpu.memory_space<vmem>>) target_semaphore(%run_scoped3A : memref<!tpu.dma_semaphore, #tpu.memory_space<semaphore_mem>>)
        %dma_wait3A = tpu.memref_slice %arg5[%multiple_of3A] : memref<500000xi32, #tpu.memory_space<hbm>> -> memref<2000xi32, #tpu.memory_space<hbm>>
        %dma_wait3A_63 = tpu.memref_slice %arg5[%multiple_of3A] : memref<500000xi32, #tpu.memory_space<hbm>> -> memref<2000xi32, #tpu.memory_space<hbm>>
        tpu.wait_dma2 semaphore(%run_scoped3A : memref<!tpu.dma_semaphore, #tpu.memory_space<semaphore_mem>>) src(%dma_wait3A_63 : memref<2000xi32, #tpu.memory_space<hbm>>) dst(%arg10 : memref<2000xi32, #tpu.memory_space<vmem>>)
        tpu.yield
      }) : () -> ()
      %scan3A = arith.constant 0 : i32
      %scan3A_56 = arith.constant 0 : i32
      %scan3A_57 = arith.constant 125 : i32
      %scan3A_58 = arith.addi %scan3A_56, %scan3A_57 : i32
      %scan3A_59 = arith.constant 1 : i32
      %scan3A_60 = scf.for %scan3A_62 = %scan3A_56 to %scan3A_58 step %scan3A_59 iter_args(%scan3A_63 = %scan3A) -> (i32)  : i32 {
        %mul3A_64 = arith.constant 16 : i32
        %mul3A_65 = arith.muli %scan3A_62, %mul3A_64 : i32
        %get3A = arith.index_cast %mul3A_65 : i32 to index
        %get3A_66 = tpu.vector_load %arg7[%get3A] {strides = array<i32>} : memref<2000xf32, #tpu.memory_space<vmem>>, vector<16xf32>,
        %sub3A = arith.constant 0.000000e+00 : f32
        %sub3A_67 = vector.broadcast %sub3A : f32 to vector<16xf32>
        %sub3A_68 = arith.subf %get3A_66, %sub3A_67 : vector<16xf32>
        %div3A = arith.constant 2.000000e-01 : f32
        %div3A_69 = vector.broadcast %div3A : f32 to vector<16xf32>
        %div3A_70 = arith.divf %sub3A_68, %div3A_69 : vector<16xf32>
        %convert_element_type3A_71 = arith.fptosi %div3A_70 : vector<16xf32> to vector<16xi32>
        %get3A_72 = arith.index_cast %mul3A_65 : i32 to index
        %get3A_73 = tpu.vector_load %arg8[%get3A_72] {strides = array<i32>} : memref<2000xf32, #tpu.memory_space<vmem>>, vector<16xf32>,
        %sub3A_74 = arith.constant -4.000000e+01 : f32
        %sub3A_75 = vector.broadcast %sub3A_74 : f32 to vector<16xf32>
        %sub3A_76 = arith.subf %get3A_73, %sub3A_75 : vector<16xf32>
        %div3A_77 = arith.constant 2.000000e-01 : f32
        %div3A_78 = vector.broadcast %div3A_77 : f32 to vector<16xf32>
        %div3A_79 = arith.divf %sub3A_76, %div3A_78 : vector<16xf32>
        %convert_element_type3A_80 = arith.fptosi %div3A_79 : vector<16xf32> to vector<16xi32>
        %get3A_81 = arith.index_cast %mul3A_65 : i32 to index
        %get3A_82 = tpu.vector_load %arg9[%get3A_81] {strides = array<i32>} : memref<2000xf32, #tpu.memory_space<vmem>>, vector<16xf32>,
        %sub3A_83 = arith.constant -3.000000e+00 : f32
        %sub3A_84 = vector.broadcast %sub3A_83 : f32 to vector<16xf32>
        %sub3A_85 = arith.subf %get3A_82, %sub3A_84 : vector<16xf32>
        %div3A_86 = arith.constant 4.000000e-01 : f32
        %div3A_87 = vector.broadcast %div3A_86 : f32 to vector<16xf32>
        %div3A_88 = arith.divf %sub3A_85, %div3A_87 : vector<16xf32>
        %convert_element_type3A_89 = arith.fptosi %div3A_88 : vector<16xf32> to vector<16xi32>
        %ge3A = arith.constant 0 : i32
        %ge3A_90 = vector.broadcast %ge3A : i32 to vector<16xi32>
        %ge3A_91 = arith.cmpi sge, %convert_element_type3A_71, %ge3A_90 : vector<16xi32>
        %lt3A_92 = arith.constant 352 : i32
        %lt3A_93 = vector.broadcast %lt3A_92 : i32 to vector<16xi32>
        %lt3A_94 = arith.cmpi slt, %convert_element_type3A_71, %lt3A_93 : vector<16xi32>
        %and3A = arith.andi %ge3A_91, %lt3A_94 : vector<16xi1>
        %ge3A_95 = arith.constant 0 : i32
        %ge3A_96 = vector.broadcast %ge3A_95 : i32 to vector<16xi32>
        %ge3A_97 = arith.cmpi sge, %convert_element_type3A_80, %ge3A_96 : vector<16xi32>
        %and3A_98 = arith.andi %and3A, %ge3A_97 : vector<16xi1>
        %lt3A_99 = arith.constant 400 : i32
        %lt3A_100 = vector.broadcast %lt3A_99 : i32 to vector<16xi32>
        %lt3A_101 = arith.cmpi slt, %convert_element_type3A_80, %lt3A_100 : vector<16xi32>
        %and3A_102 = arith.andi %and3A_98, %lt3A_101 : vector<16xi1>
        %ge3A_103 = arith.constant 0 : i32
        %ge3A_104 = vector.broadcast %ge3A_103 : i32 to vector<16xi32>
        %ge3A_105 = arith.cmpi sge, %convert_element_type3A_89, %ge3A_104 : vector<16xi32>
        %and3A_106 = arith.andi %and3A_102, %ge3A_105 : vector<16xi1>
        %lt3A_107 = arith.constant 10 : i32
        %lt3A_108 = vector.broadcast %lt3A_107 : i32 to vector<16xi32>
        %lt3A_109 = arith.cmpi slt, %convert_element_type3A_89, %lt3A_108 : vector<16xi32>
        %and3A_110 = arith.andi %and3A_106, %lt3A_109 : vector<16xi1>
        %get3A_111 = arith.index_cast %mul3A_65 : i32 to index
        %get3A_112 = tpu.vector_load %arg10[%get3A_111] {strides = array<i32>} : memref<2000xi32, #tpu.memory_space<vmem>>, vector<16xi32>,
        %mul3A_113 = arith.constant 1408000 : i32
        %mul3A_114 = vector.broadcast %mul3A_113 : i32 to vector<16xi32>
        %mul3A_115 = arith.muli %get3A_112, %mul3A_114 : vector<16xi32>
        %mul3A_116 = arith.constant 400 : i32
        %mul3A_117 = vector.broadcast %mul3A_116 : i32 to vector<16xi32>
        %mul3A_118 = arith.muli %convert_element_type3A_89, %mul3A_117 : vector<16xi32>
        %add3A_119 = arith.addi %mul3A_118, %convert_element_type3A_80 : vector<16xi32>
        %mul3A_120 = arith.constant 352 : i32
        %mul3A_121 = vector.broadcast %mul3A_120 : i32 to vector<16xi32>
        %mul3A_122 = arith.muli %add3A_119, %mul3A_121 : vector<16xi32>
        %add3A_123 = arith.addi %mul3A_115, %mul3A_122 : vector<16xi32>
        %add3A_124 = arith.addi %add3A_123, %convert_element_type3A_71 : vector<16xi32>
        %jit3A = arith.constant 5632000 : i32
        %broadcast_in_dim3A = vector.broadcast %jit3A : i32 to vector<16xi32>
        %select_n3A = arith.select %and3A_110, %add3A_124, %broadcast_in_dim3A : vector<16xi1>, vector<16xi32>
        %swap3A = arith.index_cast %mul3A_65 : i32 to index
        %swap3A_125 = tpu.vector_load %arg11[%swap3A] {strides = array<i32>} : memref<2000xi32, #tpu.memory_space<vmem>>, vector<16xi32>,
        tpu.vector_store %arg11[%swap3A], %select_n3A {strides = array<i32>} : memref<2000xi32, #tpu.memory_space<vmem>>, vector<16xi32>,
        %scan3A_126 = arith.constant 0 : i32
        scf.yield %scan3A_126 : i32
      }
      %scan3A_61 = arith.constant 125 : i32
      "tpu.region"() ({
        %run_scoped3A = tpu.sem_alloc : memref<!tpu.dma_semaphore, #tpu.memory_space<semaphore_mem>>
        %dma_start3A = tpu.memref_slice %arg6[%multiple_of3A] : memref<500000xi32, #tpu.memory_space<hbm>> -> memref<2000xi32, #tpu.memory_space<hbm>>
        %dma_start3A_62 = tpu.memref_slice %arg6[%multiple_of3A] : memref<500000xi32, #tpu.memory_space<hbm>> -> memref<2000xi32, #tpu.memory_space<hbm>>
        tpu.enqueue_dma source(%arg11 : memref<2000xi32, #tpu.memory_space<vmem>>) target(%dma_start3A_62 : memref<2000xi32, #tpu.memory_space<hbm>>) target_semaphore(%run_scoped3A : memref<!tpu.dma_semaphore, #tpu.memory_space<semaphore_mem>>)
        %dma_wait3A = tpu.memref_slice %arg6[%multiple_of3A] : memref<500000xi32, #tpu.memory_space<hbm>> -> memref<2000xi32, #tpu.memory_space<hbm>>
        %dma_wait3A_63 = tpu.memref_slice %arg6[%multiple_of3A] : memref<500000xi32, #tpu.memory_space<hbm>> -> memref<2000xi32, #tpu.memory_space<hbm>>
        tpu.wait_dma2 semaphore(%run_scoped3A : memref<!tpu.dma_semaphore, #tpu.memory_space<semaphore_mem>>) src(%arg11 : memref<2000xi32, #tpu.memory_space<vmem>>) dst(%dma_wait3A_63 : memref<2000xi32, #tpu.memory_space<hbm>>)
        tpu.yield
      }) : () -> ()
    } else {
    }
    return
  }
}

#map = affine_map<(d0, d1) -> (0)>
#map1 = affine_map<(d0, d1) -> (0, 0)>
module attributes {stable_mosaic.version = 14 : i64} {
  func.func @_k2a_body(%arg0: i32, %arg1: i32, %arg2: memref<500000xi32, #tpu.memory_space<hbm>>, %arg3: memref<5632000xi32, #tpu.memory_space<hbm>>, %arg4: memref<64x16xi32, #tpu.memory_space<hbm>>, %arg5: memref<88000xi32, #tpu.memory_space<vmem>>, %arg6: memref<2000xi32, #tpu.memory_space<vmem>>, %arg7: memref<16xi32, #tpu.memory_space<vmem>>) attributes {dimension_semantics = [#tpu.dimension_semantics<core_parallel>, #tpu.dimension_semantics<subcore_parallel>], iteration_bounds = array<i64: 2, 16>, scalar_prefetch = 0 : i64, scratch_operands = 3 : i64, tpu.core_type = #tpu.core_type<sc_vector_subcore>, window_params = [{transform_indices = #map}, {transform_indices = #map}, {transform_indices = #map1}]} {
    %mul3A = arith.constant 2 : i32
    %mul3A_0 = arith.muli %arg1, %mul3A : i32
    %add3A = arith.addi %mul3A_0, %arg0 : i32
    %broadcast_in_dim3A = arith.constant 1 : i32
    %broadcast_in_dim3A_1 = vector.broadcast %broadcast_in_dim3A : i32 to vector<16xi32>
    %add3A_2 = arith.constant 0 : i32
    %add3A_3 = arith.addi %add3A_2, %add3A : i32
    %mul3A_4 = arith.constant 88000 : i32
    %mul3A_5 = arith.muli %add3A_3, %mul3A_4 : i32
    %scan3A = arith.constant 0 : i32
    %scan3A_6 = arith.constant 0 : i32
    %scan3A_7 = arith.constant 5500 : i32
    %scan3A_8 = arith.addi %scan3A_6, %scan3A_7 : i32
    %scan3A_9 = arith.constant 1 : i32
    %scan3A_10 = scf.for %scan3A_57 = %scan3A_6 to %scan3A_8 step %scan3A_9 iter_args(%scan3A_58 = %scan3A) -> (i32)  : i32 {
      %broadcast_in_dim3A_59 = arith.constant 0 : i32
      %broadcast_in_dim3A_60 = vector.broadcast %broadcast_in_dim3A_59 : i32 to vector<16xi32>
      %mul3A_61 = arith.constant 16 : i32
      %mul3A_62 = arith.muli %scan3A_57, %mul3A_61 : i32
      %swap3A_63 = arith.index_cast %mul3A_62 : i32 to index
      %swap3A_64 = tpu.vector_load %arg5[%swap3A_63] {strides = array<i32>} : memref<88000xi32, #tpu.memory_space<vmem>>, vector<16xi32>,
      tpu.vector_store %arg5[%swap3A_63], %broadcast_in_dim3A_60 {strides = array<i32>} : memref<88000xi32, #tpu.memory_space<vmem>>, vector<16xi32>,
      %scan3A_65 = arith.constant 0 : i32
      scf.yield %scan3A_65 : i32
    }
    %scan3A_11 = arith.constant 5500 : i32
    %scan3A_12 = arith.constant 0 : i32
    %scan3A_13 = arith.constant 0 : i32
    %scan3A_14 = arith.constant 250 : i32
    %scan3A_15 = arith.addi %scan3A_13, %scan3A_14 : i32
    %scan3A_16 = arith.constant 1 : i32
    %scan3A_17 = scf.for %scan3A_57 = %scan3A_13 to %scan3A_15 step %scan3A_16 iter_args(%scan3A_58 = %scan3A_12) -> (i32)  : i32 {
      %mul3A_59 = arith.constant 2000 : i32
      %mul3A_60 = arith.muli %scan3A_57, %mul3A_59 : i32
      %multiple_of3A_61 = tpu.assume_multiple %mul3A_60, 8 : i32
      "tpu.region"() ({
        %run_scoped3A = tpu.sem_alloc : memref<!tpu.dma_semaphore, #tpu.memory_space<semaphore_mem>>
        %dma_start3A = tpu.memref_slice %arg2[%multiple_of3A_61] : memref<500000xi32, #tpu.memory_space<hbm>> -> memref<2000xi32, #tpu.memory_space<hbm>>
        %dma_start3A_70 = tpu.memref_slice %arg2[%multiple_of3A_61] : memref<500000xi32, #tpu.memory_space<hbm>> -> memref<2000xi32, #tpu.memory_space<hbm>>
        tpu.enqueue_dma source(%dma_start3A_70 : memref<2000xi32, #tpu.memory_space<hbm>>) target(%arg6 : memref<2000xi32, #tpu.memory_space<vmem>>) target_semaphore(%run_scoped3A : memref<!tpu.dma_semaphore, #tpu.memory_space<semaphore_mem>>)
        %dma_wait3A = tpu.memref_slice %arg2[%multiple_of3A_61] : memref<500000xi32, #tpu.memory_space<hbm>> -> memref<2000xi32, #tpu.memory_space<hbm>>
        %dma_wait3A_71 = tpu.memref_slice %arg2[%multiple_of3A_61] : memref<500000xi32, #tpu.memory_space<hbm>> -> memref<2000xi32, #tpu.memory_space<hbm>>
        tpu.wait_dma2 semaphore(%run_scoped3A : memref<!tpu.dma_semaphore, #tpu.memory_space<semaphore_mem>>) src(%dma_wait3A_71 : memref<2000xi32, #tpu.memory_space<hbm>>) dst(%arg6 : memref<2000xi32, #tpu.memory_space<vmem>>)
        tpu.yield
      }) : () -> ()
      %scan3A_62 = arith.constant 0 : i32
      %scan3A_63 = arith.constant 0 : i32
      %scan3A_64 = arith.constant 125 : i32
      %scan3A_65 = arith.addi %scan3A_63, %scan3A_64 : i32
      %scan3A_66 = arith.constant 1 : i32
      %scan3A_67 = scf.for %scan3A_70 = %scan3A_63 to %scan3A_65 step %scan3A_66 iter_args(%scan3A_71 = %scan3A_62) -> (i32)  : i32 {
        %mul3A_72 = arith.constant 16 : i32
        %mul3A_73 = arith.muli %scan3A_70, %mul3A_72 : i32
        %get3A = arith.index_cast %mul3A_73 : i32 to index
        %get3A_74 = tpu.vector_load %arg6[%get3A] {strides = array<i32>} : memref<2000xi32, #tpu.memory_space<vmem>>, vector<16xi32>,
        %sub3A = vector.broadcast %mul3A_5 : i32 to vector<16xi32>
        %sub3A_75 = arith.subi %get3A_74, %sub3A : vector<16xi32>
        %ge3A = arith.constant 0 : i32
        %ge3A_76 = vector.broadcast %ge3A : i32 to vector<16xi32>
        %ge3A_77 = arith.cmpi sge, %sub3A_75, %ge3A_76 : vector<16xi32>
        %lt3A = arith.constant 88000 : i32
        %lt3A_78 = vector.broadcast %lt3A : i32 to vector<16xi32>
        %lt3A_79 = arith.cmpi slt, %sub3A_75, %lt3A_78 : vector<16xi32>
        %and3A = arith.andi %ge3A_77, %lt3A_79 : vector<16xi1>
        %jit3A = arith.constant 0 : i32
        %broadcast_in_dim3A_80 = vector.broadcast %jit3A : i32 to vector<16xi32>
        %select_n3A = arith.select %and3A, %sub3A_75, %broadcast_in_dim3A_80 : vector<16xi1>, vector<16xi32>
        tpu.vector_store_idx %arg5[%select_n3A], %broadcast_in_dim3A_1 masked %and3A {add = true} : memref<88000xi32, #tpu.memory_space<vmem>>[vector<16xi32>], vector<16xi32>, vector<16xi1>
        %scan3A_81 = arith.constant 0 : i32
        scf.yield %scan3A_81 : i32
      }
      %scan3A_68 = arith.constant 125 : i32
      %scan3A_69 = arith.constant 0 : i32
      scf.yield %scan3A_69 : i32
    }
    %scan3A_18 = arith.constant 250 : i32
    %broadcast_in_dim3A_19 = arith.constant 0 : i32
    %broadcast_in_dim3A_20 = vector.broadcast %broadcast_in_dim3A_19 : i32 to vector<16xi32>
    %scan3A_21 = arith.constant 0 : i32
    %scan3A_22 = arith.constant 5500 : i32
    %scan3A_23 = arith.addi %scan3A_21, %scan3A_22 : i32
    %scan3A_24 = arith.constant 1 : i32
    %scan3A_25 = scf.for %scan3A_57 = %scan3A_21 to %scan3A_23 step %scan3A_24 iter_args(%scan3A_58 = %broadcast_in_dim3A_20) -> (vector<16xi32>)  : i32 {
      %mul3A_59 = arith.constant 16 : i32
      %mul3A_60 = arith.muli %scan3A_57, %mul3A_59 : i32
      %get3A = arith.index_cast %mul3A_60 : i32 to index
      %get3A_61 = tpu.vector_load %arg5[%get3A] {strides = array<i32>} : memref<88000xi32, #tpu.memory_space<vmem>>, vector<16xi32>,
      %gt3A = arith.constant 0 : i32
      %gt3A_62 = vector.broadcast %gt3A : i32 to vector<16xi32>
      %gt3A_63 = arith.cmpi sgt, %get3A_61, %gt3A_62 : vector<16xi32>
      %jit3A = arith.constant 1 : i32
      %jit3A_64 = arith.constant 0 : i32
      %broadcast_in_dim3A_65 = vector.broadcast %jit3A : i32 to vector<16xi32>
      %broadcast_in_dim3A_66 = vector.broadcast %jit3A_64 : i32 to vector<16xi32>
      %select_n3A = arith.select %gt3A_63, %broadcast_in_dim3A_65, %broadcast_in_dim3A_66 : vector<16xi1>, vector<16xi32>
      %add3A_67 = arith.addi %scan3A_58, %select_n3A : vector<16xi32>
      scf.yield %add3A_67 : vector<16xi32>
    }
    %scan3A_26 = arith.constant 5500 : i32
    %swap3A = arith.constant 0 : index
    %swap3A_27 = tpu.vector_load %arg7[%swap3A] {strides = array<i32>} : memref<16xi32, #tpu.memory_space<vmem>>, vector<16xi32>,
    tpu.vector_store %arg7[%swap3A], %scan3A_25 {strides = array<i32>} : memref<16xi32, #tpu.memory_space<vmem>>, vector<16xi32>,
    "tpu.region"() ({
      %run_scoped3A = tpu.sem_alloc : memref<!tpu.dma_semaphore, #tpu.memory_space<semaphore_mem>>
      %dma_start3A = arith.constant 0 : i32
      %dma_start3A_57 = tpu.memref_slice %arg4[%add3A_3, %dma_start3A] : memref<64x16xi32, #tpu.memory_space<hbm>> -> memref<1x16xi32, #tpu.memory_space<hbm>>
      %dma_start3A_58 = tpu.memref_squeeze %dma_start3A_57 : memref<1x16xi32, #tpu.memory_space<hbm>> -> memref<16xi32, #tpu.memory_space<hbm>>
      %dma_start3A_59 = arith.constant 0 : i32
      %dma_start3A_60 = tpu.memref_slice %arg4[%add3A_3, %dma_start3A_59] : memref<64x16xi32, #tpu.memory_space<hbm>> -> memref<1x16xi32, #tpu.memory_space<hbm>>
      %dma_start3A_61 = tpu.memref_squeeze %dma_start3A_60 : memref<1x16xi32, #tpu.memory_space<hbm>> -> memref<16xi32, #tpu.memory_space<hbm>>
      tpu.enqueue_dma source(%arg7 : memref<16xi32, #tpu.memory_space<vmem>>) target(%dma_start3A_61 : memref<16xi32, #tpu.memory_space<hbm>>) target_semaphore(%run_scoped3A : memref<!tpu.dma_semaphore, #tpu.memory_space<semaphore_mem>>)
      %dma_wait3A = arith.constant 0 : i32
      %dma_wait3A_62 = tpu.memref_slice %arg4[%add3A_3, %dma_wait3A] : memref<64x16xi32, #tpu.memory_space<hbm>> -> memref<1x16xi32, #tpu.memory_space<hbm>>
      %dma_wait3A_63 = tpu.memref_squeeze %dma_wait3A_62 : memref<1x16xi32, #tpu.memory_space<hbm>> -> memref<16xi32, #tpu.memory_space<hbm>>
      %dma_wait3A_64 = arith.constant 0 : i32
      %dma_wait3A_65 = tpu.memref_slice %arg4[%add3A_3, %dma_wait3A_64] : memref<64x16xi32, #tpu.memory_space<hbm>> -> memref<1x16xi32, #tpu.memory_space<hbm>>
      %dma_wait3A_66 = tpu.memref_squeeze %dma_wait3A_65 : memref<1x16xi32, #tpu.memory_space<hbm>> -> memref<16xi32, #tpu.memory_space<hbm>>
      tpu.wait_dma2 semaphore(%run_scoped3A : memref<!tpu.dma_semaphore, #tpu.memory_space<semaphore_mem>>) src(%arg7 : memref<16xi32, #tpu.memory_space<vmem>>) dst(%dma_wait3A_66 : memref<16xi32, #tpu.memory_space<hbm>>)
      tpu.yield
    }) : () -> ()
    %multiple_of3A = tpu.assume_multiple %mul3A_5, 8 : i32
    "tpu.region"() ({
      %run_scoped3A = tpu.sem_alloc : memref<!tpu.dma_semaphore, #tpu.memory_space<semaphore_mem>>
      %dma_start3A = tpu.memref_slice %arg3[%multiple_of3A] : memref<5632000xi32, #tpu.memory_space<hbm>> -> memref<88000xi32, #tpu.memory_space<hbm>>
      %dma_start3A_57 = tpu.memref_slice %arg3[%multiple_of3A] : memref<5632000xi32, #tpu.memory_space<hbm>> -> memref<88000xi32, #tpu.memory_space<hbm>>
      tpu.enqueue_dma source(%arg5 : memref<88000xi32, #tpu.memory_space<vmem>>) target(%dma_start3A_57 : memref<88000xi32, #tpu.memory_space<hbm>>) target_semaphore(%run_scoped3A : memref<!tpu.dma_semaphore, #tpu.memory_space<semaphore_mem>>)
      %dma_wait3A = tpu.memref_slice %arg3[%multiple_of3A] : memref<5632000xi32, #tpu.memory_space<hbm>> -> memref<88000xi32, #tpu.memory_space<hbm>>
      %dma_wait3A_58 = tpu.memref_slice %arg3[%multiple_of3A] : memref<5632000xi32, #tpu.memory_space<hbm>> -> memref<88000xi32, #tpu.memory_space<hbm>>
      tpu.wait_dma2 semaphore(%run_scoped3A : memref<!tpu.dma_semaphore, #tpu.memory_space<semaphore_mem>>) src(%arg5 : memref<88000xi32, #tpu.memory_space<vmem>>) dst(%dma_wait3A_58 : memref<88000xi32, #tpu.memory_space<hbm>>)
      tpu.yield
    }) : () -> ()
    %add3A_28 = arith.constant 32 : i32
    %add3A_29 = arith.addi %add3A_28, %add3A : i32
    %mul3A_30 = arith.constant 88000 : i32
    %mul3A_31 = arith.muli %add3A_29, %mul3A_30 : i32
    %scan3A_32 = arith.constant 0 : i32
    %scan3A_33 = arith.constant 0 : i32
    %scan3A_34 = arith.constant 5500 : i32
    %scan3A_35 = arith.addi %scan3A_33, %scan3A_34 : i32
    %scan3A_36 = arith.constant 1 : i32
    %scan3A_37 = scf.for %scan3A_57 = %scan3A_33 to %scan3A_35 step %scan3A_36 iter_args(%scan3A_58 = %scan3A_32) -> (i32)  : i32 {
      %broadcast_in_dim3A_59 = arith.constant 0 : i32
      %broadcast_in_dim3A_60 = vector.broadcast %broadcast_in_dim3A_59 : i32 to vector<16xi32>
      %mul3A_61 = arith.constant 16 : i32
      %mul3A_62 = arith.muli %scan3A_57, %mul3A_61 : i32
      %swap3A_63 = arith.index_cast %mul3A_62 : i32 to index
      %swap3A_64 = tpu.vector_load %arg5[%swap3A_63] {strides = array<i32>} : memref<88000xi32, #tpu.memory_space<vmem>>, vector<16xi32>,
      tpu.vector_store %arg5[%swap3A_63], %broadcast_in_dim3A_60 {strides = array<i32>} : memref<88000xi32, #tpu.memory_space<vmem>>, vector<16xi32>,
      %scan3A_65 = arith.constant 0 : i32
      scf.yield %scan3A_65 : i32
    }
    %scan3A_38 = arith.constant 5500 : i32
    %scan3A_39 = arith.constant 0 : i32
    %scan3A_40 = arith.constant 0 : i32
    %scan3A_41 = arith.constant 250 : i32
    %scan3A_42 = arith.addi %scan3A_40, %scan3A_41 : i32
    %scan3A_43 = arith.constant 1 : i32
    %scan3A_44 = scf.for %scan3A_57 = %scan3A_40 to %scan3A_42 step %scan3A_43 iter_args(%scan3A_58 = %scan3A_39) -> (i32)  : i32 {
      %mul3A_59 = arith.constant 2000 : i32
      %mul3A_60 = arith.muli %scan3A_57, %mul3A_59 : i32
      %multiple_of3A_61 = tpu.assume_multiple %mul3A_60, 8 : i32
      "tpu.region"() ({
        %run_scoped3A = tpu.sem_alloc : memref<!tpu.dma_semaphore, #tpu.memory_space<semaphore_mem>>
        %dma_start3A = tpu.memref_slice %arg2[%multiple_of3A_61] : memref<500000xi32, #tpu.memory_space<hbm>> -> memref<2000xi32, #tpu.memory_space<hbm>>
        %dma_start3A_70 = tpu.memref_slice %arg2[%multiple_of3A_61] : memref<500000xi32, #tpu.memory_space<hbm>> -> memref<2000xi32, #tpu.memory_space<hbm>>
        tpu.enqueue_dma source(%dma_start3A_70 : memref<2000xi32, #tpu.memory_space<hbm>>) target(%arg6 : memref<2000xi32, #tpu.memory_space<vmem>>) target_semaphore(%run_scoped3A : memref<!tpu.dma_semaphore, #tpu.memory_space<semaphore_mem>>)
        %dma_wait3A = tpu.memref_slice %arg2[%multiple_of3A_61] : memref<500000xi32, #tpu.memory_space<hbm>> -> memref<2000xi32, #tpu.memory_space<hbm>>
        %dma_wait3A_71 = tpu.memref_slice %arg2[%multiple_of3A_61] : memref<500000xi32, #tpu.memory_space<hbm>> -> memref<2000xi32, #tpu.memory_space<hbm>>
        tpu.wait_dma2 semaphore(%run_scoped3A : memref<!tpu.dma_semaphore, #tpu.memory_space<semaphore_mem>>) src(%dma_wait3A_71 : memref<2000xi32, #tpu.memory_space<hbm>>) dst(%arg6 : memref<2000xi32, #tpu.memory_space<vmem>>)
        tpu.yield
      }) : () -> ()
      %scan3A_62 = arith.constant 0 : i32
      %scan3A_63 = arith.constant 0 : i32
      %scan3A_64 = arith.constant 125 : i32
      %scan3A_65 = arith.addi %scan3A_63, %scan3A_64 : i32
      %scan3A_66 = arith.constant 1 : i32
      %scan3A_67 = scf.for %scan3A_70 = %scan3A_63 to %scan3A_65 step %scan3A_66 iter_args(%scan3A_71 = %scan3A_62) -> (i32)  : i32 {
        %mul3A_72 = arith.constant 16 : i32
        %mul3A_73 = arith.muli %scan3A_70, %mul3A_72 : i32
        %get3A = arith.index_cast %mul3A_73 : i32 to index
        %get3A_74 = tpu.vector_load %arg6[%get3A] {strides = array<i32>} : memref<2000xi32, #tpu.memory_space<vmem>>, vector<16xi32>,
        %sub3A = vector.broadcast %mul3A_31 : i32 to vector<16xi32>
        %sub3A_75 = arith.subi %get3A_74, %sub3A : vector<16xi32>
        %ge3A = arith.constant 0 : i32
        %ge3A_76 = vector.broadcast %ge3A : i32 to vector<16xi32>
        %ge3A_77 = arith.cmpi sge, %sub3A_75, %ge3A_76 : vector<16xi32>
        %lt3A = arith.constant 88000 : i32
        %lt3A_78 = vector.broadcast %lt3A : i32 to vector<16xi32>
        %lt3A_79 = arith.cmpi slt, %sub3A_75, %lt3A_78 : vector<16xi32>
        %and3A = arith.andi %ge3A_77, %lt3A_79 : vector<16xi1>
        %jit3A = arith.constant 0 : i32
        %broadcast_in_dim3A_80 = vector.broadcast %jit3A : i32 to vector<16xi32>
        %select_n3A = arith.select %and3A, %sub3A_75, %broadcast_in_dim3A_80 : vector<16xi1>, vector<16xi32>
        tpu.vector_store_idx %arg5[%select_n3A], %broadcast_in_dim3A_1 masked %and3A {add = true} : memref<88000xi32, #tpu.memory_space<vmem>>[vector<16xi32>], vector<16xi32>, vector<16xi1>
        %scan3A_81 = arith.constant 0 : i32
        scf.yield %scan3A_81 : i32
      }
      %scan3A_68 = arith.constant 125 : i32
      %scan3A_69 = arith.constant 0 : i32
      scf.yield %scan3A_69 : i32
    }
    %scan3A_45 = arith.constant 250 : i32
    %broadcast_in_dim3A_46 = arith.constant 0 : i32
    %broadcast_in_dim3A_47 = vector.broadcast %broadcast_in_dim3A_46 : i32 to vector<16xi32>
    %scan3A_48 = arith.constant 0 : i32
    %scan3A_49 = arith.constant 5500 : i32
    %scan3A_50 = arith.addi %scan3A_48, %scan3A_49 : i32
    %scan3A_51 = arith.constant 1 : i32
    %scan3A_52 = scf.for %scan3A_57 = %scan3A_48 to %scan3A_50 step %scan3A_51 iter_args(%scan3A_58 = %broadcast_in_dim3A_47) -> (vector<16xi32>)  : i32 {
      %mul3A_59 = arith.constant 16 : i32
      %mul3A_60 = arith.muli %scan3A_57, %mul3A_59 : i32
      %get3A = arith.index_cast %mul3A_60 : i32 to index
      %get3A_61 = tpu.vector_load %arg5[%get3A] {strides = array<i32>} : memref<88000xi32, #tpu.memory_space<vmem>>, vector<16xi32>,
      %gt3A = arith.constant 0 : i32
      %gt3A_62 = vector.broadcast %gt3A : i32 to vector<16xi32>
      %gt3A_63 = arith.cmpi sgt, %get3A_61, %gt3A_62 : vector<16xi32>
      %jit3A = arith.constant 1 : i32
      %jit3A_64 = arith.constant 0 : i32
      %broadcast_in_dim3A_65 = vector.broadcast %jit3A : i32 to vector<16xi32>
      %broadcast_in_dim3A_66 = vector.broadcast %jit3A_64 : i32 to vector<16xi32>
      %select_n3A = arith.select %gt3A_63, %broadcast_in_dim3A_65, %broadcast_in_dim3A_66 : vector<16xi1>, vector<16xi32>
      %add3A_67 = arith.addi %scan3A_58, %select_n3A : vector<16xi32>
      scf.yield %add3A_67 : vector<16xi32>
    }
    %scan3A_53 = arith.constant 5500 : i32
    %swap3A_54 = arith.constant 0 : index
    %swap3A_55 = tpu.vector_load %arg7[%swap3A_54] {strides = array<i32>} : memref<16xi32, #tpu.memory_space<vmem>>, vector<16xi32>,
    tpu.vector_store %arg7[%swap3A_54], %scan3A_52 {strides = array<i32>} : memref<16xi32, #tpu.memory_space<vmem>>, vector<16xi32>,
    "tpu.region"() ({
      %run_scoped3A = tpu.sem_alloc : memref<!tpu.dma_semaphore, #tpu.memory_space<semaphore_mem>>
      %dma_start3A = arith.constant 0 : i32
      %dma_start3A_57 = tpu.memref_slice %arg4[%add3A_29, %dma_start3A] : memref<64x16xi32, #tpu.memory_space<hbm>> -> memref<1x16xi32, #tpu.memory_space<hbm>>
      %dma_start3A_58 = tpu.memref_squeeze %dma_start3A_57 : memref<1x16xi32, #tpu.memory_space<hbm>> -> memref<16xi32, #tpu.memory_space<hbm>>
      %dma_start3A_59 = arith.constant 0 : i32
      %dma_start3A_60 = tpu.memref_slice %arg4[%add3A_29, %dma_start3A_59] : memref<64x16xi32, #tpu.memory_space<hbm>> -> memref<1x16xi32, #tpu.memory_space<hbm>>
      %dma_start3A_61 = tpu.memref_squeeze %dma_start3A_60 : memref<1x16xi32, #tpu.memory_space<hbm>> -> memref<16xi32, #tpu.memory_space<hbm>>
      tpu.enqueue_dma source(%arg7 : memref<16xi32, #tpu.memory_space<vmem>>) target(%dma_start3A_61 : memref<16xi32, #tpu.memory_space<hbm>>) target_semaphore(%run_scoped3A : memref<!tpu.dma_semaphore, #tpu.memory_space<semaphore_mem>>)
      %dma_wait3A = arith.constant 0 : i32
      %dma_wait3A_62 = tpu.memref_slice %arg4[%add3A_29, %dma_wait3A] : memref<64x16xi32, #tpu.memory_space<hbm>> -> memref<1x16xi32, #tpu.memory_space<hbm>>
      %dma_wait3A_63 = tpu.memref_squeeze %dma_wait3A_62 : memref<1x16xi32, #tpu.memory_space<hbm>> -> memref<16xi32, #tpu.memory_space<hbm>>
      %dma_wait3A_64 = arith.constant 0 : i32
      %dma_wait3A_65 = tpu.memref_slice %arg4[%add3A_29, %dma_wait3A_64] : memref<64x16xi32, #tpu.memory_space<hbm>> -> memref<1x16xi32, #tpu.memory_space<hbm>>
      %dma_wait3A_66 = tpu.memref_squeeze %dma_wait3A_65 : memref<1x16xi32, #tpu.memory_space<hbm>> -> memref<16xi32, #tpu.memory_space<hbm>>
      tpu.wait_dma2 semaphore(%run_scoped3A : memref<!tpu.dma_semaphore, #tpu.memory_space<semaphore_mem>>) src(%arg7 : memref<16xi32, #tpu.memory_space<vmem>>) dst(%dma_wait3A_66 : memref<16xi32, #tpu.memory_space<hbm>>)
      tpu.yield
    }) : () -> ()
    %multiple_of3A_56 = tpu.assume_multiple %mul3A_31, 8 : i32
    "tpu.region"() ({
      %run_scoped3A = tpu.sem_alloc : memref<!tpu.dma_semaphore, #tpu.memory_space<semaphore_mem>>
      %dma_start3A = tpu.memref_slice %arg3[%multiple_of3A_56] : memref<5632000xi32, #tpu.memory_space<hbm>> -> memref<88000xi32, #tpu.memory_space<hbm>>
      %dma_start3A_57 = tpu.memref_slice %arg3[%multiple_of3A_56] : memref<5632000xi32, #tpu.memory_space<hbm>> -> memref<88000xi32, #tpu.memory_space<hbm>>
      tpu.enqueue_dma source(%arg5 : memref<88000xi32, #tpu.memory_space<vmem>>) target(%dma_start3A_57 : memref<88000xi32, #tpu.memory_space<hbm>>) target_semaphore(%run_scoped3A : memref<!tpu.dma_semaphore, #tpu.memory_space<semaphore_mem>>)
      %dma_wait3A = tpu.memref_slice %arg3[%multiple_of3A_56] : memref<5632000xi32, #tpu.memory_space<hbm>> -> memref<88000xi32, #tpu.memory_space<hbm>>
      %dma_wait3A_58 = tpu.memref_slice %arg3[%multiple_of3A_56] : memref<5632000xi32, #tpu.memory_space<hbm>> -> memref<88000xi32, #tpu.memory_space<hbm>>
      tpu.wait_dma2 semaphore(%run_scoped3A : memref<!tpu.dma_semaphore, #tpu.memory_space<semaphore_mem>>) src(%arg5 : memref<88000xi32, #tpu.memory_space<vmem>>) dst(%dma_wait3A_58 : memref<88000xi32, #tpu.memory_space<hbm>>)
      tpu.yield
    }) : () -> ()
    return
  }
}

#map = affine_map<(d0, d1) -> (0)>
#map1 = affine_map<(d0, d1) -> (0, 0)>
module attributes {stable_mosaic.version = 14 : i64} {
  func.func @_k2b_body(%arg0: i32, %arg1: i32, %arg2: memref<5632000xi32, #tpu.memory_space<hbm>>, %arg3: memref<64x16xi32, #tpu.memory_space<hbm>>, %arg4: memref<5632000xi32, #tpu.memory_space<hbm>>, %arg5: memref<240128xi32, #tpu.memory_space<hbm>>, %arg6: memref<240128xf32, #tpu.memory_space<hbm>>, %arg7: memref<16xi32, #tpu.memory_space<hbm>>, %arg8: memref<64x16xi32, #tpu.memory_space<vmem>>, %arg9: memref<2000xi32, #tpu.memory_space<vmem>>, %arg10: memref<2000xi32, #tpu.memory_space<vmem>>, %arg11: memref<4096xi32, #tpu.memory_space<vmem>>, %arg12: memref<4096xi32, #tpu.memory_space<vmem>>, %arg13: memref<4096xf32, #tpu.memory_space<vmem>>, %arg14: memref<16xi32, #tpu.memory_space<vmem>>) attributes {dimension_semantics = [#tpu.dimension_semantics<core_parallel>, #tpu.dimension_semantics<subcore_parallel>], iteration_bounds = array<i64: 2, 16>, scalar_prefetch = 0 : i64, scratch_operands = 7 : i64, tpu.core_type = #tpu.core_type<sc_vector_subcore>, window_params = [{transform_indices = #map}, {transform_indices = #map1}, {transform_indices = #map}, {transform_indices = #map}, {transform_indices = #map}, {transform_indices = #map}]} {
    %mul3A = arith.constant 2 : i32
    %mul3A_0 = arith.muli %arg1, %mul3A : i32
    %add3A = arith.addi %mul3A_0, %arg0 : i32
    %iota3A = tpu.iota {dimensions = array<i32: 0>} : vector<16xi32>
    "tpu.region"() ({
      %run_scoped3A = tpu.sem_alloc : memref<!tpu.dma_semaphore, #tpu.memory_space<semaphore_mem>>
      tpu.enqueue_dma source(%arg3 : memref<64x16xi32, #tpu.memory_space<hbm>>) target(%arg8 : memref<64x16xi32, #tpu.memory_space<vmem>>) target_semaphore(%run_scoped3A : memref<!tpu.dma_semaphore, #tpu.memory_space<semaphore_mem>>)
      tpu.wait_dma2 semaphore(%run_scoped3A : memref<!tpu.dma_semaphore, #tpu.memory_space<semaphore_mem>>) src(%arg3 : memref<64x16xi32, #tpu.memory_space<hbm>>) dst(%arg8 : memref<64x16xi32, #tpu.memory_space<vmem>>)
      tpu.yield
    }) : () -> ()
    %scan3A = arith.constant 0 : i32
    %scan3A_1 = arith.constant 0 : i32
    %scan3A_2 = arith.constant 0 : i32
    %scan3A_3 = arith.constant 64 : i32
    %scan3A_4 = arith.addi %scan3A_2, %scan3A_3 : i32
    %scan3A_5 = arith.constant 1 : i32
    %scan3A_6:2 = scf.for %scan3A_26 = %scan3A_2 to %scan3A_4 step %scan3A_5 iter_args(%scan3A_27 = %scan3A, %scan3A_28 = %scan3A_1) -> (i32, i32)  : i32 {
      %get3A = arith.index_cast %scan3A_26 : i32 to index
      %get3A_29 = arith.constant 0 : index
      %get3A_30 = tpu.vector_load %arg8[%get3A, %get3A_29] {strides = array<i32>} : memref<64x16xi32, #tpu.memory_space<vmem>>, vector<16xi32>,
      %reduce_sum3A = arith.constant true
      %reduce_sum3A_31 = vector.broadcast %reduce_sum3A : i1 to vector<16xi1>
      %reduce_sum3A_32 = tpu.scan <sum>, %get3A_30 masked %reduce_sum3A_31 : vector<16xi32>, vector<16xi1> -> vector<16xi32>
      %reduce_sum3A_33 = vector.extract %reduce_sum3A_32[15] : i32 from vector<16xi32>
      %mul3A_34 = arith.constant 2 : i32
      %mul3A_35 = arith.muli %mul3A_34, %add3A : i32
      %eq3A_36 = arith.cmpi eq, %scan3A_26, %mul3A_35 : i32
      %select_n3A = arith.select %eq3A_36, %scan3A_27, %scan3A_28 : i32
      %add3A_37 = arith.addi %scan3A_27, %reduce_sum3A_33 : i32
      scf.yield %add3A_37, %select_n3A : i32, i32
    }
    %scan3A_7 = arith.constant 64 : i32
    %eq3A = arith.constant 0 : i32
    %eq3A_8 = arith.cmpi eq, %add3A, %eq3A : i32
    %convert_element_type3A = arith.extui %eq3A_8 : i1 to i32
    %cond3A = arith.constant 0 : i32
    %cond3A_9 = arith.cmpi ne, %convert_element_type3A, %cond3A : i32
    scf.if %cond3A_9 {
      %broadcast_in_dim3A = arith.constant 0 : i32
      %broadcast_in_dim3A_26 = vector.broadcast %broadcast_in_dim3A : i32 to vector<16xi32>
      %add3A_27 = vector.broadcast %scan3A_6#0 : i32 to vector<16xi32>
      %add3A_28 = arith.addi %broadcast_in_dim3A_26, %add3A_27 : vector<16xi32>
      %swap3A = arith.constant 0 : index
      %swap3A_29 = tpu.vector_load %arg14[%swap3A] {strides = array<i32>} : memref<16xi32, #tpu.memory_space<vmem>>, vector<16xi32>,
      tpu.vector_store %arg14[%swap3A], %add3A_28 {strides = array<i32>} : memref<16xi32, #tpu.memory_space<vmem>>, vector<16xi32>,
      "tpu.region"() ({
        %run_scoped3A = tpu.sem_alloc : memref<!tpu.dma_semaphore, #tpu.memory_space<semaphore_mem>>
        tpu.enqueue_dma source(%arg14 : memref<16xi32, #tpu.memory_space<vmem>>) target(%arg7 : memref<16xi32, #tpu.memory_space<hbm>>) target_semaphore(%run_scoped3A : memref<!tpu.dma_semaphore, #tpu.memory_space<semaphore_mem>>)
        tpu.wait_dma2 semaphore(%run_scoped3A : memref<!tpu.dma_semaphore, #tpu.memory_space<semaphore_mem>>) src(%arg14 : memref<16xi32, #tpu.memory_space<vmem>>) dst(%arg7 : memref<16xi32, #tpu.memory_space<hbm>>)
        tpu.yield
      }) : () -> ()
    } else {
    }
    %scan3A_10 = arith.constant 0 : i32
    %scan3A_11 = arith.constant 0 : i32
    %scan3A_12 = arith.constant 256 : i32
    %scan3A_13 = arith.addi %scan3A_11, %scan3A_12 : i32
    %scan3A_14 = arith.constant 1 : i32
    %scan3A_15 = scf.for %scan3A_26 = %scan3A_11 to %scan3A_13 step %scan3A_14 iter_args(%scan3A_27 = %scan3A_10) -> (i32)  : i32 {
      %mul3A_28 = arith.constant 16 : i32
      %mul3A_29 = arith.muli %add3A, %mul3A_28 : i32
      %add3A_30 = vector.broadcast %mul3A_29 : i32 to vector<16xi32>
      %add3A_31 = arith.addi %add3A_30, %iota3A : vector<16xi32>
      %add3A_32 = vector.broadcast %scan3A_26 : i32 to vector<16xi32>
      %add3A_33 = arith.addi %add3A_31, %add3A_32 : vector<16xi32>
      %and3A = arith.constant 127 : i32
      %and3A_34 = vector.broadcast %and3A : i32 to vector<16xi32>
      %and3A_35 = arith.andi %add3A_33, %and3A_34 : vector<16xi32>
      %add3A_36 = arith.constant 240000 : i32
      %add3A_37 = vector.broadcast %add3A_36 : i32 to vector<16xi32>
      %add3A_38 = arith.addi %add3A_37, %and3A_35 : vector<16xi32>
      %mul3A_39 = arith.constant 16 : i32
      %mul3A_40 = arith.muli %scan3A_26, %mul3A_39 : i32
      %swap3A = arith.index_cast %mul3A_40 : i32 to index
      %swap3A_41 = tpu.vector_load %arg11[%swap3A] {strides = array<i32>} : memref<4096xi32, #tpu.memory_space<vmem>>, vector<16xi32>,
      tpu.vector_store %arg11[%swap3A], %add3A_38 {strides = array<i32>} : memref<4096xi32, #tpu.memory_space<vmem>>, vector<16xi32>,
      %scan3A_42 = arith.constant 0 : i32
      scf.yield %scan3A_42 : i32
    }
    %scan3A_16 = arith.constant 256 : i32
    %mul3A_17 = arith.constant 176000 : i32
    %mul3A_18 = arith.muli %add3A, %mul3A_17 : i32
    %scan3A_19 = arith.constant 0 : i32
    %scan3A_20 = arith.constant 0 : i32
    %scan3A_21 = arith.constant 88 : i32
    %scan3A_22 = arith.addi %scan3A_20, %scan3A_21 : i32
    %scan3A_23 = arith.constant 1 : i32
    %scan3A_24:2 = scf.for %scan3A_26 = %scan3A_20 to %scan3A_22 step %scan3A_23 iter_args(%scan3A_27 = %scan3A_6#1, %scan3A_28 = %scan3A_19) -> (i32, i32)  : i32 {
      %mul3A_29 = arith.constant 2000 : i32
      %mul3A_30 = arith.muli %scan3A_26, %mul3A_29 : i32
      %add3A_31 = arith.addi %mul3A_18, %mul3A_30 : i32
      %multiple_of3A = tpu.assume_multiple %add3A_31, 8 : i32
      "tpu.region"() ({
        %run_scoped3A = tpu.sem_alloc : memref<!tpu.dma_semaphore, #tpu.memory_space<semaphore_mem>>
        %dma_start3A = tpu.memref_slice %arg2[%multiple_of3A] : memref<5632000xi32, #tpu.memory_space<hbm>> -> memref<2000xi32, #tpu.memory_space<hbm>>
        %dma_start3A_42 = tpu.memref_slice %arg2[%multiple_of3A] : memref<5632000xi32, #tpu.memory_space<hbm>> -> memref<2000xi32, #tpu.memory_space<hbm>>
        tpu.enqueue_dma source(%dma_start3A_42 : memref<2000xi32, #tpu.memory_space<hbm>>) target(%arg9 : memref<2000xi32, #tpu.memory_space<vmem>>) target_semaphore(%run_scoped3A : memref<!tpu.dma_semaphore, #tpu.memory_space<semaphore_mem>>)
        %dma_wait3A = tpu.memref_slice %arg2[%multiple_of3A] : memref<5632000xi32, #tpu.memory_space<hbm>> -> memref<2000xi32, #tpu.memory_space<hbm>>
        %dma_wait3A_43 = tpu.memref_slice %arg2[%multiple_of3A] : memref<5632000xi32, #tpu.memory_space<hbm>> -> memref<2000xi32, #tpu.memory_space<hbm>>
        tpu.wait_dma2 semaphore(%run_scoped3A : memref<!tpu.dma_semaphore, #tpu.memory_space<semaphore_mem>>) src(%dma_wait3A_43 : memref<2000xi32, #tpu.memory_space<hbm>>) dst(%arg9 : memref<2000xi32, #tpu.memory_space<vmem>>)
        tpu.yield
      }) : () -> ()
      %scan3A_32 = arith.constant 0 : i32
      %scan3A_33 = arith.constant 125 : i32
      %scan3A_34 = arith.addi %scan3A_32, %scan3A_33 : i32
      %scan3A_35 = arith.constant 1 : i32
      %scan3A_36:2 = scf.for %scan3A_42 = %scan3A_32 to %scan3A_34 step %scan3A_35 iter_args(%scan3A_43 = %scan3A_27, %scan3A_44 = %scan3A_28) -> (i32, i32)  : i32 {
        %mul3A_45 = arith.constant 16 : i32
        %mul3A_46 = arith.muli %scan3A_42, %mul3A_45 : i32
        %get3A = arith.index_cast %mul3A_46 : i32 to index
        %get3A_47 = tpu.vector_load %arg9[%get3A] {strides = array<i32>} : memref<2000xi32, #tpu.memory_space<vmem>>, vector<16xi32>,
        %gt3A = arith.constant 0 : i32
        %gt3A_48 = vector.broadcast %gt3A : i32 to vector<16xi32>
        %gt3A_49 = arith.cmpi sgt, %get3A_47, %gt3A_48 : vector<16xi32>
        %convert_element_type3A_50 = arith.extui %gt3A_49 : vector<16xi1> to vector<16xi32>
        %broadcast_in_dim3A = arith.constant true
        %broadcast_in_dim3A_51 = vector.broadcast %broadcast_in_dim3A : i1 to vector<16xi1>
        %masked_cumsum3A = tpu.scan <sum>, %convert_element_type3A_50 masked %broadcast_in_dim3A_51 : vector<16xi32>, vector<16xi1> -> vector<16xi32>
        %sub3A = arith.subi %masked_cumsum3A, %convert_element_type3A_50 : vector<16xi32>
        %add3A_52 = vector.broadcast %scan3A_43 : i32 to vector<16xi32>
        %add3A_53 = arith.addi %sub3A, %add3A_52 : vector<16xi32>
        %mul3A_54 = arith.constant 16 : i32
        %mul3A_55 = arith.muli %scan3A_42, %mul3A_54 : i32
        %swap3A = arith.index_cast %mul3A_55 : i32 to index
        %swap3A_56 = tpu.vector_load %arg10[%swap3A] {strides = array<i32>} : memref<2000xi32, #tpu.memory_space<vmem>>, vector<16xi32>,
        tpu.vector_store %arg10[%swap3A], %add3A_53 {strides = array<i32>} : memref<2000xi32, #tpu.memory_space<vmem>>, vector<16xi32>,
        %gt3A_57 = arith.constant 0 : i32
        %gt3A_58 = vector.broadcast %gt3A_57 : i32 to vector<16xi32>
        %gt3A_59 = arith.cmpi sgt, %get3A_47, %gt3A_58 : vector<16xi32>
        %lt3A = arith.constant 240000 : i32
        %lt3A_60 = vector.broadcast %lt3A : i32 to vector<16xi32>
        %lt3A_61 = arith.cmpi slt, %add3A_53, %lt3A_60 : vector<16xi32>
        %and3A = arith.andi %gt3A_59, %lt3A_61 : vector<16xi1>
        %swap3A_62 = arith.index_cast %scan3A_44 : i32 to index
        %swap3A_63 = tpu.vector_load %arg11[%swap3A_62] masked %and3A {strides = array<i32>} : memref<4096xi32, #tpu.memory_space<vmem>>, vector<16xi32>, vector<16xi1>
        tpu.vector_store %arg11[%swap3A_62], %add3A_53 masked %and3A {strides = array<i32>} : memref<4096xi32, #tpu.memory_space<vmem>>, vector<16xi32>, vector<16xi1>
        %mul3A_64 = arith.constant 16 : i32
        %mul3A_65 = arith.muli %scan3A_42, %mul3A_64 : i32
        %add3A_66 = arith.addi %multiple_of3A, %mul3A_65 : i32
        %add3A_67 = vector.broadcast %add3A_66 : i32 to vector<16xi32>
        %add3A_68 = arith.addi %add3A_67, %iota3A : vector<16xi32>
        %swap3A_69 = arith.index_cast %scan3A_44 : i32 to index
        %swap3A_70 = tpu.vector_load %arg12[%swap3A_69] masked %and3A {strides = array<i32>} : memref<4096xi32, #tpu.memory_space<vmem>>, vector<16xi32>, vector<16xi1>
        tpu.vector_store %arg12[%swap3A_69], %add3A_68 masked %and3A {strides = array<i32>} : memref<4096xi32, #tpu.memory_space<vmem>>, vector<16xi32>, vector<16xi1>
        %convert_element_type3A_71 = arith.sitofp %get3A_47 : vector<16xi32> to vector<16xf32>
        %swap3A_72 = arith.index_cast %scan3A_44 : i32 to index
        %swap3A_73 = tpu.vector_load %arg13[%swap3A_72] masked %and3A {strides = array<i32>} : memref<4096xf32, #tpu.memory_space<vmem>>, vector<16xf32>, vector<16xi1>
        tpu.vector_store %arg13[%swap3A_72], %convert_element_type3A_71 masked %and3A {strides = array<i32>} : memref<4096xf32, #tpu.memory_space<vmem>>, vector<16xf32>, vector<16xi1>
        %reduce_sum3A = arith.constant true
        %reduce_sum3A_74 = vector.broadcast %reduce_sum3A : i1 to vector<16xi1>
        %reduce_sum3A_75 = tpu.scan <sum>, %convert_element_type3A_50 masked %reduce_sum3A_74 : vector<16xi32>, vector<16xi1> -> vector<16xi32>
        %reduce_sum3A_76 = vector.extract %reduce_sum3A_75[15] : i32 from vector<16xi32>
        %add3A_77 = arith.addi %scan3A_43, %reduce_sum3A_76 : i32
        %jit3A_78 = arith.constant 1 : i32
        %jit3A_79 = arith.constant 0 : i32
        %broadcast_in_dim3A_80 = vector.broadcast %jit3A_78 : i32 to vector<16xi32>
        %broadcast_in_dim3A_81 = vector.broadcast %jit3A_79 : i32 to vector<16xi32>
        %select_n3A_82 = arith.select %and3A, %broadcast_in_dim3A_80, %broadcast_in_dim3A_81 : vector<16xi1>, vector<16xi32>
        %reduce_sum3A_83 = arith.constant true
        %reduce_sum3A_84 = vector.broadcast %reduce_sum3A_83 : i1 to vector<16xi1>
        %reduce_sum3A_85 = tpu.scan <sum>, %select_n3A_82 masked %reduce_sum3A_84 : vector<16xi32>, vector<16xi1> -> vector<16xi32>
        %reduce_sum3A_86 = vector.extract %reduce_sum3A_85[15] : i32 from vector<16xi32>
        %add3A_87 = arith.addi %scan3A_44, %reduce_sum3A_86 : i32
        scf.yield %add3A_77, %add3A_87 : i32, i32
      }
      %scan3A_37 = arith.constant 125 : i32
      "tpu.region"() ({
        %run_scoped3A = tpu.sem_alloc : memref<!tpu.dma_semaphore, #tpu.memory_space<semaphore_mem>>
        %dma_start3A = tpu.memref_slice %arg4[%multiple_of3A] : memref<5632000xi32, #tpu.memory_space<hbm>> -> memref<2000xi32, #tpu.memory_space<hbm>>
        %dma_start3A_42 = tpu.memref_slice %arg4[%multiple_of3A] : memref<5632000xi32, #tpu.memory_space<hbm>> -> memref<2000xi32, #tpu.memory_space<hbm>>
        tpu.enqueue_dma source(%arg10 : memref<2000xi32, #tpu.memory_space<vmem>>) target(%dma_start3A_42 : memref<2000xi32, #tpu.memory_space<hbm>>) target_semaphore(%run_scoped3A : memref<!tpu.dma_semaphore, #tpu.memory_space<semaphore_mem>>)
        %dma_wait3A = tpu.memref_slice %arg4[%multiple_of3A] : memref<5632000xi32, #tpu.memory_space<hbm>> -> memref<2000xi32, #tpu.memory_space<hbm>>
        %dma_wait3A_43 = tpu.memref_slice %arg4[%multiple_of3A] : memref<5632000xi32, #tpu.memory_space<hbm>> -> memref<2000xi32, #tpu.memory_space<hbm>>
        tpu.wait_dma2 semaphore(%run_scoped3A : memref<!tpu.dma_semaphore, #tpu.memory_space<semaphore_mem>>) src(%arg10 : memref<2000xi32, #tpu.memory_space<vmem>>) dst(%dma_wait3A_43 : memref<2000xi32, #tpu.memory_space<hbm>>)
        tpu.yield
      }) : () -> ()
      %ge3A = arith.constant 2048 : i32
      %ge3A_38 = arith.cmpi sge, %scan3A_36#1, %ge3A : i32
      %convert_element_type3A_39 = arith.extui %ge3A_38 : i1 to i32
      %cond3A_40 = arith.constant 0 : i32
      %cond3A_41 = arith.cmpi ne, %convert_element_type3A_39, %cond3A_40 : i32
      scf.if %cond3A_41 {
        "tpu.region"() ({
          %run_scoped3A = tpu.sem_alloc : memref<!tpu.dma_semaphore, #tpu.memory_space<semaphore_mem>>
          %dma_start3A = arith.constant 0 : i32
          %dma_start3A_42 = tpu.memref_slice %arg5[%dma_start3A] : memref<240128xi32, #tpu.memory_space<hbm>> -> memref<240128xi32, #tpu.memory_space<hbm>>
          tpu.enqueue_indirect_dma source(%arg12 : memref<4096xi32, #tpu.memory_space<vmem>>) target(%dma_start3A_42 : memref<240128xi32, #tpu.memory_space<hbm>>) offsets(%arg11 : memref<4096xi32, #tpu.memory_space<vmem>>) semaphore(%run_scoped3A : memref<!tpu.dma_semaphore, #tpu.memory_space<semaphore_mem>>)
          %dma_wait3A = arith.constant 0 : i32
          %dma_wait3A_43 = tpu.memref_slice %arg5[%dma_wait3A] : memref<240128xi32, #tpu.memory_space<hbm>> -> memref<240128xi32, #tpu.memory_space<hbm>>
          tpu.wait_indirect_dma semaphore(%run_scoped3A : memref<!tpu.dma_semaphore, #tpu.memory_space<semaphore_mem>>) src(%arg12 : memref<4096xi32, #tpu.memory_space<vmem>>) dst(%dma_wait3A_43 : memref<240128xi32, #tpu.memory_space<hbm>>)
          tpu.yield
        }) : () -> ()
        "tpu.region"() ({
          %run_scoped3A = tpu.sem_alloc : memref<!tpu.dma_semaphore, #tpu.memory_space<semaphore_mem>>
          %dma_start3A = arith.constant 0 : i32
          %dma_start3A_42 = tpu.memref_slice %arg6[%dma_start3A] : memref<240128xf32, #tpu.memory_space<hbm>> -> memref<240128xf32, #tpu.memory_space<hbm>>
          tpu.enqueue_indirect_dma source(%arg13 : memref<4096xf32, #tpu.memory_space<vmem>>) target(%dma_start3A_42 : memref<240128xf32, #tpu.memory_space<hbm>>) offsets(%arg11 : memref<4096xi32, #tpu.memory_space<vmem>>) semaphore(%run_scoped3A : memref<!tpu.dma_semaphore, #tpu.memory_space<semaphore_mem>>)
          %dma_wait3A = arith.constant 0 : i32
          %dma_wait3A_43 = tpu.memref_slice %arg6[%dma_wait3A] : memref<240128xf32, #tpu.memory_space<hbm>> -> memref<240128xf32, #tpu.memory_space<hbm>>
          tpu.wait_indirect_dma semaphore(%run_scoped3A : memref<!tpu.dma_semaphore, #tpu.memory_space<semaphore_mem>>) src(%arg13 : memref<4096xf32, #tpu.memory_space<vmem>>) dst(%dma_wait3A_43 : memref<240128xf32, #tpu.memory_space<hbm>>)
          tpu.yield
        }) : () -> ()
      } else {
      }
      %jit3A = arith.constant 0 : i32
      %select_n3A = arith.select %ge3A_38, %jit3A, %scan3A_36#1 : i32
      scf.yield %scan3A_36#0, %select_n3A : i32, i32
    }
    %scan3A_25 = arith.constant 88 : i32
    "tpu.region"() ({
      %run_scoped3A = tpu.sem_alloc : memref<!tpu.dma_semaphore, #tpu.memory_space<semaphore_mem>>
      %dma_start3A = arith.constant 0 : i32
      %dma_start3A_26 = tpu.memref_slice %arg5[%dma_start3A] : memref<240128xi32, #tpu.memory_space<hbm>> -> memref<240128xi32, #tpu.memory_space<hbm>>
      tpu.enqueue_indirect_dma source(%arg12 : memref<4096xi32, #tpu.memory_space<vmem>>) target(%dma_start3A_26 : memref<240128xi32, #tpu.memory_space<hbm>>) offsets(%arg11 : memref<4096xi32, #tpu.memory_space<vmem>>) semaphore(%run_scoped3A : memref<!tpu.dma_semaphore, #tpu.memory_space<semaphore_mem>>)
      %dma_wait3A = arith.constant 0 : i32
      %dma_wait3A_27 = tpu.memref_slice %arg5[%dma_wait3A] : memref<240128xi32, #tpu.memory_space<hbm>> -> memref<240128xi32, #tpu.memory_space<hbm>>
      tpu.wait_indirect_dma semaphore(%run_scoped3A : memref<!tpu.dma_semaphore, #tpu.memory_space<semaphore_mem>>) src(%arg12 : memref<4096xi32, #tpu.memory_space<vmem>>) dst(%dma_wait3A_27 : memref<240128xi32, #tpu.memory_space<hbm>>)
      tpu.yield
    }) : () -> ()
    "tpu.region"() ({
      %run_scoped3A = tpu.sem_alloc : memref<!tpu.dma_semaphore, #tpu.memory_space<semaphore_mem>>
      %dma_start3A = arith.constant 0 : i32
      %dma_start3A_26 = tpu.memref_slice %arg6[%dma_start3A] : memref<240128xf32, #tpu.memory_space<hbm>> -> memref<240128xf32, #tpu.memory_space<hbm>>
      tpu.enqueue_indirect_dma source(%arg13 : memref<4096xf32, #tpu.memory_space<vmem>>) target(%dma_start3A_26 : memref<240128xf32, #tpu.memory_space<hbm>>) offsets(%arg11 : memref<4096xi32, #tpu.memory_space<vmem>>) semaphore(%run_scoped3A : memref<!tpu.dma_semaphore, #tpu.memory_space<semaphore_mem>>)
      %dma_wait3A = arith.constant 0 : i32
      %dma_wait3A_27 = tpu.memref_slice %arg6[%dma_wait3A] : memref<240128xf32, #tpu.memory_space<hbm>> -> memref<240128xf32, #tpu.memory_space<hbm>>
      tpu.wait_indirect_dma semaphore(%run_scoped3A : memref<!tpu.dma_semaphore, #tpu.memory_space<semaphore_mem>>) src(%arg13 : memref<4096xf32, #tpu.memory_space<vmem>>) dst(%dma_wait3A_27 : memref<240128xf32, #tpu.memory_space<hbm>>)
      tpu.yield
    }) : () -> ()
    return
  }
}

#map = affine_map<(d0, d1) -> (0)>
module attributes {stable_mosaic.version = 14 : i64} {
  func.func @_k3_body(%arg0: i32, %arg1: i32, %arg2: memref<500000xi32, #tpu.memory_space<hbm>>, %arg3: memref<500000xf32, #tpu.memory_space<hbm>>, %arg4: memref<500000xf32, #tpu.memory_space<hbm>>, %arg5: memref<500000xf32, #tpu.memory_space<hbm>>, %arg6: memref<500000xf32, #tpu.memory_space<hbm>>, %arg7: memref<5632000xi32, #tpu.memory_space<hbm>>, %arg8: memref<1921024xf32, #tpu.memory_space<hbm>>, %arg9: memref<2000xi32, #tpu.memory_space<vmem>>, %arg10: memref<2000xi32, #tpu.memory_space<vmem>>, %arg11: memref<2000xi32, #tpu.memory_space<vmem>>, %arg12: memref<2000xi32, #tpu.memory_space<vmem>>, %arg13: memref<2000xf32, #tpu.memory_space<vmem>>, %arg14: memref<2000xf32, #tpu.memory_space<vmem>>, %arg15: memref<2000xf32, #tpu.memory_space<vmem>>, %arg16: memref<2000xf32, #tpu.memory_space<vmem>>, %arg17: memref<15008xf32, #tpu.memory_space<vmem>>, %arg18: memref<240128xf32, #tpu.memory_space<vmem_shared>>, %arg19: memref<240128xf32, #tpu.memory_space<vmem_shared>>, %arg20: memref<240128xf32, #tpu.memory_space<vmem_shared>>, %arg21: memref<240128xf32, #tpu.memory_space<vmem_shared>>, %arg22: memref<!tpu.dma_semaphore, #tpu.memory_space<semaphore_mem>>) attributes {dimension_semantics = [#tpu.dimension_semantics<core_parallel>, #tpu.dimension_semantics<subcore_parallel>], iteration_bounds = array<i64: 2, 16>, scalar_prefetch = 0 : i64, scratch_operands = 14 : i64, tpu.core_type = #tpu.core_type<sc_vector_subcore>, window_params = [{transform_indices = #map}, {transform_indices = #map}, {transform_indices = #map}, {transform_indices = #map}, {transform_indices = #map}, {transform_indices = #map}, {transform_indices = #map}]} {
    %mul3A = arith.constant 2 : i32
    %mul3A_0 = arith.muli %arg1, %mul3A : i32
    %add3A = arith.addi %mul3A_0, %arg0 : i32
    %iota3A = tpu.iota {dimensions = array<i32: 0>} : vector<16xi32>
    %mul3A_1 = arith.constant 15008 : i32
    %mul3A_2 = arith.muli %arg1, %mul3A_1 : i32
    %scan3A = arith.constant 0 : i32
    %scan3A_3 = arith.constant 0 : i32
    %scan3A_4 = arith.constant 938 : i32
    %scan3A_5 = arith.addi %scan3A_3, %scan3A_4 : i32
    %scan3A_6 = arith.constant 1 : i32
    %scan3A_7 = scf.for %scan3A_102 = %scan3A_3 to %scan3A_5 step %scan3A_6 iter_args(%scan3A_103 = %scan3A) -> (i32)  : i32 {
      %broadcast_in_dim3A = arith.constant 0.000000e+00 : f32
      %broadcast_in_dim3A_104 = vector.broadcast %broadcast_in_dim3A : f32 to vector<16xf32>
      %mul3A_105 = arith.constant 16 : i32
      %mul3A_106 = arith.muli %scan3A_102, %mul3A_105 : i32
      %swap3A = arith.index_cast %mul3A_106 : i32 to index
      %swap3A_107 = tpu.vector_load %arg17[%swap3A] {strides = array<i32>} : memref<15008xf32, #tpu.memory_space<vmem>>, vector<16xf32>,
      tpu.vector_store %arg17[%swap3A], %broadcast_in_dim3A_104 {strides = array<i32>} : memref<15008xf32, #tpu.memory_space<vmem>>, vector<16xf32>,
      %scan3A_108 = arith.constant 0 : i32
      scf.yield %scan3A_108 : i32
    }
    %scan3A_8 = arith.constant 938 : i32
    "tpu.region"() ({
      %run_scoped3A = tpu.sem_alloc : memref<!tpu.dma_semaphore, #tpu.memory_space<semaphore_mem>>
      %dma_start3A = tpu.memref_slice %arg18[%mul3A_2] : memref<240128xf32, #tpu.memory_space<vmem_shared>> -> memref<15008xf32, #tpu.memory_space<vmem_shared>>
      %dma_start3A_102 = tpu.memref_slice %arg18[%mul3A_2] : memref<240128xf32, #tpu.memory_space<vmem_shared>> -> memref<15008xf32, #tpu.memory_space<vmem_shared>>
      tpu.enqueue_dma source(%arg17 : memref<15008xf32, #tpu.memory_space<vmem>>) target(%dma_start3A_102 : memref<15008xf32, #tpu.memory_space<vmem_shared>>) target_semaphore(%run_scoped3A : memref<!tpu.dma_semaphore, #tpu.memory_space<semaphore_mem>>)
      %dma_wait3A = tpu.memref_slice %arg18[%mul3A_2] : memref<240128xf32, #tpu.memory_space<vmem_shared>> -> memref<15008xf32, #tpu.memory_space<vmem_shared>>
      %dma_wait3A_103 = tpu.memref_slice %arg18[%mul3A_2] : memref<240128xf32, #tpu.memory_space<vmem_shared>> -> memref<15008xf32, #tpu.memory_space<vmem_shared>>
      tpu.wait_dma2 semaphore(%run_scoped3A : memref<!tpu.dma_semaphore, #tpu.memory_space<semaphore_mem>>) src(%arg17 : memref<15008xf32, #tpu.memory_space<vmem>>) dst(%dma_wait3A_103 : memref<15008xf32, #tpu.memory_space<vmem_shared>>)
      tpu.yield
    }) : () -> ()
    "tpu.region"() ({
      %run_scoped3A = tpu.sem_alloc : memref<!tpu.dma_semaphore, #tpu.memory_space<semaphore_mem>>
      %dma_start3A = tpu.memref_slice %arg19[%mul3A_2] : memref<240128xf32, #tpu.memory_space<vmem_shared>> -> memref<15008xf32, #tpu.memory_space<vmem_shared>>
      %dma_start3A_102 = tpu.memref_slice %arg19[%mul3A_2] : memref<240128xf32, #tpu.memory_space<vmem_shared>> -> memref<15008xf32, #tpu.memory_space<vmem_shared>>
      tpu.enqueue_dma source(%arg17 : memref<15008xf32, #tpu.memory_space<vmem>>) target(%dma_start3A_102 : memref<15008xf32, #tpu.memory_space<vmem_shared>>) target_semaphore(%run_scoped3A : memref<!tpu.dma_semaphore, #tpu.memory_space<semaphore_mem>>)
      %dma_wait3A = tpu.memref_slice %arg19[%mul3A_2] : memref<240128xf32, #tpu.memory_space<vmem_shared>> -> memref<15008xf32, #tpu.memory_space<vmem_shared>>
      %dma_wait3A_103 = tpu.memref_slice %arg19[%mul3A_2] : memref<240128xf32, #tpu.memory_space<vmem_shared>> -> memref<15008xf32, #tpu.memory_space<vmem_shared>>
      tpu.wait_dma2 semaphore(%run_scoped3A : memref<!tpu.dma_semaphore, #tpu.memory_space<semaphore_mem>>) src(%arg17 : memref<15008xf32, #tpu.memory_space<vmem>>) dst(%dma_wait3A_103 : memref<15008xf32, #tpu.memory_space<vmem_shared>>)
      tpu.yield
    }) : () -> ()
    "tpu.region"() ({
      %run_scoped3A = tpu.sem_alloc : memref<!tpu.dma_semaphore, #tpu.memory_space<semaphore_mem>>
      %dma_start3A = tpu.memref_slice %arg20[%mul3A_2] : memref<240128xf32, #tpu.memory_space<vmem_shared>> -> memref<15008xf32, #tpu.memory_space<vmem_shared>>
      %dma_start3A_102 = tpu.memref_slice %arg20[%mul3A_2] : memref<240128xf32, #tpu.memory_space<vmem_shared>> -> memref<15008xf32, #tpu.memory_space<vmem_shared>>
      tpu.enqueue_dma source(%arg17 : memref<15008xf32, #tpu.memory_space<vmem>>) target(%dma_start3A_102 : memref<15008xf32, #tpu.memory_space<vmem_shared>>) target_semaphore(%run_scoped3A : memref<!tpu.dma_semaphore, #tpu.memory_space<semaphore_mem>>)
      %dma_wait3A = tpu.memref_slice %arg20[%mul3A_2] : memref<240128xf32, #tpu.memory_space<vmem_shared>> -> memref<15008xf32, #tpu.memory_space<vmem_shared>>
      %dma_wait3A_103 = tpu.memref_slice %arg20[%mul3A_2] : memref<240128xf32, #tpu.memory_space<vmem_shared>> -> memref<15008xf32, #tpu.memory_space<vmem_shared>>
      tpu.wait_dma2 semaphore(%run_scoped3A : memref<!tpu.dma_semaphore, #tpu.memory_space<semaphore_mem>>) src(%arg17 : memref<15008xf32, #tpu.memory_space<vmem>>) dst(%dma_wait3A_103 : memref<15008xf32, #tpu.memory_space<vmem_shared>>)
      tpu.yield
    }) : () -> ()
    "tpu.region"() ({
      %run_scoped3A = tpu.sem_alloc : memref<!tpu.dma_semaphore, #tpu.memory_space<semaphore_mem>>
      %dma_start3A = tpu.memref_slice %arg21[%mul3A_2] : memref<240128xf32, #tpu.memory_space<vmem_shared>> -> memref<15008xf32, #tpu.memory_space<vmem_shared>>
      %dma_start3A_102 = tpu.memref_slice %arg21[%mul3A_2] : memref<240128xf32, #tpu.memory_space<vmem_shared>> -> memref<15008xf32, #tpu.memory_space<vmem_shared>>
      tpu.enqueue_dma source(%arg17 : memref<15008xf32, #tpu.memory_space<vmem>>) target(%dma_start3A_102 : memref<15008xf32, #tpu.memory_space<vmem_shared>>) target_semaphore(%run_scoped3A : memref<!tpu.dma_semaphore, #tpu.memory_space<semaphore_mem>>)
      %dma_wait3A = tpu.memref_slice %arg21[%mul3A_2] : memref<240128xf32, #tpu.memory_space<vmem_shared>> -> memref<15008xf32, #tpu.memory_space<vmem_shared>>
      %dma_wait3A_103 = tpu.memref_slice %arg21[%mul3A_2] : memref<240128xf32, #tpu.memory_space<vmem_shared>> -> memref<15008xf32, #tpu.memory_space<vmem_shared>>
      tpu.wait_dma2 semaphore(%run_scoped3A : memref<!tpu.dma_semaphore, #tpu.memory_space<semaphore_mem>>) src(%arg17 : memref<15008xf32, #tpu.memory_space<vmem>>) dst(%dma_wait3A_103 : memref<15008xf32, #tpu.memory_space<vmem_shared>>)
      tpu.yield
    }) : () -> ()
    %barrier3A = arith.constant 0 : index
    tpu.barrier barrier_id(%barrier3A)
    %add3A_9 = arith.constant 0 : i32
    %add3A_10 = arith.addi %add3A_9, %add3A : i32
    %lt3A = arith.constant 250 : i32
    %lt3A_11 = arith.cmpi slt, %add3A_10, %lt3A : i32
    %convert_element_type3A = arith.extui %lt3A_11 : i1 to i32
    %cond3A = arith.constant 0 : i32
    %cond3A_12 = arith.cmpi ne, %convert_element_type3A, %cond3A : i32
    scf.if %cond3A_12 {
      %mul3A_102 = arith.constant 2000 : i32
      %mul3A_103 = arith.muli %add3A_10, %mul3A_102 : i32
      %multiple_of3A_104 = tpu.assume_multiple %mul3A_103, 8 : i32
      "tpu.region"() ({
        %run_scoped3A = tpu.sem_alloc : memref<!tpu.dma_semaphore, #tpu.memory_space<semaphore_mem>>
        %dma_start3A_121 = tpu.memref_slice %arg2[%multiple_of3A_104] : memref<500000xi32, #tpu.memory_space<hbm>> -> memref<2000xi32, #tpu.memory_space<hbm>>
        %dma_start3A_122 = tpu.memref_slice %arg2[%multiple_of3A_104] : memref<500000xi32, #tpu.memory_space<hbm>> -> memref<2000xi32, #tpu.memory_space<hbm>>
        tpu.enqueue_dma source(%dma_start3A_122 : memref<2000xi32, #tpu.memory_space<hbm>>) target(%arg9 : memref<2000xi32, #tpu.memory_space<vmem>>) target_semaphore(%run_scoped3A : memref<!tpu.dma_semaphore, #tpu.memory_space<semaphore_mem>>)
        %dma_wait3A_123 = tpu.memref_slice %arg2[%multiple_of3A_104] : memref<500000xi32, #tpu.memory_space<hbm>> -> memref<2000xi32, #tpu.memory_space<hbm>>
        %dma_wait3A_124 = tpu.memref_slice %arg2[%multiple_of3A_104] : memref<500000xi32, #tpu.memory_space<hbm>> -> memref<2000xi32, #tpu.memory_space<hbm>>
        tpu.wait_dma2 semaphore(%run_scoped3A : memref<!tpu.dma_semaphore, #tpu.memory_space<semaphore_mem>>) src(%dma_wait3A_124 : memref<2000xi32, #tpu.memory_space<hbm>>) dst(%arg9 : memref<2000xi32, #tpu.memory_space<vmem>>)
        tpu.yield
      }) : () -> ()
      %scan3A_105 = arith.constant 0 : i32
      %scan3A_106 = arith.constant 0 : i32
      %scan3A_107 = arith.constant 125 : i32
      %scan3A_108 = arith.addi %scan3A_106, %scan3A_107 : i32
      %scan3A_109 = arith.constant 1 : i32
      %scan3A_110 = scf.for %scan3A_121 = %scan3A_106 to %scan3A_108 step %scan3A_109 iter_args(%scan3A_122 = %scan3A_105) -> (i32)  : i32 {
        %mul3A_123 = arith.constant 16 : i32
        %mul3A_124 = arith.muli %scan3A_121, %mul3A_123 : i32
        %get3A = arith.index_cast %mul3A_124 : i32 to index
        %get3A_125 = tpu.vector_load %arg9[%get3A] {strides = array<i32>} : memref<2000xi32, #tpu.memory_space<vmem>>, vector<16xi32>,
        %min3A = arith.constant 5631999 : i32
        %min3A_126 = vector.broadcast %min3A : i32 to vector<16xi32>
        %min3A_127 = arith.minsi %get3A_125, %min3A_126 : vector<16xi32>
        %mul3A_128 = arith.constant 16 : i32
        %mul3A_129 = arith.muli %scan3A_121, %mul3A_128 : i32
        %swap3A = arith.index_cast %mul3A_129 : i32 to index
        %swap3A_130 = tpu.vector_load %arg10[%swap3A] {strides = array<i32>} : memref<2000xi32, #tpu.memory_space<vmem>>, vector<16xi32>,
        tpu.vector_store %arg10[%swap3A], %min3A_127 {strides = array<i32>} : memref<2000xi32, #tpu.memory_space<vmem>>, vector<16xi32>,
        %scan3A_131 = arith.constant 0 : i32
        scf.yield %scan3A_131 : i32
      }
      %scan3A_111 = arith.constant 125 : i32
      %dma_start3A = arith.constant 0 : i32
      %dma_start3A_112 = tpu.memref_slice %arg7[%dma_start3A] : memref<5632000xi32, #tpu.memory_space<hbm>> -> memref<5632000xi32, #tpu.memory_space<hbm>>
      tpu.enqueue_indirect_dma source(%dma_start3A_112 : memref<5632000xi32, #tpu.memory_space<hbm>>) target(%arg11 : memref<2000xi32, #tpu.memory_space<vmem>>) offsets(%arg10 : memref<2000xi32, #tpu.memory_space<vmem>>) semaphore(%arg22 : memref<!tpu.dma_semaphore, #tpu.memory_space<semaphore_mem>>)
      %dma_wait3A = arith.constant 0 : i32
      %dma_wait3A_113 = tpu.memref_slice %arg7[%dma_wait3A] : memref<5632000xi32, #tpu.memory_space<hbm>> -> memref<5632000xi32, #tpu.memory_space<hbm>>
      tpu.wait_indirect_dma semaphore(%arg22 : memref<!tpu.dma_semaphore, #tpu.memory_space<semaphore_mem>>) src(%dma_wait3A_113 : memref<5632000xi32, #tpu.memory_space<hbm>>) dst(%arg11 : memref<2000xi32, #tpu.memory_space<vmem>>)
      "tpu.region"() ({
        %run_scoped3A = tpu.sem_alloc : memref<!tpu.dma_semaphore, #tpu.memory_space<semaphore_mem>>
        %dma_start3A_121 = tpu.memref_slice %arg3[%multiple_of3A_104] : memref<500000xf32, #tpu.memory_space<hbm>> -> memref<2000xf32, #tpu.memory_space<hbm>>
        %dma_start3A_122 = tpu.memref_slice %arg3[%multiple_of3A_104] : memref<500000xf32, #tpu.memory_space<hbm>> -> memref<2000xf32, #tpu.memory_space<hbm>>
        tpu.enqueue_dma source(%dma_start3A_122 : memref<2000xf32, #tpu.memory_space<hbm>>) target(%arg13 : memref<2000xf32, #tpu.memory_space<vmem>>) target_semaphore(%run_scoped3A : memref<!tpu.dma_semaphore, #tpu.memory_space<semaphore_mem>>)
        %dma_wait3A_123 = tpu.memref_slice %arg3[%multiple_of3A_104] : memref<500000xf32, #tpu.memory_space<hbm>> -> memref<2000xf32, #tpu.memory_space<hbm>>
        %dma_wait3A_124 = tpu.memref_slice %arg3[%multiple_of3A_104] : memref<500000xf32, #tpu.memory_space<hbm>> -> memref<2000xf32, #tpu.memory_space<hbm>>
        tpu.wait_dma2 semaphore(%run_scoped3A : memref<!tpu.dma_semaphore, #tpu.memory_space<semaphore_mem>>) src(%dma_wait3A_124 : memref<2000xf32, #tpu.memory_space<hbm>>) dst(%arg13 : memref<2000xf32, #tpu.memory_space<vmem>>)
        tpu.yield
      }) : () -> ()
      "tpu.region"() ({
        %run_scoped3A = tpu.sem_alloc : memref<!tpu.dma_semaphore, #tpu.memory_space<semaphore_mem>>
        %dma_start3A_121 = tpu.memref_slice %arg4[%multiple_of3A_104] : memref<500000xf32, #tpu.memory_space<hbm>> -> memref<2000xf32, #tpu.memory_space<hbm>>
        %dma_start3A_122 = tpu.memref_slice %arg4[%multiple_of3A_104] : memref<500000xf32, #tpu.memory_space<hbm>> -> memref<2000xf32, #tpu.memory_space<hbm>>
        tpu.enqueue_dma source(%dma_start3A_122 : memref<2000xf32, #tpu.memory_space<hbm>>) target(%arg14 : memref<2000xf32, #tpu.memory_space<vmem>>) target_semaphore(%run_scoped3A : memref<!tpu.dma_semaphore, #tpu.memory_space<semaphore_mem>>)
        %dma_wait3A_123 = tpu.memref_slice %arg4[%multiple_of3A_104] : memref<500000xf32, #tpu.memory_space<hbm>> -> memref<2000xf32, #tpu.memory_space<hbm>>
        %dma_wait3A_124 = tpu.memref_slice %arg4[%multiple_of3A_104] : memref<500000xf32, #tpu.memory_space<hbm>> -> memref<2000xf32, #tpu.memory_space<hbm>>
        tpu.wait_dma2 semaphore(%run_scoped3A : memref<!tpu.dma_semaphore, #tpu.memory_space<semaphore_mem>>) src(%dma_wait3A_124 : memref<2000xf32, #tpu.memory_space<hbm>>) dst(%arg14 : memref<2000xf32, #tpu.memory_space<vmem>>)
        tpu.yield
      }) : () -> ()
      "tpu.region"() ({
        %run_scoped3A = tpu.sem_alloc : memref<!tpu.dma_semaphore, #tpu.memory_space<semaphore_mem>>
        %dma_start3A_121 = tpu.memref_slice %arg5[%multiple_of3A_104] : memref<500000xf32, #tpu.memory_space<hbm>> -> memref<2000xf32, #tpu.memory_space<hbm>>
        %dma_start3A_122 = tpu.memref_slice %arg5[%multiple_of3A_104] : memref<500000xf32, #tpu.memory_space<hbm>> -> memref<2000xf32, #tpu.memory_space<hbm>>
        tpu.enqueue_dma source(%dma_start3A_122 : memref<2000xf32, #tpu.memory_space<hbm>>) target(%arg15 : memref<2000xf32, #tpu.memory_space<vmem>>) target_semaphore(%run_scoped3A : memref<!tpu.dma_semaphore, #tpu.memory_space<semaphore_mem>>)
        %dma_wait3A_123 = tpu.memref_slice %arg5[%multiple_of3A_104] : memref<500000xf32, #tpu.memory_space<hbm>> -> memref<2000xf32, #tpu.memory_space<hbm>>
        %dma_wait3A_124 = tpu.memref_slice %arg5[%multiple_of3A_104] : memref<500000xf32, #tpu.memory_space<hbm>> -> memref<2000xf32, #tpu.memory_space<hbm>>
        tpu.wait_dma2 semaphore(%run_scoped3A : memref<!tpu.dma_semaphore, #tpu.memory_space<semaphore_mem>>) src(%dma_wait3A_124 : memref<2000xf32, #tpu.memory_space<hbm>>) dst(%arg15 : memref<2000xf32, #tpu.memory_space<vmem>>)
        tpu.yield
      }) : () -> ()
      "tpu.region"() ({
        %run_scoped3A = tpu.sem_alloc : memref<!tpu.dma_semaphore, #tpu.memory_space<semaphore_mem>>
        %dma_start3A_121 = tpu.memref_slice %arg6[%multiple_of3A_104] : memref<500000xf32, #tpu.memory_space<hbm>> -> memref<2000xf32, #tpu.memory_space<hbm>>
        %dma_start3A_122 = tpu.memref_slice %arg6[%multiple_of3A_104] : memref<500000xf32, #tpu.memory_space<hbm>> -> memref<2000xf32, #tpu.memory_space<hbm>>
        tpu.enqueue_dma source(%dma_start3A_122 : memref<2000xf32, #tpu.memory_space<hbm>>) target(%arg16 : memref<2000xf32, #tpu.memory_space<vmem>>) target_semaphore(%run_scoped3A : memref<!tpu.dma_semaphore, #tpu.memory_space<semaphore_mem>>)
        %dma_wait3A_123 = tpu.memref_slice %arg6[%multiple_of3A_104] : memref<500000xf32, #tpu.memory_space<hbm>> -> memref<2000xf32, #tpu.memory_space<hbm>>
        %dma_wait3A_124 = tpu.memref_slice %arg6[%multiple_of3A_104] : memref<500000xf32, #tpu.memory_space<hbm>> -> memref<2000xf32, #tpu.memory_space<hbm>>
        tpu.wait_dma2 semaphore(%run_scoped3A : memref<!tpu.dma_semaphore, #tpu.memory_space<semaphore_mem>>) src(%dma_wait3A_124 : memref<2000xf32, #tpu.memory_space<hbm>>) dst(%arg16 : memref<2000xf32, #tpu.memory_space<vmem>>)
        tpu.yield
      }) : () -> ()
      %scan3A_114 = arith.constant 0 : i32
      %scan3A_115 = arith.constant 0 : i32
      %scan3A_116 = arith.constant 125 : i32
      %scan3A_117 = arith.addi %scan3A_115, %scan3A_116 : i32
      %scan3A_118 = arith.constant 1 : i32
      %scan3A_119 = scf.for %scan3A_121 = %scan3A_115 to %scan3A_117 step %scan3A_118 iter_args(%scan3A_122 = %scan3A_114) -> (i32)  : i32 {
        %mul3A_123 = arith.constant 16 : i32
        %mul3A_124 = arith.muli %scan3A_121, %mul3A_123 : i32
        %get3A = arith.index_cast %mul3A_124 : i32 to index
        %get3A_125 = tpu.vector_load %arg11[%get3A] {strides = array<i32>} : memref<2000xi32, #tpu.memory_space<vmem>>, vector<16xi32>,
        %mul3A_126 = arith.constant 16 : i32
        %mul3A_127 = arith.muli %scan3A_121, %mul3A_126 : i32
        %get3A_128 = arith.index_cast %mul3A_127 : i32 to index
        %get3A_129 = tpu.vector_load %arg9[%get3A_128] {strides = array<i32>} : memref<2000xi32, #tpu.memory_space<vmem>>, vector<16xi32>,
        %lt3A_130 = arith.constant 5632000 : i32
        %lt3A_131 = vector.broadcast %lt3A_130 : i32 to vector<16xi32>
        %lt3A_132 = arith.cmpi slt, %get3A_129, %lt3A_131 : vector<16xi32>
        %lt3A_133 = arith.constant 240000 : i32
        %lt3A_134 = vector.broadcast %lt3A_133 : i32 to vector<16xi32>
        %lt3A_135 = arith.cmpi slt, %get3A_125, %lt3A_134 : vector<16xi32>
        %and3A = arith.andi %lt3A_132, %lt3A_135 : vector<16xi1>
        %mul3A_136 = arith.constant 16 : i32
        %mul3A_137 = arith.muli %add3A, %mul3A_136 : i32
        %add3A_138 = vector.broadcast %mul3A_137 : i32 to vector<16xi32>
        %add3A_139 = arith.addi %add3A_138, %iota3A : vector<16xi32>
        %add3A_140 = vector.broadcast %scan3A_121 : i32 to vector<16xi32>
        %add3A_141 = arith.addi %add3A_139, %add3A_140 : vector<16xi32>
        %and3A_142 = arith.constant 127 : i32
        %and3A_143 = vector.broadcast %and3A_142 : i32 to vector<16xi32>
        %and3A_144 = arith.andi %add3A_141, %and3A_143 : vector<16xi32>
        %add3A_145 = arith.constant 240000 : i32
        %add3A_146 = vector.broadcast %add3A_145 : i32 to vector<16xi32>
        %add3A_147 = arith.addi %add3A_146, %and3A_144 : vector<16xi32>
        %select_n3A = arith.select %and3A, %get3A_125, %add3A_147 : vector<16xi1>, vector<16xi32>
        %mul3A_148 = arith.constant 16 : i32
        %mul3A_149 = arith.muli %scan3A_121, %mul3A_148 : i32
        %swap3A = arith.index_cast %mul3A_149 : i32 to index
        %swap3A_150 = tpu.vector_load %arg12[%swap3A] {strides = array<i32>} : memref<2000xi32, #tpu.memory_space<vmem>>, vector<16xi32>,
        tpu.vector_store %arg12[%swap3A], %select_n3A {strides = array<i32>} : memref<2000xi32, #tpu.memory_space<vmem>>, vector<16xi32>,
        %scan3A_151 = arith.constant 0 : i32
        scf.yield %scan3A_151 : i32
      }
      %scan3A_120 = arith.constant 125 : i32
      "tpu.region"() ({
        %run_scoped3A = tpu.sem_alloc : memref<!tpu.dma_semaphore, #tpu.memory_space<semaphore_mem>>
        %dma_start3A_121 = arith.constant 0 : i32
        %dma_start3A_122 = tpu.memref_slice %arg18[%dma_start3A_121] : memref<240128xf32, #tpu.memory_space<vmem_shared>> -> memref<240128xf32, #tpu.memory_space<vmem_shared>>
        tpu.enqueue_indirect_dma source(%arg13 : memref<2000xf32, #tpu.memory_space<vmem>>) target(%dma_start3A_122 : memref<240128xf32, #tpu.memory_space<vmem_shared>>) offsets(%arg12 : memref<2000xi32, #tpu.memory_space<vmem>>) semaphore(%run_scoped3A : memref<!tpu.dma_semaphore, #tpu.memory_space<semaphore_mem>>) {add = true}
        %dma_wait3A_123 = arith.constant 0 : i32
        %dma_wait3A_124 = tpu.memref_slice %arg18[%dma_wait3A_123] : memref<240128xf32, #tpu.memory_space<vmem_shared>> -> memref<240128xf32, #tpu.memory_space<vmem_shared>>
        tpu.wait_indirect_dma semaphore(%run_scoped3A : memref<!tpu.dma_semaphore, #tpu.memory_space<semaphore_mem>>) src(%arg13 : memref<2000xf32, #tpu.memory_space<vmem>>) dst(%dma_wait3A_124 : memref<240128xf32, #tpu.memory_space<vmem_shared>>)
        tpu.yield
      }) : () -> ()
      "tpu.region"() ({
        %run_scoped3A = tpu.sem_alloc : memref<!tpu.dma_semaphore, #tpu.memory_space<semaphore_mem>>
        %dma_start3A_121 = arith.constant 0 : i32
        %dma_start3A_122 = tpu.memref_slice %arg19[%dma_start3A_121] : memref<240128xf32, #tpu.memory_space<vmem_shared>> -> memref<240128xf32, #tpu.memory_space<vmem_shared>>
        tpu.enqueue_indirect_dma source(%arg14 : memref<2000xf32, #tpu.memory_space<vmem>>) target(%dma_start3A_122 : memref<240128xf32, #tpu.memory_space<vmem_shared>>) offsets(%arg12 : memref<2000xi32, #tpu.memory_space<vmem>>) semaphore(%run_scoped3A : memref<!tpu.dma_semaphore, #tpu.memory_space<semaphore_mem>>) {add = true}
        %dma_wait3A_123 = arith.constant 0 : i32
        %dma_wait3A_124 = tpu.memref_slice %arg19[%dma_wait3A_123] : memref<240128xf32, #tpu.memory_space<vmem_shared>> -> memref<240128xf32, #tpu.memory_space<vmem_shared>>
        tpu.wait_indirect_dma semaphore(%run_scoped3A : memref<!tpu.dma_semaphore, #tpu.memory_space<semaphore_mem>>) src(%arg14 : memref<2000xf32, #tpu.memory_space<vmem>>) dst(%dma_wait3A_124 : memref<240128xf32, #tpu.memory_space<vmem_shared>>)
        tpu.yield
      }) : () -> ()
      "tpu.region"() ({
        %run_scoped3A = tpu.sem_alloc : memref<!tpu.dma_semaphore, #tpu.memory_space<semaphore_mem>>
        %dma_start3A_121 = arith.constant 0 : i32
        %dma_start3A_122 = tpu.memref_slice %arg20[%dma_start3A_121] : memref<240128xf32, #tpu.memory_space<vmem_shared>> -> memref<240128xf32, #tpu.memory_space<vmem_shared>>
        tpu.enqueue_indirect_dma source(%arg15 : memref<2000xf32, #tpu.memory_space<vmem>>) target(%dma_start3A_122 : memref<240128xf32, #tpu.memory_space<vmem_shared>>) offsets(%arg12 : memref<2000xi32, #tpu.memory_space<vmem>>) semaphore(%run_scoped3A : memref<!tpu.dma_semaphore, #tpu.memory_space<semaphore_mem>>) {add = true}
        %dma_wait3A_123 = arith.constant 0 : i32
        %dma_wait3A_124 = tpu.memref_slice %arg20[%dma_wait3A_123] : memref<240128xf32, #tpu.memory_space<vmem_shared>> -> memref<240128xf32, #tpu.memory_space<vmem_shared>>
        tpu.wait_indirect_dma semaphore(%run_scoped3A : memref<!tpu.dma_semaphore, #tpu.memory_space<semaphore_mem>>) src(%arg15 : memref<2000xf32, #tpu.memory_space<vmem>>) dst(%dma_wait3A_124 : memref<240128xf32, #tpu.memory_space<vmem_shared>>)
        tpu.yield
      }) : () -> ()
      "tpu.region"() ({
        %run_scoped3A = tpu.sem_alloc : memref<!tpu.dma_semaphore, #tpu.memory_space<semaphore_mem>>
        %dma_start3A_121 = arith.constant 0 : i32
        %dma_start3A_122 = tpu.memref_slice %arg21[%dma_start3A_121] : memref<240128xf32, #tpu.memory_space<vmem_shared>> -> memref<240128xf32, #tpu.memory_space<vmem_shared>>
        tpu.enqueue_indirect_dma source(%arg16 : memref<2000xf32, #tpu.memory_space<vmem>>) target(%dma_start3A_122 : memref<240128xf32, #tpu.memory_space<vmem_shared>>) offsets(%arg12 : memref<2000xi32, #tpu.memory_space<vmem>>) semaphore(%run_scoped3A : memref<!tpu.dma_semaphore, #tpu.memory_space<semaphore_mem>>) {add = true}
        %dma_wait3A_123 = arith.constant 0 : i32
        %dma_wait3A_124 = tpu.memref_slice %arg21[%dma_wait3A_123] : memref<240128xf32, #tpu.memory_space<vmem_shared>> -> memref<240128xf32, #tpu.memory_space<vmem_shared>>
        tpu.wait_indirect_dma semaphore(%run_scoped3A : memref<!tpu.dma_semaphore, #tpu.memory_space<semaphore_mem>>) src(%arg16 : memref<2000xf32, #tpu.memory_space<vmem>>) dst(%dma_wait3A_124 : memref<240128xf32, #tpu.memory_space<vmem_shared>>)
        tpu.yield
      }) : () -> ()
    } else {
    }
    %add3A_13 = arith.constant 32 : i32
    %add3A_14 = arith.addi %add3A_13, %add3A : i32
    %lt3A_15 = arith.constant 250 : i32
    %lt3A_16 = arith.cmpi slt, %add3A_14, %lt3A_15 : i32
    %convert_element_type3A_17 = arith.extui %lt3A_16 : i1 to i32
    %cond3A_18 = arith.constant 0 : i32
    %cond3A_19 = arith.cmpi ne, %convert_element_type3A_17, %cond3A_18 : i32
    scf.if %cond3A_19 {
      %mul3A_102 = arith.constant 2000 : i32
      %mul3A_103 = arith.muli %add3A_14, %mul3A_102 : i32
      %multiple_of3A_104 = tpu.assume_multiple %mul3A_103, 8 : i32
      "tpu.region"() ({
        %run_scoped3A = tpu.sem_alloc : memref<!tpu.dma_semaphore, #tpu.memory_space<semaphore_mem>>
        %dma_start3A_121 = tpu.memref_slice %arg2[%multiple_of3A_104] : memref<500000xi32, #tpu.memory_space<hbm>> -> memref<2000xi32, #tpu.memory_space<hbm>>
        %dma_start3A_122 = tpu.memref_slice %arg2[%multiple_of3A_104] : memref<500000xi32, #tpu.memory_space<hbm>> -> memref<2000xi32, #tpu.memory_space<hbm>>
        tpu.enqueue_dma source(%dma_start3A_122 : memref<2000xi32, #tpu.memory_space<hbm>>) target(%arg9 : memref<2000xi32, #tpu.memory_space<vmem>>) target_semaphore(%run_scoped3A : memref<!tpu.dma_semaphore, #tpu.memory_space<semaphore_mem>>)
        %dma_wait3A_123 = tpu.memref_slice %arg2[%multiple_of3A_104] : memref<500000xi32, #tpu.memory_space<hbm>> -> memref<2000xi32, #tpu.memory_space<hbm>>
        %dma_wait3A_124 = tpu.memref_slice %arg2[%multiple_of3A_104] : memref<500000xi32, #tpu.memory_space<hbm>> -> memref<2000xi32, #tpu.memory_space<hbm>>
        tpu.wait_dma2 semaphore(%run_scoped3A : memref<!tpu.dma_semaphore, #tpu.memory_space<semaphore_mem>>) src(%dma_wait3A_124 : memref<2000xi32, #tpu.memory_space<hbm>>) dst(%arg9 : memref<2000xi32, #tpu.memory_space<vmem>>)
        tpu.yield
      }) : () -> ()
      %scan3A_105 = arith.constant 0 : i32
      %scan3A_106 = arith.constant 0 : i32
      %scan3A_107 = arith.constant 125 : i32
      %scan3A_108 = arith.addi %scan3A_106, %scan3A_107 : i32
      %scan3A_109 = arith.constant 1 : i32
      %scan3A_110 = scf.for %scan3A_121 = %scan3A_106 to %scan3A_108 step %scan3A_109 iter_args(%scan3A_122 = %scan3A_105) -> (i32)  : i32 {
        %mul3A_123 = arith.constant 16 : i32
        %mul3A_124 = arith.muli %scan3A_121, %mul3A_123 : i32
        %get3A = arith.index_cast %mul3A_124 : i32 to index
        %get3A_125 = tpu.vector_load %arg9[%get3A] {strides = array<i32>} : memref<2000xi32, #tpu.memory_space<vmem>>, vector<16xi32>,
        %min3A = arith.constant 5631999 : i32
        %min3A_126 = vector.broadcast %min3A : i32 to vector<16xi32>
        %min3A_127 = arith.minsi %get3A_125, %min3A_126 : vector<16xi32>
        %mul3A_128 = arith.constant 16 : i32
        %mul3A_129 = arith.muli %scan3A_121, %mul3A_128 : i32
        %swap3A = arith.index_cast %mul3A_129 : i32 to index
        %swap3A_130 = tpu.vector_load %arg10[%swap3A] {strides = array<i32>} : memref<2000xi32, #tpu.memory_space<vmem>>, vector<16xi32>,
        tpu.vector_store %arg10[%swap3A], %min3A_127 {strides = array<i32>} : memref<2000xi32, #tpu.memory_space<vmem>>, vector<16xi32>,
        %scan3A_131 = arith.constant 0 : i32
        scf.yield %scan3A_131 : i32
      }
      %scan3A_111 = arith.constant 125 : i32
      %dma_start3A = arith.constant 0 : i32
      %dma_start3A_112 = tpu.memref_slice %arg7[%dma_start3A] : memref<5632000xi32, #tpu.memory_space<hbm>> -> memref<5632000xi32, #tpu.memory_space<hbm>>
      tpu.enqueue_indirect_dma source(%dma_start3A_112 : memref<5632000xi32, #tpu.memory_space<hbm>>) target(%arg11 : memref<2000xi32, #tpu.memory_space<vmem>>) offsets(%arg10 : memref<2000xi32, #tpu.memory_space<vmem>>) semaphore(%arg22 : memref<!tpu.dma_semaphore, #tpu.memory_space<semaphore_mem>>)
      %dma_wait3A = arith.constant 0 : i32
      %dma_wait3A_113 = tpu.memref_slice %arg7[%dma_wait3A] : memref<5632000xi32, #tpu.memory_space<hbm>> -> memref<5632000xi32, #tpu.memory_space<hbm>>
      tpu.wait_indirect_dma semaphore(%arg22 : memref<!tpu.dma_semaphore, #tpu.memory_space<semaphore_mem>>) src(%dma_wait3A_113 : memref<5632000xi32, #tpu.memory_space<hbm>>) dst(%arg11 : memref<2000xi32, #tpu.memory_space<vmem>>)
      "tpu.region"() ({
        %run_scoped3A = tpu.sem_alloc : memref<!tpu.dma_semaphore, #tpu.memory_space<semaphore_mem>>
        %dma_start3A_121 = tpu.memref_slice %arg3[%multiple_of3A_104] : memref<500000xf32, #tpu.memory_space<hbm>> -> memref<2000xf32, #tpu.memory_space<hbm>>
        %dma_start3A_122 = tpu.memref_slice %arg3[%multiple_of3A_104] : memref<500000xf32, #tpu.memory_space<hbm>> -> memref<2000xf32, #tpu.memory_space<hbm>>
        tpu.enqueue_dma source(%dma_start3A_122 : memref<2000xf32, #tpu.memory_space<hbm>>) target(%arg13 : memref<2000xf32, #tpu.memory_space<vmem>>) target_semaphore(%run_scoped3A : memref<!tpu.dma_semaphore, #tpu.memory_space<semaphore_mem>>)
        %dma_wait3A_123 = tpu.memref_slice %arg3[%multiple_of3A_104] : memref<500000xf32, #tpu.memory_space<hbm>> -> memref<2000xf32, #tpu.memory_space<hbm>>
        %dma_wait3A_124 = tpu.memref_slice %arg3[%multiple_of3A_104] : memref<500000xf32, #tpu.memory_space<hbm>> -> memref<2000xf32, #tpu.memory_space<hbm>>
        tpu.wait_dma2 semaphore(%run_scoped3A : memref<!tpu.dma_semaphore, #tpu.memory_space<semaphore_mem>>) src(%dma_wait3A_124 : memref<2000xf32, #tpu.memory_space<hbm>>) dst(%arg13 : memref<2000xf32, #tpu.memory_space<vmem>>)
        tpu.yield
      }) : () -> ()
      "tpu.region"() ({
        %run_scoped3A = tpu.sem_alloc : memref<!tpu.dma_semaphore, #tpu.memory_space<semaphore_mem>>
        %dma_start3A_121 = tpu.memref_slice %arg4[%multiple_of3A_104] : memref<500000xf32, #tpu.memory_space<hbm>> -> memref<2000xf32, #tpu.memory_space<hbm>>
        %dma_start3A_122 = tpu.memref_slice %arg4[%multiple_of3A_104] : memref<500000xf32, #tpu.memory_space<hbm>> -> memref<2000xf32, #tpu.memory_space<hbm>>
        tpu.enqueue_dma source(%dma_start3A_122 : memref<2000xf32, #tpu.memory_space<hbm>>) target(%arg14 : memref<2000xf32, #tpu.memory_space<vmem>>) target_semaphore(%run_scoped3A : memref<!tpu.dma_semaphore, #tpu.memory_space<semaphore_mem>>)
        %dma_wait3A_123 = tpu.memref_slice %arg4[%multiple_of3A_104] : memref<500000xf32, #tpu.memory_space<hbm>> -> memref<2000xf32, #tpu.memory_space<hbm>>
        %dma_wait3A_124 = tpu.memref_slice %arg4[%multiple_of3A_104] : memref<500000xf32, #tpu.memory_space<hbm>> -> memref<2000xf32, #tpu.memory_space<hbm>>
        tpu.wait_dma2 semaphore(%run_scoped3A : memref<!tpu.dma_semaphore, #tpu.memory_space<semaphore_mem>>) src(%dma_wait3A_124 : memref<2000xf32, #tpu.memory_space<hbm>>) dst(%arg14 : memref<2000xf32, #tpu.memory_space<vmem>>)
        tpu.yield
      }) : () -> ()
      "tpu.region"() ({
        %run_scoped3A = tpu.sem_alloc : memref<!tpu.dma_semaphore, #tpu.memory_space<semaphore_mem>>
        %dma_start3A_121 = tpu.memref_slice %arg5[%multiple_of3A_104] : memref<500000xf32, #tpu.memory_space<hbm>> -> memref<2000xf32, #tpu.memory_space<hbm>>
        %dma_start3A_122 = tpu.memref_slice %arg5[%multiple_of3A_104] : memref<500000xf32, #tpu.memory_space<hbm>> -> memref<2000xf32, #tpu.memory_space<hbm>>
        tpu.enqueue_dma source(%dma_start3A_122 : memref<2000xf32, #tpu.memory_space<hbm>>) target(%arg15 : memref<2000xf32, #tpu.memory_space<vmem>>) target_semaphore(%run_scoped3A : memref<!tpu.dma_semaphore, #tpu.memory_space<semaphore_mem>>)
        %dma_wait3A_123 = tpu.memref_slice %arg5[%multiple_of3A_104] : memref<500000xf32, #tpu.memory_space<hbm>> -> memref<2000xf32, #tpu.memory_space<hbm>>
        %dma_wait3A_124 = tpu.memref_slice %arg5[%multiple_of3A_104] : memref<500000xf32, #tpu.memory_space<hbm>> -> memref<2000xf32, #tpu.memory_space<hbm>>
        tpu.wait_dma2 semaphore(%run_scoped3A : memref<!tpu.dma_semaphore, #tpu.memory_space<semaphore_mem>>) src(%dma_wait3A_124 : memref<2000xf32, #tpu.memory_space<hbm>>) dst(%arg15 : memref<2000xf32, #tpu.memory_space<vmem>>)
        tpu.yield
      }) : () -> ()
      "tpu.region"() ({
        %run_scoped3A = tpu.sem_alloc : memref<!tpu.dma_semaphore, #tpu.memory_space<semaphore_mem>>
        %dma_start3A_121 = tpu.memref_slice %arg6[%multiple_of3A_104] : memref<500000xf32, #tpu.memory_space<hbm>> -> memref<2000xf32, #tpu.memory_space<hbm>>
        %dma_start3A_122 = tpu.memref_slice %arg6[%multiple_of3A_104] : memref<500000xf32, #tpu.memory_space<hbm>> -> memref<2000xf32, #tpu.memory_space<hbm>>
        tpu.enqueue_dma source(%dma_start3A_122 : memref<2000xf32, #tpu.memory_space<hbm>>) target(%arg16 : memref<2000xf32, #tpu.memory_space<vmem>>) target_semaphore(%run_scoped3A : memref<!tpu.dma_semaphore, #tpu.memory_space<semaphore_mem>>)
        %dma_wait3A_123 = tpu.memref_slice %arg6[%multiple_of3A_104] : memref<500000xf32, #tpu.memory_space<hbm>> -> memref<2000xf32, #tpu.memory_space<hbm>>
        %dma_wait3A_124 = tpu.memref_slice %arg6[%multiple_of3A_104] : memref<500000xf32, #tpu.memory_space<hbm>> -> memref<2000xf32, #tpu.memory_space<hbm>>
        tpu.wait_dma2 semaphore(%run_scoped3A : memref<!tpu.dma_semaphore, #tpu.memory_space<semaphore_mem>>) src(%dma_wait3A_124 : memref<2000xf32, #tpu.memory_space<hbm>>) dst(%arg16 : memref<2000xf32, #tpu.memory_space<vmem>>)
        tpu.yield
      }) : () -> ()
      %scan3A_114 = arith.constant 0 : i32
      %scan3A_115 = arith.constant 0 : i32
      %scan3A_116 = arith.constant 125 : i32
      %scan3A_117 = arith.addi %scan3A_115, %scan3A_116 : i32
      %scan3A_118 = arith.constant 1 : i32
      %scan3A_119 = scf.for %scan3A_121 = %scan3A_115 to %scan3A_117 step %scan3A_118 iter_args(%scan3A_122 = %scan3A_114) -> (i32)  : i32 {
        %mul3A_123 = arith.constant 16 : i32
        %mul3A_124 = arith.muli %scan3A_121, %mul3A_123 : i32
        %get3A = arith.index_cast %mul3A_124 : i32 to index
        %get3A_125 = tpu.vector_load %arg11[%get3A] {strides = array<i32>} : memref<2000xi32, #tpu.memory_space<vmem>>, vector<16xi32>,
        %mul3A_126 = arith.constant 16 : i32
        %mul3A_127 = arith.muli %scan3A_121, %mul3A_126 : i32
        %get3A_128 = arith.index_cast %mul3A_127 : i32 to index
        %get3A_129 = tpu.vector_load %arg9[%get3A_128] {strides = array<i32>} : memref<2000xi32, #tpu.memory_space<vmem>>, vector<16xi32>,
        %lt3A_130 = arith.constant 5632000 : i32
        %lt3A_131 = vector.broadcast %lt3A_130 : i32 to vector<16xi32>
        %lt3A_132 = arith.cmpi slt, %get3A_129, %lt3A_131 : vector<16xi32>
        %lt3A_133 = arith.constant 240000 : i32
        %lt3A_134 = vector.broadcast %lt3A_133 : i32 to vector<16xi32>
        %lt3A_135 = arith.cmpi slt, %get3A_125, %lt3A_134 : vector<16xi32>
        %and3A = arith.andi %lt3A_132, %lt3A_135 : vector<16xi1>
        %mul3A_136 = arith.constant 16 : i32
        %mul3A_137 = arith.muli %add3A, %mul3A_136 : i32
        %add3A_138 = vector.broadcast %mul3A_137 : i32 to vector<16xi32>
        %add3A_139 = arith.addi %add3A_138, %iota3A : vector<16xi32>
        %add3A_140 = vector.broadcast %scan3A_121 : i32 to vector<16xi32>
        %add3A_141 = arith.addi %add3A_139, %add3A_140 : vector<16xi32>
        %and3A_142 = arith.constant 127 : i32
        %and3A_143 = vector.broadcast %and3A_142 : i32 to vector<16xi32>
        %and3A_144 = arith.andi %add3A_141, %and3A_143 : vector<16xi32>
        %add3A_145 = arith.constant 240000 : i32
        %add3A_146 = vector.broadcast %add3A_145 : i32 to vector<16xi32>
        %add3A_147 = arith.addi %add3A_146, %and3A_144 : vector<16xi32>
        %select_n3A = arith.select %and3A, %get3A_125, %add3A_147 : vector<16xi1>, vector<16xi32>
        %mul3A_148 = arith.constant 16 : i32
        %mul3A_149 = arith.muli %scan3A_121, %mul3A_148 : i32
        %swap3A = arith.index_cast %mul3A_149 : i32 to index
        %swap3A_150 = tpu.vector_load %arg12[%swap3A] {strides = array<i32>} : memref<2000xi32, #tpu.memory_space<vmem>>, vector<16xi32>,
        tpu.vector_store %arg12[%swap3A], %select_n3A {strides = array<i32>} : memref<2000xi32, #tpu.memory_space<vmem>>, vector<16xi32>,
        %scan3A_151 = arith.constant 0 : i32
        scf.yield %scan3A_151 : i32
      }
      %scan3A_120 = arith.constant 125 : i32
      "tpu.region"() ({
        %run_scoped3A = tpu.sem_alloc : memref<!tpu.dma_semaphore, #tpu.memory_space<semaphore_mem>>
        %dma_start3A_121 = arith.constant 0 : i32
        %dma_start3A_122 = tpu.memref_slice %arg18[%dma_start3A_121] : memref<240128xf32, #tpu.memory_space<vmem_shared>> -> memref<240128xf32, #tpu.memory_space<vmem_shared>>
        tpu.enqueue_indirect_dma source(%arg13 : memref<2000xf32, #tpu.memory_space<vmem>>) target(%dma_start3A_122 : memref<240128xf32, #tpu.memory_space<vmem_shared>>) offsets(%arg12 : memref<2000xi32, #tpu.memory_space<vmem>>) semaphore(%run_scoped3A : memref<!tpu.dma_semaphore, #tpu.memory_space<semaphore_mem>>) {add = true}
        %dma_wait3A_123 = arith.constant 0 : i32
        %dma_wait3A_124 = tpu.memref_slice %arg18[%dma_wait3A_123] : memref<240128xf32, #tpu.memory_space<vmem_shared>> -> memref<240128xf32, #tpu.memory_space<vmem_shared>>
        tpu.wait_indirect_dma semaphore(%run_scoped3A : memref<!tpu.dma_semaphore, #tpu.memory_space<semaphore_mem>>) src(%arg13 : memref<2000xf32, #tpu.memory_space<vmem>>) dst(%dma_wait3A_124 : memref<240128xf32, #tpu.memory_space<vmem_shared>>)
        tpu.yield
      }) : () -> ()
      "tpu.region"() ({
        %run_scoped3A = tpu.sem_alloc : memref<!tpu.dma_semaphore, #tpu.memory_space<semaphore_mem>>
        %dma_start3A_121 = arith.constant 0 : i32
        %dma_start3A_122 = tpu.memref_slice %arg19[%dma_start3A_121] : memref<240128xf32, #tpu.memory_space<vmem_shared>> -> memref<240128xf32, #tpu.memory_space<vmem_shared>>
        tpu.enqueue_indirect_dma source(%arg14 : memref<2000xf32, #tpu.memory_space<vmem>>) target(%dma_start3A_122 : memref<240128xf32, #tpu.memory_space<vmem_shared>>) offsets(%arg12 : memref<2000xi32, #tpu.memory_space<vmem>>) semaphore(%run_scoped3A : memref<!tpu.dma_semaphore, #tpu.memory_space<semaphore_mem>>) {add = true}
        %dma_wait3A_123 = arith.constant 0 : i32
        %dma_wait3A_124 = tpu.memref_slice %arg19[%dma_wait3A_123] : memref<240128xf32, #tpu.memory_space<vmem_shared>> -> memref<240128xf32, #tpu.memory_space<vmem_shared>>
        tpu.wait_indirect_dma semaphore(%run_scoped3A : memref<!tpu.dma_semaphore, #tpu.memory_space<semaphore_mem>>) src(%arg14 : memref<2000xf32, #tpu.memory_space<vmem>>) dst(%dma_wait3A_124 : memref<240128xf32, #tpu.memory_space<vmem_shared>>)
        tpu.yield
      }) : () -> ()
      "tpu.region"() ({
        %run_scoped3A = tpu.sem_alloc : memref<!tpu.dma_semaphore, #tpu.memory_space<semaphore_mem>>
        %dma_start3A_121 = arith.constant 0 : i32
        %dma_start3A_122 = tpu.memref_slice %arg20[%dma_start3A_121] : memref<240128xf32, #tpu.memory_space<vmem_shared>> -> memref<240128xf32, #tpu.memory_space<vmem_shared>>
        tpu.enqueue_indirect_dma source(%arg15 : memref<2000xf32, #tpu.memory_space<vmem>>) target(%dma_start3A_122 : memref<240128xf32, #tpu.memory_space<vmem_shared>>) offsets(%arg12 : memref<2000xi32, #tpu.memory_space<vmem>>) semaphore(%run_scoped3A : memref<!tpu.dma_semaphore, #tpu.memory_space<semaphore_mem>>) {add = true}
        %dma_wait3A_123 = arith.constant 0 : i32
        %dma_wait3A_124 = tpu.memref_slice %arg20[%dma_wait3A_123] : memref<240128xf32, #tpu.memory_space<vmem_shared>> -> memref<240128xf32, #tpu.memory_space<vmem_shared>>
        tpu.wait_indirect_dma semaphore(%run_scoped3A : memref<!tpu.dma_semaphore, #tpu.memory_space<semaphore_mem>>) src(%arg15 : memref<2000xf32, #tpu.memory_space<vmem>>) dst(%dma_wait3A_124 : memref<240128xf32, #tpu.memory_space<vmem_shared>>)
        tpu.yield
      }) : () -> ()
      "tpu.region"() ({
        %run_scoped3A = tpu.sem_alloc : memref<!tpu.dma_semaphore, #tpu.memory_space<semaphore_mem>>
        %dma_start3A_121 = arith.constant 0 : i32
        %dma_start3A_122 = tpu.memref_slice %arg21[%dma_start3A_121] : memref<240128xf32, #tpu.memory_space<vmem_shared>> -> memref<240128xf32, #tpu.memory_space<vmem_shared>>
        tpu.enqueue_indirect_dma source(%arg16 : memref<2000xf32, #tpu.memory_space<vmem>>) target(%dma_start3A_122 : memref<240128xf32, #tpu.memory_space<vmem_shared>>) offsets(%arg12 : memref<2000xi32, #tpu.memory_space<vmem>>) semaphore(%run_scoped3A : memref<!tpu.dma_semaphore, #tpu.memory_space<semaphore_mem>>) {add = true}
        %dma_wait3A_123 = arith.constant 0 : i32
        %dma_wait3A_124 = tpu.memref_slice %arg21[%dma_wait3A_123] : memref<240128xf32, #tpu.memory_space<vmem_shared>> -> memref<240128xf32, #tpu.memory_space<vmem_shared>>
        tpu.wait_indirect_dma semaphore(%run_scoped3A : memref<!tpu.dma_semaphore, #tpu.memory_space<semaphore_mem>>) src(%arg16 : memref<2000xf32, #tpu.memory_space<vmem>>) dst(%dma_wait3A_124 : memref<240128xf32, #tpu.memory_space<vmem_shared>>)
        tpu.yield
      }) : () -> ()
    } else {
    }
    %add3A_20 = arith.constant 64 : i32
    %add3A_21 = arith.addi %add3A_20, %add3A : i32
    %lt3A_22 = arith.constant 250 : i32
    %lt3A_23 = arith.cmpi slt, %add3A_21, %lt3A_22 : i32
    %convert_element_type3A_24 = arith.extui %lt3A_23 : i1 to i32
    %cond3A_25 = arith.constant 0 : i32
    %cond3A_26 = arith.cmpi ne, %convert_element_type3A_24, %cond3A_25 : i32
    scf.if %cond3A_26 {
      %mul3A_102 = arith.constant 2000 : i32
      %mul3A_103 = arith.muli %add3A_21, %mul3A_102 : i32
      %multiple_of3A_104 = tpu.assume_multiple %mul3A_103, 8 : i32
      "tpu.region"() ({
        %run_scoped3A = tpu.sem_alloc : memref<!tpu.dma_semaphore, #tpu.memory_space<semaphore_mem>>
        %dma_start3A_121 = tpu.memref_slice %arg2[%multiple_of3A_104] : memref<500000xi32, #tpu.memory_space<hbm>> -> memref<2000xi32, #tpu.memory_space<hbm>>
        %dma_start3A_122 = tpu.memref_slice %arg2[%multiple_of3A_104] : memref<500000xi32, #tpu.memory_space<hbm>> -> memref<2000xi32, #tpu.memory_space<hbm>>
        tpu.enqueue_dma source(%dma_start3A_122 : memref<2000xi32, #tpu.memory_space<hbm>>) target(%arg9 : memref<2000xi32, #tpu.memory_space<vmem>>) target_semaphore(%run_scoped3A : memref<!tpu.dma_semaphore, #tpu.memory_space<semaphore_mem>>)
        %dma_wait3A_123 = tpu.memref_slice %arg2[%multiple_of3A_104] : memref<500000xi32, #tpu.memory_space<hbm>> -> memref<2000xi32, #tpu.memory_space<hbm>>
        %dma_wait3A_124 = tpu.memref_slice %arg2[%multiple_of3A_104] : memref<500000xi32, #tpu.memory_space<hbm>> -> memref<2000xi32, #tpu.memory_space<hbm>>
        tpu.wait_dma2 semaphore(%run_scoped3A : memref<!tpu.dma_semaphore, #tpu.memory_space<semaphore_mem>>) src(%dma_wait3A_124 : memref<2000xi32, #tpu.memory_space<hbm>>) dst(%arg9 : memref<2000xi32, #tpu.memory_space<vmem>>)
        tpu.yield
      }) : () -> ()
      %scan3A_105 = arith.constant 0 : i32
      %scan3A_106 = arith.constant 0 : i32
      %scan3A_107 = arith.constant 125 : i32
      %scan3A_108 = arith.addi %scan3A_106, %scan3A_107 : i32
      %scan3A_109 = arith.constant 1 : i32
      %scan3A_110 = scf.for %scan3A_121 = %scan3A_106 to %scan3A_108 step %scan3A_109 iter_args(%scan3A_122 = %scan3A_105) -> (i32)  : i32 {
        %mul3A_123 = arith.constant 16 : i32
        %mul3A_124 = arith.muli %scan3A_121, %mul3A_123 : i32
        %get3A = arith.index_cast %mul3A_124 : i32 to index
        %get3A_125 = tpu.vector_load %arg9[%get3A] {strides = array<i32>} : memref<2000xi32, #tpu.memory_space<vmem>>, vector<16xi32>,
        %min3A = arith.constant 5631999 : i32
        %min3A_126 = vector.broadcast %min3A : i32 to vector<16xi32>
        %min3A_127 = arith.minsi %get3A_125, %min3A_126 : vector<16xi32>
        %mul3A_128 = arith.constant 16 : i32
        %mul3A_129 = arith.muli %scan3A_121, %mul3A_128 : i32
        %swap3A = arith.index_cast %mul3A_129 : i32 to index
        %swap3A_130 = tpu.vector_load %arg10[%swap3A] {strides = array<i32>} : memref<2000xi32, #tpu.memory_space<vmem>>, vector<16xi32>,
        tpu.vector_store %arg10[%swap3A], %min3A_127 {strides = array<i32>} : memref<2000xi32, #tpu.memory_space<vmem>>, vector<16xi32>,
        %scan3A_131 = arith.constant 0 : i32
        scf.yield %scan3A_131 : i32
      }
      %scan3A_111 = arith.constant 125 : i32
      %dma_start3A = arith.constant 0 : i32
      %dma_start3A_112 = tpu.memref_slice %arg7[%dma_start3A] : memref<5632000xi32, #tpu.memory_space<hbm>> -> memref<5632000xi32, #tpu.memory_space<hbm>>
      tpu.enqueue_indirect_dma source(%dma_start3A_112 : memref<5632000xi32, #tpu.memory_space<hbm>>) target(%arg11 : memref<2000xi32, #tpu.memory_space<vmem>>) offsets(%arg10 : memref<2000xi32, #tpu.memory_space<vmem>>) semaphore(%arg22 : memref<!tpu.dma_semaphore, #tpu.memory_space<semaphore_mem>>)
      %dma_wait3A = arith.constant 0 : i32
      %dma_wait3A_113 = tpu.memref_slice %arg7[%dma_wait3A] : memref<5632000xi32, #tpu.memory_space<hbm>> -> memref<5632000xi32, #tpu.memory_space<hbm>>
      tpu.wait_indirect_dma semaphore(%arg22 : memref<!tpu.dma_semaphore, #tpu.memory_space<semaphore_mem>>) src(%dma_wait3A_113 : memref<5632000xi32, #tpu.memory_space<hbm>>) dst(%arg11 : memref<2000xi32, #tpu.memory_space<vmem>>)
      "tpu.region"() ({
        %run_scoped3A = tpu.sem_alloc : memref<!tpu.dma_semaphore, #tpu.memory_space<semaphore_mem>>
        %dma_start3A_121 = tpu.memref_slice %arg3[%multiple_of3A_104] : memref<500000xf32, #tpu.memory_space<hbm>> -> memref<2000xf32, #tpu.memory_space<hbm>>
        %dma_start3A_122 = tpu.memref_slice %arg3[%multiple_of3A_104] : memref<500000xf32, #tpu.memory_space<hbm>> -> memref<2000xf32, #tpu.memory_space<hbm>>
        tpu.enqueue_dma source(%dma_start3A_122 : memref<2000xf32, #tpu.memory_space<hbm>>) target(%arg13 : memref<2000xf32, #tpu.memory_space<vmem>>) target_semaphore(%run_scoped3A : memref<!tpu.dma_semaphore, #tpu.memory_space<semaphore_mem>>)
        %dma_wait3A_123 = tpu.memref_slice %arg3[%multiple_of3A_104] : memref<500000xf32, #tpu.memory_space<hbm>> -> memref<2000xf32, #tpu.memory_space<hbm>>
        %dma_wait3A_124 = tpu.memref_slice %arg3[%multiple_of3A_104] : memref<500000xf32, #tpu.memory_space<hbm>> -> memref<2000xf32, #tpu.memory_space<hbm>>
        tpu.wait_dma2 semaphore(%run_scoped3A : memref<!tpu.dma_semaphore, #tpu.memory_space<semaphore_mem>>) src(%dma_wait3A_124 : memref<2000xf32, #tpu.memory_space<hbm>>) dst(%arg13 : memref<2000xf32, #tpu.memory_space<vmem>>)
        tpu.yield
      }) : () -> ()
      "tpu.region"() ({
        %run_scoped3A = tpu.sem_alloc : memref<!tpu.dma_semaphore, #tpu.memory_space<semaphore_mem>>
        %dma_start3A_121 = tpu.memref_slice %arg4[%multiple_of3A_104] : memref<500000xf32, #tpu.memory_space<hbm>> -> memref<2000xf32, #tpu.memory_space<hbm>>
        %dma_start3A_122 = tpu.memref_slice %arg4[%multiple_of3A_104] : memref<500000xf32, #tpu.memory_space<hbm>> -> memref<2000xf32, #tpu.memory_space<hbm>>
        tpu.enqueue_dma source(%dma_start3A_122 : memref<2000xf32, #tpu.memory_space<hbm>>) target(%arg14 : memref<2000xf32, #tpu.memory_space<vmem>>) target_semaphore(%run_scoped3A : memref<!tpu.dma_semaphore, #tpu.memory_space<semaphore_mem>>)
        %dma_wait3A_123 = tpu.memref_slice %arg4[%multiple_of3A_104] : memref<500000xf32, #tpu.memory_space<hbm>> -> memref<2000xf32, #tpu.memory_space<hbm>>
        %dma_wait3A_124 = tpu.memref_slice %arg4[%multiple_of3A_104] : memref<500000xf32, #tpu.memory_space<hbm>> -> memref<2000xf32, #tpu.memory_space<hbm>>
        tpu.wait_dma2 semaphore(%run_scoped3A : memref<!tpu.dma_semaphore, #tpu.memory_space<semaphore_mem>>) src(%dma_wait3A_124 : memref<2000xf32, #tpu.memory_space<hbm>>) dst(%arg14 : memref<2000xf32, #tpu.memory_space<vmem>>)
        tpu.yield
      }) : () -> ()
      "tpu.region"() ({
        %run_scoped3A = tpu.sem_alloc : memref<!tpu.dma_semaphore, #tpu.memory_space<semaphore_mem>>
        %dma_start3A_121 = tpu.memref_slice %arg5[%multiple_of3A_104] : memref<500000xf32, #tpu.memory_space<hbm>> -> memref<2000xf32, #tpu.memory_space<hbm>>
        %dma_start3A_122 = tpu.memref_slice %arg5[%multiple_of3A_104] : memref<500000xf32, #tpu.memory_space<hbm>> -> memref<2000xf32, #tpu.memory_space<hbm>>
        tpu.enqueue_dma source(%dma_start3A_122 : memref<2000xf32, #tpu.memory_space<hbm>>) target(%arg15 : memref<2000xf32, #tpu.memory_space<vmem>>) target_semaphore(%run_scoped3A : memref<!tpu.dma_semaphore, #tpu.memory_space<semaphore_mem>>)
        %dma_wait3A_123 = tpu.memref_slice %arg5[%multiple_of3A_104] : memref<500000xf32, #tpu.memory_space<hbm>> -> memref<2000xf32, #tpu.memory_space<hbm>>
        %dma_wait3A_124 = tpu.memref_slice %arg5[%multiple_of3A_104] : memref<500000xf32, #tpu.memory_space<hbm>> -> memref<2000xf32, #tpu.memory_space<hbm>>
        tpu.wait_dma2 semaphore(%run_scoped3A : memref<!tpu.dma_semaphore, #tpu.memory_space<semaphore_mem>>) src(%dma_wait3A_124 : memref<2000xf32, #tpu.memory_space<hbm>>) dst(%arg15 : memref<2000xf32, #tpu.memory_space<vmem>>)
        tpu.yield
      }) : () -> ()
      "tpu.region"() ({
        %run_scoped3A = tpu.sem_alloc : memref<!tpu.dma_semaphore, #tpu.memory_space<semaphore_mem>>
        %dma_start3A_121 = tpu.memref_slice %arg6[%multiple_of3A_104] : memref<500000xf32, #tpu.memory_space<hbm>> -> memref<2000xf32, #tpu.memory_space<hbm>>
        %dma_start3A_122 = tpu.memref_slice %arg6[%multiple_of3A_104] : memref<500000xf32, #tpu.memory_space<hbm>> -> memref<2000xf32, #tpu.memory_space<hbm>>
        tpu.enqueue_dma source(%dma_start3A_122 : memref<2000xf32, #tpu.memory_space<hbm>>) target(%arg16 : memref<2000xf32, #tpu.memory_space<vmem>>) target_semaphore(%run_scoped3A : memref<!tpu.dma_semaphore, #tpu.memory_space<semaphore_mem>>)
        %dma_wait3A_123 = tpu.memref_slice %arg6[%multiple_of3A_104] : memref<500000xf32, #tpu.memory_space<hbm>> -> memref<2000xf32, #tpu.memory_space<hbm>>
        %dma_wait3A_124 = tpu.memref_slice %arg6[%multiple_of3A_104] : memref<500000xf32, #tpu.memory_space<hbm>> -> memref<2000xf32, #tpu.memory_space<hbm>>
        tpu.wait_dma2 semaphore(%run_scoped3A : memref<!tpu.dma_semaphore, #tpu.memory_space<semaphore_mem>>) src(%dma_wait3A_124 : memref<2000xf32, #tpu.memory_space<hbm>>) dst(%arg16 : memref<2000xf32, #tpu.memory_space<vmem>>)
        tpu.yield
      }) : () -> ()
      %scan3A_114 = arith.constant 0 : i32
      %scan3A_115 = arith.constant 0 : i32
      %scan3A_116 = arith.constant 125 : i32
      %scan3A_117 = arith.addi %scan3A_115, %scan3A_116 : i32
      %scan3A_118 = arith.constant 1 : i32
      %scan3A_119 = scf.for %scan3A_121 = %scan3A_115 to %scan3A_117 step %scan3A_118 iter_args(%scan3A_122 = %scan3A_114) -> (i32)  : i32 {
        %mul3A_123 = arith.constant 16 : i32
        %mul3A_124 = arith.muli %scan3A_121, %mul3A_123 : i32
        %get3A = arith.index_cast %mul3A_124 : i32 to index
        %get3A_125 = tpu.vector_load %arg11[%get3A] {strides = array<i32>} : memref<2000xi32, #tpu.memory_space<vmem>>, vector<16xi32>,
        %mul3A_126 = arith.constant 16 : i32
        %mul3A_127 = arith.muli %scan3A_121, %mul3A_126 : i32
        %get3A_128 = arith.index_cast %mul3A_127 : i32 to index
        %get3A_129 = tpu.vector_load %arg9[%get3A_128] {strides = array<i32>} : memref<2000xi32, #tpu.memory_space<vmem>>, vector<16xi32>,
        %lt3A_130 = arith.constant 5632000 : i32
        %lt3A_131 = vector.broadcast %lt3A_130 : i32 to vector<16xi32>
        %lt3A_132 = arith.cmpi slt, %get3A_129, %lt3A_131 : vector<16xi32>
        %lt3A_133 = arith.constant 240000 : i32
        %lt3A_134 = vector.broadcast %lt3A_133 : i32 to vector<16xi32>
        %lt3A_135 = arith.cmpi slt, %get3A_125, %lt3A_134 : vector<16xi32>
        %and3A = arith.andi %lt3A_132, %lt3A_135 : vector<16xi1>
        %mul3A_136 = arith.constant 16 : i32
        %mul3A_137 = arith.muli %add3A, %mul3A_136 : i32
        %add3A_138 = vector.broadcast %mul3A_137 : i32 to vector<16xi32>
        %add3A_139 = arith.addi %add3A_138, %iota3A : vector<16xi32>
        %add3A_140 = vector.broadcast %scan3A_121 : i32 to vector<16xi32>
        %add3A_141 = arith.addi %add3A_139, %add3A_140 : vector<16xi32>
        %and3A_142 = arith.constant 127 : i32
        %and3A_143 = vector.broadcast %and3A_142 : i32 to vector<16xi32>
        %and3A_144 = arith.andi %add3A_141, %and3A_143 : vector<16xi32>
        %add3A_145 = arith.constant 240000 : i32
        %add3A_146 = vector.broadcast %add3A_145 : i32 to vector<16xi32>
        %add3A_147 = arith.addi %add3A_146, %and3A_144 : vector<16xi32>
        %select_n3A = arith.select %and3A, %get3A_125, %add3A_147 : vector<16xi1>, vector<16xi32>
        %mul3A_148 = arith.constant 16 : i32
        %mul3A_149 = arith.muli %scan3A_121, %mul3A_148 : i32
        %swap3A = arith.index_cast %mul3A_149 : i32 to index
        %swap3A_150 = tpu.vector_load %arg12[%swap3A] {strides = array<i32>} : memref<2000xi32, #tpu.memory_space<vmem>>, vector<16xi32>,
        tpu.vector_store %arg12[%swap3A], %select_n3A {strides = array<i32>} : memref<2000xi32, #tpu.memory_space<vmem>>, vector<16xi32>,
        %scan3A_151 = arith.constant 0 : i32
        scf.yield %scan3A_151 : i32
      }
      %scan3A_120 = arith.constant 125 : i32
      "tpu.region"() ({
        %run_scoped3A = tpu.sem_alloc : memref<!tpu.dma_semaphore, #tpu.memory_space<semaphore_mem>>
        %dma_start3A_121 = arith.constant 0 : i32
        %dma_start3A_122 = tpu.memref_slice %arg18[%dma_start3A_121] : memref<240128xf32, #tpu.memory_space<vmem_shared>> -> memref<240128xf32, #tpu.memory_space<vmem_shared>>
        tpu.enqueue_indirect_dma source(%arg13 : memref<2000xf32, #tpu.memory_space<vmem>>) target(%dma_start3A_122 : memref<240128xf32, #tpu.memory_space<vmem_shared>>) offsets(%arg12 : memref<2000xi32, #tpu.memory_space<vmem>>) semaphore(%run_scoped3A : memref<!tpu.dma_semaphore, #tpu.memory_space<semaphore_mem>>) {add = true}
        %dma_wait3A_123 = arith.constant 0 : i32
        %dma_wait3A_124 = tpu.memref_slice %arg18[%dma_wait3A_123] : memref<240128xf32, #tpu.memory_space<vmem_shared>> -> memref<240128xf32, #tpu.memory_space<vmem_shared>>
        tpu.wait_indirect_dma semaphore(%run_scoped3A : memref<!tpu.dma_semaphore, #tpu.memory_space<semaphore_mem>>) src(%arg13 : memref<2000xf32, #tpu.memory_space<vmem>>) dst(%dma_wait3A_124 : memref<240128xf32, #tpu.memory_space<vmem_shared>>)
        tpu.yield
      }) : () -> ()
      "tpu.region"() ({
        %run_scoped3A = tpu.sem_alloc : memref<!tpu.dma_semaphore, #tpu.memory_space<semaphore_mem>>
        %dma_start3A_121 = arith.constant 0 : i32
        %dma_start3A_122 = tpu.memref_slice %arg19[%dma_start3A_121] : memref<240128xf32, #tpu.memory_space<vmem_shared>> -> memref<240128xf32, #tpu.memory_space<vmem_shared>>
        tpu.enqueue_indirect_dma source(%arg14 : memref<2000xf32, #tpu.memory_space<vmem>>) target(%dma_start3A_122 : memref<240128xf32, #tpu.memory_space<vmem_shared>>) offsets(%arg12 : memref<2000xi32, #tpu.memory_space<vmem>>) semaphore(%run_scoped3A : memref<!tpu.dma_semaphore, #tpu.memory_space<semaphore_mem>>) {add = true}
        %dma_wait3A_123 = arith.constant 0 : i32
        %dma_wait3A_124 = tpu.memref_slice %arg19[%dma_wait3A_123] : memref<240128xf32, #tpu.memory_space<vmem_shared>> -> memref<240128xf32, #tpu.memory_space<vmem_shared>>
        tpu.wait_indirect_dma semaphore(%run_scoped3A : memref<!tpu.dma_semaphore, #tpu.memory_space<semaphore_mem>>) src(%arg14 : memref<2000xf32, #tpu.memory_space<vmem>>) dst(%dma_wait3A_124 : memref<240128xf32, #tpu.memory_space<vmem_shared>>)
        tpu.yield
      }) : () -> ()
      "tpu.region"() ({
        %run_scoped3A = tpu.sem_alloc : memref<!tpu.dma_semaphore, #tpu.memory_space<semaphore_mem>>
        %dma_start3A_121 = arith.constant 0 : i32
        %dma_start3A_122 = tpu.memref_slice %arg20[%dma_start3A_121] : memref<240128xf32, #tpu.memory_space<vmem_shared>> -> memref<240128xf32, #tpu.memory_space<vmem_shared>>
        tpu.enqueue_indirect_dma source(%arg15 : memref<2000xf32, #tpu.memory_space<vmem>>) target(%dma_start3A_122 : memref<240128xf32, #tpu.memory_space<vmem_shared>>) offsets(%arg12 : memref<2000xi32, #tpu.memory_space<vmem>>) semaphore(%run_scoped3A : memref<!tpu.dma_semaphore, #tpu.memory_space<semaphore_mem>>) {add = true}
        %dma_wait3A_123 = arith.constant 0 : i32
        %dma_wait3A_124 = tpu.memref_slice %arg20[%dma_wait3A_123] : memref<240128xf32, #tpu.memory_space<vmem_shared>> -> memref<240128xf32, #tpu.memory_space<vmem_shared>>
        tpu.wait_indirect_dma semaphore(%run_scoped3A : memref<!tpu.dma_semaphore, #tpu.memory_space<semaphore_mem>>) src(%arg15 : memref<2000xf32, #tpu.memory_space<vmem>>) dst(%dma_wait3A_124 : memref<240128xf32, #tpu.memory_space<vmem_shared>>)
        tpu.yield
      }) : () -> ()
      "tpu.region"() ({
        %run_scoped3A = tpu.sem_alloc : memref<!tpu.dma_semaphore, #tpu.memory_space<semaphore_mem>>
        %dma_start3A_121 = arith.constant 0 : i32
        %dma_start3A_122 = tpu.memref_slice %arg21[%dma_start3A_121] : memref<240128xf32, #tpu.memory_space<vmem_shared>> -> memref<240128xf32, #tpu.memory_space<vmem_shared>>
        tpu.enqueue_indirect_dma source(%arg16 : memref<2000xf32, #tpu.memory_space<vmem>>) target(%dma_start3A_122 : memref<240128xf32, #tpu.memory_space<vmem_shared>>) offsets(%arg12 : memref<2000xi32, #tpu.memory_space<vmem>>) semaphore(%run_scoped3A : memref<!tpu.dma_semaphore, #tpu.memory_space<semaphore_mem>>) {add = true}
        %dma_wait3A_123 = arith.constant 0 : i32
        %dma_wait3A_124 = tpu.memref_slice %arg21[%dma_wait3A_123] : memref<240128xf32, #tpu.memory_space<vmem_shared>> -> memref<240128xf32, #tpu.memory_space<vmem_shared>>
        tpu.wait_indirect_dma semaphore(%run_scoped3A : memref<!tpu.dma_semaphore, #tpu.memory_space<semaphore_mem>>) src(%arg16 : memref<2000xf32, #tpu.memory_space<vmem>>) dst(%dma_wait3A_124 : memref<240128xf32, #tpu.memory_space<vmem_shared>>)
        tpu.yield
      }) : () -> ()
    } else {
    }
    %add3A_27 = arith.constant 96 : i32
    %add3A_28 = arith.addi %add3A_27, %add3A : i32
    %lt3A_29 = arith.constant 250 : i32
    %lt3A_30 = arith.cmpi slt, %add3A_28, %lt3A_29 : i32
    %convert_element_type3A_31 = arith.extui %lt3A_30 : i1 to i32
    %cond3A_32 = arith.constant 0 : i32
    %cond3A_33 = arith.cmpi ne, %convert_element_type3A_31, %cond3A_32 : i32
    scf.if %cond3A_33 {
      %mul3A_102 = arith.constant 2000 : i32
      %mul3A_103 = arith.muli %add3A_28, %mul3A_102 : i32
      %multiple_of3A_104 = tpu.assume_multiple %mul3A_103, 8 : i32
      "tpu.region"() ({
        %run_scoped3A = tpu.sem_alloc : memref<!tpu.dma_semaphore, #tpu.memory_space<semaphore_mem>>
        %dma_start3A_121 = tpu.memref_slice %arg2[%multiple_of3A_104] : memref<500000xi32, #tpu.memory_space<hbm>> -> memref<2000xi32, #tpu.memory_space<hbm>>
        %dma_start3A_122 = tpu.memref_slice %arg2[%multiple_of3A_104] : memref<500000xi32, #tpu.memory_space<hbm>> -> memref<2000xi32, #tpu.memory_space<hbm>>
        tpu.enqueue_dma source(%dma_start3A_122 : memref<2000xi32, #tpu.memory_space<hbm>>) target(%arg9 : memref<2000xi32, #tpu.memory_space<vmem>>) target_semaphore(%run_scoped3A : memref<!tpu.dma_semaphore, #tpu.memory_space<semaphore_mem>>)
        %dma_wait3A_123 = tpu.memref_slice %arg2[%multiple_of3A_104] : memref<500000xi32, #tpu.memory_space<hbm>> -> memref<2000xi32, #tpu.memory_space<hbm>>
        %dma_wait3A_124 = tpu.memref_slice %arg2[%multiple_of3A_104] : memref<500000xi32, #tpu.memory_space<hbm>> -> memref<2000xi32, #tpu.memory_space<hbm>>
        tpu.wait_dma2 semaphore(%run_scoped3A : memref<!tpu.dma_semaphore, #tpu.memory_space<semaphore_mem>>) src(%dma_wait3A_124 : memref<2000xi32, #tpu.memory_space<hbm>>) dst(%arg9 : memref<2000xi32, #tpu.memory_space<vmem>>)
        tpu.yield
      }) : () -> ()
      %scan3A_105 = arith.constant 0 : i32
      %scan3A_106 = arith.constant 0 : i32
      %scan3A_107 = arith.constant 125 : i32
      %scan3A_108 = arith.addi %scan3A_106, %scan3A_107 : i32
      %scan3A_109 = arith.constant 1 : i32
      %scan3A_110 = scf.for %scan3A_121 = %scan3A_106 to %scan3A_108 step %scan3A_109 iter_args(%scan3A_122 = %scan3A_105) -> (i32)  : i32 {
        %mul3A_123 = arith.constant 16 : i32
        %mul3A_124 = arith.muli %scan3A_121, %mul3A_123 : i32
        %get3A = arith.index_cast %mul3A_124 : i32 to index
        %get3A_125 = tpu.vector_load %arg9[%get3A] {strides = array<i32>} : memref<2000xi32, #tpu.memory_space<vmem>>, vector<16xi32>,
        %min3A = arith.constant 5631999 : i32
        %min3A_126 = vector.broadcast %min3A : i32 to vector<16xi32>
        %min3A_127 = arith.minsi %get3A_125, %min3A_126 : vector<16xi32>
        %mul3A_128 = arith.constant 16 : i32
        %mul3A_129 = arith.muli %scan3A_121, %mul3A_128 : i32
        %swap3A = arith.index_cast %mul3A_129 : i32 to index
        %swap3A_130 = tpu.vector_load %arg10[%swap3A] {strides = array<i32>} : memref<2000xi32, #tpu.memory_space<vmem>>, vector<16xi32>,
        tpu.vector_store %arg10[%swap3A], %min3A_127 {strides = array<i32>} : memref<2000xi32, #tpu.memory_space<vmem>>, vector<16xi32>,
        %scan3A_131 = arith.constant 0 : i32
        scf.yield %scan3A_131 : i32
      }
      %scan3A_111 = arith.constant 125 : i32
      %dma_start3A = arith.constant 0 : i32
      %dma_start3A_112 = tpu.memref_slice %arg7[%dma_start3A] : memref<5632000xi32, #tpu.memory_space<hbm>> -> memref<5632000xi32, #tpu.memory_space<hbm>>
      tpu.enqueue_indirect_dma source(%dma_start3A_112 : memref<5632000xi32, #tpu.memory_space<hbm>>) target(%arg11 : memref<2000xi32, #tpu.memory_space<vmem>>) offsets(%arg10 : memref<2000xi32, #tpu.memory_space<vmem>>) semaphore(%arg22 : memref<!tpu.dma_semaphore, #tpu.memory_space<semaphore_mem>>)
      %dma_wait3A = arith.constant 0 : i32
      %dma_wait3A_113 = tpu.memref_slice %arg7[%dma_wait3A] : memref<5632000xi32, #tpu.memory_space<hbm>> -> memref<5632000xi32, #tpu.memory_space<hbm>>
      tpu.wait_indirect_dma semaphore(%arg22 : memref<!tpu.dma_semaphore, #tpu.memory_space<semaphore_mem>>) src(%dma_wait3A_113 : memref<5632000xi32, #tpu.memory_space<hbm>>) dst(%arg11 : memref<2000xi32, #tpu.memory_space<vmem>>)
      "tpu.region"() ({
        %run_scoped3A = tpu.sem_alloc : memref<!tpu.dma_semaphore, #tpu.memory_space<semaphore_mem>>
        %dma_start3A_121 = tpu.memref_slice %arg3[%multiple_of3A_104] : memref<500000xf32, #tpu.memory_space<hbm>> -> memref<2000xf32, #tpu.memory_space<hbm>>
        %dma_start3A_122 = tpu.memref_slice %arg3[%multiple_of3A_104] : memref<500000xf32, #tpu.memory_space<hbm>> -> memref<2000xf32, #tpu.memory_space<hbm>>
        tpu.enqueue_dma source(%dma_start3A_122 : memref<2000xf32, #tpu.memory_space<hbm>>) target(%arg13 : memref<2000xf32, #tpu.memory_space<vmem>>) target_semaphore(%run_scoped3A : memref<!tpu.dma_semaphore, #tpu.memory_space<semaphore_mem>>)
        %dma_wait3A_123 = tpu.memref_slice %arg3[%multiple_of3A_104] : memref<500000xf32, #tpu.memory_space<hbm>> -> memref<2000xf32, #tpu.memory_space<hbm>>
        %dma_wait3A_124 = tpu.memref_slice %arg3[%multiple_of3A_104] : memref<500000xf32, #tpu.memory_space<hbm>> -> memref<2000xf32, #tpu.memory_space<hbm>>
        tpu.wait_dma2 semaphore(%run_scoped3A : memref<!tpu.dma_semaphore, #tpu.memory_space<semaphore_mem>>) src(%dma_wait3A_124 : memref<2000xf32, #tpu.memory_space<hbm>>) dst(%arg13 : memref<2000xf32, #tpu.memory_space<vmem>>)
        tpu.yield
      }) : () -> ()
      "tpu.region"() ({
        %run_scoped3A = tpu.sem_alloc : memref<!tpu.dma_semaphore, #tpu.memory_space<semaphore_mem>>
        %dma_start3A_121 = tpu.memref_slice %arg4[%multiple_of3A_104] : memref<500000xf32, #tpu.memory_space<hbm>> -> memref<2000xf32, #tpu.memory_space<hbm>>
        %dma_start3A_122 = tpu.memref_slice %arg4[%multiple_of3A_104] : memref<500000xf32, #tpu.memory_space<hbm>> -> memref<2000xf32, #tpu.memory_space<hbm>>
        tpu.enqueue_dma source(%dma_start3A_122 : memref<2000xf32, #tpu.memory_space<hbm>>) target(%arg14 : memref<2000xf32, #tpu.memory_space<vmem>>) target_semaphore(%run_scoped3A : memref<!tpu.dma_semaphore, #tpu.memory_space<semaphore_mem>>)
        %dma_wait3A_123 = tpu.memref_slice %arg4[%multiple_of3A_104] : memref<500000xf32, #tpu.memory_space<hbm>> -> memref<2000xf32, #tpu.memory_space<hbm>>
        %dma_wait3A_124 = tpu.memref_slice %arg4[%multiple_of3A_104] : memref<500000xf32, #tpu.memory_space<hbm>> -> memref<2000xf32, #tpu.memory_space<hbm>>
        tpu.wait_dma2 semaphore(%run_scoped3A : memref<!tpu.dma_semaphore, #tpu.memory_space<semaphore_mem>>) src(%dma_wait3A_124 : memref<2000xf32, #tpu.memory_space<hbm>>) dst(%arg14 : memref<2000xf32, #tpu.memory_space<vmem>>)
        tpu.yield
      }) : () -> ()
      "tpu.region"() ({
        %run_scoped3A = tpu.sem_alloc : memref<!tpu.dma_semaphore, #tpu.memory_space<semaphore_mem>>
        %dma_start3A_121 = tpu.memref_slice %arg5[%multiple_of3A_104] : memref<500000xf32, #tpu.memory_space<hbm>> -> memref<2000xf32, #tpu.memory_space<hbm>>
        %dma_start3A_122 = tpu.memref_slice %arg5[%multiple_of3A_104] : memref<500000xf32, #tpu.memory_space<hbm>> -> memref<2000xf32, #tpu.memory_space<hbm>>
        tpu.enqueue_dma source(%dma_start3A_122 : memref<2000xf32, #tpu.memory_space<hbm>>) target(%arg15 : memref<2000xf32, #tpu.memory_space<vmem>>) target_semaphore(%run_scoped3A : memref<!tpu.dma_semaphore, #tpu.memory_space<semaphore_mem>>)
        %dma_wait3A_123 = tpu.memref_slice %arg5[%multiple_of3A_104] : memref<500000xf32, #tpu.memory_space<hbm>> -> memref<2000xf32, #tpu.memory_space<hbm>>
        %dma_wait3A_124 = tpu.memref_slice %arg5[%multiple_of3A_104] : memref<500000xf32, #tpu.memory_space<hbm>> -> memref<2000xf32, #tpu.memory_space<hbm>>
        tpu.wait_dma2 semaphore(%run_scoped3A : memref<!tpu.dma_semaphore, #tpu.memory_space<semaphore_mem>>) src(%dma_wait3A_124 : memref<2000xf32, #tpu.memory_space<hbm>>) dst(%arg15 : memref<2000xf32, #tpu.memory_space<vmem>>)
        tpu.yield
      }) : () -> ()
      "tpu.region"() ({
        %run_scoped3A = tpu.sem_alloc : memref<!tpu.dma_semaphore, #tpu.memory_space<semaphore_mem>>
        %dma_start3A_121 = tpu.memref_slice %arg6[%multiple_of3A_104] : memref<500000xf32, #tpu.memory_space<hbm>> -> memref<2000xf32, #tpu.memory_space<hbm>>
        %dma_start3A_122 = tpu.memref_slice %arg6[%multiple_of3A_104] : memref<500000xf32, #tpu.memory_space<hbm>> -> memref<2000xf32, #tpu.memory_space<hbm>>
        tpu.enqueue_dma source(%dma_start3A_122 : memref<2000xf32, #tpu.memory_space<hbm>>) target(%arg16 : memref<2000xf32, #tpu.memory_space<vmem>>) target_semaphore(%run_scoped3A : memref<!tpu.dma_semaphore, #tpu.memory_space<semaphore_mem>>)
        %dma_wait3A_123 = tpu.memref_slice %arg6[%multiple_of3A_104] : memref<500000xf32, #tpu.memory_space<hbm>> -> memref<2000xf32, #tpu.memory_space<hbm>>
        %dma_wait3A_124 = tpu.memref_slice %arg6[%multiple_of3A_104] : memref<500000xf32, #tpu.memory_space<hbm>> -> memref<2000xf32, #tpu.memory_space<hbm>>
        tpu.wait_dma2 semaphore(%run_scoped3A : memref<!tpu.dma_semaphore, #tpu.memory_space<semaphore_mem>>) src(%dma_wait3A_124 : memref<2000xf32, #tpu.memory_space<hbm>>) dst(%arg16 : memref<2000xf32, #tpu.memory_space<vmem>>)
        tpu.yield
      }) : () -> ()
      %scan3A_114 = arith.constant 0 : i32
      %scan3A_115 = arith.constant 0 : i32
      %scan3A_116 = arith.constant 125 : i32
      %scan3A_117 = arith.addi %scan3A_115, %scan3A_116 : i32
      %scan3A_118 = arith.constant 1 : i32
      %scan3A_119 = scf.for %scan3A_121 = %scan3A_115 to %scan3A_117 step %scan3A_118 iter_args(%scan3A_122 = %scan3A_114) -> (i32)  : i32 {
        %mul3A_123 = arith.constant 16 : i32
        %mul3A_124 = arith.muli %scan3A_121, %mul3A_123 : i32
        %get3A = arith.index_cast %mul3A_124 : i32 to index
        %get3A_125 = tpu.vector_load %arg11[%get3A] {strides = array<i32>} : memref<2000xi32, #tpu.memory_space<vmem>>, vector<16xi32>,
        %mul3A_126 = arith.constant 16 : i32
        %mul3A_127 = arith.muli %scan3A_121, %mul3A_126 : i32
        %get3A_128 = arith.index_cast %mul3A_127 : i32 to index
        %get3A_129 = tpu.vector_load %arg9[%get3A_128] {strides = array<i32>} : memref<2000xi32, #tpu.memory_space<vmem>>, vector<16xi32>,
        %lt3A_130 = arith.constant 5632000 : i32
        %lt3A_131 = vector.broadcast %lt3A_130 : i32 to vector<16xi32>
        %lt3A_132 = arith.cmpi slt, %get3A_129, %lt3A_131 : vector<16xi32>
        %lt3A_133 = arith.constant 240000 : i32
        %lt3A_134 = vector.broadcast %lt3A_133 : i32 to vector<16xi32>
        %lt3A_135 = arith.cmpi slt, %get3A_125, %lt3A_134 : vector<16xi32>
        %and3A = arith.andi %lt3A_132, %lt3A_135 : vector<16xi1>
        %mul3A_136 = arith.constant 16 : i32
        %mul3A_137 = arith.muli %add3A, %mul3A_136 : i32
        %add3A_138 = vector.broadcast %mul3A_137 : i32 to vector<16xi32>
        %add3A_139 = arith.addi %add3A_138, %iota3A : vector<16xi32>
        %add3A_140 = vector.broadcast %scan3A_121 : i32 to vector<16xi32>
        %add3A_141 = arith.addi %add3A_139, %add3A_140 : vector<16xi32>
        %and3A_142 = arith.constant 127 : i32
        %and3A_143 = vector.broadcast %and3A_142 : i32 to vector<16xi32>
        %and3A_144 = arith.andi %add3A_141, %and3A_143 : vector<16xi32>
        %add3A_145 = arith.constant 240000 : i32
        %add3A_146 = vector.broadcast %add3A_145 : i32 to vector<16xi32>
        %add3A_147 = arith.addi %add3A_146, %and3A_144 : vector<16xi32>
        %select_n3A = arith.select %and3A, %get3A_125, %add3A_147 : vector<16xi1>, vector<16xi32>
        %mul3A_148 = arith.constant 16 : i32
        %mul3A_149 = arith.muli %scan3A_121, %mul3A_148 : i32
        %swap3A = arith.index_cast %mul3A_149 : i32 to index
        %swap3A_150 = tpu.vector_load %arg12[%swap3A] {strides = array<i32>} : memref<2000xi32, #tpu.memory_space<vmem>>, vector<16xi32>,
        tpu.vector_store %arg12[%swap3A], %select_n3A {strides = array<i32>} : memref<2000xi32, #tpu.memory_space<vmem>>, vector<16xi32>,
        %scan3A_151 = arith.constant 0 : i32
        scf.yield %scan3A_151 : i32
      }
      %scan3A_120 = arith.constant 125 : i32
      "tpu.region"() ({
        %run_scoped3A = tpu.sem_alloc : memref<!tpu.dma_semaphore, #tpu.memory_space<semaphore_mem>>
        %dma_start3A_121 = arith.constant 0 : i32
        %dma_start3A_122 = tpu.memref_slice %arg18[%dma_start3A_121] : memref<240128xf32, #tpu.memory_space<vmem_shared>> -> memref<240128xf32, #tpu.memory_space<vmem_shared>>
        tpu.enqueue_indirect_dma source(%arg13 : memref<2000xf32, #tpu.memory_space<vmem>>) target(%dma_start3A_122 : memref<240128xf32, #tpu.memory_space<vmem_shared>>) offsets(%arg12 : memref<2000xi32, #tpu.memory_space<vmem>>) semaphore(%run_scoped3A : memref<!tpu.dma_semaphore, #tpu.memory_space<semaphore_mem>>) {add = true}
        %dma_wait3A_123 = arith.constant 0 : i32
        %dma_wait3A_124 = tpu.memref_slice %arg18[%dma_wait3A_123] : memref<240128xf32, #tpu.memory_space<vmem_shared>> -> memref<240128xf32, #tpu.memory_space<vmem_shared>>
        tpu.wait_indirect_dma semaphore(%run_scoped3A : memref<!tpu.dma_semaphore, #tpu.memory_space<semaphore_mem>>) src(%arg13 : memref<2000xf32, #tpu.memory_space<vmem>>) dst(%dma_wait3A_124 : memref<240128xf32, #tpu.memory_space<vmem_shared>>)
        tpu.yield
      }) : () -> ()
      "tpu.region"() ({
        %run_scoped3A = tpu.sem_alloc : memref<!tpu.dma_semaphore, #tpu.memory_space<semaphore_mem>>
        %dma_start3A_121 = arith.constant 0 : i32
        %dma_start3A_122 = tpu.memref_slice %arg19[%dma_start3A_121] : memref<240128xf32, #tpu.memory_space<vmem_shared>> -> memref<240128xf32, #tpu.memory_space<vmem_shared>>
        tpu.enqueue_indirect_dma source(%arg14 : memref<2000xf32, #tpu.memory_space<vmem>>) target(%dma_start3A_122 : memref<240128xf32, #tpu.memory_space<vmem_shared>>) offsets(%arg12 : memref<2000xi32, #tpu.memory_space<vmem>>) semaphore(%run_scoped3A : memref<!tpu.dma_semaphore, #tpu.memory_space<semaphore_mem>>) {add = true}
        %dma_wait3A_123 = arith.constant 0 : i32
        %dma_wait3A_124 = tpu.memref_slice %arg19[%dma_wait3A_123] : memref<240128xf32, #tpu.memory_space<vmem_shared>> -> memref<240128xf32, #tpu.memory_space<vmem_shared>>
        tpu.wait_indirect_dma semaphore(%run_scoped3A : memref<!tpu.dma_semaphore, #tpu.memory_space<semaphore_mem>>) src(%arg14 : memref<2000xf32, #tpu.memory_space<vmem>>) dst(%dma_wait3A_124 : memref<240128xf32, #tpu.memory_space<vmem_shared>>)
        tpu.yield
      }) : () -> ()
      "tpu.region"() ({
        %run_scoped3A = tpu.sem_alloc : memref<!tpu.dma_semaphore, #tpu.memory_space<semaphore_mem>>
        %dma_start3A_121 = arith.constant 0 : i32
        %dma_start3A_122 = tpu.memref_slice %arg20[%dma_start3A_121] : memref<240128xf32, #tpu.memory_space<vmem_shared>> -> memref<240128xf32, #tpu.memory_space<vmem_shared>>
        tpu.enqueue_indirect_dma source(%arg15 : memref<2000xf32, #tpu.memory_space<vmem>>) target(%dma_start3A_122 : memref<240128xf32, #tpu.memory_space<vmem_shared>>) offsets(%arg12 : memref<2000xi32, #tpu.memory_space<vmem>>) semaphore(%run_scoped3A : memref<!tpu.dma_semaphore, #tpu.memory_space<semaphore_mem>>) {add = true}
        %dma_wait3A_123 = arith.constant 0 : i32
        %dma_wait3A_124 = tpu.memref_slice %arg20[%dma_wait3A_123] : memref<240128xf32, #tpu.memory_space<vmem_shared>> -> memref<240128xf32, #tpu.memory_space<vmem_shared>>
        tpu.wait_indirect_dma semaphore(%run_scoped3A : memref<!tpu.dma_semaphore, #tpu.memory_space<semaphore_mem>>) src(%arg15 : memref<2000xf32, #tpu.memory_space<vmem>>) dst(%dma_wait3A_124 : memref<240128xf32, #tpu.memory_space<vmem_shared>>)
        tpu.yield
      }) : () -> ()
      "tpu.region"() ({
        %run_scoped3A = tpu.sem_alloc : memref<!tpu.dma_semaphore, #tpu.memory_space<semaphore_mem>>
        %dma_start3A_121 = arith.constant 0 : i32
        %dma_start3A_122 = tpu.memref_slice %arg21[%dma_start3A_121] : memref<240128xf32, #tpu.memory_space<vmem_shared>> -> memref<240128xf32, #tpu.memory_space<vmem_shared>>
        tpu.enqueue_indirect_dma source(%arg16 : memref<2000xf32, #tpu.memory_space<vmem>>) target(%dma_start3A_122 : memref<240128xf32, #tpu.memory_space<vmem_shared>>) offsets(%arg12 : memref<2000xi32, #tpu.memory_space<vmem>>) semaphore(%run_scoped3A : memref<!tpu.dma_semaphore, #tpu.memory_space<semaphore_mem>>) {add = true}
        %dma_wait3A_123 = arith.constant 0 : i32
        %dma_wait3A_124 = tpu.memref_slice %arg21[%dma_wait3A_123] : memref<240128xf32, #tpu.memory_space<vmem_shared>> -> memref<240128xf32, #tpu.memory_space<vmem_shared>>
        tpu.wait_indirect_dma semaphore(%run_scoped3A : memref<!tpu.dma_semaphore, #tpu.memory_space<semaphore_mem>>) src(%arg16 : memref<2000xf32, #tpu.memory_space<vmem>>) dst(%dma_wait3A_124 : memref<240128xf32, #tpu.memory_space<vmem_shared>>)
        tpu.yield
      }) : () -> ()
    } else {
    }
    %add3A_34 = arith.constant 128 : i32
    %add3A_35 = arith.addi %add3A_34, %add3A : i32
    %lt3A_36 = arith.constant 250 : i32
    %lt3A_37 = arith.cmpi slt, %add3A_35, %lt3A_36 : i32
    %convert_element_type3A_38 = arith.extui %lt3A_37 : i1 to i32
    %cond3A_39 = arith.constant 0 : i32
    %cond3A_40 = arith.cmpi ne, %convert_element_type3A_38, %cond3A_39 : i32
    scf.if %cond3A_40 {
      %mul3A_102 = arith.constant 2000 : i32
      %mul3A_103 = arith.muli %add3A_35, %mul3A_102 : i32
      %multiple_of3A_104 = tpu.assume_multiple %mul3A_103, 8 : i32
      "tpu.region"() ({
        %run_scoped3A = tpu.sem_alloc : memref<!tpu.dma_semaphore, #tpu.memory_space<semaphore_mem>>
        %dma_start3A_121 = tpu.memref_slice %arg2[%multiple_of3A_104] : memref<500000xi32, #tpu.memory_space<hbm>> -> memref<2000xi32, #tpu.memory_space<hbm>>
        %dma_start3A_122 = tpu.memref_slice %arg2[%multiple_of3A_104] : memref<500000xi32, #tpu.memory_space<hbm>> -> memref<2000xi32, #tpu.memory_space<hbm>>
        tpu.enqueue_dma source(%dma_start3A_122 : memref<2000xi32, #tpu.memory_space<hbm>>) target(%arg9 : memref<2000xi32, #tpu.memory_space<vmem>>) target_semaphore(%run_scoped3A : memref<!tpu.dma_semaphore, #tpu.memory_space<semaphore_mem>>)
        %dma_wait3A_123 = tpu.memref_slice %arg2[%multiple_of3A_104] : memref<500000xi32, #tpu.memory_space<hbm>> -> memref<2000xi32, #tpu.memory_space<hbm>>
        %dma_wait3A_124 = tpu.memref_slice %arg2[%multiple_of3A_104] : memref<500000xi32, #tpu.memory_space<hbm>> -> memref<2000xi32, #tpu.memory_space<hbm>>
        tpu.wait_dma2 semaphore(%run_scoped3A : memref<!tpu.dma_semaphore, #tpu.memory_space<semaphore_mem>>) src(%dma_wait3A_124 : memref<2000xi32, #tpu.memory_space<hbm>>) dst(%arg9 : memref<2000xi32, #tpu.memory_space<vmem>>)
        tpu.yield
      }) : () -> ()
      %scan3A_105 = arith.constant 0 : i32
      %scan3A_106 = arith.constant 0 : i32
      %scan3A_107 = arith.constant 125 : i32
      %scan3A_108 = arith.addi %scan3A_106, %scan3A_107 : i32
      %scan3A_109 = arith.constant 1 : i32
      %scan3A_110 = scf.for %scan3A_121 = %scan3A_106 to %scan3A_108 step %scan3A_109 iter_args(%scan3A_122 = %scan3A_105) -> (i32)  : i32 {
        %mul3A_123 = arith.constant 16 : i32
        %mul3A_124 = arith.muli %scan3A_121, %mul3A_123 : i32
        %get3A = arith.index_cast %mul3A_124 : i32 to index
        %get3A_125 = tpu.vector_load %arg9[%get3A] {strides = array<i32>} : memref<2000xi32, #tpu.memory_space<vmem>>, vector<16xi32>,
        %min3A = arith.constant 5631999 : i32
        %min3A_126 = vector.broadcast %min3A : i32 to vector<16xi32>
        %min3A_127 = arith.minsi %get3A_125, %min3A_126 : vector<16xi32>
        %mul3A_128 = arith.constant 16 : i32
        %mul3A_129 = arith.muli %scan3A_121, %mul3A_128 : i32
        %swap3A = arith.index_cast %mul3A_129 : i32 to index
        %swap3A_130 = tpu.vector_load %arg10[%swap3A] {strides = array<i32>} : memref<2000xi32, #tpu.memory_space<vmem>>, vector<16xi32>,
        tpu.vector_store %arg10[%swap3A], %min3A_127 {strides = array<i32>} : memref<2000xi32, #tpu.memory_space<vmem>>, vector<16xi32>,
        %scan3A_131 = arith.constant 0 : i32
        scf.yield %scan3A_131 : i32
      }
      %scan3A_111 = arith.constant 125 : i32
      %dma_start3A = arith.constant 0 : i32
      %dma_start3A_112 = tpu.memref_slice %arg7[%dma_start3A] : memref<5632000xi32, #tpu.memory_space<hbm>> -> memref<5632000xi32, #tpu.memory_space<hbm>>
      tpu.enqueue_indirect_dma source(%dma_start3A_112 : memref<5632000xi32, #tpu.memory_space<hbm>>) target(%arg11 : memref<2000xi32, #tpu.memory_space<vmem>>) offsets(%arg10 : memref<2000xi32, #tpu.memory_space<vmem>>) semaphore(%arg22 : memref<!tpu.dma_semaphore, #tpu.memory_space<semaphore_mem>>)
      %dma_wait3A = arith.constant 0 : i32
      %dma_wait3A_113 = tpu.memref_slice %arg7[%dma_wait3A] : memref<5632000xi32, #tpu.memory_space<hbm>> -> memref<5632000xi32, #tpu.memory_space<hbm>>
      tpu.wait_indirect_dma semaphore(%arg22 : memref<!tpu.dma_semaphore, #tpu.memory_space<semaphore_mem>>) src(%dma_wait3A_113 : memref<5632000xi32, #tpu.memory_space<hbm>>) dst(%arg11 : memref<2000xi32, #tpu.memory_space<vmem>>)
      "tpu.region"() ({
        %run_scoped3A = tpu.sem_alloc : memref<!tpu.dma_semaphore, #tpu.memory_space<semaphore_mem>>
        %dma_start3A_121 = tpu.memref_slice %arg3[%multiple_of3A_104] : memref<500000xf32, #tpu.memory_space<hbm>> -> memref<2000xf32, #tpu.memory_space<hbm>>
        %dma_start3A_122 = tpu.memref_slice %arg3[%multiple_of3A_104] : memref<500000xf32, #tpu.memory_space<hbm>> -> memref<2000xf32, #tpu.memory_space<hbm>>
        tpu.enqueue_dma source(%dma_start3A_122 : memref<2000xf32, #tpu.memory_space<hbm>>) target(%arg13 : memref<2000xf32, #tpu.memory_space<vmem>>) target_semaphore(%run_scoped3A : memref<!tpu.dma_semaphore, #tpu.memory_space<semaphore_mem>>)
        %dma_wait3A_123 = tpu.memref_slice %arg3[%multiple_of3A_104] : memref<500000xf32, #tpu.memory_space<hbm>> -> memref<2000xf32, #tpu.memory_space<hbm>>
        %dma_wait3A_124 = tpu.memref_slice %arg3[%multiple_of3A_104] : memref<500000xf32, #tpu.memory_space<hbm>> -> memref<2000xf32, #tpu.memory_space<hbm>>
        tpu.wait_dma2 semaphore(%run_scoped3A : memref<!tpu.dma_semaphore, #tpu.memory_space<semaphore_mem>>) src(%dma_wait3A_124 : memref<2000xf32, #tpu.memory_space<hbm>>) dst(%arg13 : memref<2000xf32, #tpu.memory_space<vmem>>)
        tpu.yield
      }) : () -> ()
      "tpu.region"() ({
        %run_scoped3A = tpu.sem_alloc : memref<!tpu.dma_semaphore, #tpu.memory_space<semaphore_mem>>
        %dma_start3A_121 = tpu.memref_slice %arg4[%multiple_of3A_104] : memref<500000xf32, #tpu.memory_space<hbm>> -> memref<2000xf32, #tpu.memory_space<hbm>>
        %dma_start3A_122 = tpu.memref_slice %arg4[%multiple_of3A_104] : memref<500000xf32, #tpu.memory_space<hbm>> -> memref<2000xf32, #tpu.memory_space<hbm>>
        tpu.enqueue_dma source(%dma_start3A_122 : memref<2000xf32, #tpu.memory_space<hbm>>) target(%arg14 : memref<2000xf32, #tpu.memory_space<vmem>>) target_semaphore(%run_scoped3A : memref<!tpu.dma_semaphore, #tpu.memory_space<semaphore_mem>>)
        %dma_wait3A_123 = tpu.memref_slice %arg4[%multiple_of3A_104] : memref<500000xf32, #tpu.memory_space<hbm>> -> memref<2000xf32, #tpu.memory_space<hbm>>
        %dma_wait3A_124 = tpu.memref_slice %arg4[%multiple_of3A_104] : memref<500000xf32, #tpu.memory_space<hbm>> -> memref<2000xf32, #tpu.memory_space<hbm>>
        tpu.wait_dma2 semaphore(%run_scoped3A : memref<!tpu.dma_semaphore, #tpu.memory_space<semaphore_mem>>) src(%dma_wait3A_124 : memref<2000xf32, #tpu.memory_space<hbm>>) dst(%arg14 : memref<2000xf32, #tpu.memory_space<vmem>>)
        tpu.yield
      }) : () -> ()
      "tpu.region"() ({
        %run_scoped3A = tpu.sem_alloc : memref<!tpu.dma_semaphore, #tpu.memory_space<semaphore_mem>>
        %dma_start3A_121 = tpu.memref_slice %arg5[%multiple_of3A_104] : memref<500000xf32, #tpu.memory_space<hbm>> -> memref<2000xf32, #tpu.memory_space<hbm>>
        %dma_start3A_122 = tpu.memref_slice %arg5[%multiple_of3A_104] : memref<500000xf32, #tpu.memory_space<hbm>> -> memref<2000xf32, #tpu.memory_space<hbm>>
        tpu.enqueue_dma source(%dma_start3A_122 : memref<2000xf32, #tpu.memory_space<hbm>>) target(%arg15 : memref<2000xf32, #tpu.memory_space<vmem>>) target_semaphore(%run_scoped3A : memref<!tpu.dma_semaphore, #tpu.memory_space<semaphore_mem>>)
        %dma_wait3A_123 = tpu.memref_slice %arg5[%multiple_of3A_104] : memref<500000xf32, #tpu.memory_space<hbm>> -> memref<2000xf32, #tpu.memory_space<hbm>>
        %dma_wait3A_124 = tpu.memref_slice %arg5[%multiple_of3A_104] : memref<500000xf32, #tpu.memory_space<hbm>> -> memref<2000xf32, #tpu.memory_space<hbm>>
        tpu.wait_dma2 semaphore(%run_scoped3A : memref<!tpu.dma_semaphore, #tpu.memory_space<semaphore_mem>>) src(%dma_wait3A_124 : memref<2000xf32, #tpu.memory_space<hbm>>) dst(%arg15 : memref<2000xf32, #tpu.memory_space<vmem>>)
        tpu.yield
      }) : () -> ()
      "tpu.region"() ({
        %run_scoped3A = tpu.sem_alloc : memref<!tpu.dma_semaphore, #tpu.memory_space<semaphore_mem>>
        %dma_start3A_121 = tpu.memref_slice %arg6[%multiple_of3A_104] : memref<500000xf32, #tpu.memory_space<hbm>> -> memref<2000xf32, #tpu.memory_space<hbm>>
        %dma_start3A_122 = tpu.memref_slice %arg6[%multiple_of3A_104] : memref<500000xf32, #tpu.memory_space<hbm>> -> memref<2000xf32, #tpu.memory_space<hbm>>
        tpu.enqueue_dma source(%dma_start3A_122 : memref<2000xf32, #tpu.memory_space<hbm>>) target(%arg16 : memref<2000xf32, #tpu.memory_space<vmem>>) target_semaphore(%run_scoped3A : memref<!tpu.dma_semaphore, #tpu.memory_space<semaphore_mem>>)
        %dma_wait3A_123 = tpu.memref_slice %arg6[%multiple_of3A_104] : memref<500000xf32, #tpu.memory_space<hbm>> -> memref<2000xf32, #tpu.memory_space<hbm>>
        %dma_wait3A_124 = tpu.memref_slice %arg6[%multiple_of3A_104] : memref<500000xf32, #tpu.memory_space<hbm>> -> memref<2000xf32, #tpu.memory_space<hbm>>
        tpu.wait_dma2 semaphore(%run_scoped3A : memref<!tpu.dma_semaphore, #tpu.memory_space<semaphore_mem>>) src(%dma_wait3A_124 : memref<2000xf32, #tpu.memory_space<hbm>>) dst(%arg16 : memref<2000xf32, #tpu.memory_space<vmem>>)
        tpu.yield
      }) : () -> ()
      %scan3A_114 = arith.constant 0 : i32
      %scan3A_115 = arith.constant 0 : i32
      %scan3A_116 = arith.constant 125 : i32
      %scan3A_117 = arith.addi %scan3A_115, %scan3A_116 : i32
      %scan3A_118 = arith.constant 1 : i32
      %scan3A_119 = scf.for %scan3A_121 = %scan3A_115 to %scan3A_117 step %scan3A_118 iter_args(%scan3A_122 = %scan3A_114) -> (i32)  : i32 {
        %mul3A_123 = arith.constant 16 : i32
        %mul3A_124 = arith.muli %scan3A_121, %mul3A_123 : i32
        %get3A = arith.index_cast %mul3A_124 : i32 to index
        %get3A_125 = tpu.vector_load %arg11[%get3A] {strides = array<i32>} : memref<2000xi32, #tpu.memory_space<vmem>>, vector<16xi32>,
        %mul3A_126 = arith.constant 16 : i32
        %mul3A_127 = arith.muli %scan3A_121, %mul3A_126 : i32
        %get3A_128 = arith.index_cast %mul3A_127 : i32 to index
        %get3A_129 = tpu.vector_load %arg9[%get3A_128] {strides = array<i32>} : memref<2000xi32, #tpu.memory_space<vmem>>, vector<16xi32>,
        %lt3A_130 = arith.constant 5632000 : i32
        %lt3A_131 = vector.broadcast %lt3A_130 : i32 to vector<16xi32>
        %lt3A_132 = arith.cmpi slt, %get3A_129, %lt3A_131 : vector<16xi32>
        %lt3A_133 = arith.constant 240000 : i32
        %lt3A_134 = vector.broadcast %lt3A_133 : i32 to vector<16xi32>
        %lt3A_135 = arith.cmpi slt, %get3A_125, %lt3A_134 : vector<16xi32>
        %and3A = arith.andi %lt3A_132, %lt3A_135 : vector<16xi1>
        %mul3A_136 = arith.constant 16 : i32
        %mul3A_137 = arith.muli %add3A, %mul3A_136 : i32
        %add3A_138 = vector.broadcast %mul3A_137 : i32 to vector<16xi32>
        %add3A_139 = arith.addi %add3A_138, %iota3A : vector<16xi32>
        %add3A_140 = vector.broadcast %scan3A_121 : i32 to vector<16xi32>
        %add3A_141 = arith.addi %add3A_139, %add3A_140 : vector<16xi32>
        %and3A_142 = arith.constant 127 : i32
        %and3A_143 = vector.broadcast %and3A_142 : i32 to vector<16xi32>
        %and3A_144 = arith.andi %add3A_141, %and3A_143 : vector<16xi32>
        %add3A_145 = arith.constant 240000 : i32
        %add3A_146 = vector.broadcast %add3A_145 : i32 to vector<16xi32>
        %add3A_147 = arith.addi %add3A_146, %and3A_144 : vector<16xi32>
        %select_n3A = arith.select %and3A, %get3A_125, %add3A_147 : vector<16xi1>, vector<16xi32>
        %mul3A_148 = arith.constant 16 : i32
        %mul3A_149 = arith.muli %scan3A_121, %mul3A_148 : i32
        %swap3A = arith.index_cast %mul3A_149 : i32 to index
        %swap3A_150 = tpu.vector_load %arg12[%swap3A] {strides = array<i32>} : memref<2000xi32, #tpu.memory_space<vmem>>, vector<16xi32>,
        tpu.vector_store %arg12[%swap3A], %select_n3A {strides = array<i32>} : memref<2000xi32, #tpu.memory_space<vmem>>, vector<16xi32>,
        %scan3A_151 = arith.constant 0 : i32
        scf.yield %scan3A_151 : i32
      }
      %scan3A_120 = arith.constant 125 : i32
      "tpu.region"() ({
        %run_scoped3A = tpu.sem_alloc : memref<!tpu.dma_semaphore, #tpu.memory_space<semaphore_mem>>
        %dma_start3A_121 = arith.constant 0 : i32
        %dma_start3A_122 = tpu.memref_slice %arg18[%dma_start3A_121] : memref<240128xf32, #tpu.memory_space<vmem_shared>> -> memref<240128xf32, #tpu.memory_space<vmem_shared>>
        tpu.enqueue_indirect_dma source(%arg13 : memref<2000xf32, #tpu.memory_space<vmem>>) target(%dma_start3A_122 : memref<240128xf32, #tpu.memory_space<vmem_shared>>) offsets(%arg12 : memref<2000xi32, #tpu.memory_space<vmem>>) semaphore(%run_scoped3A : memref<!tpu.dma_semaphore, #tpu.memory_space<semaphore_mem>>) {add = true}
        %dma_wait3A_123 = arith.constant 0 : i32
        %dma_wait3A_124 = tpu.memref_slice %arg18[%dma_wait3A_123] : memref<240128xf32, #tpu.memory_space<vmem_shared>> -> memref<240128xf32, #tpu.memory_space<vmem_shared>>
        tpu.wait_indirect_dma semaphore(%run_scoped3A : memref<!tpu.dma_semaphore, #tpu.memory_space<semaphore_mem>>) src(%arg13 : memref<2000xf32, #tpu.memory_space<vmem>>) dst(%dma_wait3A_124 : memref<240128xf32, #tpu.memory_space<vmem_shared>>)
        tpu.yield
      }) : () -> ()
      "tpu.region"() ({
        %run_scoped3A = tpu.sem_alloc : memref<!tpu.dma_semaphore, #tpu.memory_space<semaphore_mem>>
        %dma_start3A_121 = arith.constant 0 : i32
        %dma_start3A_122 = tpu.memref_slice %arg19[%dma_start3A_121] : memref<240128xf32, #tpu.memory_space<vmem_shared>> -> memref<240128xf32, #tpu.memory_space<vmem_shared>>
        tpu.enqueue_indirect_dma source(%arg14 : memref<2000xf32, #tpu.memory_space<vmem>>) target(%dma_start3A_122 : memref<240128xf32, #tpu.memory_space<vmem_shared>>) offsets(%arg12 : memref<2000xi32, #tpu.memory_space<vmem>>) semaphore(%run_scoped3A : memref<!tpu.dma_semaphore, #tpu.memory_space<semaphore_mem>>) {add = true}
        %dma_wait3A_123 = arith.constant 0 : i32
        %dma_wait3A_124 = tpu.memref_slice %arg19[%dma_wait3A_123] : memref<240128xf32, #tpu.memory_space<vmem_shared>> -> memref<240128xf32, #tpu.memory_space<vmem_shared>>
        tpu.wait_indirect_dma semaphore(%run_scoped3A : memref<!tpu.dma_semaphore, #tpu.memory_space<semaphore_mem>>) src(%arg14 : memref<2000xf32, #tpu.memory_space<vmem>>) dst(%dma_wait3A_124 : memref<240128xf32, #tpu.memory_space<vmem_shared>>)
        tpu.yield
      }) : () -> ()
      "tpu.region"() ({
        %run_scoped3A = tpu.sem_alloc : memref<!tpu.dma_semaphore, #tpu.memory_space<semaphore_mem>>
        %dma_start3A_121 = arith.constant 0 : i32
        %dma_start3A_122 = tpu.memref_slice %arg20[%dma_start3A_121] : memref<240128xf32, #tpu.memory_space<vmem_shared>> -> memref<240128xf32, #tpu.memory_space<vmem_shared>>
        tpu.enqueue_indirect_dma source(%arg15 : memref<2000xf32, #tpu.memory_space<vmem>>) target(%dma_start3A_122 : memref<240128xf32, #tpu.memory_space<vmem_shared>>) offsets(%arg12 : memref<2000xi32, #tpu.memory_space<vmem>>) semaphore(%run_scoped3A : memref<!tpu.dma_semaphore, #tpu.memory_space<semaphore_mem>>) {add = true}
        %dma_wait3A_123 = arith.constant 0 : i32
        %dma_wait3A_124 = tpu.memref_slice %arg20[%dma_wait3A_123] : memref<240128xf32, #tpu.memory_space<vmem_shared>> -> memref<240128xf32, #tpu.memory_space<vmem_shared>>
        tpu.wait_indirect_dma semaphore(%run_scoped3A : memref<!tpu.dma_semaphore, #tpu.memory_space<semaphore_mem>>) src(%arg15 : memref<2000xf32, #tpu.memory_space<vmem>>) dst(%dma_wait3A_124 : memref<240128xf32, #tpu.memory_space<vmem_shared>>)
        tpu.yield
      }) : () -> ()
      "tpu.region"() ({
        %run_scoped3A = tpu.sem_alloc : memref<!tpu.dma_semaphore, #tpu.memory_space<semaphore_mem>>
        %dma_start3A_121 = arith.constant 0 : i32
        %dma_start3A_122 = tpu.memref_slice %arg21[%dma_start3A_121] : memref<240128xf32, #tpu.memory_space<vmem_shared>> -> memref<240128xf32, #tpu.memory_space<vmem_shared>>
        tpu.enqueue_indirect_dma source(%arg16 : memref<2000xf32, #tpu.memory_space<vmem>>) target(%dma_start3A_122 : memref<240128xf32, #tpu.memory_space<vmem_shared>>) offsets(%arg12 : memref<2000xi32, #tpu.memory_space<vmem>>) semaphore(%run_scoped3A : memref<!tpu.dma_semaphore, #tpu.memory_space<semaphore_mem>>) {add = true}
        %dma_wait3A_123 = arith.constant 0 : i32
        %dma_wait3A_124 = tpu.memref_slice %arg21[%dma_wait3A_123] : memref<240128xf32, #tpu.memory_space<vmem_shared>> -> memref<240128xf32, #tpu.memory_space<vmem_shared>>
        tpu.wait_indirect_dma semaphore(%run_scoped3A : memref<!tpu.dma_semaphore, #tpu.memory_space<semaphore_mem>>) src(%arg16 : memref<2000xf32, #tpu.memory_space<vmem>>) dst(%dma_wait3A_124 : memref<240128xf32, #tpu.memory_space<vmem_shared>>)
        tpu.yield
      }) : () -> ()
    } else {
    }
    %add3A_41 = arith.constant 160 : i32
    %add3A_42 = arith.addi %add3A_41, %add3A : i32
    %lt3A_43 = arith.constant 250 : i32
    %lt3A_44 = arith.cmpi slt, %add3A_42, %lt3A_43 : i32
    %convert_element_type3A_45 = arith.extui %lt3A_44 : i1 to i32
    %cond3A_46 = arith.constant 0 : i32
    %cond3A_47 = arith.cmpi ne, %convert_element_type3A_45, %cond3A_46 : i32
    scf.if %cond3A_47 {
      %mul3A_102 = arith.constant 2000 : i32
      %mul3A_103 = arith.muli %add3A_42, %mul3A_102 : i32
      %multiple_of3A_104 = tpu.assume_multiple %mul3A_103, 8 : i32
      "tpu.region"() ({
        %run_scoped3A = tpu.sem_alloc : memref<!tpu.dma_semaphore, #tpu.memory_space<semaphore_mem>>
        %dma_start3A_121 = tpu.memref_slice %arg2[%multiple_of3A_104] : memref<500000xi32, #tpu.memory_space<hbm>> -> memref<2000xi32, #tpu.memory_space<hbm>>
        %dma_start3A_122 = tpu.memref_slice %arg2[%multiple_of3A_104] : memref<500000xi32, #tpu.memory_space<hbm>> -> memref<2000xi32, #tpu.memory_space<hbm>>
        tpu.enqueue_dma source(%dma_start3A_122 : memref<2000xi32, #tpu.memory_space<hbm>>) target(%arg9 : memref<2000xi32, #tpu.memory_space<vmem>>) target_semaphore(%run_scoped3A : memref<!tpu.dma_semaphore, #tpu.memory_space<semaphore_mem>>)
        %dma_wait3A_123 = tpu.memref_slice %arg2[%multiple_of3A_104] : memref<500000xi32, #tpu.memory_space<hbm>> -> memref<2000xi32, #tpu.memory_space<hbm>>
        %dma_wait3A_124 = tpu.memref_slice %arg2[%multiple_of3A_104] : memref<500000xi32, #tpu.memory_space<hbm>> -> memref<2000xi32, #tpu.memory_space<hbm>>
        tpu.wait_dma2 semaphore(%run_scoped3A : memref<!tpu.dma_semaphore, #tpu.memory_space<semaphore_mem>>) src(%dma_wait3A_124 : memref<2000xi32, #tpu.memory_space<hbm>>) dst(%arg9 : memref<2000xi32, #tpu.memory_space<vmem>>)
        tpu.yield
      }) : () -> ()
      %scan3A_105 = arith.constant 0 : i32
      %scan3A_106 = arith.constant 0 : i32
      %scan3A_107 = arith.constant 125 : i32
      %scan3A_108 = arith.addi %scan3A_106, %scan3A_107 : i32
      %scan3A_109 = arith.constant 1 : i32
      %scan3A_110 = scf.for %scan3A_121 = %scan3A_106 to %scan3A_108 step %scan3A_109 iter_args(%scan3A_122 = %scan3A_105) -> (i32)  : i32 {
        %mul3A_123 = arith.constant 16 : i32
        %mul3A_124 = arith.muli %scan3A_121, %mul3A_123 : i32
        %get3A = arith.index_cast %mul3A_124 : i32 to index
        %get3A_125 = tpu.vector_load %arg9[%get3A] {strides = array<i32>} : memref<2000xi32, #tpu.memory_space<vmem>>, vector<16xi32>,
        %min3A = arith.constant 5631999 : i32
        %min3A_126 = vector.broadcast %min3A : i32 to vector<16xi32>
        %min3A_127 = arith.minsi %get3A_125, %min3A_126 : vector<16xi32>
        %mul3A_128 = arith.constant 16 : i32
        %mul3A_129 = arith.muli %scan3A_121, %mul3A_128 : i32
        %swap3A = arith.index_cast %mul3A_129 : i32 to index
        %swap3A_130 = tpu.vector_load %arg10[%swap3A] {strides = array<i32>} : memref<2000xi32, #tpu.memory_space<vmem>>, vector<16xi32>,
        tpu.vector_store %arg10[%swap3A], %min3A_127 {strides = array<i32>} : memref<2000xi32, #tpu.memory_space<vmem>>, vector<16xi32>,
        %scan3A_131 = arith.constant 0 : i32
        scf.yield %scan3A_131 : i32
      }
      %scan3A_111 = arith.constant 125 : i32
      %dma_start3A = arith.constant 0 : i32
      %dma_start3A_112 = tpu.memref_slice %arg7[%dma_start3A] : memref<5632000xi32, #tpu.memory_space<hbm>> -> memref<5632000xi32, #tpu.memory_space<hbm>>
      tpu.enqueue_indirect_dma source(%dma_start3A_112 : memref<5632000xi32, #tpu.memory_space<hbm>>) target(%arg11 : memref<2000xi32, #tpu.memory_space<vmem>>) offsets(%arg10 : memref<2000xi32, #tpu.memory_space<vmem>>) semaphore(%arg22 : memref<!tpu.dma_semaphore, #tpu.memory_space<semaphore_mem>>)
      %dma_wait3A = arith.constant 0 : i32
      %dma_wait3A_113 = tpu.memref_slice %arg7[%dma_wait3A] : memref<5632000xi32, #tpu.memory_space<hbm>> -> memref<5632000xi32, #tpu.memory_space<hbm>>
      tpu.wait_indirect_dma semaphore(%arg22 : memref<!tpu.dma_semaphore, #tpu.memory_space<semaphore_mem>>) src(%dma_wait3A_113 : memref<5632000xi32, #tpu.memory_space<hbm>>) dst(%arg11 : memref<2000xi32, #tpu.memory_space<vmem>>)
      "tpu.region"() ({
        %run_scoped3A = tpu.sem_alloc : memref<!tpu.dma_semaphore, #tpu.memory_space<semaphore_mem>>
        %dma_start3A_121 = tpu.memref_slice %arg3[%multiple_of3A_104] : memref<500000xf32, #tpu.memory_space<hbm>> -> memref<2000xf32, #tpu.memory_space<hbm>>
        %dma_start3A_122 = tpu.memref_slice %arg3[%multiple_of3A_104] : memref<500000xf32, #tpu.memory_space<hbm>> -> memref<2000xf32, #tpu.memory_space<hbm>>
        tpu.enqueue_dma source(%dma_start3A_122 : memref<2000xf32, #tpu.memory_space<hbm>>) target(%arg13 : memref<2000xf32, #tpu.memory_space<vmem>>) target_semaphore(%run_scoped3A : memref<!tpu.dma_semaphore, #tpu.memory_space<semaphore_mem>>)
        %dma_wait3A_123 = tpu.memref_slice %arg3[%multiple_of3A_104] : memref<500000xf32, #tpu.memory_space<hbm>> -> memref<2000xf32, #tpu.memory_space<hbm>>
        %dma_wait3A_124 = tpu.memref_slice %arg3[%multiple_of3A_104] : memref<500000xf32, #tpu.memory_space<hbm>> -> memref<2000xf32, #tpu.memory_space<hbm>>
        tpu.wait_dma2 semaphore(%run_scoped3A : memref<!tpu.dma_semaphore, #tpu.memory_space<semaphore_mem>>) src(%dma_wait3A_124 : memref<2000xf32, #tpu.memory_space<hbm>>) dst(%arg13 : memref<2000xf32, #tpu.memory_space<vmem>>)
        tpu.yield
      }) : () -> ()
      "tpu.region"() ({
        %run_scoped3A = tpu.sem_alloc : memref<!tpu.dma_semaphore, #tpu.memory_space<semaphore_mem>>
        %dma_start3A_121 = tpu.memref_slice %arg4[%multiple_of3A_104] : memref<500000xf32, #tpu.memory_space<hbm>> -> memref<2000xf32, #tpu.memory_space<hbm>>
        %dma_start3A_122 = tpu.memref_slice %arg4[%multiple_of3A_104] : memref<500000xf32, #tpu.memory_space<hbm>> -> memref<2000xf32, #tpu.memory_space<hbm>>
        tpu.enqueue_dma source(%dma_start3A_122 : memref<2000xf32, #tpu.memory_space<hbm>>) target(%arg14 : memref<2000xf32, #tpu.memory_space<vmem>>) target_semaphore(%run_scoped3A : memref<!tpu.dma_semaphore, #tpu.memory_space<semaphore_mem>>)
        %dma_wait3A_123 = tpu.memref_slice %arg4[%multiple_of3A_104] : memref<500000xf32, #tpu.memory_space<hbm>> -> memref<2000xf32, #tpu.memory_space<hbm>>
        %dma_wait3A_124 = tpu.memref_slice %arg4[%multiple_of3A_104] : memref<500000xf32, #tpu.memory_space<hbm>> -> memref<2000xf32, #tpu.memory_space<hbm>>
        tpu.wait_dma2 semaphore(%run_scoped3A : memref<!tpu.dma_semaphore, #tpu.memory_space<semaphore_mem>>) src(%dma_wait3A_124 : memref<2000xf32, #tpu.memory_space<hbm>>) dst(%arg14 : memref<2000xf32, #tpu.memory_space<vmem>>)
        tpu.yield
      }) : () -> ()
      "tpu.region"() ({
        %run_scoped3A = tpu.sem_alloc : memref<!tpu.dma_semaphore, #tpu.memory_space<semaphore_mem>>
        %dma_start3A_121 = tpu.memref_slice %arg5[%multiple_of3A_104] : memref<500000xf32, #tpu.memory_space<hbm>> -> memref<2000xf32, #tpu.memory_space<hbm>>
        %dma_start3A_122 = tpu.memref_slice %arg5[%multiple_of3A_104] : memref<500000xf32, #tpu.memory_space<hbm>> -> memref<2000xf32, #tpu.memory_space<hbm>>
        tpu.enqueue_dma source(%dma_start3A_122 : memref<2000xf32, #tpu.memory_space<hbm>>) target(%arg15 : memref<2000xf32, #tpu.memory_space<vmem>>) target_semaphore(%run_scoped3A : memref<!tpu.dma_semaphore, #tpu.memory_space<semaphore_mem>>)
        %dma_wait3A_123 = tpu.memref_slice %arg5[%multiple_of3A_104] : memref<500000xf32, #tpu.memory_space<hbm>> -> memref<2000xf32, #tpu.memory_space<hbm>>
        %dma_wait3A_124 = tpu.memref_slice %arg5[%multiple_of3A_104] : memref<500000xf32, #tpu.memory_space<hbm>> -> memref<2000xf32, #tpu.memory_space<hbm>>
        tpu.wait_dma2 semaphore(%run_scoped3A : memref<!tpu.dma_semaphore, #tpu.memory_space<semaphore_mem>>) src(%dma_wait3A_124 : memref<2000xf32, #tpu.memory_space<hbm>>) dst(%arg15 : memref<2000xf32, #tpu.memory_space<vmem>>)
        tpu.yield
      }) : () -> ()
      "tpu.region"() ({
        %run_scoped3A = tpu.sem_alloc : memref<!tpu.dma_semaphore, #tpu.memory_space<semaphore_mem>>
        %dma_start3A_121 = tpu.memref_slice %arg6[%multiple_of3A_104] : memref<500000xf32, #tpu.memory_space<hbm>> -> memref<2000xf32, #tpu.memory_space<hbm>>
        %dma_start3A_122 = tpu.memref_slice %arg6[%multiple_of3A_104] : memref<500000xf32, #tpu.memory_space<hbm>> -> memref<2000xf32, #tpu.memory_space<hbm>>
        tpu.enqueue_dma source(%dma_start3A_122 : memref<2000xf32, #tpu.memory_space<hbm>>) target(%arg16 : memref<2000xf32, #tpu.memory_space<vmem>>) target_semaphore(%run_scoped3A : memref<!tpu.dma_semaphore, #tpu.memory_space<semaphore_mem>>)
        %dma_wait3A_123 = tpu.memref_slice %arg6[%multiple_of3A_104] : memref<500000xf32, #tpu.memory_space<hbm>> -> memref<2000xf32, #tpu.memory_space<hbm>>
        %dma_wait3A_124 = tpu.memref_slice %arg6[%multiple_of3A_104] : memref<500000xf32, #tpu.memory_space<hbm>> -> memref<2000xf32, #tpu.memory_space<hbm>>
        tpu.wait_dma2 semaphore(%run_scoped3A : memref<!tpu.dma_semaphore, #tpu.memory_space<semaphore_mem>>) src(%dma_wait3A_124 : memref<2000xf32, #tpu.memory_space<hbm>>) dst(%arg16 : memref<2000xf32, #tpu.memory_space<vmem>>)
        tpu.yield
      }) : () -> ()
      %scan3A_114 = arith.constant 0 : i32
      %scan3A_115 = arith.constant 0 : i32
      %scan3A_116 = arith.constant 125 : i32
      %scan3A_117 = arith.addi %scan3A_115, %scan3A_116 : i32
      %scan3A_118 = arith.constant 1 : i32
      %scan3A_119 = scf.for %scan3A_121 = %scan3A_115 to %scan3A_117 step %scan3A_118 iter_args(%scan3A_122 = %scan3A_114) -> (i32)  : i32 {
        %mul3A_123 = arith.constant 16 : i32
        %mul3A_124 = arith.muli %scan3A_121, %mul3A_123 : i32
        %get3A = arith.index_cast %mul3A_124 : i32 to index
        %get3A_125 = tpu.vector_load %arg11[%get3A] {strides = array<i32>} : memref<2000xi32, #tpu.memory_space<vmem>>, vector<16xi32>,
        %mul3A_126 = arith.constant 16 : i32
        %mul3A_127 = arith.muli %scan3A_121, %mul3A_126 : i32
        %get3A_128 = arith.index_cast %mul3A_127 : i32 to index
        %get3A_129 = tpu.vector_load %arg9[%get3A_128] {strides = array<i32>} : memref<2000xi32, #tpu.memory_space<vmem>>, vector<16xi32>,
        %lt3A_130 = arith.constant 5632000 : i32
        %lt3A_131 = vector.broadcast %lt3A_130 : i32 to vector<16xi32>
        %lt3A_132 = arith.cmpi slt, %get3A_129, %lt3A_131 : vector<16xi32>
        %lt3A_133 = arith.constant 240000 : i32
        %lt3A_134 = vector.broadcast %lt3A_133 : i32 to vector<16xi32>
        %lt3A_135 = arith.cmpi slt, %get3A_125, %lt3A_134 : vector<16xi32>
        %and3A = arith.andi %lt3A_132, %lt3A_135 : vector<16xi1>
        %mul3A_136 = arith.constant 16 : i32
        %mul3A_137 = arith.muli %add3A, %mul3A_136 : i32
        %add3A_138 = vector.broadcast %mul3A_137 : i32 to vector<16xi32>
        %add3A_139 = arith.addi %add3A_138, %iota3A : vector<16xi32>
        %add3A_140 = vector.broadcast %scan3A_121 : i32 to vector<16xi32>
        %add3A_141 = arith.addi %add3A_139, %add3A_140 : vector<16xi32>
        %and3A_142 = arith.constant 127 : i32
        %and3A_143 = vector.broadcast %and3A_142 : i32 to vector<16xi32>
        %and3A_144 = arith.andi %add3A_141, %and3A_143 : vector<16xi32>
        %add3A_145 = arith.constant 240000 : i32
        %add3A_146 = vector.broadcast %add3A_145 : i32 to vector<16xi32>
        %add3A_147 = arith.addi %add3A_146, %and3A_144 : vector<16xi32>
        %select_n3A = arith.select %and3A, %get3A_125, %add3A_147 : vector<16xi1>, vector<16xi32>
        %mul3A_148 = arith.constant 16 : i32
        %mul3A_149 = arith.muli %scan3A_121, %mul3A_148 : i32
        %swap3A = arith.index_cast %mul3A_149 : i32 to index
        %swap3A_150 = tpu.vector_load %arg12[%swap3A] {strides = array<i32>} : memref<2000xi32, #tpu.memory_space<vmem>>, vector<16xi32>,
        tpu.vector_store %arg12[%swap3A], %select_n3A {strides = array<i32>} : memref<2000xi32, #tpu.memory_space<vmem>>, vector<16xi32>,
        %scan3A_151 = arith.constant 0 : i32
        scf.yield %scan3A_151 : i32
      }
      %scan3A_120 = arith.constant 125 : i32
      "tpu.region"() ({
        %run_scoped3A = tpu.sem_alloc : memref<!tpu.dma_semaphore, #tpu.memory_space<semaphore_mem>>
        %dma_start3A_121 = arith.constant 0 : i32
        %dma_start3A_122 = tpu.memref_slice %arg18[%dma_start3A_121] : memref<240128xf32, #tpu.memory_space<vmem_shared>> -> memref<240128xf32, #tpu.memory_space<vmem_shared>>
        tpu.enqueue_indirect_dma source(%arg13 : memref<2000xf32, #tpu.memory_space<vmem>>) target(%dma_start3A_122 : memref<240128xf32, #tpu.memory_space<vmem_shared>>) offsets(%arg12 : memref<2000xi32, #tpu.memory_space<vmem>>) semaphore(%run_scoped3A : memref<!tpu.dma_semaphore, #tpu.memory_space<semaphore_mem>>) {add = true}
        %dma_wait3A_123 = arith.constant 0 : i32
        %dma_wait3A_124 = tpu.memref_slice %arg18[%dma_wait3A_123] : memref<240128xf32, #tpu.memory_space<vmem_shared>> -> memref<240128xf32, #tpu.memory_space<vmem_shared>>
        tpu.wait_indirect_dma semaphore(%run_scoped3A : memref<!tpu.dma_semaphore, #tpu.memory_space<semaphore_mem>>) src(%arg13 : memref<2000xf32, #tpu.memory_space<vmem>>) dst(%dma_wait3A_124 : memref<240128xf32, #tpu.memory_space<vmem_shared>>)
        tpu.yield
      }) : () -> ()
      "tpu.region"() ({
        %run_scoped3A = tpu.sem_alloc : memref<!tpu.dma_semaphore, #tpu.memory_space<semaphore_mem>>
        %dma_start3A_121 = arith.constant 0 : i32
        %dma_start3A_122 = tpu.memref_slice %arg19[%dma_start3A_121] : memref<240128xf32, #tpu.memory_space<vmem_shared>> -> memref<240128xf32, #tpu.memory_space<vmem_shared>>
        tpu.enqueue_indirect_dma source(%arg14 : memref<2000xf32, #tpu.memory_space<vmem>>) target(%dma_start3A_122 : memref<240128xf32, #tpu.memory_space<vmem_shared>>) offsets(%arg12 : memref<2000xi32, #tpu.memory_space<vmem>>) semaphore(%run_scoped3A : memref<!tpu.dma_semaphore, #tpu.memory_space<semaphore_mem>>) {add = true}
        %dma_wait3A_123 = arith.constant 0 : i32
        %dma_wait3A_124 = tpu.memref_slice %arg19[%dma_wait3A_123] : memref<240128xf32, #tpu.memory_space<vmem_shared>> -> memref<240128xf32, #tpu.memory_space<vmem_shared>>
        tpu.wait_indirect_dma semaphore(%run_scoped3A : memref<!tpu.dma_semaphore, #tpu.memory_space<semaphore_mem>>) src(%arg14 : memref<2000xf32, #tpu.memory_space<vmem>>) dst(%dma_wait3A_124 : memref<240128xf32, #tpu.memory_space<vmem_shared>>)
        tpu.yield
      }) : () -> ()
      "tpu.region"() ({
        %run_scoped3A = tpu.sem_alloc : memref<!tpu.dma_semaphore, #tpu.memory_space<semaphore_mem>>
        %dma_start3A_121 = arith.constant 0 : i32
        %dma_start3A_122 = tpu.memref_slice %arg20[%dma_start3A_121] : memref<240128xf32, #tpu.memory_space<vmem_shared>> -> memref<240128xf32, #tpu.memory_space<vmem_shared>>
        tpu.enqueue_indirect_dma source(%arg15 : memref<2000xf32, #tpu.memory_space<vmem>>) target(%dma_start3A_122 : memref<240128xf32, #tpu.memory_space<vmem_shared>>) offsets(%arg12 : memref<2000xi32, #tpu.memory_space<vmem>>) semaphore(%run_scoped3A : memref<!tpu.dma_semaphore, #tpu.memory_space<semaphore_mem>>) {add = true}
        %dma_wait3A_123 = arith.constant 0 : i32
        %dma_wait3A_124 = tpu.memref_slice %arg20[%dma_wait3A_123] : memref<240128xf32, #tpu.memory_space<vmem_shared>> -> memref<240128xf32, #tpu.memory_space<vmem_shared>>
        tpu.wait_indirect_dma semaphore(%run_scoped3A : memref<!tpu.dma_semaphore, #tpu.memory_space<semaphore_mem>>) src(%arg15 : memref<2000xf32, #tpu.memory_space<vmem>>) dst(%dma_wait3A_124 : memref<240128xf32, #tpu.memory_space<vmem_shared>>)
        tpu.yield
      }) : () -> ()
      "tpu.region"() ({
        %run_scoped3A = tpu.sem_alloc : memref<!tpu.dma_semaphore, #tpu.memory_space<semaphore_mem>>
        %dma_start3A_121 = arith.constant 0 : i32
        %dma_start3A_122 = tpu.memref_slice %arg21[%dma_start3A_121] : memref<240128xf32, #tpu.memory_space<vmem_shared>> -> memref<240128xf32, #tpu.memory_space<vmem_shared>>
        tpu.enqueue_indirect_dma source(%arg16 : memref<2000xf32, #tpu.memory_space<vmem>>) target(%dma_start3A_122 : memref<240128xf32, #tpu.memory_space<vmem_shared>>) offsets(%arg12 : memref<2000xi32, #tpu.memory_space<vmem>>) semaphore(%run_scoped3A : memref<!tpu.dma_semaphore, #tpu.memory_space<semaphore_mem>>) {add = true}
        %dma_wait3A_123 = arith.constant 0 : i32
        %dma_wait3A_124 = tpu.memref_slice %arg21[%dma_wait3A_123] : memref<240128xf32, #tpu.memory_space<vmem_shared>> -> memref<240128xf32, #tpu.memory_space<vmem_shared>>
        tpu.wait_indirect_dma semaphore(%run_scoped3A : memref<!tpu.dma_semaphore, #tpu.memory_space<semaphore_mem>>) src(%arg16 : memref<2000xf32, #tpu.memory_space<vmem>>) dst(%dma_wait3A_124 : memref<240128xf32, #tpu.memory_space<vmem_shared>>)
        tpu.yield
      }) : () -> ()
    } else {
    }
    %add3A_48 = arith.constant 192 : i32
    %add3A_49 = arith.addi %add3A_48, %add3A : i32
    %lt3A_50 = arith.constant 250 : i32
    %lt3A_51 = arith.cmpi slt, %add3A_49, %lt3A_50 : i32
    %convert_element_type3A_52 = arith.extui %lt3A_51 : i1 to i32
    %cond3A_53 = arith.constant 0 : i32
    %cond3A_54 = arith.cmpi ne, %convert_element_type3A_52, %cond3A_53 : i32
    scf.if %cond3A_54 {
      %mul3A_102 = arith.constant 2000 : i32
      %mul3A_103 = arith.muli %add3A_49, %mul3A_102 : i32
      %multiple_of3A_104 = tpu.assume_multiple %mul3A_103, 8 : i32
      "tpu.region"() ({
        %run_scoped3A = tpu.sem_alloc : memref<!tpu.dma_semaphore, #tpu.memory_space<semaphore_mem>>
        %dma_start3A_121 = tpu.memref_slice %arg2[%multiple_of3A_104] : memref<500000xi32, #tpu.memory_space<hbm>> -> memref<2000xi32, #tpu.memory_space<hbm>>
        %dma_start3A_122 = tpu.memref_slice %arg2[%multiple_of3A_104] : memref<500000xi32, #tpu.memory_space<hbm>> -> memref<2000xi32, #tpu.memory_space<hbm>>
        tpu.enqueue_dma source(%dma_start3A_122 : memref<2000xi32, #tpu.memory_space<hbm>>) target(%arg9 : memref<2000xi32, #tpu.memory_space<vmem>>) target_semaphore(%run_scoped3A : memref<!tpu.dma_semaphore, #tpu.memory_space<semaphore_mem>>)
        %dma_wait3A_123 = tpu.memref_slice %arg2[%multiple_of3A_104] : memref<500000xi32, #tpu.memory_space<hbm>> -> memref<2000xi32, #tpu.memory_space<hbm>>
        %dma_wait3A_124 = tpu.memref_slice %arg2[%multiple_of3A_104] : memref<500000xi32, #tpu.memory_space<hbm>> -> memref<2000xi32, #tpu.memory_space<hbm>>
        tpu.wait_dma2 semaphore(%run_scoped3A : memref<!tpu.dma_semaphore, #tpu.memory_space<semaphore_mem>>) src(%dma_wait3A_124 : memref<2000xi32, #tpu.memory_space<hbm>>) dst(%arg9 : memref<2000xi32, #tpu.memory_space<vmem>>)
        tpu.yield
      }) : () -> ()
      %scan3A_105 = arith.constant 0 : i32
      %scan3A_106 = arith.constant 0 : i32
      %scan3A_107 = arith.constant 125 : i32
      %scan3A_108 = arith.addi %scan3A_106, %scan3A_107 : i32
      %scan3A_109 = arith.constant 1 : i32
      %scan3A_110 = scf.for %scan3A_121 = %scan3A_106 to %scan3A_108 step %scan3A_109 iter_args(%scan3A_122 = %scan3A_105) -> (i32)  : i32 {
        %mul3A_123 = arith.constant 16 : i32
        %mul3A_124 = arith.muli %scan3A_121, %mul3A_123 : i32
        %get3A = arith.index_cast %mul3A_124 : i32 to index
        %get3A_125 = tpu.vector_load %arg9[%get3A] {strides = array<i32>} : memref<2000xi32, #tpu.memory_space<vmem>>, vector<16xi32>,
        %min3A = arith.constant 5631999 : i32
        %min3A_126 = vector.broadcast %min3A : i32 to vector<16xi32>
        %min3A_127 = arith.minsi %get3A_125, %min3A_126 : vector<16xi32>
        %mul3A_128 = arith.constant 16 : i32
        %mul3A_129 = arith.muli %scan3A_121, %mul3A_128 : i32
        %swap3A = arith.index_cast %mul3A_129 : i32 to index
        %swap3A_130 = tpu.vector_load %arg10[%swap3A] {strides = array<i32>} : memref<2000xi32, #tpu.memory_space<vmem>>, vector<16xi32>,
        tpu.vector_store %arg10[%swap3A], %min3A_127 {strides = array<i32>} : memref<2000xi32, #tpu.memory_space<vmem>>, vector<16xi32>,
        %scan3A_131 = arith.constant 0 : i32
        scf.yield %scan3A_131 : i32
      }
      %scan3A_111 = arith.constant 125 : i32
      %dma_start3A = arith.constant 0 : i32
      %dma_start3A_112 = tpu.memref_slice %arg7[%dma_start3A] : memref<5632000xi32, #tpu.memory_space<hbm>> -> memref<5632000xi32, #tpu.memory_space<hbm>>
      tpu.enqueue_indirect_dma source(%dma_start3A_112 : memref<5632000xi32, #tpu.memory_space<hbm>>) target(%arg11 : memref<2000xi32, #tpu.memory_space<vmem>>) offsets(%arg10 : memref<2000xi32, #tpu.memory_space<vmem>>) semaphore(%arg22 : memref<!tpu.dma_semaphore, #tpu.memory_space<semaphore_mem>>)
      %dma_wait3A = arith.constant 0 : i32
      %dma_wait3A_113 = tpu.memref_slice %arg7[%dma_wait3A] : memref<5632000xi32, #tpu.memory_space<hbm>> -> memref<5632000xi32, #tpu.memory_space<hbm>>
      tpu.wait_indirect_dma semaphore(%arg22 : memref<!tpu.dma_semaphore, #tpu.memory_space<semaphore_mem>>) src(%dma_wait3A_113 : memref<5632000xi32, #tpu.memory_space<hbm>>) dst(%arg11 : memref<2000xi32, #tpu.memory_space<vmem>>)
      "tpu.region"() ({
        %run_scoped3A = tpu.sem_alloc : memref<!tpu.dma_semaphore, #tpu.memory_space<semaphore_mem>>
        %dma_start3A_121 = tpu.memref_slice %arg3[%multiple_of3A_104] : memref<500000xf32, #tpu.memory_space<hbm>> -> memref<2000xf32, #tpu.memory_space<hbm>>
        %dma_start3A_122 = tpu.memref_slice %arg3[%multiple_of3A_104] : memref<500000xf32, #tpu.memory_space<hbm>> -> memref<2000xf32, #tpu.memory_space<hbm>>
        tpu.enqueue_dma source(%dma_start3A_122 : memref<2000xf32, #tpu.memory_space<hbm>>) target(%arg13 : memref<2000xf32, #tpu.memory_space<vmem>>) target_semaphore(%run_scoped3A : memref<!tpu.dma_semaphore, #tpu.memory_space<semaphore_mem>>)
        %dma_wait3A_123 = tpu.memref_slice %arg3[%multiple_of3A_104] : memref<500000xf32, #tpu.memory_space<hbm>> -> memref<2000xf32, #tpu.memory_space<hbm>>
        %dma_wait3A_124 = tpu.memref_slice %arg3[%multiple_of3A_104] : memref<500000xf32, #tpu.memory_space<hbm>> -> memref<2000xf32, #tpu.memory_space<hbm>>
        tpu.wait_dma2 semaphore(%run_scoped3A : memref<!tpu.dma_semaphore, #tpu.memory_space<semaphore_mem>>) src(%dma_wait3A_124 : memref<2000xf32, #tpu.memory_space<hbm>>) dst(%arg13 : memref<2000xf32, #tpu.memory_space<vmem>>)
        tpu.yield
      }) : () -> ()
      "tpu.region"() ({
        %run_scoped3A = tpu.sem_alloc : memref<!tpu.dma_semaphore, #tpu.memory_space<semaphore_mem>>
        %dma_start3A_121 = tpu.memref_slice %arg4[%multiple_of3A_104] : memref<500000xf32, #tpu.memory_space<hbm>> -> memref<2000xf32, #tpu.memory_space<hbm>>
        %dma_start3A_122 = tpu.memref_slice %arg4[%multiple_of3A_104] : memref<500000xf32, #tpu.memory_space<hbm>> -> memref<2000xf32, #tpu.memory_space<hbm>>
        tpu.enqueue_dma source(%dma_start3A_122 : memref<2000xf32, #tpu.memory_space<hbm>>) target(%arg14 : memref<2000xf32, #tpu.memory_space<vmem>>) target_semaphore(%run_scoped3A : memref<!tpu.dma_semaphore, #tpu.memory_space<semaphore_mem>>)
        %dma_wait3A_123 = tpu.memref_slice %arg4[%multiple_of3A_104] : memref<500000xf32, #tpu.memory_space<hbm>> -> memref<2000xf32, #tpu.memory_space<hbm>>
        %dma_wait3A_124 = tpu.memref_slice %arg4[%multiple_of3A_104] : memref<500000xf32, #tpu.memory_space<hbm>> -> memref<2000xf32, #tpu.memory_space<hbm>>
        tpu.wait_dma2 semaphore(%run_scoped3A : memref<!tpu.dma_semaphore, #tpu.memory_space<semaphore_mem>>) src(%dma_wait3A_124 : memref<2000xf32, #tpu.memory_space<hbm>>) dst(%arg14 : memref<2000xf32, #tpu.memory_space<vmem>>)
        tpu.yield
      }) : () -> ()
      "tpu.region"() ({
        %run_scoped3A = tpu.sem_alloc : memref<!tpu.dma_semaphore, #tpu.memory_space<semaphore_mem>>
        %dma_start3A_121 = tpu.memref_slice %arg5[%multiple_of3A_104] : memref<500000xf32, #tpu.memory_space<hbm>> -> memref<2000xf32, #tpu.memory_space<hbm>>
        %dma_start3A_122 = tpu.memref_slice %arg5[%multiple_of3A_104] : memref<500000xf32, #tpu.memory_space<hbm>> -> memref<2000xf32, #tpu.memory_space<hbm>>
        tpu.enqueue_dma source(%dma_start3A_122 : memref<2000xf32, #tpu.memory_space<hbm>>) target(%arg15 : memref<2000xf32, #tpu.memory_space<vmem>>) target_semaphore(%run_scoped3A : memref<!tpu.dma_semaphore, #tpu.memory_space<semaphore_mem>>)
        %dma_wait3A_123 = tpu.memref_slice %arg5[%multiple_of3A_104] : memref<500000xf32, #tpu.memory_space<hbm>> -> memref<2000xf32, #tpu.memory_space<hbm>>
        %dma_wait3A_124 = tpu.memref_slice %arg5[%multiple_of3A_104] : memref<500000xf32, #tpu.memory_space<hbm>> -> memref<2000xf32, #tpu.memory_space<hbm>>
        tpu.wait_dma2 semaphore(%run_scoped3A : memref<!tpu.dma_semaphore, #tpu.memory_space<semaphore_mem>>) src(%dma_wait3A_124 : memref<2000xf32, #tpu.memory_space<hbm>>) dst(%arg15 : memref<2000xf32, #tpu.memory_space<vmem>>)
        tpu.yield
      }) : () -> ()
      "tpu.region"() ({
        %run_scoped3A = tpu.sem_alloc : memref<!tpu.dma_semaphore, #tpu.memory_space<semaphore_mem>>
        %dma_start3A_121 = tpu.memref_slice %arg6[%multiple_of3A_104] : memref<500000xf32, #tpu.memory_space<hbm>> -> memref<2000xf32, #tpu.memory_space<hbm>>
        %dma_start3A_122 = tpu.memref_slice %arg6[%multiple_of3A_104] : memref<500000xf32, #tpu.memory_space<hbm>> -> memref<2000xf32, #tpu.memory_space<hbm>>
        tpu.enqueue_dma source(%dma_start3A_122 : memref<2000xf32, #tpu.memory_space<hbm>>) target(%arg16 : memref<2000xf32, #tpu.memory_space<vmem>>) target_semaphore(%run_scoped3A : memref<!tpu.dma_semaphore, #tpu.memory_space<semaphore_mem>>)
        %dma_wait3A_123 = tpu.memref_slice %arg6[%multiple_of3A_104] : memref<500000xf32, #tpu.memory_space<hbm>> -> memref<2000xf32, #tpu.memory_space<hbm>>
        %dma_wait3A_124 = tpu.memref_slice %arg6[%multiple_of3A_104] : memref<500000xf32, #tpu.memory_space<hbm>> -> memref<2000xf32, #tpu.memory_space<hbm>>
        tpu.wait_dma2 semaphore(%run_scoped3A : memref<!tpu.dma_semaphore, #tpu.memory_space<semaphore_mem>>) src(%dma_wait3A_124 : memref<2000xf32, #tpu.memory_space<hbm>>) dst(%arg16 : memref<2000xf32, #tpu.memory_space<vmem>>)
        tpu.yield
      }) : () -> ()
      %scan3A_114 = arith.constant 0 : i32
      %scan3A_115 = arith.constant 0 : i32
      %scan3A_116 = arith.constant 125 : i32
      %scan3A_117 = arith.addi %scan3A_115, %scan3A_116 : i32
      %scan3A_118 = arith.constant 1 : i32
      %scan3A_119 = scf.for %scan3A_121 = %scan3A_115 to %scan3A_117 step %scan3A_118 iter_args(%scan3A_122 = %scan3A_114) -> (i32)  : i32 {
        %mul3A_123 = arith.constant 16 : i32
        %mul3A_124 = arith.muli %scan3A_121, %mul3A_123 : i32
        %get3A = arith.index_cast %mul3A_124 : i32 to index
        %get3A_125 = tpu.vector_load %arg11[%get3A] {strides = array<i32>} : memref<2000xi32, #tpu.memory_space<vmem>>, vector<16xi32>,
        %mul3A_126 = arith.constant 16 : i32
        %mul3A_127 = arith.muli %scan3A_121, %mul3A_126 : i32
        %get3A_128 = arith.index_cast %mul3A_127 : i32 to index
        %get3A_129 = tpu.vector_load %arg9[%get3A_128] {strides = array<i32>} : memref<2000xi32, #tpu.memory_space<vmem>>, vector<16xi32>,
        %lt3A_130 = arith.constant 5632000 : i32
        %lt3A_131 = vector.broadcast %lt3A_130 : i32 to vector<16xi32>
        %lt3A_132 = arith.cmpi slt, %get3A_129, %lt3A_131 : vector<16xi32>
        %lt3A_133 = arith.constant 240000 : i32
        %lt3A_134 = vector.broadcast %lt3A_133 : i32 to vector<16xi32>
        %lt3A_135 = arith.cmpi slt, %get3A_125, %lt3A_134 : vector<16xi32>
        %and3A = arith.andi %lt3A_132, %lt3A_135 : vector<16xi1>
        %mul3A_136 = arith.constant 16 : i32
        %mul3A_137 = arith.muli %add3A, %mul3A_136 : i32
        %add3A_138 = vector.broadcast %mul3A_137 : i32 to vector<16xi32>
        %add3A_139 = arith.addi %add3A_138, %iota3A : vector<16xi32>
        %add3A_140 = vector.broadcast %scan3A_121 : i32 to vector<16xi32>
        %add3A_141 = arith.addi %add3A_139, %add3A_140 : vector<16xi32>
        %and3A_142 = arith.constant 127 : i32
        %and3A_143 = vector.broadcast %and3A_142 : i32 to vector<16xi32>
        %and3A_144 = arith.andi %add3A_141, %and3A_143 : vector<16xi32>
        %add3A_145 = arith.constant 240000 : i32
        %add3A_146 = vector.broadcast %add3A_145 : i32 to vector<16xi32>
        %add3A_147 = arith.addi %add3A_146, %and3A_144 : vector<16xi32>
        %select_n3A = arith.select %and3A, %get3A_125, %add3A_147 : vector<16xi1>, vector<16xi32>
        %mul3A_148 = arith.constant 16 : i32
        %mul3A_149 = arith.muli %scan3A_121, %mul3A_148 : i32
        %swap3A = arith.index_cast %mul3A_149 : i32 to index
        %swap3A_150 = tpu.vector_load %arg12[%swap3A] {strides = array<i32>} : memref<2000xi32, #tpu.memory_space<vmem>>, vector<16xi32>,
        tpu.vector_store %arg12[%swap3A], %select_n3A {strides = array<i32>} : memref<2000xi32, #tpu.memory_space<vmem>>, vector<16xi32>,
        %scan3A_151 = arith.constant 0 : i32
        scf.yield %scan3A_151 : i32
      }
      %scan3A_120 = arith.constant 125 : i32
      "tpu.region"() ({
        %run_scoped3A = tpu.sem_alloc : memref<!tpu.dma_semaphore, #tpu.memory_space<semaphore_mem>>
        %dma_start3A_121 = arith.constant 0 : i32
        %dma_start3A_122 = tpu.memref_slice %arg18[%dma_start3A_121] : memref<240128xf32, #tpu.memory_space<vmem_shared>> -> memref<240128xf32, #tpu.memory_space<vmem_shared>>
        tpu.enqueue_indirect_dma source(%arg13 : memref<2000xf32, #tpu.memory_space<vmem>>) target(%dma_start3A_122 : memref<240128xf32, #tpu.memory_space<vmem_shared>>) offsets(%arg12 : memref<2000xi32, #tpu.memory_space<vmem>>) semaphore(%run_scoped3A : memref<!tpu.dma_semaphore, #tpu.memory_space<semaphore_mem>>) {add = true}
        %dma_wait3A_123 = arith.constant 0 : i32
        %dma_wait3A_124 = tpu.memref_slice %arg18[%dma_wait3A_123] : memref<240128xf32, #tpu.memory_space<vmem_shared>> -> memref<240128xf32, #tpu.memory_space<vmem_shared>>
        tpu.wait_indirect_dma semaphore(%run_scoped3A : memref<!tpu.dma_semaphore, #tpu.memory_space<semaphore_mem>>) src(%arg13 : memref<2000xf32, #tpu.memory_space<vmem>>) dst(%dma_wait3A_124 : memref<240128xf32, #tpu.memory_space<vmem_shared>>)
        tpu.yield
      }) : () -> ()
      "tpu.region"() ({
        %run_scoped3A = tpu.sem_alloc : memref<!tpu.dma_semaphore, #tpu.memory_space<semaphore_mem>>
        %dma_start3A_121 = arith.constant 0 : i32
        %dma_start3A_122 = tpu.memref_slice %arg19[%dma_start3A_121] : memref<240128xf32, #tpu.memory_space<vmem_shared>> -> memref<240128xf32, #tpu.memory_space<vmem_shared>>
        tpu.enqueue_indirect_dma source(%arg14 : memref<2000xf32, #tpu.memory_space<vmem>>) target(%dma_start3A_122 : memref<240128xf32, #tpu.memory_space<vmem_shared>>) offsets(%arg12 : memref<2000xi32, #tpu.memory_space<vmem>>) semaphore(%run_scoped3A : memref<!tpu.dma_semaphore, #tpu.memory_space<semaphore_mem>>) {add = true}
        %dma_wait3A_123 = arith.constant 0 : i32
        %dma_wait3A_124 = tpu.memref_slice %arg19[%dma_wait3A_123] : memref<240128xf32, #tpu.memory_space<vmem_shared>> -> memref<240128xf32, #tpu.memory_space<vmem_shared>>
        tpu.wait_indirect_dma semaphore(%run_scoped3A : memref<!tpu.dma_semaphore, #tpu.memory_space<semaphore_mem>>) src(%arg14 : memref<2000xf32, #tpu.memory_space<vmem>>) dst(%dma_wait3A_124 : memref<240128xf32, #tpu.memory_space<vmem_shared>>)
        tpu.yield
      }) : () -> ()
      "tpu.region"() ({
        %run_scoped3A = tpu.sem_alloc : memref<!tpu.dma_semaphore, #tpu.memory_space<semaphore_mem>>
        %dma_start3A_121 = arith.constant 0 : i32
        %dma_start3A_122 = tpu.memref_slice %arg20[%dma_start3A_121] : memref<240128xf32, #tpu.memory_space<vmem_shared>> -> memref<240128xf32, #tpu.memory_space<vmem_shared>>
        tpu.enqueue_indirect_dma source(%arg15 : memref<2000xf32, #tpu.memory_space<vmem>>) target(%dma_start3A_122 : memref<240128xf32, #tpu.memory_space<vmem_shared>>) offsets(%arg12 : memref<2000xi32, #tpu.memory_space<vmem>>) semaphore(%run_scoped3A : memref<!tpu.dma_semaphore, #tpu.memory_space<semaphore_mem>>) {add = true}
        %dma_wait3A_123 = arith.constant 0 : i32
        %dma_wait3A_124 = tpu.memref_slice %arg20[%dma_wait3A_123] : memref<240128xf32, #tpu.memory_space<vmem_shared>> -> memref<240128xf32, #tpu.memory_space<vmem_shared>>
        tpu.wait_indirect_dma semaphore(%run_scoped3A : memref<!tpu.dma_semaphore, #tpu.memory_space<semaphore_mem>>) src(%arg15 : memref<2000xf32, #tpu.memory_space<vmem>>) dst(%dma_wait3A_124 : memref<240128xf32, #tpu.memory_space<vmem_shared>>)
        tpu.yield
      }) : () -> ()
      "tpu.region"() ({
        %run_scoped3A = tpu.sem_alloc : memref<!tpu.dma_semaphore, #tpu.memory_space<semaphore_mem>>
        %dma_start3A_121 = arith.constant 0 : i32
        %dma_start3A_122 = tpu.memref_slice %arg21[%dma_start3A_121] : memref<240128xf32, #tpu.memory_space<vmem_shared>> -> memref<240128xf32, #tpu.memory_space<vmem_shared>>
        tpu.enqueue_indirect_dma source(%arg16 : memref<2000xf32, #tpu.memory_space<vmem>>) target(%dma_start3A_122 : memref<240128xf32, #tpu.memory_space<vmem_shared>>) offsets(%arg12 : memref<2000xi32, #tpu.memory_space<vmem>>) semaphore(%run_scoped3A : memref<!tpu.dma_semaphore, #tpu.memory_space<semaphore_mem>>) {add = true}
        %dma_wait3A_123 = arith.constant 0 : i32
        %dma_wait3A_124 = tpu.memref_slice %arg21[%dma_wait3A_123] : memref<240128xf32, #tpu.memory_space<vmem_shared>> -> memref<240128xf32, #tpu.memory_space<vmem_shared>>
        tpu.wait_indirect_dma semaphore(%run_scoped3A : memref<!tpu.dma_semaphore, #tpu.memory_space<semaphore_mem>>) src(%arg16 : memref<2000xf32, #tpu.memory_space<vmem>>) dst(%dma_wait3A_124 : memref<240128xf32, #tpu.memory_space<vmem_shared>>)
        tpu.yield
      }) : () -> ()
    } else {
    }
    %add3A_55 = arith.constant 224 : i32
    %add3A_56 = arith.addi %add3A_55, %add3A : i32
    %lt3A_57 = arith.constant 250 : i32
    %lt3A_58 = arith.cmpi slt, %add3A_56, %lt3A_57 : i32
    %convert_element_type3A_59 = arith.extui %lt3A_58 : i1 to i32
    %cond3A_60 = arith.constant 0 : i32
    %cond3A_61 = arith.cmpi ne, %convert_element_type3A_59, %cond3A_60 : i32
    scf.if %cond3A_61 {
      %mul3A_102 = arith.constant 2000 : i32
      %mul3A_103 = arith.muli %add3A_56, %mul3A_102 : i32
      %multiple_of3A_104 = tpu.assume_multiple %mul3A_103, 8 : i32
      "tpu.region"() ({
        %run_scoped3A = tpu.sem_alloc : memref<!tpu.dma_semaphore, #tpu.memory_space<semaphore_mem>>
        %dma_start3A_121 = tpu.memref_slice %arg2[%multiple_of3A_104] : memref<500000xi32, #tpu.memory_space<hbm>> -> memref<2000xi32, #tpu.memory_space<hbm>>
        %dma_start3A_122 = tpu.memref_slice %arg2[%multiple_of3A_104] : memref<500000xi32, #tpu.memory_space<hbm>> -> memref<2000xi32, #tpu.memory_space<hbm>>
        tpu.enqueue_dma source(%dma_start3A_122 : memref<2000xi32, #tpu.memory_space<hbm>>) target(%arg9 : memref<2000xi32, #tpu.memory_space<vmem>>) target_semaphore(%run_scoped3A : memref<!tpu.dma_semaphore, #tpu.memory_space<semaphore_mem>>)
        %dma_wait3A_123 = tpu.memref_slice %arg2[%multiple_of3A_104] : memref<500000xi32, #tpu.memory_space<hbm>> -> memref<2000xi32, #tpu.memory_space<hbm>>
        %dma_wait3A_124 = tpu.memref_slice %arg2[%multiple_of3A_104] : memref<500000xi32, #tpu.memory_space<hbm>> -> memref<2000xi32, #tpu.memory_space<hbm>>
        tpu.wait_dma2 semaphore(%run_scoped3A : memref<!tpu.dma_semaphore, #tpu.memory_space<semaphore_mem>>) src(%dma_wait3A_124 : memref<2000xi32, #tpu.memory_space<hbm>>) dst(%arg9 : memref<2000xi32, #tpu.memory_space<vmem>>)
        tpu.yield
      }) : () -> ()
      %scan3A_105 = arith.constant 0 : i32
      %scan3A_106 = arith.constant 0 : i32
      %scan3A_107 = arith.constant 125 : i32
      %scan3A_108 = arith.addi %scan3A_106, %scan3A_107 : i32
      %scan3A_109 = arith.constant 1 : i32
      %scan3A_110 = scf.for %scan3A_121 = %scan3A_106 to %scan3A_108 step %scan3A_109 iter_args(%scan3A_122 = %scan3A_105) -> (i32)  : i32 {
        %mul3A_123 = arith.constant 16 : i32
        %mul3A_124 = arith.muli %scan3A_121, %mul3A_123 : i32
        %get3A = arith.index_cast %mul3A_124 : i32 to index
        %get3A_125 = tpu.vector_load %arg9[%get3A] {strides = array<i32>} : memref<2000xi32, #tpu.memory_space<vmem>>, vector<16xi32>,
        %min3A = arith.constant 5631999 : i32
        %min3A_126 = vector.broadcast %min3A : i32 to vector<16xi32>
        %min3A_127 = arith.minsi %get3A_125, %min3A_126 : vector<16xi32>
        %mul3A_128 = arith.constant 16 : i32
        %mul3A_129 = arith.muli %scan3A_121, %mul3A_128 : i32
        %swap3A = arith.index_cast %mul3A_129 : i32 to index
        %swap3A_130 = tpu.vector_load %arg10[%swap3A] {strides = array<i32>} : memref<2000xi32, #tpu.memory_space<vmem>>, vector<16xi32>,
        tpu.vector_store %arg10[%swap3A], %min3A_127 {strides = array<i32>} : memref<2000xi32, #tpu.memory_space<vmem>>, vector<16xi32>,
        %scan3A_131 = arith.constant 0 : i32
        scf.yield %scan3A_131 : i32
      }
      %scan3A_111 = arith.constant 125 : i32
      %dma_start3A = arith.constant 0 : i32
      %dma_start3A_112 = tpu.memref_slice %arg7[%dma_start3A] : memref<5632000xi32, #tpu.memory_space<hbm>> -> memref<5632000xi32, #tpu.memory_space<hbm>>
      tpu.enqueue_indirect_dma source(%dma_start3A_112 : memref<5632000xi32, #tpu.memory_space<hbm>>) target(%arg11 : memref<2000xi32, #tpu.memory_space<vmem>>) offsets(%arg10 : memref<2000xi32, #tpu.memory_space<vmem>>) semaphore(%arg22 : memref<!tpu.dma_semaphore, #tpu.memory_space<semaphore_mem>>)
      %dma_wait3A = arith.constant 0 : i32
      %dma_wait3A_113 = tpu.memref_slice %arg7[%dma_wait3A] : memref<5632000xi32, #tpu.memory_space<hbm>> -> memref<5632000xi32, #tpu.memory_space<hbm>>
      tpu.wait_indirect_dma semaphore(%arg22 : memref<!tpu.dma_semaphore, #tpu.memory_space<semaphore_mem>>) src(%dma_wait3A_113 : memref<5632000xi32, #tpu.memory_space<hbm>>) dst(%arg11 : memref<2000xi32, #tpu.memory_space<vmem>>)
      "tpu.region"() ({
        %run_scoped3A = tpu.sem_alloc : memref<!tpu.dma_semaphore, #tpu.memory_space<semaphore_mem>>
        %dma_start3A_121 = tpu.memref_slice %arg3[%multiple_of3A_104] : memref<500000xf32, #tpu.memory_space<hbm>> -> memref<2000xf32, #tpu.memory_space<hbm>>
        %dma_start3A_122 = tpu.memref_slice %arg3[%multiple_of3A_104] : memref<500000xf32, #tpu.memory_space<hbm>> -> memref<2000xf32, #tpu.memory_space<hbm>>
        tpu.enqueue_dma source(%dma_start3A_122 : memref<2000xf32, #tpu.memory_space<hbm>>) target(%arg13 : memref<2000xf32, #tpu.memory_space<vmem>>) target_semaphore(%run_scoped3A : memref<!tpu.dma_semaphore, #tpu.memory_space<semaphore_mem>>)
        %dma_wait3A_123 = tpu.memref_slice %arg3[%multiple_of3A_104] : memref<500000xf32, #tpu.memory_space<hbm>> -> memref<2000xf32, #tpu.memory_space<hbm>>
        %dma_wait3A_124 = tpu.memref_slice %arg3[%multiple_of3A_104] : memref<500000xf32, #tpu.memory_space<hbm>> -> memref<2000xf32, #tpu.memory_space<hbm>>
        tpu.wait_dma2 semaphore(%run_scoped3A : memref<!tpu.dma_semaphore, #tpu.memory_space<semaphore_mem>>) src(%dma_wait3A_124 : memref<2000xf32, #tpu.memory_space<hbm>>) dst(%arg13 : memref<2000xf32, #tpu.memory_space<vmem>>)
        tpu.yield
      }) : () -> ()
      "tpu.region"() ({
        %run_scoped3A = tpu.sem_alloc : memref<!tpu.dma_semaphore, #tpu.memory_space<semaphore_mem>>
        %dma_start3A_121 = tpu.memref_slice %arg4[%multiple_of3A_104] : memref<500000xf32, #tpu.memory_space<hbm>> -> memref<2000xf32, #tpu.memory_space<hbm>>
        %dma_start3A_122 = tpu.memref_slice %arg4[%multiple_of3A_104] : memref<500000xf32, #tpu.memory_space<hbm>> -> memref<2000xf32, #tpu.memory_space<hbm>>
        tpu.enqueue_dma source(%dma_start3A_122 : memref<2000xf32, #tpu.memory_space<hbm>>) target(%arg14 : memref<2000xf32, #tpu.memory_space<vmem>>) target_semaphore(%run_scoped3A : memref<!tpu.dma_semaphore, #tpu.memory_space<semaphore_mem>>)
        %dma_wait3A_123 = tpu.memref_slice %arg4[%multiple_of3A_104] : memref<500000xf32, #tpu.memory_space<hbm>> -> memref<2000xf32, #tpu.memory_space<hbm>>
        %dma_wait3A_124 = tpu.memref_slice %arg4[%multiple_of3A_104] : memref<500000xf32, #tpu.memory_space<hbm>> -> memref<2000xf32, #tpu.memory_space<hbm>>
        tpu.wait_dma2 semaphore(%run_scoped3A : memref<!tpu.dma_semaphore, #tpu.memory_space<semaphore_mem>>) src(%dma_wait3A_124 : memref<2000xf32, #tpu.memory_space<hbm>>) dst(%arg14 : memref<2000xf32, #tpu.memory_space<vmem>>)
        tpu.yield
      }) : () -> ()
      "tpu.region"() ({
        %run_scoped3A = tpu.sem_alloc : memref<!tpu.dma_semaphore, #tpu.memory_space<semaphore_mem>>
        %dma_start3A_121 = tpu.memref_slice %arg5[%multiple_of3A_104] : memref<500000xf32, #tpu.memory_space<hbm>> -> memref<2000xf32, #tpu.memory_space<hbm>>
        %dma_start3A_122 = tpu.memref_slice %arg5[%multiple_of3A_104] : memref<500000xf32, #tpu.memory_space<hbm>> -> memref<2000xf32, #tpu.memory_space<hbm>>
        tpu.enqueue_dma source(%dma_start3A_122 : memref<2000xf32, #tpu.memory_space<hbm>>) target(%arg15 : memref<2000xf32, #tpu.memory_space<vmem>>) target_semaphore(%run_scoped3A : memref<!tpu.dma_semaphore, #tpu.memory_space<semaphore_mem>>)
        %dma_wait3A_123 = tpu.memref_slice %arg5[%multiple_of3A_104] : memref<500000xf32, #tpu.memory_space<hbm>> -> memref<2000xf32, #tpu.memory_space<hbm>>
        %dma_wait3A_124 = tpu.memref_slice %arg5[%multiple_of3A_104] : memref<500000xf32, #tpu.memory_space<hbm>> -> memref<2000xf32, #tpu.memory_space<hbm>>
        tpu.wait_dma2 semaphore(%run_scoped3A : memref<!tpu.dma_semaphore, #tpu.memory_space<semaphore_mem>>) src(%dma_wait3A_124 : memref<2000xf32, #tpu.memory_space<hbm>>) dst(%arg15 : memref<2000xf32, #tpu.memory_space<vmem>>)
        tpu.yield
      }) : () -> ()
      "tpu.region"() ({
        %run_scoped3A = tpu.sem_alloc : memref<!tpu.dma_semaphore, #tpu.memory_space<semaphore_mem>>
        %dma_start3A_121 = tpu.memref_slice %arg6[%multiple_of3A_104] : memref<500000xf32, #tpu.memory_space<hbm>> -> memref<2000xf32, #tpu.memory_space<hbm>>
        %dma_start3A_122 = tpu.memref_slice %arg6[%multiple_of3A_104] : memref<500000xf32, #tpu.memory_space<hbm>> -> memref<2000xf32, #tpu.memory_space<hbm>>
        tpu.enqueue_dma source(%dma_start3A_122 : memref<2000xf32, #tpu.memory_space<hbm>>) target(%arg16 : memref<2000xf32, #tpu.memory_space<vmem>>) target_semaphore(%run_scoped3A : memref<!tpu.dma_semaphore, #tpu.memory_space<semaphore_mem>>)
        %dma_wait3A_123 = tpu.memref_slice %arg6[%multiple_of3A_104] : memref<500000xf32, #tpu.memory_space<hbm>> -> memref<2000xf32, #tpu.memory_space<hbm>>
        %dma_wait3A_124 = tpu.memref_slice %arg6[%multiple_of3A_104] : memref<500000xf32, #tpu.memory_space<hbm>> -> memref<2000xf32, #tpu.memory_space<hbm>>
        tpu.wait_dma2 semaphore(%run_scoped3A : memref<!tpu.dma_semaphore, #tpu.memory_space<semaphore_mem>>) src(%dma_wait3A_124 : memref<2000xf32, #tpu.memory_space<hbm>>) dst(%arg16 : memref<2000xf32, #tpu.memory_space<vmem>>)
        tpu.yield
      }) : () -> ()
      %scan3A_114 = arith.constant 0 : i32
      %scan3A_115 = arith.constant 0 : i32
      %scan3A_116 = arith.constant 125 : i32
      %scan3A_117 = arith.addi %scan3A_115, %scan3A_116 : i32
      %scan3A_118 = arith.constant 1 : i32
      %scan3A_119 = scf.for %scan3A_121 = %scan3A_115 to %scan3A_117 step %scan3A_118 iter_args(%scan3A_122 = %scan3A_114) -> (i32)  : i32 {
        %mul3A_123 = arith.constant 16 : i32
        %mul3A_124 = arith.muli %scan3A_121, %mul3A_123 : i32
        %get3A = arith.index_cast %mul3A_124 : i32 to index
        %get3A_125 = tpu.vector_load %arg11[%get3A] {strides = array<i32>} : memref<2000xi32, #tpu.memory_space<vmem>>, vector<16xi32>,
        %mul3A_126 = arith.constant 16 : i32
        %mul3A_127 = arith.muli %scan3A_121, %mul3A_126 : i32
        %get3A_128 = arith.index_cast %mul3A_127 : i32 to index
        %get3A_129 = tpu.vector_load %arg9[%get3A_128] {strides = array<i32>} : memref<2000xi32, #tpu.memory_space<vmem>>, vector<16xi32>,
        %lt3A_130 = arith.constant 5632000 : i32
        %lt3A_131 = vector.broadcast %lt3A_130 : i32 to vector<16xi32>
        %lt3A_132 = arith.cmpi slt, %get3A_129, %lt3A_131 : vector<16xi32>
        %lt3A_133 = arith.constant 240000 : i32
        %lt3A_134 = vector.broadcast %lt3A_133 : i32 to vector<16xi32>
        %lt3A_135 = arith.cmpi slt, %get3A_125, %lt3A_134 : vector<16xi32>
        %and3A = arith.andi %lt3A_132, %lt3A_135 : vector<16xi1>
        %mul3A_136 = arith.constant 16 : i32
        %mul3A_137 = arith.muli %add3A, %mul3A_136 : i32
        %add3A_138 = vector.broadcast %mul3A_137 : i32 to vector<16xi32>
        %add3A_139 = arith.addi %add3A_138, %iota3A : vector<16xi32>
        %add3A_140 = vector.broadcast %scan3A_121 : i32 to vector<16xi32>
        %add3A_141 = arith.addi %add3A_139, %add3A_140 : vector<16xi32>
        %and3A_142 = arith.constant 127 : i32
        %and3A_143 = vector.broadcast %and3A_142 : i32 to vector<16xi32>
        %and3A_144 = arith.andi %add3A_141, %and3A_143 : vector<16xi32>
        %add3A_145 = arith.constant 240000 : i32
        %add3A_146 = vector.broadcast %add3A_145 : i32 to vector<16xi32>
        %add3A_147 = arith.addi %add3A_146, %and3A_144 : vector<16xi32>
        %select_n3A = arith.select %and3A, %get3A_125, %add3A_147 : vector<16xi1>, vector<16xi32>
        %mul3A_148 = arith.constant 16 : i32
        %mul3A_149 = arith.muli %scan3A_121, %mul3A_148 : i32
        %swap3A = arith.index_cast %mul3A_149 : i32 to index
        %swap3A_150 = tpu.vector_load %arg12[%swap3A] {strides = array<i32>} : memref<2000xi32, #tpu.memory_space<vmem>>, vector<16xi32>,
        tpu.vector_store %arg12[%swap3A], %select_n3A {strides = array<i32>} : memref<2000xi32, #tpu.memory_space<vmem>>, vector<16xi32>,
        %scan3A_151 = arith.constant 0 : i32
        scf.yield %scan3A_151 : i32
      }
      %scan3A_120 = arith.constant 125 : i32
      "tpu.region"() ({
        %run_scoped3A = tpu.sem_alloc : memref<!tpu.dma_semaphore, #tpu.memory_space<semaphore_mem>>
        %dma_start3A_121 = arith.constant 0 : i32
        %dma_start3A_122 = tpu.memref_slice %arg18[%dma_start3A_121] : memref<240128xf32, #tpu.memory_space<vmem_shared>> -> memref<240128xf32, #tpu.memory_space<vmem_shared>>
        tpu.enqueue_indirect_dma source(%arg13 : memref<2000xf32, #tpu.memory_space<vmem>>) target(%dma_start3A_122 : memref<240128xf32, #tpu.memory_space<vmem_shared>>) offsets(%arg12 : memref<2000xi32, #tpu.memory_space<vmem>>) semaphore(%run_scoped3A : memref<!tpu.dma_semaphore, #tpu.memory_space<semaphore_mem>>) {add = true}
        %dma_wait3A_123 = arith.constant 0 : i32
        %dma_wait3A_124 = tpu.memref_slice %arg18[%dma_wait3A_123] : memref<240128xf32, #tpu.memory_space<vmem_shared>> -> memref<240128xf32, #tpu.memory_space<vmem_shared>>
        tpu.wait_indirect_dma semaphore(%run_scoped3A : memref<!tpu.dma_semaphore, #tpu.memory_space<semaphore_mem>>) src(%arg13 : memref<2000xf32, #tpu.memory_space<vmem>>) dst(%dma_wait3A_124 : memref<240128xf32, #tpu.memory_space<vmem_shared>>)
        tpu.yield
      }) : () -> ()
      "tpu.region"() ({
        %run_scoped3A = tpu.sem_alloc : memref<!tpu.dma_semaphore, #tpu.memory_space<semaphore_mem>>
        %dma_start3A_121 = arith.constant 0 : i32
        %dma_start3A_122 = tpu.memref_slice %arg19[%dma_start3A_121] : memref<240128xf32, #tpu.memory_space<vmem_shared>> -> memref<240128xf32, #tpu.memory_space<vmem_shared>>
        tpu.enqueue_indirect_dma source(%arg14 : memref<2000xf32, #tpu.memory_space<vmem>>) target(%dma_start3A_122 : memref<240128xf32, #tpu.memory_space<vmem_shared>>) offsets(%arg12 : memref<2000xi32, #tpu.memory_space<vmem>>) semaphore(%run_scoped3A : memref<!tpu.dma_semaphore, #tpu.memory_space<semaphore_mem>>) {add = true}
        %dma_wait3A_123 = arith.constant 0 : i32
        %dma_wait3A_124 = tpu.memref_slice %arg19[%dma_wait3A_123] : memref<240128xf32, #tpu.memory_space<vmem_shared>> -> memref<240128xf32, #tpu.memory_space<vmem_shared>>
        tpu.wait_indirect_dma semaphore(%run_scoped3A : memref<!tpu.dma_semaphore, #tpu.memory_space<semaphore_mem>>) src(%arg14 : memref<2000xf32, #tpu.memory_space<vmem>>) dst(%dma_wait3A_124 : memref<240128xf32, #tpu.memory_space<vmem_shared>>)
        tpu.yield
      }) : () -> ()
      "tpu.region"() ({
        %run_scoped3A = tpu.sem_alloc : memref<!tpu.dma_semaphore, #tpu.memory_space<semaphore_mem>>
        %dma_start3A_121 = arith.constant 0 : i32
        %dma_start3A_122 = tpu.memref_slice %arg20[%dma_start3A_121] : memref<240128xf32, #tpu.memory_space<vmem_shared>> -> memref<240128xf32, #tpu.memory_space<vmem_shared>>
        tpu.enqueue_indirect_dma source(%arg15 : memref<2000xf32, #tpu.memory_space<vmem>>) target(%dma_start3A_122 : memref<240128xf32, #tpu.memory_space<vmem_shared>>) offsets(%arg12 : memref<2000xi32, #tpu.memory_space<vmem>>) semaphore(%run_scoped3A : memref<!tpu.dma_semaphore, #tpu.memory_space<semaphore_mem>>) {add = true}
        %dma_wait3A_123 = arith.constant 0 : i32
        %dma_wait3A_124 = tpu.memref_slice %arg20[%dma_wait3A_123] : memref<240128xf32, #tpu.memory_space<vmem_shared>> -> memref<240128xf32, #tpu.memory_space<vmem_shared>>
        tpu.wait_indirect_dma semaphore(%run_scoped3A : memref<!tpu.dma_semaphore, #tpu.memory_space<semaphore_mem>>) src(%arg15 : memref<2000xf32, #tpu.memory_space<vmem>>) dst(%dma_wait3A_124 : memref<240128xf32, #tpu.memory_space<vmem_shared>>)
        tpu.yield
      }) : () -> ()
      "tpu.region"() ({
        %run_scoped3A = tpu.sem_alloc : memref<!tpu.dma_semaphore, #tpu.memory_space<semaphore_mem>>
        %dma_start3A_121 = arith.constant 0 : i32
        %dma_start3A_122 = tpu.memref_slice %arg21[%dma_start3A_121] : memref<240128xf32, #tpu.memory_space<vmem_shared>> -> memref<240128xf32, #tpu.memory_space<vmem_shared>>
        tpu.enqueue_indirect_dma source(%arg16 : memref<2000xf32, #tpu.memory_space<vmem>>) target(%dma_start3A_122 : memref<240128xf32, #tpu.memory_space<vmem_shared>>) offsets(%arg12 : memref<2000xi32, #tpu.memory_space<vmem>>) semaphore(%run_scoped3A : memref<!tpu.dma_semaphore, #tpu.memory_space<semaphore_mem>>) {add = true}
        %dma_wait3A_123 = arith.constant 0 : i32
        %dma_wait3A_124 = tpu.memref_slice %arg21[%dma_wait3A_123] : memref<240128xf32, #tpu.memory_space<vmem_shared>> -> memref<240128xf32, #tpu.memory_space<vmem_shared>>
        tpu.wait_indirect_dma semaphore(%run_scoped3A : memref<!tpu.dma_semaphore, #tpu.memory_space<semaphore_mem>>) src(%arg16 : memref<2000xf32, #tpu.memory_space<vmem>>) dst(%dma_wait3A_124 : memref<240128xf32, #tpu.memory_space<vmem_shared>>)
        tpu.yield
      }) : () -> ()
    } else {
    }
    %barrier3A_62 = arith.constant 0 : index
    tpu.barrier barrier_id(%barrier3A_62)
    %mul3A_63 = arith.constant 4 : i32
    %mul3A_64 = arith.muli %arg0, %mul3A_63 : i32
    %add3A_65 = arith.constant 0 : i32
    %add3A_66 = arith.addi %mul3A_64, %add3A_65 : i32
    %mul3A_67 = arith.constant 240128 : i32
    %mul3A_68 = arith.muli %add3A_66, %mul3A_67 : i32
    %mul3A_69 = arith.constant 15008 : i32
    %mul3A_70 = arith.muli %arg1, %mul3A_69 : i32
    %add3A_71 = arith.addi %mul3A_68, %mul3A_70 : i32
    %multiple_of3A = tpu.assume_multiple %add3A_71, 8 : i32
    "tpu.region"() ({
      %run_scoped3A = tpu.sem_alloc : memref<!tpu.dma_semaphore, #tpu.memory_space<semaphore_mem>>
      %dma_start3A = tpu.memref_slice %arg18[%mul3A_2] : memref<240128xf32, #tpu.memory_space<vmem_shared>> -> memref<15008xf32, #tpu.memory_space<vmem_shared>>
      %dma_start3A_102 = tpu.memref_slice %arg18[%mul3A_2] : memref<240128xf32, #tpu.memory_space<vmem_shared>> -> memref<15008xf32, #tpu.memory_space<vmem_shared>>
      tpu.enqueue_dma source(%dma_start3A_102 : memref<15008xf32, #tpu.memory_space<vmem_shared>>) target(%arg17 : memref<15008xf32, #tpu.memory_space<vmem>>) target_semaphore(%run_scoped3A : memref<!tpu.dma_semaphore, #tpu.memory_space<semaphore_mem>>)
      %dma_wait3A = tpu.memref_slice %arg18[%mul3A_2] : memref<240128xf32, #tpu.memory_space<vmem_shared>> -> memref<15008xf32, #tpu.memory_space<vmem_shared>>
      %dma_wait3A_103 = tpu.memref_slice %arg18[%mul3A_2] : memref<240128xf32, #tpu.memory_space<vmem_shared>> -> memref<15008xf32, #tpu.memory_space<vmem_shared>>
      tpu.wait_dma2 semaphore(%run_scoped3A : memref<!tpu.dma_semaphore, #tpu.memory_space<semaphore_mem>>) src(%dma_wait3A_103 : memref<15008xf32, #tpu.memory_space<vmem_shared>>) dst(%arg17 : memref<15008xf32, #tpu.memory_space<vmem>>)
      tpu.yield
    }) : () -> ()
    "tpu.region"() ({
      %run_scoped3A = tpu.sem_alloc : memref<!tpu.dma_semaphore, #tpu.memory_space<semaphore_mem>>
      %dma_start3A = tpu.memref_slice %arg8[%multiple_of3A] : memref<1921024xf32, #tpu.memory_space<hbm>> -> memref<15008xf32, #tpu.memory_space<hbm>>
      %dma_start3A_102 = tpu.memref_slice %arg8[%multiple_of3A] : memref<1921024xf32, #tpu.memory_space<hbm>> -> memref<15008xf32, #tpu.memory_space<hbm>>
      tpu.enqueue_dma source(%arg17 : memref<15008xf32, #tpu.memory_space<vmem>>) target(%dma_start3A_102 : memref<15008xf32, #tpu.memory_space<hbm>>) target_semaphore(%run_scoped3A : memref<!tpu.dma_semaphore, #tpu.memory_space<semaphore_mem>>)
      %dma_wait3A = tpu.memref_slice %arg8[%multiple_of3A] : memref<1921024xf32, #tpu.memory_space<hbm>> -> memref<15008xf32, #tpu.memory_space<hbm>>
      %dma_wait3A_103 = tpu.memref_slice %arg8[%multiple_of3A] : memref<1921024xf32, #tpu.memory_space<hbm>> -> memref<15008xf32, #tpu.memory_space<hbm>>
      tpu.wait_dma2 semaphore(%run_scoped3A : memref<!tpu.dma_semaphore, #tpu.memory_space<semaphore_mem>>) src(%arg17 : memref<15008xf32, #tpu.memory_space<vmem>>) dst(%dma_wait3A_103 : memref<15008xf32, #tpu.memory_space<hbm>>)
      tpu.yield
    }) : () -> ()
    %mul3A_72 = arith.constant 4 : i32
    %mul3A_73 = arith.muli %arg0, %mul3A_72 : i32
    %add3A_74 = arith.constant 1 : i32
    %add3A_75 = arith.addi %mul3A_73, %add3A_74 : i32
    %mul3A_76 = arith.constant 240128 : i32
    %mul3A_77 = arith.muli %add3A_75, %mul3A_76 : i32
    %mul3A_78 = arith.constant 15008 : i32
    %mul3A_79 = arith.muli %arg1, %mul3A_78 : i32
    %add3A_80 = arith.addi %mul3A_77, %mul3A_79 : i32
    %multiple_of3A_81 = tpu.assume_multiple %add3A_80, 8 : i32
    "tpu.region"() ({
      %run_scoped3A = tpu.sem_alloc : memref<!tpu.dma_semaphore, #tpu.memory_space<semaphore_mem>>
      %dma_start3A = tpu.memref_slice %arg19[%mul3A_2] : memref<240128xf32, #tpu.memory_space<vmem_shared>> -> memref<15008xf32, #tpu.memory_space<vmem_shared>>
      %dma_start3A_102 = tpu.memref_slice %arg19[%mul3A_2] : memref<240128xf32, #tpu.memory_space<vmem_shared>> -> memref<15008xf32, #tpu.memory_space<vmem_shared>>
      tpu.enqueue_dma source(%dma_start3A_102 : memref<15008xf32, #tpu.memory_space<vmem_shared>>) target(%arg17 : memref<15008xf32, #tpu.memory_space<vmem>>) target_semaphore(%run_scoped3A : memref<!tpu.dma_semaphore, #tpu.memory_space<semaphore_mem>>)
      %dma_wait3A = tpu.memref_slice %arg19[%mul3A_2] : memref<240128xf32, #tpu.memory_space<vmem_shared>> -> memref<15008xf32, #tpu.memory_space<vmem_shared>>
      %dma_wait3A_103 = tpu.memref_slice %arg19[%mul3A_2] : memref<240128xf32, #tpu.memory_space<vmem_shared>> -> memref<15008xf32, #tpu.memory_space<vmem_shared>>
      tpu.wait_dma2 semaphore(%run_scoped3A : memref<!tpu.dma_semaphore, #tpu.memory_space<semaphore_mem>>) src(%dma_wait3A_103 : memref<15008xf32, #tpu.memory_space<vmem_shared>>) dst(%arg17 : memref<15008xf32, #tpu.memory_space<vmem>>)
      tpu.yield
    }) : () -> ()
    "tpu.region"() ({
      %run_scoped3A = tpu.sem_alloc : memref<!tpu.dma_semaphore, #tpu.memory_space<semaphore_mem>>
      %dma_start3A = tpu.memref_slice %arg8[%multiple_of3A_81] : memref<1921024xf32, #tpu.memory_space<hbm>> -> memref<15008xf32, #tpu.memory_space<hbm>>
      %dma_start3A_102 = tpu.memref_slice %arg8[%multiple_of3A_81] : memref<1921024xf32, #tpu.memory_space<hbm>> -> memref<15008xf32, #tpu.memory_space<hbm>>
      tpu.enqueue_dma source(%arg17 : memref<15008xf32, #tpu.memory_space<vmem>>) target(%dma_start3A_102 : memref<15008xf32, #tpu.memory_space<hbm>>) target_semaphore(%run_scoped3A : memref<!tpu.dma_semaphore, #tpu.memory_space<semaphore_mem>>)
      %dma_wait3A = tpu.memref_slice %arg8[%multiple_of3A_81] : memref<1921024xf32, #tpu.memory_space<hbm>> -> memref<15008xf32, #tpu.memory_space<hbm>>
      %dma_wait3A_103 = tpu.memref_slice %arg8[%multiple_of3A_81] : memref<1921024xf32, #tpu.memory_space<hbm>> -> memref<15008xf32, #tpu.memory_space<hbm>>
      tpu.wait_dma2 semaphore(%run_scoped3A : memref<!tpu.dma_semaphore, #tpu.memory_space<semaphore_mem>>) src(%arg17 : memref<15008xf32, #tpu.memory_space<vmem>>) dst(%dma_wait3A_103 : memref<15008xf32, #tpu.memory_space<hbm>>)
      tpu.yield
    }) : () -> ()
    %mul3A_82 = arith.constant 4 : i32
    %mul3A_83 = arith.muli %arg0, %mul3A_82 : i32
    %add3A_84 = arith.constant 2 : i32
    %add3A_85 = arith.addi %mul3A_83, %add3A_84 : i32
    %mul3A_86 = arith.constant 240128 : i32
    %mul3A_87 = arith.muli %add3A_85, %mul3A_86 : i32
    %mul3A_88 = arith.constant 15008 : i32
    %mul3A_89 = arith.muli %arg1, %mul3A_88 : i32
    %add3A_90 = arith.addi %mul3A_87, %mul3A_89 : i32
    %multiple_of3A_91 = tpu.assume_multiple %add3A_90, 8 : i32
    "tpu.region"() ({
      %run_scoped3A = tpu.sem_alloc : memref<!tpu.dma_semaphore, #tpu.memory_space<semaphore_mem>>
      %dma_start3A = tpu.memref_slice %arg20[%mul3A_2] : memref<240128xf32, #tpu.memory_space<vmem_shared>> -> memref<15008xf32, #tpu.memory_space<vmem_shared>>
      %dma_start3A_102 = tpu.memref_slice %arg20[%mul3A_2] : memref<240128xf32, #tpu.memory_space<vmem_shared>> -> memref<15008xf32, #tpu.memory_space<vmem_shared>>
      tpu.enqueue_dma source(%dma_start3A_102 : memref<15008xf32, #tpu.memory_space<vmem_shared>>) target(%arg17 : memref<15008xf32, #tpu.memory_space<vmem>>) target_semaphore(%run_scoped3A : memref<!tpu.dma_semaphore, #tpu.memory_space<semaphore_mem>>)
      %dma_wait3A = tpu.memref_slice %arg20[%mul3A_2] : memref<240128xf32, #tpu.memory_space<vmem_shared>> -> memref<15008xf32, #tpu.memory_space<vmem_shared>>
      %dma_wait3A_103 = tpu.memref_slice %arg20[%mul3A_2] : memref<240128xf32, #tpu.memory_space<vmem_shared>> -> memref<15008xf32, #tpu.memory_space<vmem_shared>>
      tpu.wait_dma2 semaphore(%run_scoped3A : memref<!tpu.dma_semaphore, #tpu.memory_space<semaphore_mem>>) src(%dma_wait3A_103 : memref<15008xf32, #tpu.memory_space<vmem_shared>>) dst(%arg17 : memref<15008xf32, #tpu.memory_space<vmem>>)
      tpu.yield
    }) : () -> ()
    "tpu.region"() ({
      %run_scoped3A = tpu.sem_alloc : memref<!tpu.dma_semaphore, #tpu.memory_space<semaphore_mem>>
      %dma_start3A = tpu.memref_slice %arg8[%multiple_of3A_91] : memref<1921024xf32, #tpu.memory_space<hbm>> -> memref<15008xf32, #tpu.memory_space<hbm>>
      %dma_start3A_102 = tpu.memref_slice %arg8[%multiple_of3A_91] : memref<1921024xf32, #tpu.memory_space<hbm>> -> memref<15008xf32, #tpu.memory_space<hbm>>
      tpu.enqueue_dma source(%arg17 : memref<15008xf32, #tpu.memory_space<vmem>>) target(%dma_start3A_102 : memref<15008xf32, #tpu.memory_space<hbm>>) target_semaphore(%run_scoped3A : memref<!tpu.dma_semaphore, #tpu.memory_space<semaphore_mem>>)
      %dma_wait3A = tpu.memref_slice %arg8[%multiple_of3A_91] : memref<1921024xf32, #tpu.memory_space<hbm>> -> memref<15008xf32, #tpu.memory_space<hbm>>
      %dma_wait3A_103 = tpu.memref_slice %arg8[%multiple_of3A_91] : memref<1921024xf32, #tpu.memory_space<hbm>> -> memref<15008xf32, #tpu.memory_space<hbm>>
      tpu.wait_dma2 semaphore(%run_scoped3A : memref<!tpu.dma_semaphore, #tpu.memory_space<semaphore_mem>>) src(%arg17 : memref<15008xf32, #tpu.memory_space<vmem>>) dst(%dma_wait3A_103 : memref<15008xf32, #tpu.memory_space<hbm>>)
      tpu.yield
    }) : () -> ()
    %mul3A_92 = arith.constant 4 : i32
    %mul3A_93 = arith.muli %arg0, %mul3A_92 : i32
    %add3A_94 = arith.constant 3 : i32
    %add3A_95 = arith.addi %mul3A_93, %add3A_94 : i32
    %mul3A_96 = arith.constant 240128 : i32
    %mul3A_97 = arith.muli %add3A_95, %mul3A_96 : i32
    %mul3A_98 = arith.constant 15008 : i32
    %mul3A_99 = arith.muli %arg1, %mul3A_98 : i32
    %add3A_100 = arith.addi %mul3A_97, %mul3A_99 : i32
    %multiple_of3A_101 = tpu.assume_multiple %add3A_100, 8 : i32
    "tpu.region"() ({
      %run_scoped3A = tpu.sem_alloc : memref<!tpu.dma_semaphore, #tpu.memory_space<semaphore_mem>>
      %dma_start3A = tpu.memref_slice %arg21[%mul3A_2] : memref<240128xf32, #tpu.memory_space<vmem_shared>> -> memref<15008xf32, #tpu.memory_space<vmem_shared>>
      %dma_start3A_102 = tpu.memref_slice %arg21[%mul3A_2] : memref<240128xf32, #tpu.memory_space<vmem_shared>> -> memref<15008xf32, #tpu.memory_space<vmem_shared>>
      tpu.enqueue_dma source(%dma_start3A_102 : memref<15008xf32, #tpu.memory_space<vmem_shared>>) target(%arg17 : memref<15008xf32, #tpu.memory_space<vmem>>) target_semaphore(%run_scoped3A : memref<!tpu.dma_semaphore, #tpu.memory_space<semaphore_mem>>)
      %dma_wait3A = tpu.memref_slice %arg21[%mul3A_2] : memref<240128xf32, #tpu.memory_space<vmem_shared>> -> memref<15008xf32, #tpu.memory_space<vmem_shared>>
      %dma_wait3A_103 = tpu.memref_slice %arg21[%mul3A_2] : memref<240128xf32, #tpu.memory_space<vmem_shared>> -> memref<15008xf32, #tpu.memory_space<vmem_shared>>
      tpu.wait_dma2 semaphore(%run_scoped3A : memref<!tpu.dma_semaphore, #tpu.memory_space<semaphore_mem>>) src(%dma_wait3A_103 : memref<15008xf32, #tpu.memory_space<vmem_shared>>) dst(%arg17 : memref<15008xf32, #tpu.memory_space<vmem>>)
      tpu.yield
    }) : () -> ()
    "tpu.region"() ({
      %run_scoped3A = tpu.sem_alloc : memref<!tpu.dma_semaphore, #tpu.memory_space<semaphore_mem>>
      %dma_start3A = tpu.memref_slice %arg8[%multiple_of3A_101] : memref<1921024xf32, #tpu.memory_space<hbm>> -> memref<15008xf32, #tpu.memory_space<hbm>>
      %dma_start3A_102 = tpu.memref_slice %arg8[%multiple_of3A_101] : memref<1921024xf32, #tpu.memory_space<hbm>> -> memref<15008xf32, #tpu.memory_space<hbm>>
      tpu.enqueue_dma source(%arg17 : memref<15008xf32, #tpu.memory_space<vmem>>) target(%dma_start3A_102 : memref<15008xf32, #tpu.memory_space<hbm>>) target_semaphore(%run_scoped3A : memref<!tpu.dma_semaphore, #tpu.memory_space<semaphore_mem>>)
      %dma_wait3A = tpu.memref_slice %arg8[%multiple_of3A_101] : memref<1921024xf32, #tpu.memory_space<hbm>> -> memref<15008xf32, #tpu.memory_space<hbm>>
      %dma_wait3A_103 = tpu.memref_slice %arg8[%multiple_of3A_101] : memref<1921024xf32, #tpu.memory_space<hbm>> -> memref<15008xf32, #tpu.memory_space<hbm>>
      tpu.wait_dma2 semaphore(%run_scoped3A : memref<!tpu.dma_semaphore, #tpu.memory_space<semaphore_mem>>) src(%arg17 : memref<15008xf32, #tpu.memory_space<vmem>>) dst(%dma_wait3A_103 : memref<15008xf32, #tpu.memory_space<hbm>>)
      tpu.yield
    }) : () -> ()
    return
  }
}

module attributes {stable_mosaic.version = 14 : i64} {
  func.func @_k4_body(%arg0: i32, %arg1: memref<1xi32, #tpu.memory_space<smem>>, %arg2: memref<128x128xi32, #tpu.memory_space<vmem>>, %arg3: memref<128x128xf32, #tpu.memory_space<vmem>>, %arg4: memref<128x128xf32, #tpu.memory_space<vmem>>, %arg5: memref<128x128xf32, #tpu.memory_space<vmem>>, %arg6: memref<128x128xf32, #tpu.memory_space<vmem>>, %arg7: memref<128x128xf32, #tpu.memory_space<vmem>>, %arg8: memref<128x128xf32, #tpu.memory_space<vmem>>, %arg9: memref<128x128xf32, #tpu.memory_space<vmem>>, %arg10: memref<128x128xf32, #tpu.memory_space<vmem>>, %arg11: memref<128x128xf32, #tpu.memory_space<vmem>>, %arg12: memref<128x128xf32, #tpu.memory_space<vmem>>, %arg13: memref<128x128xf32, #tpu.memory_space<vmem>>, %arg14: memref<128x128xf32, #tpu.memory_space<vmem>>, %arg15: memref<128x128xf32, #tpu.memory_space<vmem>>, %arg16: memref<128x128xi32, #tpu.memory_space<vmem>>, %arg17: memref<128x128xi32, #tpu.memory_space<vmem>>, %arg18: memref<128x128xi32, #tpu.memory_space<vmem>>, %arg19: memref<128x128xi32, #tpu.memory_space<vmem>>, %arg20: memref<128x128xf32, #tpu.memory_space<vmem>>) attributes {dimension_semantics = [#tpu.dimension_semantics<arbitrary>], iteration_bounds = array<i64: 15>, scalar_prefetch = 0 : i64, scratch_operands = 0 : i64, tpu.core_type = #tpu.core_type<tc>, window_params = [{transform_indices = @transform_0, window_bounds = array<i64: 1>}, {transform_indices = @transform_1, window_bounds = array<i64: 128, 128>}, {transform_indices = @transform_2, window_bounds = array<i64: 128, 128>}, {transform_indices = @transform_3, window_bounds = array<i64: 128, 128>}, {transform_indices = @transform_4, window_bounds = array<i64: 128, 128>}, {transform_indices = @transform_5, window_bounds = array<i64: 128, 128>}, {transform_indices = @transform_6, window_bounds = array<i64: 128, 128>}, {transform_indices = @transform_7, window_bounds = array<i64: 128, 128>}, {transform_indices = @transform_8, window_bounds = array<i64: 128, 128>}, {transform_indices = @transform_9, window_bounds = array<i64: 128, 128>}, {transform_indices = @transform_10, window_bounds = array<i64: 128, 128>}, {transform_indices = @transform_11, window_bounds = array<i64: 128, 128>}, {transform_indices = @transform_12, window_bounds = array<i64: 128, 128>}, {transform_indices = @transform_13, window_bounds = array<i64: 128, 128>}, {transform_indices = @transform_14, window_bounds = array<i64: 128, 128>}, {transform_indices = @transform_15, window_bounds = array<i64: 128, 128>}, {transform_indices = @transform_16, window_bounds = array<i64: 128, 128>}, {transform_indices = @transform_17, window_bounds = array<i64: 128, 128>}, {transform_indices = @transform_18, window_bounds = array<i64: 128, 128>}, {transform_indices = @transform_19, window_bounds = array<i64: 128, 128>}]} {
    %iota3A = tpu.iota {dimensions = array<i32: 0>} : vector<128x128xi32>
    %iota3A_0 = tpu.iota {dimensions = array<i32: 1>} : vector<128x128xi32>
    %mul3A = arith.constant 128 : i32
    %mul3A_1 = arith.muli %arg0, %mul3A : i32
    %add3A = vector.broadcast %mul3A_1 : i32 to vector<128x128xi32>
    %add3A_2 = arith.addi %add3A, %iota3A : vector<128x128xi32>
    %mul3A_3 = arith.constant 128 : i32
    %mul3A_4 = vector.broadcast %mul3A_3 : i32 to vector<128x128xi32>
    %mul3A_5 = arith.muli %add3A_2, %mul3A_4 : vector<128x128xi32>
    %add3A_6 = arith.addi %mul3A_5, %iota3A_0 : vector<128x128xi32>
    %get3A = arith.constant 0 : index
    %get3A_7 = memref.load %arg1[%get3A] : memref<1xi32, #tpu.memory_space<smem>>
    %lt3A = vector.broadcast %get3A_7 : i32 to vector<128x128xi32>
    %lt3A_8 = arith.cmpi slt, %add3A_6, %lt3A : vector<128x128xi32>
    %get3A_9 = arith.constant 0 : index
    %get3A_10 = arith.constant 0 : index
    %get3A_11 = vector.load %arg3[%get3A_9, %get3A_10] : memref<128x128xf32, #tpu.memory_space<vmem>>, vector<128x128xf32>
    %jit3A = arith.constant 0.000000e+00 : f32
    %broadcast_in_dim3A = vector.broadcast %jit3A : f32 to vector<128x128xf32>
    %select_n3A = arith.select %lt3A_8, %get3A_11, %broadcast_in_dim3A : vector<128x128xi1>, vector<128x128xf32>
    %max3A = arith.constant 1.000000e+00 : f32
    %max3A_12 = vector.broadcast %max3A : f32 to vector<128x128xf32>
    %max3A_13 = arith.maximumf %select_n3A, %max3A_12 : vector<128x128xf32>
    %swap3A = arith.constant 0 : index
    %swap3A_14 = arith.constant 0 : index
    %swap3A_15 = vector.load %arg20[%swap3A, %swap3A_14] : memref<128x128xf32, #tpu.memory_space<vmem>>, vector<128x128xf32>
    tpu.vector_store %arg20[%swap3A, %swap3A_14], %select_n3A {strides = array<i32>} : memref<128x128xf32, #tpu.memory_space<vmem>>, vector<128x128xf32>,
    %get3A_16 = arith.constant 0 : index
    %get3A_17 = arith.constant 0 : index
    %get3A_18 = vector.load %arg4[%get3A_16, %get3A_17] : memref<128x128xf32, #tpu.memory_space<vmem>>, vector<128x128xf32>
    %get3A_19 = arith.constant 0 : index
    %get3A_20 = arith.constant 0 : index
    %get3A_21 = vector.load %arg8[%get3A_19, %get3A_20] : memref<128x128xf32, #tpu.memory_space<vmem>>, vector<128x128xf32>
    %add3A_22 = arith.addf %get3A_18, %get3A_21 : vector<128x128xf32>
    %div3A = arith.divf %add3A_22, %max3A_13 : vector<128x128xf32>
    %swap3A_23 = arith.constant 0 : index
    %swap3A_24 = arith.constant 0 : index
    %swap3A_25 = vector.load %arg12[%swap3A_23, %swap3A_24] : memref<128x128xf32, #tpu.memory_space<vmem>>, vector<128x128xf32>
    tpu.vector_store %arg12[%swap3A_23, %swap3A_24], %div3A {strides = array<i32>} : memref<128x128xf32, #tpu.memory_space<vmem>>, vector<128x128xf32>,
    %get3A_26 = arith.constant 0 : index
    %get3A_27 = arith.constant 0 : index
    %get3A_28 = vector.load %arg5[%get3A_26, %get3A_27] : memref<128x128xf32, #tpu.memory_space<vmem>>, vector<128x128xf32>
    %get3A_29 = arith.constant 0 : index
    %get3A_30 = arith.constant 0 : index
    %get3A_31 = vector.load %arg9[%get3A_29, %get3A_30] : memref<128x128xf32, #tpu.memory_space<vmem>>, vector<128x128xf32>
    %add3A_32 = arith.addf %get3A_28, %get3A_31 : vector<128x128xf32>
    %div3A_33 = arith.divf %add3A_32, %max3A_13 : vector<128x128xf32>
    %swap3A_34 = arith.constant 0 : index
    %swap3A_35 = arith.constant 0 : index
    %swap3A_36 = vector.load %arg13[%swap3A_34, %swap3A_35] : memref<128x128xf32, #tpu.memory_space<vmem>>, vector<128x128xf32>
    tpu.vector_store %arg13[%swap3A_34, %swap3A_35], %div3A_33 {strides = array<i32>} : memref<128x128xf32, #tpu.memory_space<vmem>>, vector<128x128xf32>,
    %get3A_37 = arith.constant 0 : index
    %get3A_38 = arith.constant 0 : index
    %get3A_39 = vector.load %arg6[%get3A_37, %get3A_38] : memref<128x128xf32, #tpu.memory_space<vmem>>, vector<128x128xf32>
    %get3A_40 = arith.constant 0 : index
    %get3A_41 = arith.constant 0 : index
    %get3A_42 = vector.load %arg10[%get3A_40, %get3A_41] : memref<128x128xf32, #tpu.memory_space<vmem>>, vector<128x128xf32>
    %add3A_43 = arith.addf %get3A_39, %get3A_42 : vector<128x128xf32>
    %div3A_44 = arith.divf %add3A_43, %max3A_13 : vector<128x128xf32>
    %swap3A_45 = arith.constant 0 : index
    %swap3A_46 = arith.constant 0 : index
    %swap3A_47 = vector.load %arg14[%swap3A_45, %swap3A_46] : memref<128x128xf32, #tpu.memory_space<vmem>>, vector<128x128xf32>
    tpu.vector_store %arg14[%swap3A_45, %swap3A_46], %div3A_44 {strides = array<i32>} : memref<128x128xf32, #tpu.memory_space<vmem>>, vector<128x128xf32>,
    %get3A_48 = arith.constant 0 : index
    %get3A_49 = arith.constant 0 : index
    %get3A_50 = vector.load %arg7[%get3A_48, %get3A_49] : memref<128x128xf32, #tpu.memory_space<vmem>>, vector<128x128xf32>
    %get3A_51 = arith.constant 0 : index
    %get3A_52 = arith.constant 0 : index
    %get3A_53 = vector.load %arg11[%get3A_51, %get3A_52] : memref<128x128xf32, #tpu.memory_space<vmem>>, vector<128x128xf32>
    %add3A_54 = arith.addf %get3A_50, %get3A_53 : vector<128x128xf32>
    %div3A_55 = arith.divf %add3A_54, %max3A_13 : vector<128x128xf32>
    %swap3A_56 = arith.constant 0 : index
    %swap3A_57 = arith.constant 0 : index
    %swap3A_58 = vector.load %arg15[%swap3A_56, %swap3A_57] : memref<128x128xf32, #tpu.memory_space<vmem>>, vector<128x128xf32>
    tpu.vector_store %arg15[%swap3A_56, %swap3A_57], %div3A_55 {strides = array<i32>} : memref<128x128xf32, #tpu.memory_space<vmem>>, vector<128x128xf32>,
    %get3A_59 = arith.constant 0 : index
    %get3A_60 = arith.constant 0 : index
    %get3A_61 = vector.load %arg2[%get3A_59, %get3A_60] : memref<128x128xi32, #tpu.memory_space<vmem>>, vector<128x128xi32>
    %jit3A_62 = arith.constant 0 : i32
    %broadcast_in_dim3A_63 = vector.broadcast %jit3A_62 : i32 to vector<128x128xi32>
    %select_n3A_64 = arith.select %lt3A_8, %get3A_61, %broadcast_in_dim3A_63 : vector<128x128xi1>, vector<128x128xi32>
    %div3A_65 = arith.constant 1408000 : i32
    %div3A_66 = vector.broadcast %div3A_65 : i32 to vector<128x128xi32>
    %div3A_67 = arith.divsi %select_n3A_64, %div3A_66 : vector<128x128xi32>
    %mul3A_68 = arith.constant 1408000 : i32
    %mul3A_69 = vector.broadcast %mul3A_68 : i32 to vector<128x128xi32>
    %mul3A_70 = arith.muli %div3A_67, %mul3A_69 : vector<128x128xi32>
    %sub3A = arith.subi %select_n3A_64, %mul3A_70 : vector<128x128xi32>
    %div3A_71 = arith.constant 140800 : i32
    %div3A_72 = vector.broadcast %div3A_71 : i32 to vector<128x128xi32>
    %div3A_73 = arith.divsi %sub3A, %div3A_72 : vector<128x128xi32>
    %mul3A_74 = arith.constant 140800 : i32
    %mul3A_75 = vector.broadcast %mul3A_74 : i32 to vector<128x128xi32>
    %mul3A_76 = arith.muli %div3A_73, %mul3A_75 : vector<128x128xi32>
    %sub3A_77 = arith.subi %sub3A, %mul3A_76 : vector<128x128xi32>
    %div3A_78 = arith.constant 352 : i32
    %div3A_79 = vector.broadcast %div3A_78 : i32 to vector<128x128xi32>
    %div3A_80 = arith.divsi %sub3A_77, %div3A_79 : vector<128x128xi32>
    %mul3A_81 = arith.constant 352 : i32
    %mul3A_82 = vector.broadcast %mul3A_81 : i32 to vector<128x128xi32>
    %mul3A_83 = arith.muli %div3A_80, %mul3A_82 : vector<128x128xi32>
    %sub3A_84 = arith.subi %sub3A_77, %mul3A_83 : vector<128x128xi32>
    %swap3A_85 = arith.constant 0 : index
    %swap3A_86 = arith.constant 0 : index
    %swap3A_87 = vector.load %arg16[%swap3A_85, %swap3A_86] : memref<128x128xi32, #tpu.memory_space<vmem>>, vector<128x128xi32>
    tpu.vector_store %arg16[%swap3A_85, %swap3A_86], %div3A_67 {strides = array<i32>} : memref<128x128xi32, #tpu.memory_space<vmem>>, vector<128x128xi32>,
    %swap3A_88 = arith.constant 0 : index
    %swap3A_89 = arith.constant 0 : index
    %swap3A_90 = vector.load %arg17[%swap3A_88, %swap3A_89] : memref<128x128xi32, #tpu.memory_space<vmem>>, vector<128x128xi32>
    tpu.vector_store %arg17[%swap3A_88, %swap3A_89], %div3A_73 {strides = array<i32>} : memref<128x128xi32, #tpu.memory_space<vmem>>, vector<128x128xi32>,
    %swap3A_91 = arith.constant 0 : index
    %swap3A_92 = arith.constant 0 : index
    %swap3A_93 = vector.load %arg18[%swap3A_91, %swap3A_92] : memref<128x128xi32, #tpu.memory_space<vmem>>, vector<128x128xi32>
    tpu.vector_store %arg18[%swap3A_91, %swap3A_92], %div3A_80 {strides = array<i32>} : memref<128x128xi32, #tpu.memory_space<vmem>>, vector<128x128xi32>,
    %swap3A_94 = arith.constant 0 : index
    %swap3A_95 = arith.constant 0 : index
    %swap3A_96 = vector.load %arg19[%swap3A_94, %swap3A_95] : memref<128x128xi32, #tpu.memory_space<vmem>>, vector<128x128xi32>
    tpu.vector_store %arg19[%swap3A_94, %swap3A_95], %sub3A_84 {strides = array<i32>} : memref<128x128xi32, #tpu.memory_space<vmem>>, vector<128x128xi32>,
    return
  }
  func.func @transform_0(%arg0: i32) -> i32 {
    %c0_i32 = arith.constant 0 : i32
    %c0_i32_0 = arith.constant 0 : i32
    return %c0_i32 : i32
  }
  func.func @transform_1(%arg0: i32) -> (i32, i32) {
    %c0_i32 = arith.constant 0 : i32
    %c0_i32_0 = arith.constant 0 : i32
    return %arg0, %c0_i32 : i32, i32
  }
  func.func @transform_2(%arg0: i32) -> (i32, i32) {
    %c0_i32 = arith.constant 0 : i32
    %c0_i32_0 = arith.constant 0 : i32
    return %arg0, %c0_i32 : i32, i32
  }
  func.func @transform_3(%arg0: i32) -> (i32, i32) {
    %c0_i32 = arith.constant 0 : i32
    %c0_i32_0 = arith.constant 0 : i32
    return %arg0, %c0_i32 : i32, i32
  }
  func.func @transform_4(%arg0: i32) -> (i32, i32) {
    %c0_i32 = arith.constant 0 : i32
    %c0_i32_0 = arith.constant 0 : i32
    return %arg0, %c0_i32 : i32, i32
  }
  func.func @transform_5(%arg0: i32) -> (i32, i32) {
    %c0_i32 = arith.constant 0 : i32
    %c0_i32_0 = arith.constant 0 : i32
    return %arg0, %c0_i32 : i32, i32
  }
  func.func @transform_6(%arg0: i32) -> (i32, i32) {
    %c0_i32 = arith.constant 0 : i32
    %c0_i32_0 = arith.constant 0 : i32
    return %arg0, %c0_i32 : i32, i32
  }
  func.func @transform_7(%arg0: i32) -> (i32, i32) {
    %c0_i32 = arith.constant 0 : i32
    %c0_i32_0 = arith.constant 0 : i32
    return %arg0, %c0_i32 : i32, i32
  }
  func.func @transform_8(%arg0: i32) -> (i32, i32) {
    %c0_i32 = arith.constant 0 : i32
    %c0_i32_0 = arith.constant 0 : i32
    return %arg0, %c0_i32 : i32, i32
  }
  func.func @transform_9(%arg0: i32) -> (i32, i32) {
    %c0_i32 = arith.constant 0 : i32
    %c0_i32_0 = arith.constant 0 : i32
    return %arg0, %c0_i32 : i32, i32
  }
  func.func @transform_10(%arg0: i32) -> (i32, i32) {
    %c0_i32 = arith.constant 0 : i32
    %c0_i32_0 = arith.constant 0 : i32
    return %arg0, %c0_i32 : i32, i32
  }
  func.func @transform_11(%arg0: i32) -> (i32, i32) {
    %c0_i32 = arith.constant 0 : i32
    %c0_i32_0 = arith.constant 0 : i32
    return %arg0, %c0_i32 : i32, i32
  }
  func.func @transform_12(%arg0: i32) -> (i32, i32) {
    %c0_i32 = arith.constant 0 : i32
    %c0_i32_0 = arith.constant 0 : i32
    return %arg0, %c0_i32 : i32, i32
  }
  func.func @transform_13(%arg0: i32) -> (i32, i32) {
    %c0_i32 = arith.constant 0 : i32
    %c0_i32_0 = arith.constant 0 : i32
    return %arg0, %c0_i32 : i32, i32
  }
  func.func @transform_14(%arg0: i32) -> (i32, i32) {
    %c0_i32 = arith.constant 0 : i32
    %c0_i32_0 = arith.constant 0 : i32
    return %arg0, %c0_i32 : i32, i32
  }
  func.func @transform_15(%arg0: i32) -> (i32, i32) {
    %c0_i32 = arith.constant 0 : i32
    %c0_i32_0 = arith.constant 0 : i32
    return %arg0, %c0_i32 : i32, i32
  }
  func.func @transform_16(%arg0: i32) -> (i32, i32) {
    %c0_i32 = arith.constant 0 : i32
    %c0_i32_0 = arith.constant 0 : i32
    return %arg0, %c0_i32 : i32, i32
  }
  func.func @transform_17(%arg0: i32) -> (i32, i32) {
    %c0_i32 = arith.constant 0 : i32
    %c0_i32_0 = arith.constant 0 : i32
    return %arg0, %c0_i32 : i32, i32
  }
  func.func @transform_18(%arg0: i32) -> (i32, i32) {
    %c0_i32 = arith.constant 0 : i32
    %c0_i32_0 = arith.constant 0 : i32
    return %arg0, %c0_i32 : i32, i32
  }
  func.func @transform_19(%arg0: i32) -> (i32, i32) {
    %c0_i32 = arith.constant 0 : i32
    %c0_i32_0 = arith.constant 0 : i32
    return %arg0, %c0_i32 : i32, i32
  }
}

</mosaic_0001>

<sc_bundles>
// kernel: _run.10.cloned.1.call-start
scs
__scs_entry_jumppad:
0x0: {  	(pc) =	sbr.rel $0x88, $3  }
0x1: {  	(tag) =	ssettag $0x0;
	lr =	simm.s32 $0x1  }
0x2: {  	[smem:$0x3F9F] =	sst lr;
	_ =	strace $0xD0000000  }
0x3: {  	_ = 	snop  }
0x4: {  	_ = 	snop  }
0x5: {  	_ = 	snop  }
0x6: {  	_ = 	snop  }
0x7: {  	_ = 	snop  }
__scs_overlays_trampoline_lowered:
0x8: {  	[smem:$0x3FAE] =	sst s0  }
0x9: {  	[smem:$0x3FAF] =	sst s1  }
0xa: {  	[smem:$0x3FB0] =	sst s2  }
0xb: {  	[smem:$0x3FB1] =	sst s3  }
0xc: {  	[smem:$0x3FB2] =	sst s4  }
0xd: {  	[smem:$0x3FB3] =	sst s5  }
0xe: {  	[smem:$0x3FB4] =	sst s6  }
0xf: {  	[smem:$0x3FB5] =	sst s7  }
0x10: {  	[smem:$0x3FB6] =	sst s8  }
0x11: {  	[smem:$0x3FB7] =	sst s9;
	s0 =	simm.s32 @!p0 $0x0  }
0x12: {  	s1 =	sld [smem:$0x3F9D];
	s0 =	simm.s32 @p0 $0x1  }
0x13: {  	[smem:$0x3FB8] =	sst s0;
	s0 =	simm.s32 @!p1 $0x0  }
0x14: {  	s2 =	sld [smem:$0x3F9C];
	s0 =	simm.s32 @p1 $0x1  }
0x15: {  	[smem:$0x3FB9] =	sst s0;
	s0 =	simm.s32 @!p2 $0x0  }
0x16: {  	s3 =	sld [smem:$0x3FDB];
	s0 =	simm.s32 @p2 $0x1  }
0x17: {  	s4 =	simm.s32 $0x1BF5;
	[smem:$0x3FBB] =	sst s0  }
0x18: {  	s0 =	sld [smem:$0x3F9E];
	_ =	swait.ge [sflag:s4], $0x0  }
0x19: {  	s7 =	sld [smem:$0x3F9F]  }
0x1a: {  	s8 =	sadd.s32 $0xFFFFE003, lr  }
0x1b: {  	s9 =	sadd.s32 $0xFFFFFEF7, lr;
	s5 =	simm.s32 $0xFFFFFFFF;
	p2 =	slt.u32 s8, $0xFFFFF086  }
0x1c: {  	p1 =	slt.u32 s9, $0xF7A;
	s5 =	simm.s32 @!p2 $0x0  }
0x1d: {  	s5 =	simm.s32 @p1 $0x1;
	p0 =	seq.s32 s7, s2  }
0x1e: {  	s7 =	smul.u32 @!p0 $0xF7A, s2;
	p2 =	seq.s32 @!p0 s5, $0x0  }
0x1f: {  	s9 =	smul.u32 $0xF7A, s1;
	s8 =	simm.s32 @!p0 $0x1BF5;
	p2 =	por !p2, p0  }
0x20: {  	[sflag:s8] =	ssyncset.s32 @!p0 $0xFFFFF086;
	s6 =	sadd.s32 @!p0 s3, s7;
	s7 =	simm.s32 @!p0 $0x108  }
0x21: {  	s3 =	sadd.s32 s3, s9;
	s6 =	sadd.s32 @!p0 $0x88, s6;
	s7 =	simm.s32 @p2 $0x1082  }
0x22: {  	[simem:s7], [sflag:s8] =	dma.local @!p0 [hbm:s6], $0xF7A  }
0x23: {  	s9 =	sor.u32 $0xD0000000, s2;
	s6 =	simm.s32 $0x108;
	_ =	swait.ge @!p0 [sflag:s8], $0x0  }
0x24: {  	s3 =	sadd.s32 $0x88, s3;
	s6 =	simm.s32 @!p1 $0x1082;
	[sflag:s4] =	ssyncset.s32 $0xFFFFF086  }
0x25: {  	[simem:s6], [sflag:s4] =	dma.local [hbm:s3], $0xF7A  }
0x26: {  	[smem:$0x3F9F] =	sst s1;
	(tag) =	ssettag s2;
	_ =	strace s9  }
0x27: {  	s1 =	sld [smem:$0x3FAF]  }
0x28: {  	s2 =	sld [smem:$0x3FB0]  }
0x29: {  	s4 =	sld [smem:$0x3FB2]  }
0x2a: {  	p0 =	seq.s32 s5, $0x0;
	s5 =	sld [smem:$0x3FB3]  }
0x2b: {  	s6 =	sld [smem:$0x3FB4]  }
0x2c: {  	s7 =	sld [smem:$0x3FB5]  }
0x2d: {  	s3 =	simm.s32 $0x108;
	s8 =	sld [smem:$0x3FB6]  }
0x2e: {  	s3 =	simm.s32 @!p0 $0x1082;
	s9 =	sld [smem:$0x3FB7]  }
0x2f: {  	lr =	sadd.s32 s0, s3;
	s0 =	sld [smem:$0x3FAE]  }
0x30: {  	s3 =	sld [smem:$0x3FB1]  }
0x31: {  	[smem:$0x3FBA] =	sst s10  }
0x32: {  	s10 =	sld [smem:$0x3FB8];
	_ =	sdelay $0x3  }
0x33: {  	p0 =	seq.s32 s10, $0x1;
	s10 =	sld [smem:$0x3FBA];
	_ =	sdelay $0x3  }
0x34: {  	[smem:$0x3FBA] =	sst s10  }
0x35: {  	s10 =	sld [smem:$0x3FB9];
	_ =	sdelay $0x3  }
0x36: {  	p1 =	seq.s32 s10, $0x1;
	s10 =	sld [smem:$0x3FBA];
	_ =	sdelay $0x3  }
0x37: {  	[smem:$0x3FBA] =	sst s10  }
0x38: {  	s10 =	sld [smem:$0x3FBB]  }
0x39: {  	_ = 	snop;
	(pc) =	sbr.ind lr, $3  }
0x3a: {  	_ = 	snop  }
0x3b: {  	_ = 	snop  }
0x3c: {  	p2 =	seq.s32 s10, $0x1;
	s10 =	sld [smem:$0x3FBA]  }
0x3d: {  	_ =	shalt  }
0x3e: {  	_ =	shalt  }
0x3f: {  	_ =	shalt  }
0x40: {  	_ =	shalt  }
0x41: {  	_ =	shalt  }
0x42: {  	_ =	shalt  }
0x43: {  	_ =	shalt  }
0x44: {  	_ =	shalt  }
0x45: {  	_ =	shalt  }
0x46: {  	_ =	shalt  }
0x47: {  	_ =	shalt  }
0x48: {  	_ =	shalt  }
0x49: {  	_ =	shalt  }
0x4a: {  	_ =	shalt  }
0x4b: {  	_ =	shalt  }
0x4c: {  	_ =	shalt  }
0x4d: {  	_ =	shalt  }
0x4e: {  	_ =	shalt  }
0x4f: {  	_ =	shalt  }
0x50: {  	_ =	shalt  }
0x51: {  	_ =	shalt  }
0x52: {  	_ =	shalt  }
0x53: {  	_ =	shalt  }
0x54: {  	_ =	shalt  }
0x55: {  	_ =	shalt  }
0x56: {  	_ =	shalt  }
0x57: {  	_ =	shalt  }
0x58: {  	_ =	shalt  }
0x59: {  	_ =	shalt  }
0x5a: {  	_ =	shalt  }
0x5b: {  	_ =	shalt  }
0x5c: {  	_ =	shalt  }
0x5d: {  	_ =	shalt  }
0x5e: {  	_ =	shalt  }
0x5f: {  	_ =	shalt  }
0x60: {  	_ =	shalt  }
0x61: {  	_ =	shalt  }
0x62: {  	_ =	shalt  }
0x63: {  	_ =	shalt  }
0x64: {  	_ =	shalt  }
0x65: {  	_ =	shalt  }
0x66: {  	_ =	shalt  }
0x67: {  	_ =	shalt  }
0x68: {  	_ =	shalt  }
0x69: {  	_ =	shalt  }
0x6a: {  	_ =	shalt  }
0x6b: {  	_ =	shalt  }
0x6c: {  	_ =	shalt  }
0x6d: {  	_ =	shalt  }
0x6e: {  	_ =	shalt  }
0x6f: {  	_ =	shalt  }
0x70: {  	_ =	shalt  }
0x71: {  	_ =	shalt  }
0x72: {  	_ =	shalt  }
0x73: {  	_ =	shalt  }
0x74: {  	_ =	shalt  }
0x75: {  	_ =	shalt  }
0x76: {  	_ =	shalt  }
0x77: {  	_ =	shalt  }
0x78: {  	_ =	shalt  }
0x79: {  	_ =	shalt  }
0x7a: {  	_ =	shalt  }
0x7b: {  	_ =	shalt  }
0x7c: {  	_ =	shalt  }
0x7d: {  	_ =	shalt  }
0x7e: {  	_ =	shalt  }
0x7f: {  	_ =	shalt  }
0x80: {  	_ =	shalt  }
0x81: {  	_ =	shalt  }
0x82: {  	_ =	shalt  }
0x83: {  	_ =	shalt  }
0x84: {  	_ =	shalt  }
0x85: {  	_ =	shalt  }
0x86: {  	_ =	shalt  }
0x87: {  	_ =	shalt  }
.Lfunc_end0:
.L_simem_size_0:
called_computation.1_lowered:
.L_overlay_start_0:
0x88: {  	s2 =	sld [smem:$0x3FD9]  }
0x89: {  	s3 =	sld [smem:$0x3FFE];
	_ =	sdelay $0x1  }
0x8a: {  	s1 =	srdreg.scid  }
0x8b: {  	s0 =	sand.u32 $0x1, s1  }
0x8c: {  	s16 =	sshll.u32 s0, $0xA;
	s2 =	sadd.s32 s3, s2  }
0x8d: {  	s2 =	sadd.s32 s2, s16  }
0x8e: {  	[smem:$0x3FC6] =	sst s2  }
0x8f: {  	_ = 	snop  }
0x90: {  	(tm) =	ssettm $0x1  }
0x91: {  	s17 =	sld [smem:$0x3FFB];
	_ =	sdelay $0x3  }
0x92: {  	_ =	strace s17  }
0x93: {  	s2 =	sld [smem:$0x3FFC];
	_ =	sdelay $0x3  }
0x94: {  	_ =	strace s2  }
0x95: {  	s2 =	sld [smem:$0x3FFD];
	_ =	sdelay $0x3  }
0x96: {  	_ =	strace s2  }
0x97: {  	_ =	strace $0x8FFFFFFF  }
0x98: {  	s18 =	sld [smem:$0x3FDB];
	_ =	sdelay $0x1  }
0x99: {  	s19 =	simm.s32 $_scs_section_size  }
0x9a: {  	s4 =	simm.s32 $_size__tile_overlayer_lowered;
	s5 =	simm.s32 $_tile_overlayer_lowered  }
0x9b: {  	s22 =	simm.s32 $0x1BFF;
	s21 =	sshll.u32 s5, $0x1;
	s2 =	sadd.s32 s19, s18  }
0x9c: {  	s6 =	simm.s32 $0x0;
	s20 =	sshll.u32 s4, $0x1;
	s4 =	sadd.s32 s21, s2  }
0x9d: {  	[timem:s6], [sflag:s22] =	dma.local [hbm:s4], s20  }
0x9e: {  	_ =	swait.ge [sflag:s22], s20  }
0x9f: {  	s3 =	ssub.s32 $0x0, s20;
	[sflag:s22] =	ssyncset.done $0x0  }
0xa0: {  	[sflag:s22] =	ssyncadd.s32 s3;
	_ =	sdelay $0x1  }
0xa1: {  	s23 =	simm.s32 $0x1B8B  }
0xa2: {  	_ =	swait.ge [sflag:s23], $0x1  }
0xa3: {  	[sflag:s23] =	ssyncset.done $0x0  }
0xa4: {  	s25 =	simm.s32 $0x1B8E;
	s24 =	sld [smem:$0x3FFE];
	[sflag:s23] =	ssyncadd.s32 $0xFFFFFFFF  }
0xa5: {  	s26 =	simm.s32 $execute0_lowered;
	[smem:$0x3FD2] =	sst s25  }
0xa6: {  	s4 =	sshll.u32 s26, $0x1;
	_ =	strace $0x80000049;
	[dreg:$0x1] =	wrdreg $0xFFFFFFFF  }
0xa7: {  	s28 =	simm.s32 $_size_execute0_lowered;
	s2 =	sadd.s32 s2, s4;
	[dreg:$0x0] =	wrdreg $0x0  }
0xa8: {  	s4 =	sshll.u32 s28, $0x1;
	[dreg:$0x2] =	wrdreg s2  }
0xa9: {  	[dreg:$0x3] =	wrdreg s4  }
0xaa: {  	[dreg:$0x4] =	wrdreg $0xC0  }
0xab: {  	_ =	task [dreg:s6], $0x5FFFF  }
0xac: {  	[dreg:$0x1] =	wrdreg $0xFFFFFFFF  }
0xad: {  	[dreg:$0x0] =	wrdreg $0x60  }
0xae: {  	[dreg:$0x2] =	wrdreg s24  }
0xaf: {  	[dreg:$0x3] =	wrdreg $0x9  }
0xb0: {  	_ =	task.clear_ibuf [dreg:s6], $0x4FFFF;
	_ =	strace $0x90000049  }
0xb1: {  	s29 =	simm.s32 $0x9;
	_ =	strace $0x8000004B  }
0xb2: {  	_ =	swait.ge [sflag:s29], $0x1  }
0xb3: {  	[sflag:s29] =	ssyncadd.s32 $0xFFFFFFFF  }
0xb4: {  	_ =	strace $0x9000004B  }
0xb5: {  	_ =	sfence  }
0xb6: {  	s30 =	sld [smem:$0x0];
	_ =	sdelay $0x2  }
0xb7: {  	s31 =	sshll.u32 s1, $0xD;
	s1 =	sshrl.u32 s1, $0x2  }
0xb8: {  	s3 =	sand.u32 $0x4000, s31;
	s1 =	sadd.s32 s1, s30  }
0xb9: {  	s0 =	sor.u32 s3, s0;
	s1 =	sshll.u32 s1, $0x11  }
0xba: {  	s0 =	sor.u32 s1, s0  }
0xbb: {  	s0 =	sadd.s32 $0x8F2B, s0  }
0xbc: {  	[sflag:s0] =	ssyncadd.remote.s32 $0x1  }
0xbd: {  	_ =	sfence.sel $0xFFFF  }
0xbe: {  	[dreg:$0x0] =	wrdreg $0xFFFFFFFF;
	(pc) =	sbr.abs _section_cstart, $3  }
0xbf: {  	[dreg:$0x1] =	wrdreg $0xFFFFFFFF  }
0xc0: {  	_ =	task.clear_ibuf [dreg:s6], $0x2FFFF;
	_ =	strace $0x9FFFFFFF  }
0xc1: {  	(tm) =	ssettm $0x7FFFFFFF  }
tec
execute0_lowered:
.L_overlay_start_1:
0x0: {  	(tag) =	ssettag $0x1  }
0x1: {  	s4 =	rddreg [dreg:$0x0]  }
0x2: {  	s0 =	rddreg [dreg:$0x1]  }
0x3: {  	s2 =	simm.s32 $0x0;
	s3 =	srdreg.scid;
	s1 =	stileid.u32  }
0x4: {  	[smem:$0x7FF] =	sst s2;
	s5 =	sand.u32 $0x1, s3;
	s3 =	sadd.s32 $0x20400, s4  }
0x5: {  	s7 =	sshll.u32 s1, $0x1;
	s8 =	sadd.s32 $0x2FA00, s4;
	s28 =	sadd.s32 $0xDB800, s4  }
0x6: {  	_ =	strace $0x8000004A;
	s6 =	ssub.s32 $0x2, s5;
	s5 =	sor.u32 s5, s7  }
0x7: {  	s9 =	sshrl.u32 s6, $0x1;
	s29 =	sshll.u32 s5, $0x4;
	s10 =	smul.u32 $0x157C0, s5  }
0x8: {  	s5 =	sor.u32 $0x20, s5;
	s9 =	ssub.s32 s6, s9;
	s30 =	sand.u32 $0x70, s29  }
0x9: {  	s4 =	sadd.s32 s28, s29;
	s11 =	smul.u32 $0x157C0, s5;
	s5 =	sshll.u32 s5, $0x4  }
0xa: {  	s12 =	sshrl.u32 s10, $0x3;
	s13 =	sand.u32 $0x380, s5;
	s6 =	sadd.s32 s28, s30  }
0xb: {  	v0 =	vmov s10;
	s10 =	simm.s32 $0x1;
	s5 =	sadd.s32 s8, s12;
	s6 =	sadd.s32 s13, s6  }
0xc: {  	s31 =	sshrl.u32 s11, $0x3;
	v1 =	vmov s11;
	s11 =	simm.s32 $0x16000;
	s12 =	simm.s32 $0x0  }
0xd: {  	v2 =	vimm.s32 $0x0;
	v3 =	vimm.s32 $0x1;
	s7 =	sadd.s32 s8, s31;
	s8 =	smax.u32 s9, $0x1;
	s9 =	simm.s32 $0x15800  }
.LBB2_1:
0xe: {  	s13 =	simm.s32 $0x40;
	s14 =	simm.s32 $0x0  }
.LBB2_2:
0xf: {  	p0 =	sne.s32 s13, $0x55EC0;
	[tilespmem:s14+$0x0] =	vst v2;
	s14 =	smov.u32 s13;
	s13 =	sadd.s32 $0x40, s13  }
.Ltmp0:
0x10: {  	(pc) =	sbr.rel @p0 .LBB2_2-.Ltmp0, $2  }
0x11: {  	_ =	sdelay $0x2  }
0x12: {  	s14 =	sshra.s32 s14, $0x2  }
0x13: {  	[tilespmem:s14+$0x0] =	vst v2;
	s13 =	simm.s32 $0x0;
	s14 =	simm.s32 $0x0  }
.LBB2_4:
0x14: {  	s15 =	smul.u32 $0xFA, s14;
	_ =	sdelay $0x1  }
0x15: {  	s15 =	sadd.s32 s3, s15  }
0x16: {  	[tilespmem:s9], [sflag:$0x1] =	stream.linear.gather [hbm4b:s15+s13], $0x7D0, $0x38;
	[tilespmem:$0x16080] =	vst v63  }
0x17: {  	_ =	swait.ge [sflag:s10], $0x7D0  }
0x18: {  	[sflag:s10] =	ssyncset.done $0x0  }
0x19: {  	s16 =	simm.s32 $0x0;
	s15 =	simm.s32 $0x40;
	[sflag:s10] =	ssyncadd.s32 $0xFFFFF830  }
.LBB2_5:
0x1a: {  	p0 =	sne.s32 s15, $0x1F00;
	v4 =	vld [tilespmem:s16+$0x15800];
	_ =	sdelay $0x4  }
0x1b: {  	v4 =	vsub.s32 v4, v0  }
0x1c: {  	vm0 =	vlt.u32 v4, $0x157C0  }
0x1d: {  	v4 =	vnsel vm0, $0x0, v4  }
.Ltmp1:
0x1e: {  	(pc) =	sbr.rel @p0 .LBB2_5-.Ltmp1, $2  }
0x1f: {  	_ =	sdelay $0x2  }
0x20: {  	s16 =	sshra.s32 s15, $0x2;
	s15 =	sadd.s32 $0x40, s15;
	[tilespmem:v4+s2+$0x0] =	vst.idx.add.s32.msk vm0, v3  }
0x21: {  	v4 =	vld [tilespmem:s16+$0x15800];
	_ =	sdelay $0x4  }
0x22: {  	v4 =	vsub.s32 v4, v0  }
0x23: {  	s14 =	sadd.s32 $0x1, s14;
	vm0 =	vlt.u32 v4, $0x157C0  }
0x24: {  	p0 =	sne.s32 s14, $0xFA;
	v4 =	vnsel vm0, $0x0, v4  }
.Ltmp2:
0x25: {  	_ = 	snop;
	(pc) =	sbr.rel @p0 .LBB2_4-.Ltmp2, $2  }
0x26: {  	_ =	sdelay $0x2  }
0x27: {  	[tilespmem:v4+s2+$0x0] =	vst.idx.add.s32.msk vm0, v3  }
0x28: {  	s14 =	simm.s32 $0x0  }
0x29: {  	v5 =	vld [tilespmem:s14+$0x0]  }
0x2a: {  	v4 =	vimm.s32 $0x0;
	s13 =	simm.s32 $0x40  }
.LBB2_8:
0x2b: {  	p0 =	sne.s32 s13, $0x55EC0  }
.Ltmp3:
0x2c: {  	_ = 	snop;
	(pc) =	sbr.rel @p0 .LBB2_8-.Ltmp3, $4  }
0x2d: {  	_ = 	snop  }
0x2e: {  	s14 =	sshra.s32 s13, $0x2;
	s13 =	sadd.s32 $0x40, s13;
	vm0 =	vgt.s32 v5, $0x0  }
0x2f: {  	v5 =	vld [tilespmem:s14+$0x0];
	v6 =	vsel vm0, $0x1, v2  }
0x30: {  	v4 =	vadd.s32 v6, v4  }
0x31: {  	_ =	sdelay $0x2  }
0x32: {  	vm0 =	vgt.s32 v5, $0x0  }
0x33: {  	v5 =	vsel vm0, $0x1, v2  }
0x34: {  	v4 =	vadd.s32 v5, v4  }
0x35: {  	s13 =	simm.s32 $0x0;
	[tilespmem:$0x16000] =	vst v4  }
0x36: {  	[hbm4b:s4+s13] =	stream.linear.scatter [tilespmem:s11], [sflag:$0x1], $0x80, $0x38;
	[tilespmem:$0x16080] =	vst v63  }
0x37: {  	_ =	swait.ge [sflag:s10], $0x80  }
0x38: {  	[sflag:s10] =	ssyncset.done $0x0  }
0x39: {  	[sflag:s10] =	ssyncadd.s32 $0xFFFFFF80  }
0x3a: {  	[hbm4b:s5+s13] =	stream.linear.scatter [tilespmem:s13], [sflag:$0x1], $0x157C0, $0x38;
	[tilespmem:$0x16080] =	vst v63  }
0x3b: {  	_ =	swait.ge [sflag:s10], $0x157C0  }
0x3c: {  	[sflag:s10] =	ssyncset.done $0x0  }
0x3d: {  	s14 =	simm.s32 $0x40;
	s15 =	simm.s32 $0x0;
	[sflag:s10] =	ssyncadd.s32 $0xFFFEA840  }
.LBB2_10:
0x3e: {  	p0 =	sne.s32 s14, $0x55EC0;
	[tilespmem:s15+$0x0] =	vst v2;
	s15 =	smov.u32 s14;
	s14 =	sadd.s32 $0x40, s14  }
.Ltmp4:
0x3f: {  	(pc) =	sbr.rel @p0 .LBB2_10-.Ltmp4, $2  }
0x40: {  	_ =	sdelay $0x2  }
0x41: {  	s15 =	sshra.s32 s15, $0x2  }
0x42: {  	[tilespmem:s15+$0x0] =	vst v2  }
.LBB2_12:
0x43: {  	s14 =	smul.u32 $0xFA, s13;
	_ =	sdelay $0x1  }
0x44: {  	s15 =	simm.s32 $0x0;
	s14 =	sadd.s32 s3, s14  }
0x45: {  	[tilespmem:s9], [sflag:$0x1] =	stream.linear.gather [hbm4b:s14+s15], $0x7D0, $0x38;
	[tilespmem:$0x16080] =	vst v63  }
0x46: {  	_ =	swait.ge [sflag:s10], $0x7D0  }
0x47: {  	[sflag:s10] =	ssyncset.done $0x0  }
0x48: {  	s15 =	simm.s32 $0x0;
	s14 =	simm.s32 $0x40;
	[sflag:s10] =	ssyncadd.s32 $0xFFFFF830  }
.LBB2_13:
0x49: {  	p0 =	sne.s32 s14, $0x1F00;
	v4 =	vld [tilespmem:s15+$0x15800];
	_ =	sdelay $0x4  }
0x4a: {  	v4 =	vsub.s32 v4, v1  }
0x4b: {  	vm0 =	vlt.u32 v4, $0x157C0  }
0x4c: {  	v4 =	vnsel vm0, $0x0, v4  }
.Ltmp5:
0x4d: {  	(pc) =	sbr.rel @p0 .LBB2_13-.Ltmp5, $2  }
0x4e: {  	_ =	sdelay $0x2  }
0x4f: {  	s15 =	sshra.s32 s14, $0x2;
	s14 =	sadd.s32 $0x40, s14;
	[tilespmem:v4+s2+$0x0] =	vst.idx.add.s32.msk vm0, v3  }
0x50: {  	v4 =	vld [tilespmem:s15+$0x15800];
	_ =	sdelay $0x4  }
0x51: {  	v4 =	vsub.s32 v4, v1  }
0x52: {  	s13 =	sadd.s32 $0x1, s13;
	vm0 =	vlt.u32 v4, $0x157C0  }
0x53: {  	p0 =	sne.s32 s13, $0xFA;
	v4 =	vnsel vm0, $0x0, v4  }
.Ltmp6:
0x54: {  	_ = 	snop;
	(pc) =	sbr.rel @p0 .LBB2_12-.Ltmp6, $2  }
0x55: {  	_ =	sdelay $0x2  }
0x56: {  	[tilespmem:v4+s2+$0x0] =	vst.idx.add.s32.msk vm0, v3  }
0x57: {  	s14 =	simm.s32 $0x0  }
0x58: {  	v5 =	vld [tilespmem:s14+$0x0]  }
0x59: {  	v4 =	vimm.s32 $0x0;
	s13 =	simm.s32 $0x40  }
.LBB2_16:
0x5a: {  	p0 =	sne.s32 s13, $0x55EC0  }
.Ltmp7:
0x5b: {  	_ = 	snop;
	(pc) =	sbr.rel @p0 .LBB2_16-.Ltmp7, $4  }
0x5c: {  	_ = 	snop  }
0x5d: {  	s14 =	sshra.s32 s13, $0x2;
	s13 =	sadd.s32 $0x40, s13;
	vm0 =	vgt.s32 v5, $0x0  }
0x5e: {  	v5 =	vld [tilespmem:s14+$0x0];
	v6 =	vsel vm0, $0x1, v2  }
0x5f: {  	v4 =	vadd.s32 v6, v4  }
0x60: {  	_ =	sdelay $0x2  }
0x61: {  	vm0 =	vgt.s32 v5, $0x0  }
0x62: {  	v5 =	vsel vm0, $0x1, v2  }
0x63: {  	v4 =	vadd.s32 v5, v4  }
0x64: {  	[tilespmem:$0x16000] =	vst v4  }
0x65: {  	[hbm4b:s6+s2] =	stream.linear.scatter [tilespmem:s11], [sflag:$0x1], $0x80, $0x38;
	[tilespmem:$0x16080] =	vst v63  }
0x66: {  	s12 =	sadd.s32 $0x1, s12;
	_ =	swait.ge [sflag:s10], $0x80  }
0x67: {  	p0 =	sne.s32 s12, s8;
	[sflag:s10] =	ssyncset.done $0x0  }
.Ltmp8:
0x68: {  	[sflag:s10] =	ssyncadd.s32 $0xFFFFFF80;
	(pc) =	sbr.rel @p0 .LBB2_1-.Ltmp8, $4  }
0x69: {  	[hbm4b:s7+s2] =	stream.linear.scatter [tilespmem:s2], [sflag:$0x1], $0x157C0, $0x38;
	[tilespmem:$0x16080] =	vst v63  }
0x6a: {  	_ =	swait.ge [sflag:s10], $0x157C0  }
0x6b: {  	[sflag:s10] =	ssyncset.done $0x0  }
0x6c: {  	[sflag:s10] =	ssyncadd.s32 $0xFFFEA840  }
0x6d: {  	_ =	sfence.sel $0x180000  }
0x6e: {  	[bflag:$0x0] =	sbarrier.arrive $0xFFFF  }
0x6f: {  	p0 =	sne.s32 s1, $0x0;
	_ =	strace $0x9000004A  }
0x70: {  	s0 =	sadd.s32 @!p0 $0x100000, s0;
	[bflag:$0x2] =	sbarrier.arrive $0xFFFF  }
0x71: {  	[sflag:s0] =	ssyncadd.tile.s32 @!p0 $0x1;
	_ =	shalt  }
.Lfunc_end2:
_tile_overlayer_lowered:
.L_overlay_start_2:
0x72: {  	(tag) =	ssettag $0x2  }
0x73: {  	s0 =	rddreg [dreg:$0x0];
	s2 =	stileid.u32  }
0x74: {  	s1 =	rddreg [dreg:$0x1];
	p0 =	sne.s32 s2, $0x0  }
0x75: {  	s3 =	rddreg [dreg:$0x2];
	[bflag:$0x3] =	sbarrier.arrive $0xFFFF;
	s2 =	simm.s32 @!p0 $0x1C01  }
0x76: {  	[timem:s3], [sflag:s2] =	dma.local @!p0 [hbm:s0], s1  }
0x77: {  	s0 =	simm.s32 @!p0 $0x1  }
0x78: {  	_ =	swait.ge @!p0 [sflag:s0], s1  }
0x79: {  	s1 =	ssub.s32 @!p0 $0x0, s1;
	[sflag:s0] =	ssyncset.done @!p0 $0x0  }
0x7a: {  	[sflag:s0] =	ssyncadd.s32 @!p0 s1  }
0x7b: {  	[bflag:$0x3] =	sbarrier.arrive $0xFFFF  }
0x7c: {  	_ =	shalt  }

// kernel: _run.13.cloned.1.call-start
scs
__scs_entry_jumppad:
0x0: {  	(pc) =	sbr.rel $0x88, $3  }
0x1: {  	(tag) =	ssettag $0x0;
	lr =	simm.s32 $0x1  }
0x2: {  	[smem:$0x3F9F] =	sst lr;
	_ =	strace $0xD0000000  }
0x3: {  	_ = 	snop  }
0x4: {  	_ = 	snop  }
0x5: {  	_ = 	snop  }
0x6: {  	_ = 	snop  }
0x7: {  	_ = 	snop  }
__scs_overlays_trampoline_lowered:
0x8: {  	[smem:$0x3FAE] =	sst s0  }
0x9: {  	[smem:$0x3FAF] =	sst s1  }
0xa: {  	[smem:$0x3FB0] =	sst s2  }
0xb: {  	[smem:$0x3FB1] =	sst s3  }
0xc: {  	[smem:$0x3FB2] =	sst s4  }
0xd: {  	[smem:$0x3FB3] =	sst s5  }
0xe: {  	[smem:$0x3FB4] =	sst s6  }
0xf: {  	[smem:$0x3FB5] =	sst s7  }
0x10: {  	[smem:$0x3FB6] =	sst s8  }
0x11: {  	[smem:$0x3FB7] =	sst s9;
	s0 =	simm.s32 @!p0 $0x0  }
0x12: {  	s1 =	sld [smem:$0x3F9D];
	s0 =	simm.s32 @p0 $0x1  }
0x13: {  	[smem:$0x3FB8] =	sst s0;
	s0 =	simm.s32 @!p1 $0x0  }
0x14: {  	s2 =	sld [smem:$0x3F9C];
	s0 =	simm.s32 @p1 $0x1  }
0x15: {  	[smem:$0x3FB9] =	sst s0;
	s0 =	simm.s32 @!p2 $0x0  }
0x16: {  	s3 =	sld [smem:$0x3FDB];
	s0 =	simm.s32 @p2 $0x1  }
0x17: {  	s4 =	simm.s32 $0x1BF5;
	[smem:$0x3FBB] =	sst s0  }
0x18: {  	s0 =	sld [smem:$0x3F9E];
	_ =	swait.ge [sflag:s4], $0x0  }
0x19: {  	s7 =	sld [smem:$0x3F9F]  }
0x1a: {  	s8 =	sadd.s32 $0xFFFFE003, lr  }
0x1b: {  	s9 =	sadd.s32 $0xFFFFFEF7, lr;
	s5 =	simm.s32 $0xFFFFFFFF;
	p2 =	slt.u32 s8, $0xFFFFF086  }
0x1c: {  	p1 =	slt.u32 s9, $0xF7A;
	s5 =	simm.s32 @!p2 $0x0  }
0x1d: {  	s5 =	simm.s32 @p1 $0x1;
	p0 =	seq.s32 s7, s2  }
0x1e: {  	s7 =	smul.u32 @!p0 $0xF7A, s2;
	p2 =	seq.s32 @!p0 s5, $0x0  }
0x1f: {  	s9 =	smul.u32 $0xF7A, s1;
	s8 =	simm.s32 @!p0 $0x1BF5;
	p2 =	por !p2, p0  }
0x20: {  	[sflag:s8] =	ssyncset.s32 @!p0 $0xFFFFF086;
	s6 =	sadd.s32 @!p0 s3, s7;
	s7 =	simm.s32 @!p0 $0x108  }
0x21: {  	s3 =	sadd.s32 s3, s9;
	s6 =	sadd.s32 @!p0 $0x88, s6;
	s7 =	simm.s32 @p2 $0x1082  }
0x22: {  	[simem:s7], [sflag:s8] =	dma.local @!p0 [hbm:s6], $0xF7A  }
0x23: {  	s9 =	sor.u32 $0xD0000000, s2;
	s6 =	simm.s32 $0x108;
	_ =	swait.ge @!p0 [sflag:s8], $0x0  }
0x24: {  	s3 =	sadd.s32 $0x88, s3;
	s6 =	simm.s32 @!p1 $0x1082;
	[sflag:s4] =	ssyncset.s32 $0xFFFFF086  }
0x25: {  	[simem:s6], [sflag:s4] =	dma.local [hbm:s3], $0xF7A  }
0x26: {  	[smem:$0x3F9F] =	sst s1;
	(tag) =	ssettag s2;
	_ =	strace s9  }
0x27: {  	s1 =	sld [smem:$0x3FAF]  }
0x28: {  	s2 =	sld [smem:$0x3FB0]  }
0x29: {  	s4 =	sld [smem:$0x3FB2]  }
0x2a: {  	p0 =	seq.s32 s5, $0x0;
	s5 =	sld [smem:$0x3FB3]  }
0x2b: {  	s6 =	sld [smem:$0x3FB4]  }
0x2c: {  	s7 =	sld [smem:$0x3FB5]  }
0x2d: {  	s3 =	simm.s32 $0x108;
	s8 =	sld [smem:$0x3FB6]  }
0x2e: {  	s3 =	simm.s32 @!p0 $0x1082;
	s9 =	sld [smem:$0x3FB7]  }
0x2f: {  	lr =	sadd.s32 s0, s3;
	s0 =	sld [smem:$0x3FAE]  }
0x30: {  	s3 =	sld [smem:$0x3FB1]  }
0x31: {  	[smem:$0x3FBA] =	sst s10  }
0x32: {  	s10 =	sld [smem:$0x3FB8];
	_ =	sdelay $0x3  }
0x33: {  	p0 =	seq.s32 s10, $0x1;
	s10 =	sld [smem:$0x3FBA];
	_ =	sdelay $0x3  }
0x34: {  	[smem:$0x3FBA] =	sst s10  }
0x35: {  	s10 =	sld [smem:$0x3FB9];
	_ =	sdelay $0x3  }
0x36: {  	p1 =	seq.s32 s10, $0x1;
	s10 =	sld [smem:$0x3FBA];
	_ =	sdelay $0x3  }
0x37: {  	[smem:$0x3FBA] =	sst s10  }
0x38: {  	s10 =	sld [smem:$0x3FBB]  }
0x39: {  	_ = 	snop;
	(pc) =	sbr.ind lr, $3  }
0x3a: {  	_ = 	snop  }
0x3b: {  	_ = 	snop  }
0x3c: {  	p2 =	seq.s32 s10, $0x1;
	s10 =	sld [smem:$0x3FBA]  }
0x3d: {  	_ =	shalt  }
0x3e: {  	_ =	shalt  }
0x3f: {  	_ =	shalt  }
0x40: {  	_ =	shalt  }
0x41: {  	_ =	shalt  }
0x42: {  	_ =	shalt  }
0x43: {  	_ =	shalt  }
0x44: {  	_ =	shalt  }
0x45: {  	_ =	shalt  }
0x46: {  	_ =	shalt  }
0x47: {  	_ =	shalt  }
0x48: {  	_ =	shalt  }
0x49: {  	_ =	shalt  }
0x4a: {  	_ =	shalt  }
0x4b: {  	_ =	shalt  }
0x4c: {  	_ =	shalt  }
0x4d: {  	_ =	shalt  }
0x4e: {  	_ =	shalt  }
0x4f: {  	_ =	shalt  }
0x50: {  	_ =	shalt  }
0x51: {  	_ =	shalt  }
0x52: {  	_ =	shalt  }
0x53: {  	_ =	shalt  }
0x54: {  	_ =	shalt  }
0x55: {  	_ =	shalt  }
0x56: {  	_ =	shalt  }
0x57: {  	_ =	shalt  }
0x58: {  	_ =	shalt  }
0x59: {  	_ =	shalt  }
0x5a: {  	_ =	shalt  }
0x5b: {  	_ =	shalt  }
0x5c: {  	_ =	shalt  }
0x5d: {  	_ =	shalt  }
0x5e: {  	_ =	shalt  }
0x5f: {  	_ =	shalt  }
0x60: {  	_ =	shalt  }
0x61: {  	_ =	shalt  }
0x62: {  	_ =	shalt  }
0x63: {  	_ =	shalt  }
0x64: {  	_ =	shalt  }
0x65: {  	_ =	shalt  }
0x66: {  	_ =	shalt  }
0x67: {  	_ =	shalt  }
0x68: {  	_ =	shalt  }
0x69: {  	_ =	shalt  }
0x6a: {  	_ =	shalt  }
0x6b: {  	_ =	shalt  }
0x6c: {  	_ =	shalt  }
0x6d: {  	_ =	shalt  }
0x6e: {  	_ =	shalt  }
0x6f: {  	_ =	shalt  }
0x70: {  	_ =	shalt  }
0x71: {  	_ =	shalt  }
0x72: {  	_ =	shalt  }
0x73: {  	_ =	shalt  }
0x74: {  	_ =	shalt  }
0x75: {  	_ =	shalt  }
0x76: {  	_ =	shalt  }
0x77: {  	_ =	shalt  }
0x78: {  	_ =	shalt  }
0x79: {  	_ =	shalt  }
0x7a: {  	_ =	shalt  }
0x7b: {  	_ =	shalt  }
0x7c: {  	_ =	shalt  }
0x7d: {  	_ =	shalt  }
0x7e: {  	_ =	shalt  }
0x7f: {  	_ =	shalt  }
0x80: {  	_ =	shalt  }
0x81: {  	_ =	shalt  }
0x82: {  	_ =	shalt  }
0x83: {  	_ =	shalt  }
0x84: {  	_ =	shalt  }
0x85: {  	_ =	shalt  }
0x86: {  	_ =	shalt  }
0x87: {  	_ =	shalt  }
.Lfunc_end0:
.L_simem_size_0:
called_computation.2_lowered:
.L_overlay_start_0:
0x88: {  	s2 =	sld [smem:$0x3FD9]  }
0x89: {  	s3 =	sld [smem:$0x3FFE];
	_ =	sdelay $0x1  }
0x8a: {  	s1 =	srdreg.scid  }
0x8b: {  	s0 =	sand.u32 $0x1, s1  }
0x8c: {  	s14 =	sshll.u32 s0, $0xA;
	s2 =	sadd.s32 s3, s2  }
0x8d: {  	s2 =	sadd.s32 s2, s14  }
0x8e: {  	[smem:$0x3FC6] =	sst s2  }
0x8f: {  	_ = 	snop  }
0x90: {  	s2 =	sld [smem:$0x3FD0];
	_ =	sdelay $0x2  }
0x91: {  	s15 =	simm.s32 $0xA;
	s4 =	simm.s32 $0x10  }
0x92: {  	[smem:s4], [sflag:s15] =	dma.local [hbm:s2], $0x1  }
0x93: {  	_ =	swait.eq [sflag:s15], $0x1  }
0x94: {  	[sflag:s15] =	ssyncset.done $0x0  }
0x95: {  	[sflag:s15] =	ssyncadd.s32 $0xFFFFFFFF  }
0x96: {  	s16 =	sld [smem:$0x12];
	(tm) =	ssettm $0x1  }
0x97: {  	s17 =	sld [smem:$0x3FFB];
	_ =	sdelay $0x3  }
0x98: {  	_ =	strace s17  }
0x99: {  	s3 =	sld [smem:$0x3FFC];
	_ =	sdelay $0x3  }
0x9a: {  	_ =	strace s3  }
0x9b: {  	s3 =	sld [smem:$0x3FFD];
	_ =	sdelay $0x3  }
0x9c: {  	_ =	strace s3  }
0x9d: {  	_ =	strace $0x8FFFFFFF  }
0x9e: {  	s18 =	sld [smem:$0x3FDB];
	_ =	sdelay $0x1  }
0x9f: {  	s19 =	simm.s32 $_scs_section_size  }
0xa0: {  	s5 =	simm.s32 $_size__tile_overlayer_lowered;
	s6 =	simm.s32 $_tile_overlayer_lowered  }
0xa1: {  	s22 =	simm.s32 $0x1BFF;
	s21 =	sshll.u32 s6, $0x1;
	s3 =	sadd.s32 s19, s18  }
0xa2: {  	s7 =	simm.s32 $0x0;
	s20 =	sshll.u32 s5, $0x1;
	s5 =	sadd.s32 s21, s3  }
0xa3: {  	[timem:s7], [sflag:s22] =	dma.local [hbm:s5], s20  }
0xa4: {  	_ =	swait.ge [sflag:s22], s20  }
0xa5: {  	s4 =	ssub.s32 $0x0, s20;
	[sflag:s22] =	ssyncset.done $0x0  }
0xa6: {  	[sflag:s22] =	ssyncadd.s32 s4;
	_ =	sdelay $0x1  }
0xa7: {  	s23 =	simm.s32 $0x1B8B  }
0xa8: {  	_ =	swait.ge [sflag:s23], $0x1  }
0xa9: {  	[sflag:s23] =	ssyncset.done $0x0  }
0xaa: {  	s25 =	simm.s32 $0x1B8E;
	s24 =	sld [smem:$0x3FFE];
	[sflag:s23] =	ssyncadd.s32 $0xFFFFFFFF  }
0xab: {  	s26 =	simm.s32 $execute0_lowered;
	[smem:$0x3FD2] =	sst s25  }
0xac: {  	s5 =	sshll.u32 s26, $0x1;
	_ =	strace $0x8000004C;
	[dreg:$0x1] =	wrdreg $0xFFFFFFFF  }
0xad: {  	s28 =	simm.s32 $_size_execute0_lowered;
	s3 =	sadd.s32 s3, s5;
	[dreg:$0x0] =	wrdreg $0x0  }
0xae: {  	s5 =	sshll.u32 s28, $0x1;
	[dreg:$0x2] =	wrdreg s3  }
0xaf: {  	[dreg:$0x3] =	wrdreg s5  }
0xb0: {  	[dreg:$0x4] =	wrdreg $0xC0  }
0xb1: {  	_ =	task [dreg:s7], $0x5FFFF  }
0xb2: {  	[dreg:$0x1] =	wrdreg $0xFFFFFFFF  }
0xb3: {  	[dreg:$0x0] =	wrdreg $0x60  }
0xb4: {  	[dreg:$0x2] =	wrdreg s24  }
0xb5: {  	[dreg:$0x3] =	wrdreg s16  }
0xb6: {  	[dreg:$0x4] =	wrdreg $0x9  }
0xb7: {  	_ =	task.clear_ibuf [dreg:s7], $0x5FFFF;
	_ =	strace $0x9000004C  }
0xb8: {  	s29 =	simm.s32 $0x9;
	_ =	strace $0x8000004E  }
0xb9: {  	_ =	swait.ge [sflag:s29], $0x1  }
0xba: {  	[sflag:s29] =	ssyncadd.s32 $0xFFFFFFFF  }
0xbb: {  	_ =	strace $0x9000004E  }
0xbc: {  	_ =	sfence  }
0xbd: {  	s30 =	sld [smem:$0x0];
	_ =	sdelay $0x2  }
0xbe: {  	s31 =	sshll.u32 s1, $0xD;
	s1 =	sshrl.u32 s1, $0x2  }
0xbf: {  	s3 =	sand.u32 $0x4000, s31;
	s1 =	sadd.s32 s1, s30  }
0xc0: {  	s0 =	sor.u32 s3, s0;
	s1 =	sshll.u32 s1, $0x11  }
0xc1: {  	s0 =	sor.u32 s1, s0  }
0xc2: {  	s0 =	sadd.s32 $0x8F2B, s0  }
0xc3: {  	[sflag:s0] =	ssyncadd.remote.s32 $0x1  }
0xc4: {  	_ =	sfence.sel $0xFFFF  }
0xc5: {  	[dreg:$0x0] =	wrdreg $0xFFFFFFFF;
	(pc) =	sbr.abs _section_cstart, $3  }
0xc6: {  	[dreg:$0x1] =	wrdreg $0xFFFFFFFF  }
0xc7: {  	_ =	task.clear_ibuf [dreg:s7], $0x2FFFF;
	_ =	strace $0x9FFFFFFF  }
0xc8: {  	(tm) =	ssettm $0x7FFFFFFF  }
0xc9: {  	_ =	shalt  }
tec
execute0_lowered:
.L_overlay_start_1:
0x0: {  	(tag) =	ssettag $0x1  }
0x1: {  	s8 =	rddreg [dreg:$0x0]  }
0x2: {  	s1 =	rddreg [dreg:$0x1]  }
0x3: {  	s0 =	rddreg [dreg:$0x2];
	s2 =	simm.s32 $0x0  }
0x4: {  	s9 =	srdreg.scid;
	s4 =	stileid.u32;
	s17 =	simm.s32 $0x3000  }
0x5: {  	s19 =	simm.s32 $0x5000;
	s20 =	simm.s32 $0x0;
	[smem:$0x7FF] =	sst s2  }
0x6: {  	s3 =	sadd.s32 $0x2FA00, s8;
	s5 =	sadd.s32 $0xDB800, s8;
	s6 =	sadd.s32 $0xE3400, s8  }
0x7: {  	s7 =	sadd.s32 $0xDBE00, s8;
	s10 =	sand.u32 $0x1, s9;
	s8 =	sadd.s32 $0xDBC00, s8  }
0x8: {  	s11 =	sshll.u32 s4, $0x1;
	s13 =	smul.u32 $0x55F00, s4;
	s15 =	sshll.u32 s4, $0x2  }
0x9: {  	_ =	strace $0x8000004D;
	s9 =	ssub.s32 $0x2, s10;
	s14 =	sor.u32 s10, s11  }
0xa: {  	s31 =	smul.u32 $0x2AF80, s10;
	s16 =	sshll.u32 s10, $0x1;
	s12 =	sshrl.u32 s9, $0x1  }
0xb: {  	s18 =	sshll.u32 s14, $0x4;
	s11 =	sor.u32 s16, s15;
	p0 =	sne.s32 s14, $0x0  }
0xc: {  	s15 =	simm.s32 $0x2800;
	s16 =	simm.s32 $0x1000;
	s30 =	ssub.s32 s9, s12  }
0xd: {  	v0 =	vlaneseq.u32;
	s9 =	smul.u32 $0x2AF80, s14;
	s12 =	sadd.s32 s31, s13;
	s13 =	simm.s32 $0x1  }
0xe: {  	v2 =	vimm.s32 $0x0;
	s14 =	simm.s32 $0x2000;
	v1 =	vor.u32 s18, v0;
	s18 =	simm.s32 $0x4000;
	s10 =	smax.u32 s30, $0x1  }
.LBB2_1:
0xf: {  	[tilespmem:s2], [sflag:$0x1] =	stream.linear.gather [hbm4b:s5+s2], $0x2000, $0x38;
	[tilespmem:$0x6080] =	vst v63  }
0x10: {  	_ =	swait.ge [sflag:s13], $0x2000  }
0x11: {  	[sflag:s13] =	ssyncset.done $0x0  }
0x12: {  	[sflag:s13] =	ssyncadd.s32 $0xFFFFE000  }
0x13: {  	v3 =	vld [tilespmem:s2+$0x0]  }
0x14: {  	s21 =	simm.s32 $0x80  }
0x15: {  	v4 =	vld [tilespmem:s21+$0x0];
	_ =	sdelay $0x2  }
0x16: {  	(xrf0) =	vadd.scan.msk.s32 $0xffff, v3;
	_ =	sdelay $0x1  }
0x17: {  	(xrf0) =	vadd.scan.msk.s32 $0xffff, v4;
	_ =	sdelay $0x2  }
0x18: {  	s30 =	simm.s32 $0x100  }
0x19: {  	v5 =	vld [tilespmem:s30+$0x0];
	v4, _, _ =	vpop (xrf0)  }
0x1a: {  	(v2sf) =	vpush v4, $0xF  }
0x1b: {  	v4, _, _ =	vpop (xrf0)  }
0x1c: {  	(v2sf) =	vpush v4, $0xF;
	_ =	sdelay $0x1  }
0x1d: {  	s31 =	simm.s32 $0x180;
	(xrf0) =	vadd.scan.msk.s32 $0xffff, v5  }
0x1e: {  	v3 =	vld [tilespmem:s31+$0x0];
	_ =	sdelay $0x2  }
0x1f: {  	s23 =	simm.s32 $0x2;
	s22 =	simm.s32 $0x3;
	s25 =	simm.s32 $0x4  }
0x20: {  	p1 =	seq.s32 s11, $0x0;
	s24 =	simm.s32 $0x0;
	s28 =	simm.s32 $0x200  }
0x21: {  	s26 =	simm.s32 $0x0;
	s24 =	smov.u32 @p1 s24;
	s21 =	simm.s32 $0x1;
	(xrf0) =	vadd.scan.msk.s32 $0xffff, v3;
	v3, _, _ =	vpop (xrf0)  }
.LBB2_2:
0x22: {  	p1 =	sne.s32 s25, $0x3F  }
0x23: {  	v4 =	vld [tilespmem:s28+$0x0];
	(v2sf) =	vpush v3, $0xF;
	s29 =	smov.u32 s22;
	s22 =	smov.u32 s25;
	s25 =	sadd.s32 $0x1, s25  }
.Ltmp0:
0x24: {  	(pc) =	sbr.rel @p1 .LBB2_2-.Ltmp0, $4  }
0x25: {  	_ = 	snop  }
0x26: {  	s30 =	spop (v2sf)  }
0x27: {  	p2 =	seq.s32 s11, s21;
	s21 =	smov.u32 s23;
	s26 =	sadd.s32 s26, s30  }
0x28: {  	s28 =	sadd.s32 $0x80, s28;
	s23 =	smov.u32 s29;
	(xrf0) =	vadd.scan.msk.s32 $0xffff, v4;
	v3, _, _ =	vpop (xrf0);
	s24 =	smov.u32 @p2 s26  }
0x29: {  	_ =	sdelay $0x4  }
0x2a: {  	(v2sf) =	vpush v3, $0xF;
	v3, _, _ =	vpop (xrf0)  }
0x2b: {  	(v2sf) =	vpush v3, $0xF;
	_ =	sdelay $0xb  }
0x2c: {  	s25 =	spop (v2sf)  }
0x2d: {  	s25 =	sadd.s32 s26, s25;
	s31 =	spop (v2sf)  }
0x2e: {  	s26 =	sadd.s32 s25, s31;
	s28 =	spop (v2sf)  }
0x2f: {  	s28 =	sadd.s32 s26, s28;
	s29 =	spop (v2sf)  }
0x30: {  	s29 =	sadd.s32 s28, s29  }
0x31: {  	v3 =	vmov @!p0 s29  }
0x32: {  	s30 =	simm.s32 @!p0 $0x6000;
	s29 =	simm.s32 @!p0 $0x0;
	[tilespmem:$0x6000] =	vst @!p0 v3  }
0x33: {  	[hbm4b:s8+s29] =	stream.linear.scatter @!p0 [tilespmem:s30], [sflag:$0x1], $0x80, $0x38;
	[tilespmem:$0x6080] =	vst v63  }
0x34: {  	p1 =	seq.s32 s11, s21;
	s21 =	simm.s32 $0x0;
	s29 =	simm.s32 @!p0 $0x1  }
0x35: {  	s24 =	smov.u32 @p1 s25;
	p1 =	seq.s32 s11, s23;
	v3 =	vadd.s32 s21, v1;
	_ =	swait.ge @!p0 [sflag:s29], $0x80  }
0x36: {  	s24 =	smov.u32 @p1 s26;
	v3 =	vand.u32 $0x7F, v3;
	[sflag:s29] =	ssyncset.done @!p0 $0x0  }
0x37: {  	p1 =	seq.s32 s11, s22;
	s22 =	simm.s32 $0x3000;
	v3 =	vor.u32 $0x3A980, v3;
	[sflag:s29] =	ssyncadd.s32 @!p0 $0xFFFFFF80  }
0x38: {  	s23 =	simm.s32 $0x1;
	s24 =	smov.u32 @p1 s28;
	[tilespmem:s22+$0x0] =	vst v3  }
.LBB2_4:
0x39: {  	p1 =	sne.s32 s23, $0xFF  }
.Ltmp1:
0x3a: {  	_ = 	snop;
	(pc) =	sbr.rel @p1 .LBB2_4-.Ltmp1, $4  }
0x3b: {  	v3 =	vadd.s32 s23, v1  }
0x3c: {  	v3 =	vand.u32 $0x7F, v3  }
0x3d: {  	s22 =	sadd.s32 $0x10, s22;
	v3 =	vor.u32 $0x3A980, v3  }
0x3e: {  	s23 =	sadd.s32 $0x1, s23;
	[tilespmem:s22+$0x0] =	vst v3  }
0x3f: {  	s22 =	smov.u32 s12;
	s23 =	simm.s32 $0x0  }
.LBB2_6:
0x40: {  	s25 =	smul.u32 $0x7D0, s23;
	_ =	sdelay $0x1  }
0x41: {  	s25 =	sadd.s32 s9, s25  }
0x42: {  	s25 =	sshrl.u32 s25, $0x3  }
0x43: {  	s28 =	simm.s32 $0x0;
	s26 =	sadd.s32 s3, s25  }
0x44: {  	[tilespmem:s14], [sflag:$0x1] =	stream.linear.gather [hbm4b:s26+s28], $0x7D0, $0x38;
	[tilespmem:$0x6080] =	vst v63  }
0x45: {  	_ =	swait.ge [sflag:s13], $0x7D0  }
0x46: {  	[sflag:s13] =	ssyncset.done $0x0  }
0x47: {  	s30 =	simm.s32 $0x0;
	[sflag:s13] =	ssyncadd.s32 $0xFFFFF830  }
0x48: {  	v3 =	vld [tilespmem:s30+$0x2000];
	_ =	sdelay $0x4  }
0x49: {  	vm0 =	vgt.s32 v3, $0x0  }
0x4a: {  	v4 =	vsel vm0, $0x1, v2  }
0x4b: {  	(xrf0) =	vadd.scan.msk.s32 $0xffff, v4;
	_ =	sdelay $0x5  }
0x4c: {  	v5, _, _ =	vpop (xrf0)  }
0x4d: {  	v4 =	vsub.s32 v5, v4  }
0x4e: {  	v4 =	vadd.s32 s24, v4  }
0x4f: {  	vm1 =	vlt.s32 v4, $0x3A980  }
0x50: {  	vm0 =	vmand vm0, vm1  }
0x51: {  	v6 =	vsel vm0, $0x1, v2  }
0x52: {  	[tilespmem:s30+$0x2800] =	vst v4;
	(xrf0) =	vadd.scan.msk.s32 $0xffff, v6  }
0x53: {  	v3 =	vcvt.s32.f32 v3;
	[tilespmem:s21+$0x3000] =	vst.msk vm0, v4;
	v4 =	vor.u32 s22, v0  }
0x54: {  	(v2sf) =	vpush v5, $0xF;
	[tilespmem:s21+$0x4000] =	vst.msk vm0, v4  }
0x55: {  	s31 =	simm.s32 $0x10;
	[tilespmem:s21+$0x5000] =	vst.msk vm0, v3  }
0x56: {  	v3 =	vld [tilespmem:s31+$0x2000];
	_ =	sdelay $0x1  }
0x57: {  	v4, _, _ =	vpop (xrf0)  }
0x58: {  	(v2sf) =	vpush v4, $0xF;
	_ =	sdelay $0x1  }
0x59: {  	vm0 =	vgt.s32 v3, $0x0  }
0x5a: {  	v4 =	vsel vm0, $0x1, v2  }
0x5b: {  	(xrf0) =	vadd.scan.msk.s32 $0xffff, v4;
	_ =	sdelay $0x5  }
0x5c: {  	s28 =	spop (v2sf);
	v5, _, _ =	vpop (xrf0)  }
0x5d: {  	s24 =	sadd.s32 s24, s28;
	v4 =	vsub.s32 v5, v4  }
0x5e: {  	(v2sf) =	vpush v5, $0xF;
	v4 =	vadd.s32 s24, v4  }
0x5f: {  	vm1 =	vlt.s32 v4, $0x3A980  }
0x60: {  	vm0 =	vmand vm0, vm1  }
0x61: {  	s26 =	smov.u32 s22;
	s28 =	simm.s32 $0x80;
	[tilespmem:s31+$0x2800] =	vst v4;
	v5 =	vsel vm0, $0x1, v2;
	s29 =	spop (v2sf)  }
.LBB2_7:
0x62: {  	s21 =	sadd.s32 s21, s29  }
0x63: {  	(xrf0) =	vadd.scan.msk.s32 $0xffff, v5;
	s26 =	sadd.s32 $0x10, s26;
	s29 =	smov.u32 s28;
	s30 =	sadd.s32 $0x40, s28  }
0x64: {  	p1 =	sne.s32 s28, $0x1F00;
	v3 =	vcvt.s32.f32 v3;
	[tilespmem:s21+$0x3000] =	vst.msk vm0, v4;
	v4 =	vor.u32 s26, v0  }
0x65: {  	[tilespmem:s21+$0x4000] =	vst.msk vm0, v4  }
0x66: {  	s28 =	sshra.s32 s29, $0x2;
	[tilespmem:s21+$0x5000] =	vst.msk vm0, v3  }
0x67: {  	v3 =	vld [tilespmem:s28+$0x2000];
	_ =	sdelay $0x1  }
0x68: {  	v4, _, _ =	vpop (xrf0)  }
0x69: {  	(v2sf) =	vpush v4, $0xF;
	_ =	sdelay $0x1  }
0x6a: {  	vm0 =	vgt.s32 v3, $0x0  }
0x6b: {  	v4 =	vsel vm0, $0x1, v2;
	s29 =	spop (v2sf)  }
0x6c: {  	(xrf0) =	vadd.scan.msk.s32 $0xffff, v4;
	s24 =	sadd.s32 s24, s29;
	_ =	sdelay $0x5  }
0x6d: {  	v5, _, _ =	vpop (xrf0)  }
.Ltmp2:
0x6e: {  	v4 =	vsub.s32 v5, v4;
	(v2sf) =	vpush v5, $0xF;
	(pc) =	sbr.rel @p1 .LBB2_7-.Ltmp2, $4  }
0x6f: {  	v4 =	vadd.s32 s24, v4  }
0x70: {  	[tilespmem:s28+$0x2800] =	vst v4;
	vm1 =	vlt.s32 v4, $0x3A980  }
0x71: {  	vm0 =	vmand vm0, vm1  }
0x72: {  	s28 =	smov.u32 s30;
	v5 =	vsel vm0, $0x1, v2;
	s29 =	spop (v2sf)  }
0x73: {  	(xrf0) =	vadd.scan.msk.s32 $0xffff, v5;
	_ =	sdelay $0x5  }
0x74: {  	v5, _, _ =	vpop (xrf0)  }
0x75: {  	(v2sf) =	vpush v5, $0xF;
	_ =	sdelay $0x8  }
0x76: {  	s21 =	sadd.s32 s21, s29;
	s26 =	sadd.s32 $0x10, s26  }
0x77: {  	v3 =	vcvt.s32.f32 v3;
	[tilespmem:s21+$0x3000] =	vst.msk vm0, v4;
	v63 =	vor.u32 s26, v0  }
0x78: {  	[tilespmem:s21+$0x4000] =	vst.msk vm0, v63  }
0x79: {  	s25 =	sadd.s32 s6, s25;
	[tilespmem:s21+$0x5000] =	vst.msk vm0, v3  }
0x7a: {  	[hbm4b:s25+s2] =	stream.linear.scatter [tilespmem:s15], [sflag:$0x1], $0x7D0, $0x38;
	[tilespmem:$0x6080] =	vst v63  }
0x7b: {  	s31 =	spop (v2sf)  }
0x7c: {  	s28 =	spop (v2sf)  }
0x7d: {  	_ =	swait.ge [sflag:s13], $0x7D0  }
0x7e: {  	s21 =	sadd.s32 s21, s28;
	[sflag:s13] =	ssyncset.done $0x0  }
0x7f: {  	p1 =	slt.s32 s21, $0x800;
	[sflag:s13] =	ssyncadd.s32 $0xFFFFF830  }
0x80: {  	s25 =	simm.s32 @!p1 $0x1000;
	s28 =	simm.s32 @!p1 $0x3000;
	s29 =	simm.s32 @!p1 $0x4000  }
0x81: {  	[hbm4b:s1+s25] =	stream.indirect.scatter @!p1 [tilespmem:s29], [sflag:$0x1], $0x1, s28, s25, $0xb8;
	[tilespmem:$0x6080] =	vst v63  }
0x82: {  	s29 =	simm.s32 @!p1 $0x1  }
0x83: {  	s23 =	sadd.s32 $0x1, s23;
	_ =	swait.ge @!p1 [sflag:s29], $0x1000  }
0x84: {  	p2 =	sne.s32 s23, $0x58;
	[sflag:s29] =	ssyncset.done @!p1 $0x0  }
.Ltmp3:
0x85: {  	s30 =	simm.s32 @!p1 $0x5000;
	[sflag:s29] =	ssyncadd.s32 @!p1 $0xFFFFF000;
	(pc) =	sbr.rel @p2 .LBB2_6-.Ltmp3, $4  }
0x86: {  	[hbm4b:s7+s25] =	stream.indirect.scatter @!p1 [tilespmem:s30], [sflag:$0x1], $0x1, s28, s25, $0xb8;
	[tilespmem:$0x6080] =	vst v63  }
0x87: {  	_ =	swait.ge @!p1 [sflag:s29], $0x1000  }
0x88: {  	s22 =	sadd.s32 $0x7D0, s22;
	[sflag:s29] =	ssyncset.done @!p1 $0x0  }
0x89: {  	s24 =	sadd.s32 s24, s31;
	s21 =	simm.s32 @!p1 $0x0;
	[sflag:s29] =	ssyncadd.s32 @!p1 $0xFFFFF000  }
0x8a: {  	[hbm4b:s1+s16] =	stream.indirect.scatter [tilespmem:s18], [sflag:$0x1], $0x1, s17, s16, $0xb8;
	[tilespmem:$0x6080] =	vst v63  }
0x8b: {  	s20 =	sadd.s32 $0x1, s20;
	_ =	swait.ge [sflag:s13], $0x1000  }
0x8c: {  	p1 =	sne.s32 s20, s10;
	[sflag:s13] =	ssyncset.done $0x0  }
.Ltmp4:
0x8d: {  	[sflag:s13] =	ssyncadd.s32 $0xFFFFF000;
	(pc) =	sbr.rel @p1 .LBB2_1-.Ltmp4, $4  }
0x8e: {  	[hbm4b:s7+s16] =	stream.indirect.scatter [tilespmem:s19], [sflag:$0x1], $0x1, s17, s16, $0xb8;
	[tilespmem:$0x6080] =	vst v63  }
0x8f: {  	_ =	swait.ge [sflag:s13], $0x1000  }
0x90: {  	[sflag:s13] =	ssyncset.done $0x0  }
0x91: {  	[sflag:s13] =	ssyncadd.s32 $0xFFFFF000  }
0x92: {  	_ =	sfence.sel $0x180000  }
0x93: {  	[bflag:$0x0] =	sbarrier.arrive $0xFFFF  }
0x94: {  	p0 =	sne.s32 s4, $0x0;
	_ =	strace $0x9000004D  }
0x95: {  	s0 =	sadd.s32 @!p0 $0x100000, s0;
	[bflag:$0x2] =	sbarrier.arrive $0xFFFF  }
0x96: {  	[sflag:s0] =	ssyncadd.tile.s32 @!p0 $0x1;
	_ =	shalt  }
.Lfunc_end2:
_tile_overlayer_lowered:
.L_overlay_start_2:
0x97: {  	(tag) =	ssettag $0x2  }
0x98: {  	s0 =	rddreg [dreg:$0x0];
	s2 =	stileid.u32  }
0x99: {  	s1 =	rddreg [dreg:$0x1];
	p0 =	sne.s32 s2, $0x0  }
0x9a: {  	s3 =	rddreg [dreg:$0x2];
	[bflag:$0x3] =	sbarrier.arrive $0xFFFF;
	s2 =	simm.s32 @!p0 $0x1C01  }
0x9b: {  	[timem:s3], [sflag:s2] =	dma.local @!p0 [hbm:s0], s1  }
0x9c: {  	s0 =	simm.s32 @!p0 $0x1  }
0x9d: {  	_ =	swait.ge @!p0 [sflag:s0], s1  }
0x9e: {  	s1 =	ssub.s32 @!p0 $0x0, s1;
	[sflag:s0] =	ssyncset.done @!p0 $0x0  }
0x9f: {  	[sflag:s0] =	ssyncadd.s32 @!p0 s1  }
0xa0: {  	[bflag:$0x3] =	sbarrier.arrive $0xFFFF  }
0xa1: {  	_ =	shalt  }

// kernel: _run.16.cloned.1.call-start
scs
__scs_entry_jumppad:
0x0: {  	(pc) =	sbr.rel $0x88, $3  }
0x1: {  	(tag) =	ssettag $0x0;
	lr =	simm.s32 $0x1  }
0x2: {  	[smem:$0x3F9F] =	sst lr;
	_ =	strace $0xD0000000  }
0x3: {  	_ = 	snop  }
0x4: {  	_ = 	snop  }
0x5: {  	_ = 	snop  }
0x6: {  	_ = 	snop  }
0x7: {  	_ = 	snop  }
__scs_overlays_trampoline_lowered:
0x8: {  	[smem:$0x3FAE] =	sst s0  }
0x9: {  	[smem:$0x3FAF] =	sst s1  }
0xa: {  	[smem:$0x3FB0] =	sst s2  }
0xb: {  	[smem:$0x3FB1] =	sst s3  }
0xc: {  	[smem:$0x3FB2] =	sst s4  }
0xd: {  	[smem:$0x3FB3] =	sst s5  }
0xe: {  	[smem:$0x3FB4] =	sst s6  }
0xf: {  	[smem:$0x3FB5] =	sst s7  }
0x10: {  	[smem:$0x3FB6] =	sst s8  }
0x11: {  	[smem:$0x3FB7] =	sst s9;
	s0 =	simm.s32 @!p0 $0x0  }
0x12: {  	s1 =	sld [smem:$0x3F9D];
	s0 =	simm.s32 @p0 $0x1  }
0x13: {  	[smem:$0x3FB8] =	sst s0;
	s0 =	simm.s32 @!p1 $0x0  }
0x14: {  	s2 =	sld [smem:$0x3F9C];
	s0 =	simm.s32 @p1 $0x1  }
0x15: {  	[smem:$0x3FB9] =	sst s0;
	s0 =	simm.s32 @!p2 $0x0  }
0x16: {  	s3 =	sld [smem:$0x3FDB];
	s0 =	simm.s32 @p2 $0x1  }
0x17: {  	s4 =	simm.s32 $0x1BF5;
	[smem:$0x3FBB] =	sst s0  }
0x18: {  	s0 =	sld [smem:$0x3F9E];
	_ =	swait.ge [sflag:s4], $0x0  }
0x19: {  	s7 =	sld [smem:$0x3F9F]  }
0x1a: {  	s8 =	sadd.s32 $0xFFFFE003, lr  }
0x1b: {  	s9 =	sadd.s32 $0xFFFFFEF7, lr;
	s5 =	simm.s32 $0xFFFFFFFF;
	p2 =	slt.u32 s8, $0xFFFFF086  }
0x1c: {  	p1 =	slt.u32 s9, $0xF7A;
	s5 =	simm.s32 @!p2 $0x0  }
0x1d: {  	s5 =	simm.s32 @p1 $0x1;
	p0 =	seq.s32 s7, s2  }
0x1e: {  	s7 =	smul.u32 @!p0 $0xF7A, s2;
	p2 =	seq.s32 @!p0 s5, $0x0  }
0x1f: {  	s9 =	smul.u32 $0xF7A, s1;
	s8 =	simm.s32 @!p0 $0x1BF5;
	p2 =	por !p2, p0  }
0x20: {  	[sflag:s8] =	ssyncset.s32 @!p0 $0xFFFFF086;
	s6 =	sadd.s32 @!p0 s3, s7;
	s7 =	simm.s32 @!p0 $0x108  }
0x21: {  	s3 =	sadd.s32 s3, s9;
	s6 =	sadd.s32 @!p0 $0x88, s6;
	s7 =	simm.s32 @p2 $0x1082  }
0x22: {  	[simem:s7], [sflag:s8] =	dma.local @!p0 [hbm:s6], $0xF7A  }
0x23: {  	s9 =	sor.u32 $0xD0000000, s2;
	s6 =	simm.s32 $0x108;
	_ =	swait.ge @!p0 [sflag:s8], $0x0  }
0x24: {  	s3 =	sadd.s32 $0x88, s3;
	s6 =	simm.s32 @!p1 $0x1082;
	[sflag:s4] =	ssyncset.s32 $0xFFFFF086  }
0x25: {  	[simem:s6], [sflag:s4] =	dma.local [hbm:s3], $0xF7A  }
0x26: {  	[smem:$0x3F9F] =	sst s1;
	(tag) =	ssettag s2;
	_ =	strace s9  }
0x27: {  	s1 =	sld [smem:$0x3FAF]  }
0x28: {  	s2 =	sld [smem:$0x3FB0]  }
0x29: {  	s4 =	sld [smem:$0x3FB2]  }
0x2a: {  	p0 =	seq.s32 s5, $0x0;
	s5 =	sld [smem:$0x3FB3]  }
0x2b: {  	s6 =	sld [smem:$0x3FB4]  }
0x2c: {  	s7 =	sld [smem:$0x3FB5]  }
0x2d: {  	s3 =	simm.s32 $0x108;
	s8 =	sld [smem:$0x3FB6]  }
0x2e: {  	s3 =	simm.s32 @!p0 $0x1082;
	s9 =	sld [smem:$0x3FB7]  }
0x2f: {  	lr =	sadd.s32 s0, s3;
	s0 =	sld [smem:$0x3FAE]  }
0x30: {  	s3 =	sld [smem:$0x3FB1]  }
0x31: {  	[smem:$0x3FBA] =	sst s10  }
0x32: {  	s10 =	sld [smem:$0x3FB8];
	_ =	sdelay $0x3  }
0x33: {  	p0 =	seq.s32 s10, $0x1;
	s10 =	sld [smem:$0x3FBA];
	_ =	sdelay $0x3  }
0x34: {  	[smem:$0x3FBA] =	sst s10  }
0x35: {  	s10 =	sld [smem:$0x3FB9];
	_ =	sdelay $0x3  }
0x36: {  	p1 =	seq.s32 s10, $0x1;
	s10 =	sld [smem:$0x3FBA];
	_ =	sdelay $0x3  }
0x37: {  	[smem:$0x3FBA] =	sst s10  }
0x38: {  	s10 =	sld [smem:$0x3FBB]  }
0x39: {  	_ = 	snop;
	(pc) =	sbr.ind lr, $3  }
0x3a: {  	_ = 	snop  }
0x3b: {  	_ = 	snop  }
0x3c: {  	p2 =	seq.s32 s10, $0x1;
	s10 =	sld [smem:$0x3FBA]  }
0x3d: {  	_ =	shalt  }
0x3e: {  	_ =	shalt  }
0x3f: {  	_ =	shalt  }
0x40: {  	_ =	shalt  }
0x41: {  	_ =	shalt  }
0x42: {  	_ =	shalt  }
0x43: {  	_ =	shalt  }
0x44: {  	_ =	shalt  }
0x45: {  	_ =	shalt  }
0x46: {  	_ =	shalt  }
0x47: {  	_ =	shalt  }
0x48: {  	_ =	shalt  }
0x49: {  	_ =	shalt  }
0x4a: {  	_ =	shalt  }
0x4b: {  	_ =	shalt  }
0x4c: {  	_ =	shalt  }
0x4d: {  	_ =	shalt  }
0x4e: {  	_ =	shalt  }
0x4f: {  	_ =	shalt  }
0x50: {  	_ =	shalt  }
0x51: {  	_ =	shalt  }
0x52: {  	_ =	shalt  }
0x53: {  	_ =	shalt  }
0x54: {  	_ =	shalt  }
0x55: {  	_ =	shalt  }
0x56: {  	_ =	shalt  }
0x57: {  	_ =	shalt  }
0x58: {  	_ =	shalt  }
0x59: {  	_ =	shalt  }
0x5a: {  	_ =	shalt  }
0x5b: {  	_ =	shalt  }
0x5c: {  	_ =	shalt  }
0x5d: {  	_ =	shalt  }
0x5e: {  	_ =	shalt  }
0x5f: {  	_ =	shalt  }
0x60: {  	_ =	shalt  }
0x61: {  	_ =	shalt  }
0x62: {  	_ =	shalt  }
0x63: {  	_ =	shalt  }
0x64: {  	_ =	shalt  }
0x65: {  	_ =	shalt  }
0x66: {  	_ =	shalt  }
0x67: {  	_ =	shalt  }
0x68: {  	_ =	shalt  }
0x69: {  	_ =	shalt  }
0x6a: {  	_ =	shalt  }
0x6b: {  	_ =	shalt  }
0x6c: {  	_ =	shalt  }
0x6d: {  	_ =	shalt  }
0x6e: {  	_ =	shalt  }
0x6f: {  	_ =	shalt  }
0x70: {  	_ =	shalt  }
0x71: {  	_ =	shalt  }
0x72: {  	_ =	shalt  }
0x73: {  	_ =	shalt  }
0x74: {  	_ =	shalt  }
0x75: {  	_ =	shalt  }
0x76: {  	_ =	shalt  }
0x77: {  	_ =	shalt  }
0x78: {  	_ =	shalt  }
0x79: {  	_ =	shalt  }
0x7a: {  	_ =	shalt  }
0x7b: {  	_ =	shalt  }
0x7c: {  	_ =	shalt  }
0x7d: {  	_ =	shalt  }
0x7e: {  	_ =	shalt  }
0x7f: {  	_ =	shalt  }
0x80: {  	_ =	shalt  }
0x81: {  	_ =	shalt  }
0x82: {  	_ =	shalt  }
0x83: {  	_ =	shalt  }
0x84: {  	_ =	shalt  }
0x85: {  	_ =	shalt  }
0x86: {  	_ =	shalt  }
0x87: {  	_ =	shalt  }
.Lfunc_end0:
.L_simem_size_0:
called_computation.3_lowered:
.L_overlay_start_0:
0x88: {  	s2 =	sld [smem:$0x3FD9]  }
0x89: {  	s3 =	sld [smem:$0x3FFE];
	_ =	sdelay $0x1  }
0x8a: {  	s1 =	srdreg.scid  }
0x8b: {  	s0 =	sand.u32 $0x1, s1  }
0x8c: {  	s14 =	sshll.u32 s0, $0xA;
	s2 =	sadd.s32 s3, s2  }
0x8d: {  	s2 =	sadd.s32 s2, s14  }
0x8e: {  	[smem:$0x3FC6] =	sst s2  }
0x8f: {  	_ = 	snop  }
0x90: {  	s2 =	sld [smem:$0x3FD0];
	_ =	sdelay $0x2  }
0x91: {  	s15 =	simm.s32 $0xA;
	s4 =	simm.s32 $0x10  }
0x92: {  	[smem:s4], [sflag:s15] =	dma.local [hbm:s2], $0x1  }
0x93: {  	_ =	swait.eq [sflag:s15], $0x1  }
0x94: {  	[sflag:s15] =	ssyncset.done $0x0  }
0x95: {  	s16 =	sld [smem:$0x10];
	[sflag:s15] =	ssyncadd.s32 $0xFFFFFFFF  }
0x96: {  	s17 =	sld [smem:$0x11];
	(tm) =	ssettm $0x1  }
0x97: {  	s18 =	sld [smem:$0x3FFB];
	_ =	sdelay $0x3  }
0x98: {  	_ =	strace s18  }
0x99: {  	s4 =	sld [smem:$0x3FFC];
	_ =	sdelay $0x3  }
0x9a: {  	_ =	strace s4  }
0x9b: {  	s4 =	sld [smem:$0x3FFD];
	_ =	sdelay $0x3  }
0x9c: {  	_ =	strace s4  }
0x9d: {  	_ =	strace $0x8FFFFFFF  }
0x9e: {  	s19 =	sld [smem:$0x3FDB];
	_ =	sdelay $0x1  }
0x9f: {  	s5 =	simm.s32 $_scs_section_size  }
0xa0: {  	s6 =	simm.s32 $_size__tile_overlayer_lowered;
	s7 =	simm.s32 $_tile_overlayer_lowered  }
0xa1: {  	s22 =	simm.s32 $0x1BFF;
	s21 =	sshll.u32 s7, $0x1;
	s4 =	sadd.s32 s5, s19  }
0xa2: {  	s8 =	simm.s32 $0x0;
	s20 =	sshll.u32 s6, $0x1;
	s6 =	sadd.s32 s21, s4  }
0xa3: {  	[timem:s8], [sflag:s22] =	dma.local [hbm:s6], s20  }
0xa4: {  	_ =	swait.ge [sflag:s22], s20  }
0xa5: {  	s5 =	ssub.s32 $0x0, s20;
	[sflag:s22] =	ssyncset.done $0x0  }
0xa6: {  	[sflag:s22] =	ssyncadd.s32 s5;
	_ =	sdelay $0x1  }
0xa7: {  	s23 =	simm.s32 $0x1B8B  }
0xa8: {  	_ =	swait.ge [sflag:s23], $0x1  }
0xa9: {  	[sflag:s23] =	ssyncset.done $0x0  }
0xaa: {  	s25 =	simm.s32 $0x1B8E;
	s24 =	sld [smem:$0x3FFE];
	[sflag:s23] =	ssyncadd.s32 $0xFFFFFFFF  }
0xab: {  	s26 =	simm.s32 $execute0_lowered;
	[smem:$0x3FD2] =	sst s25  }
0xac: {  	s6 =	sshll.u32 s26, $0x1;
	_ =	strace $0x8000004F;
	[dreg:$0x1] =	wrdreg $0xFFFFFFFF  }
0xad: {  	s28 =	simm.s32 $_size_execute0_lowered;
	s4 =	sadd.s32 s4, s6;
	[dreg:$0x0] =	wrdreg $0x0  }
0xae: {  	s6 =	sshll.u32 s28, $0x1;
	[dreg:$0x2] =	wrdreg s4  }
0xaf: {  	[dreg:$0x3] =	wrdreg s6  }
0xb0: {  	[dreg:$0x4] =	wrdreg $0xC0  }
0xb1: {  	_ =	task [dreg:s8], $0x5FFFF  }
0xb2: {  	[dreg:$0x1] =	wrdreg $0xFFFFFFFF  }
0xb3: {  	[dreg:$0x0] =	wrdreg $0x60  }
0xb4: {  	[dreg:$0x2] =	wrdreg s24  }
0xb5: {  	[dreg:$0x3] =	wrdreg s16  }
0xb6: {  	[dreg:$0x4] =	wrdreg s17  }
0xb7: {  	[dreg:$0x5] =	wrdreg $0x7B000  }
0xb8: {  	[dreg:$0x6] =	wrdreg $0xB5A00  }
0xb9: {  	[dreg:$0x7] =	wrdreg $0xF0400  }
0xba: {  	[dreg:$0x8] =	wrdreg $0x12AE00  }
0xbb: {  	[dreg:$0x9] =	wrdreg $0x9  }
0xbc: {  	_ =	task.clear_ibuf [dreg:s8], $0xAFFFF;
	_ =	strace $0x9000004F  }
0xbd: {  	s29 =	simm.s32 $0x9;
	_ =	strace $0x80000051  }
0xbe: {  	_ =	swait.ge [sflag:s29], $0x1  }
0xbf: {  	[sflag:s29] =	ssyncadd.s32 $0xFFFFFFFF  }
0xc0: {  	_ =	strace $0x90000051  }
0xc1: {  	_ =	sfence  }
0xc2: {  	s30 =	sld [smem:$0x0];
	_ =	sdelay $0x2  }
0xc3: {  	s31 =	sshll.u32 s1, $0xD;
	s1 =	sshrl.u32 s1, $0x2  }
0xc4: {  	s3 =	sand.u32 $0x4000, s31;
	s1 =	sadd.s32 s1, s30  }
0xc5: {  	s0 =	sor.u32 s3, s0;
	s1 =	sshll.u32 s1, $0x11  }
0xc6: {  	s0 =	sor.u32 s1, s0  }
0xc7: {  	s0 =	sadd.s32 $0x8F2B, s0  }
0xc8: {  	[sflag:s0] =	ssyncadd.remote.s32 $0x1  }
0xc9: {  	_ =	sfence.sel $0xFFFF  }
0xca: {  	[dreg:$0x0] =	wrdreg $0xFFFFFFFF;
	(pc) =	sbr.abs _section_cstart, $3  }
0xcb: {  	[dreg:$0x1] =	wrdreg $0xFFFFFFFF  }
0xcc: {  	_ =	task.clear_ibuf [dreg:s8], $0x2FFFF;
	_ =	strace $0x9FFFFFFF  }
0xcd: {  	(tm) =	ssettm $0x7FFFFFFF  }
tec
execute0_lowered:
.L_overlay_start_1:
0x0: {  	(tag) =	ssettag $0x1  }
0x1: {  	s0 =	rddreg [dreg:$0x0]  }
0x2: {  	s12 =	rddreg [dreg:$0x1]  }
0x3: {  	s2 =	srdreg.scid;
	s21 =	stileid.u32  }
0x4: {  	s11 =	rddreg [dreg:$0x2];
	s3 =	sand.u32 $0x1, s2;
	s4 =	sshll.u32 s21, $0x1  }
0x5: {  	s1 =	simm.s32 $0x0;
	s28 =	rddreg [dreg:$0x3];
	s16 =	sor.u32 s3, s4  }
0x6: {  	[smem:$0x7FF] =	sst s1;
	s5 =	sadd.s32 $0x20400, s0;
	s7 =	smul.u32 $0xFA, s16  }
0x7: {  	s8 =	sadd.s32 $0x1800, s0;
	s6 =	smul.u32 $0xEA800, s3;
	s3 =	ssub.s32 $0x2, s3  }
0x8: {  	s4 =	sadd.s32 $0x10E00, s0;
	s9 =	sshrl.u32 s3, $0x1;
	s25 =	sadd.s32 s5, s7  }
0x9: {  	s10 =	smul.u32 $0x7D0, s16;
	s26 =	sadd.s32 s4, s7;
	[dreg:$0x8] =	wrdreg s25  }
0xa: {  	s20 =	ssub.s32 s3, s9;
	s9 =	sadd.s32 s8, s7;
	[dreg:$0x9] =	wrdreg s26  }
0xb: {  	s13 =	sadd.s32 s12, s7;
	[dreg:$0xa] =	wrdreg s9;
	s9 =	sshrl.u32 s10, $0x3  }
0xc: {  	s14 =	sadd.s32 s11, s7;
	[dreg:$0xb] =	wrdreg s13;
	s15 =	sadd.s32 $0x1F40, s9  }
0xd: {  	[dreg:$0xc] =	wrdreg s14;
	s17 =	sadd.s32 s5, s15  }
0xe: {  	s18 =	sadd.s32 s4, s15;
	[dreg:$0xd] =	wrdreg s17  }
0xf: {  	s19 =	sadd.s32 s8, s15;
	[dreg:$0xe] =	wrdreg s18  }
0x10: {  	s22 =	sadd.s32 s12, s15;
	[dreg:$0xf] =	wrdreg s19  }
0x11: {  	s23 =	sadd.s32 $0x3E80, s9;
	s3 =	sadd.s32 s11, s15;
	[dreg:$0x10] =	wrdreg s22  }
0x12: {  	s24 =	sadd.s32 s5, s23;
	[dreg:$0x11] =	wrdreg s3  }
0x13: {  	s25 =	sadd.s32 s4, s23;
	[dreg:$0x12] =	wrdreg s24  }
0x14: {  	s26 =	sadd.s32 s8, s23;
	[dreg:$0x13] =	wrdreg s25  }
0x15: {  	s13 =	sadd.s32 $0x5DC0, s9;
	s10 =	sadd.s32 s12, s23;
	[dreg:$0x14] =	wrdreg s26  }
0x16: {  	s14 =	sadd.s32 s5, s13;
	[dreg:$0x15] =	wrdreg s10  }
0x17: {  	s15 =	sadd.s32 s4, s13;
	[dreg:$0x17] =	wrdreg s14  }
0x18: {  	s3 =	sadd.s32 s11, s23;
	[dreg:$0x18] =	wrdreg s15  }
0x19: {  	s17 =	sadd.s32 s8, s13;
	[dreg:$0x16] =	wrdreg s3  }
0x1a: {  	s18 =	sadd.s32 s12, s13;
	[dreg:$0x19] =	wrdreg s17  }
0x1b: {  	s19 =	sadd.s32 $0x7D00, s9;
	[dreg:$0x1a] =	wrdreg s18;
	s3 =	sadd.s32 s11, s13  }
0x1c: {  	s22 =	sadd.s32 s5, s19;
	[dreg:$0x1b] =	wrdreg s3  }
0x1d: {  	s23 =	sadd.s32 s4, s19;
	[dreg:$0x1c] =	wrdreg s22  }
0x1e: {  	s24 =	sadd.s32 s8, s19;
	[dreg:$0x1d] =	wrdreg s23  }
0x1f: {  	s26 =	sadd.s32 $0x9C40, s9;
	s25 =	sadd.s32 s12, s19;
	[dreg:$0x1e] =	wrdreg s24  }
0x20: {  	s10 =	sadd.s32 s5, s26;
	[dreg:$0x1f] =	wrdreg s25  }
0x21: {  	s13 =	sadd.s32 s4, s26;
	[smem:$0x7EF] =	sst s10  }
0x22: {  	s14 =	sadd.s32 s8, s26;
	[smem:$0x7F0] =	sst s13  }
0x23: {  	s15 =	sadd.s32 s12, s26;
	[smem:$0x7F1] =	sst s14  }
0x24: {  	s29 =	simm.s32 $0x2800;
	[smem:$0x7F2] =	sst s15  }
0x25: {  	s17 =	sadd.s32 $0xBB80, s9;
	s24 =	sadd.s32 $0xDAC0, s9;
	s9 =	rddreg [dreg:$0x5]  }
0x26: {  	s30 =	simm.s32 $0x3000;
	s3 =	sadd.s32 s11, s19;
	s10 =	rddreg [dreg:$0x6]  }
0x27: {  	s31 =	simm.s32 $0x3800;
	s18 =	sadd.s32 s5, s17;
	[smem:$0x7EE] =	sst s3  }
0x28: {  	s2 =	smul.u32 $0x3AA0, s21;
	s19 =	sadd.s32 s4, s17;
	[smem:$0x7F4] =	sst s18  }
0x29: {  	p0 =	sgt.u32 s21, $0xC;
	s22 =	sadd.s32 s8, s17;
	[smem:$0x7F5] =	sst s19  }
0x2a: {  	s21 =	simm.s32 $0x4000;
	s23 =	sadd.s32 s12, s17;
	[smem:$0x7F6] =	sst s22  }
0x2b: {  	s6 =	sadd.s32 s2, s6;
	s7 =	sadd.s32 s11, s17;
	[smem:$0x7F7] =	sst s23  }
0x2c: {  	s20 =	smax.u32 s20, $0x1;
	s3 =	sadd.s32 s11, s26;
	[smem:$0x7F8] =	sst s7  }
0x2d: {  	s5 =	sadd.s32 s5, s24;
	s4 =	sadd.s32 s4, s24;
	[smem:$0x7F3] =	sst s3  }
0x2e: {  	s25 =	sadd.s32 s8, s24;
	s26 =	sadd.s32 s12, s24;
	s3 =	rddreg [dreg:$0x4]  }
0x2f: {  	s7 =	sshrl.u32 s6, $0x3;
	s12 =	sadd.s32 s2, s28;
	[smem:$0x7F9] =	sst s5  }
0x30: {  	s14 =	sadd.s32 s2, s9;
	s15 =	sadd.s32 s2, s10;
	[smem:$0x7FA] =	sst s4  }
0x31: {  	s8 =	sshll.u32 s16, $0x4;
	s22 =	simm.s32 $0x2;
	[smem:$0x7FB] =	sst s25  }
0x32: {  	s23 =	simm.s32 $0x7D0;
	[smem:$0x7FC] =	sst s26;
	s5 =	sadd.s32 s11, s24  }
.Ltmp0:
0x33: {  	s4 =	sadd.s32 s7, s0;
	s11 =	sadd.s32 $0xE3400, s0;
	(pc) =	sbr.rel .LBB2_1-.Ltmp0, $4  }
0x34: {  	s24 =	simm.s32 $0x800;
	s25 =	simm.s32 $0x1;
	s26 =	simm.s32 $0x2000  }
0x35: {  	s0 =	simm.s32 $0x1800;
	[smem:$0x7FD] =	sst s5;
	s13 =	sadd.s32 s2, s3  }
0x36: {  	v0 =	vlaneseq.u32;
	s16 =	sadd.s32 $0x2FA00, s4;
	s17 =	sadd.s32 $0x36F40, s4;
	s18 =	sadd.s32 $0x3E480, s4  }
0x37: {  	v1 =	vimm.f32 $0.0e+00;
	v0 =	vor.u32 s8, v0;
	s19 =	sadd.s32 $0x459C0, s4;
	s2 =	simm.s32 $0x0;
	_ =	strace $0x80000050  }
.LBB2_36:
0x38: {  	v4 =	vadd.s32 s7, v0  }
0x39: {  	vm0 =	vlt.s32 v3, $0x55F000;
	vm1 =	vlt.s32 v2, $0x3A980;
	v3 =	vand.u32 $0x7F, v4  }
0x3a: {  	vm0 =	vmand vm1, vm0;
	v3 =	vor.u32 $0x3A980, v3  }
0x3b: {  	s4 =	sadd.s32 $0x10, s4;
	v2 =	vsel vm0, v2, v3  }
0x3c: {  	[tilespmem:s4+$0x0] =	vst v2  }
0x3d: {  	[spmem:s28] =	stream.indirect.scatter.add.f32 [tilespmem:s26], [sflag:$0x2], $0x1, s0, s23, $0xb8;
	[tilespmem:$0x16580] =	vst v63  }
0x3e: {  	_ =	swait.ge [sflag:s22], $0x7D0  }
0x3f: {  	[sflag:s22] =	ssyncset.done $0x0  }
0x40: {  	[sflag:s22] =	ssyncadd.s32 $0xFFFFF830  }
0x41: {  	[spmem:s3] =	stream.indirect.scatter.add.f32 [tilespmem:s29], [sflag:$0x2], $0x1, s0, s23, $0xb8;
	[tilespmem:$0x16580] =	vst v63  }
0x42: {  	_ =	swait.ge [sflag:s22], $0x7D0  }
0x43: {  	[sflag:s22] =	ssyncset.done $0x0  }
0x44: {  	[sflag:s22] =	ssyncadd.s32 $0xFFFFF830  }
0x45: {  	[spmem:s9] =	stream.indirect.scatter.add.f32 [tilespmem:s30], [sflag:$0x2], $0x1, s0, s23, $0xb8;
	[tilespmem:$0x16580] =	vst v63  }
0x46: {  	_ =	swait.ge [sflag:s22], $0x7D0  }
0x47: {  	[sflag:s22] =	ssyncset.done $0x0  }
0x48: {  	[sflag:s22] =	ssyncadd.s32 $0xFFFFF830  }
0x49: {  	[spmem:s10] =	stream.indirect.scatter.add.f32 [tilespmem:s31], [sflag:$0x2], $0x1, s0, s23, $0xb8;
	[tilespmem:$0x16580] =	vst v63  }
0x4a: {  	_ =	swait.ge [sflag:s22], $0x7D0  }
0x4b: {  	[sflag:s22] =	ssyncset.done $0x0  }
0x4c: {  	[sflag:s22] =	ssyncadd.s32 $0xFFFFF830  }
.LBB2_37:
0x4d: {  	[bflag:$0x0] =	sbarrier.arrive $0xFFFF  }
0x4e: {  	[tilespmem:s21], [sflag:$0x2] =	stream.linear.gather [spmem:s12], $0x3AA0, $0x38;
	[tilespmem:$0x16580] =	vst v63  }
0x4f: {  	_ =	swait.ge [sflag:s22], $0x3AA0  }
0x50: {  	[sflag:s22] =	ssyncset.done $0x0  }
0x51: {  	[sflag:s22] =	ssyncadd.s32 $0xFFFFC560  }
0x52: {  	[hbm4b:s16+s1] =	stream.linear.scatter [tilespmem:s21], [sflag:$0x2], $0x3AA0, $0x38;
	[tilespmem:$0x16580] =	vst v63  }
0x53: {  	_ =	swait.ge [sflag:s22], $0x3AA0  }
0x54: {  	[sflag:s22] =	ssyncset.done $0x0  }
0x55: {  	[sflag:s22] =	ssyncadd.s32 $0xFFFFC560  }
0x56: {  	[tilespmem:s21], [sflag:$0x2] =	stream.linear.gather [spmem:s13], $0x3AA0, $0x38;
	[tilespmem:$0x16580] =	vst v63  }
0x57: {  	_ =	swait.ge [sflag:s22], $0x3AA0  }
0x58: {  	[sflag:s22] =	ssyncset.done $0x0  }
0x59: {  	[sflag:s22] =	ssyncadd.s32 $0xFFFFC560  }
0x5a: {  	[hbm4b:s17+s1] =	stream.linear.scatter [tilespmem:s21], [sflag:$0x2], $0x3AA0, $0x38;
	[tilespmem:$0x16580] =	vst v63  }
0x5b: {  	_ =	swait.ge [sflag:s22], $0x3AA0  }
0x5c: {  	[sflag:s22] =	ssyncset.done $0x0  }
0x5d: {  	[sflag:s22] =	ssyncadd.s32 $0xFFFFC560  }
0x5e: {  	[tilespmem:s21], [sflag:$0x2] =	stream.linear.gather [spmem:s14], $0x3AA0, $0x38;
	[tilespmem:$0x16580] =	vst v63  }
0x5f: {  	_ =	swait.ge [sflag:s22], $0x3AA0  }
0x60: {  	[sflag:s22] =	ssyncset.done $0x0  }
0x61: {  	[sflag:s22] =	ssyncadd.s32 $0xFFFFC560  }
0x62: {  	[hbm4b:s18+s1] =	stream.linear.scatter [tilespmem:s21], [sflag:$0x2], $0x3AA0, $0x38;
	[tilespmem:$0x16580] =	vst v63  }
0x63: {  	_ =	swait.ge [sflag:s22], $0x3AA0  }
0x64: {  	[sflag:s22] =	ssyncset.done $0x0  }
0x65: {  	[sflag:s22] =	ssyncadd.s32 $0xFFFFC560  }
0x66: {  	[tilespmem:s21], [sflag:$0x2] =	stream.linear.gather [spmem:s15], $0x3AA0, $0x38;
	[tilespmem:$0x16580] =	vst v63  }
0x67: {  	s2 =	sadd.s32 $0x1, s2;
	_ =	swait.ge [sflag:s22], $0x3AA0  }
0x68: {  	p1 =	sne.s32 s2, s20;
	[sflag:s22] =	ssyncset.done $0x0  }
.Ltmp1:
0x69: {  	[sflag:s22] =	ssyncadd.s32 $0xFFFFC560;
	(pc) =	sbr.rel @!p1 .LBB2_38-.Ltmp1, $4  }
0x6a: {  	[hbm4b:s19+s1] =	stream.linear.scatter [tilespmem:s21], [sflag:$0x2], $0x3AA0, $0x38;
	[tilespmem:$0x16580] =	vst v63  }
0x6b: {  	_ =	swait.ge [sflag:s22], $0x3AA0  }
0x6c: {  	[sflag:s22] =	ssyncset.done $0x0  }
0x6d: {  	[sflag:s22] =	ssyncadd.s32 $0xFFFFC560  }
.LBB2_1:
0x6e: {  	s4 =	simm.s32 $0x40;
	s5 =	simm.s32 $0x0  }
.LBB2_2:
0x6f: {  	p1 =	sne.s32 s4, $0xEA40;
	[tilespmem:s5+$0x4000] =	vst v1;
	s5 =	smov.u32 s4;
	s4 =	sadd.s32 $0x40, s4  }
.Ltmp2:
0x70: {  	(pc) =	sbr.rel @p1 .LBB2_2-.Ltmp2, $2  }
0x71: {  	_ =	sdelay $0x2  }
0x72: {  	s5 =	sshra.s32 s5, $0x2  }
0x73: {  	[tilespmem:s5+$0x4000] =	vst v1  }
0x74: {  	[spmem:s12] =	stream.linear.scatter [tilespmem:s21], [sflag:$0x2], $0x3AA0, $0x38;
	[tilespmem:$0x16580] =	vst v63  }
0x75: {  	_ =	swait.ge [sflag:s22], $0x3AA0  }
0x76: {  	[sflag:s22] =	ssyncset.done $0x0  }
0x77: {  	[sflag:s22] =	ssyncadd.s32 $0xFFFFC560  }
0x78: {  	[spmem:s13] =	stream.linear.scatter [tilespmem:s21], [sflag:$0x2], $0x3AA0, $0x38;
	[tilespmem:$0x16580] =	vst v63  }
0x79: {  	_ =	swait.ge [sflag:s22], $0x3AA0  }
0x7a: {  	[sflag:s22] =	ssyncset.done $0x0  }
0x7b: {  	[sflag:s22] =	ssyncadd.s32 $0xFFFFC560  }
0x7c: {  	[spmem:s14] =	stream.linear.scatter [tilespmem:s21], [sflag:$0x2], $0x3AA0, $0x38;
	[tilespmem:$0x16580] =	vst v63  }
0x7d: {  	_ =	swait.ge [sflag:s22], $0x3AA0  }
0x7e: {  	[sflag:s22] =	ssyncset.done $0x0  }
0x7f: {  	[sflag:s22] =	ssyncadd.s32 $0xFFFFC560  }
0x80: {  	[spmem:s15] =	stream.linear.scatter [tilespmem:s21], [sflag:$0x2], $0x3AA0, $0x38;
	[tilespmem:$0x16580] =	vst v63  }
0x81: {  	_ =	swait.ge [sflag:s22], $0x3AA0  }
0x82: {  	[sflag:s22] =	ssyncset.done $0x0  }
0x83: {  	[sflag:s22] =	ssyncadd.s32 $0xFFFFC560  }
0x84: {  	[bflag:$0x0] =	sbarrier.arrive $0xFFFF  }
0x85: {  	s4 =	simm.s32 $0x0;
	s8 =	rddreg [dreg:$0x8]  }
0x86: {  	[tilespmem:s4], [sflag:$0x2] =	stream.linear.gather [hbm4b:s8+s4], $0x7D0, $0x38;
	[tilespmem:$0x16580] =	vst v63  }
0x87: {  	_ =	swait.ge [sflag:s22], $0x7D0  }
0x88: {  	[sflag:s22] =	ssyncset.done $0x0  }
0x89: {  	s4 =	simm.s32 $0x0;
	[sflag:s22] =	ssyncadd.s32 $0xFFFFF830  }
0x8a: {  	v2 =	vld [tilespmem:s4+$0x0]  }
0x8b: {  	s5 =	simm.s32 $0x40  }
.LBB2_4:
0x8c: {  	p1 =	sne.s32 s5, $0x1F00  }
.Ltmp3:
0x8d: {  	_ = 	snop;
	(pc) =	sbr.rel @p1 .LBB2_4-.Ltmp3, $4  }
0x8e: {  	_ = 	snop  }
0x8f: {  	s6 =	sshra.s32 s5, $0x2;
	s5 =	sadd.s32 $0x40, s5;
	vm0 =	vlt.s32 v2, $0x55EFFF  }
0x90: {  	v3 =	vnsel vm0, $0x55EFFF, v2;
	v2 =	vld [tilespmem:s6+$0x0]  }
0x91: {  	[tilespmem:s4+$0x800] =	vst v3;
	s4 =	smov.u32 s6  }
0x92: {  	_ =	sdelay $0x2  }
0x93: {  	vm0 =	vlt.s32 v2, $0x55EFFF  }
0x94: {  	v2 =	vnsel vm0, $0x55EFFF, v2  }
0x95: {  	[tilespmem:s4+$0x800] =	vst v2;
	s4 =	simm.s32 $0x1000  }
0x96: {  	[tilespmem:s4], [sflag:$0x1] =	stream.indirect.gather [hbm4b:s11+s23], $0x1, s24, s23, $0xb8;
	[tilespmem:$0x16580] =	vst v63  }
0x97: {  	_ =	swait.ge [sflag:s25], $0x7D0  }
0x98: {  	[sflag:s25] =	ssyncset.done $0x0  }
0x99: {  	s5 =	simm.s32 $0x0;
	s6 =	rddreg [dreg:$0x9];
	[sflag:s25] =	ssyncadd.s32 $0xFFFFF830  }
0x9a: {  	[tilespmem:s26], [sflag:$0x2] =	stream.linear.gather [hbm4b:s6+s5], $0x7D0, $0x38;
	[tilespmem:$0x16580] =	vst v63  }
0x9b: {  	_ =	swait.ge [sflag:s22], $0x7D0  }
0x9c: {  	[sflag:s22] =	ssyncset.done $0x0  }
0x9d: {  	s8 =	rddreg [dreg:$0xa];
	[sflag:s22] =	ssyncadd.s32 $0xFFFFF830  }
0x9e: {  	[tilespmem:s29], [sflag:$0x2] =	stream.linear.gather [hbm4b:s8+s5], $0x7D0, $0x38;
	[tilespmem:$0x16580] =	vst v63  }
0x9f: {  	_ =	swait.ge [sflag:s22], $0x7D0  }
0xa0: {  	[sflag:s22] =	ssyncset.done $0x0  }
0xa1: {  	s7 =	rddreg [dreg:$0xb];
	[sflag:s22] =	ssyncadd.s32 $0xFFFFF830  }
0xa2: {  	[tilespmem:s30], [sflag:$0x2] =	stream.linear.gather [hbm4b:s7+s5], $0x7D0, $0x38;
	[tilespmem:$0x16580] =	vst v63  }
0xa3: {  	_ =	swait.ge [sflag:s22], $0x7D0  }
0xa4: {  	[sflag:s22] =	ssyncset.done $0x0  }
0xa5: {  	s8 =	rddreg [dreg:$0xc];
	[sflag:s22] =	ssyncadd.s32 $0xFFFFF830  }
0xa6: {  	[tilespmem:s31], [sflag:$0x2] =	stream.linear.gather [hbm4b:s8+s5], $0x7D0, $0x38;
	[tilespmem:$0x16580] =	vst v63  }
0xa7: {  	_ =	swait.ge [sflag:s22], $0x7D0  }
0xa8: {  	[sflag:s22] =	ssyncset.done $0x0  }
0xa9: {  	[sflag:s22] =	ssyncadd.s32 $0xFFFFF830  }
0xaa: {  	v2 =	vld [tilespmem:s5+$0x0]  }
0xab: {  	v3 =	vld [tilespmem:s4+$0x0];
	_ =	sdelay $0x3  }
0xac: {  	v4 =	vadd.s32 s5, v0  }
0xad: {  	vm15 =	vlt.s32 v2, $0x55F000;
	vm1 =	vlt.s32 v3, $0x3A980;
	v2 =	vand.u32 $0x7F, v4  }
0xae: {  	vm0 =	vmand vm1, vm15;
	v2 =	vor.u32 $0x3A980, v2  }
0xaf: {  	s4 =	simm.s32 $0x1800;
	v2 =	vsel vm0, v3, v2  }
0xb0: {  	s5 =	simm.s32 $0x10;
	[tilespmem:s4+$0x0] =	vst v2  }
0xb1: {  	s6 =	simm.s32 $0x1010;
	v3 =	vld [tilespmem:s5+$0x0]  }
0xb2: {  	s7 =	simm.s32 $0x1;
	s8 =	simm.s32 $0x2;
	v2 =	vld [tilespmem:s6+$0x0]  }
.LBB2_6:
0xb3: {  	p1 =	sne.s32 s8, $0x7C;
	_ =	sdelay $0x2  }
0xb4: {  	v4 =	vadd.s32 s7, v0;
	s7 =	smov.u32 s8  }
0xb5: {  	vm0 =	vlt.s32 v3, $0x55F000;
	v3 =	vand.u32 $0x7F, v4;
	vm1 =	vlt.s32 v2, $0x3A980  }
.Ltmp4:
0xb6: {  	v3 =	vor.u32 $0x3A980, v3;
	vm0 =	vmand vm1, vm0;
	(pc) =	sbr.rel @p1 .LBB2_6-.Ltmp4, $4  }
0xb7: {  	s4 =	sadd.s32 $0x10, s4;
	v2 =	vsel vm0, v2, v3  }
0xb8: {  	s5 =	sadd.s32 $0x10, s5;
	[tilespmem:s4+$0x0] =	vst v2  }
0xb9: {  	s6 =	sadd.s32 $0x10, s6;
	v3 =	vld [tilespmem:s5+$0x0]  }
0xba: {  	s8 =	sadd.s32 $0x1, s8;
	v2 =	vld [tilespmem:s6+$0x0]  }
0xbb: {  	_ =	sdelay $0x2  }
0xbc: {  	v4 =	vadd.s32 s7, v0  }
0xbd: {  	vm0 =	vlt.s32 v3, $0x55F000;
	v3 =	vand.u32 $0x7F, v4;
	vm1 =	vlt.s32 v2, $0x3A980  }
0xbe: {  	v3 =	vor.u32 $0x3A980, v3;
	vm0 =	vmand vm1, vm0  }
0xbf: {  	s4 =	sadd.s32 $0x10, s4;
	v2 =	vsel vm0, v2, v3  }
0xc0: {  	[tilespmem:s4+$0x0] =	vst v2  }
0xc1: {  	[spmem:s28] =	stream.indirect.scatter.add.f32 [tilespmem:s26], [sflag:$0x2], $0x1, s0, s23, $0xb8;
	[tilespmem:$0x16580] =	vst v63  }
0xc2: {  	_ =	swait.ge [sflag:s22], $0x7D0  }
0xc3: {  	[sflag:s22] =	ssyncset.done $0x0  }
0xc4: {  	[sflag:s22] =	ssyncadd.s32 $0xFFFFF830  }
0xc5: {  	[spmem:s3] =	stream.indirect.scatter.add.f32 [tilespmem:s29], [sflag:$0x2], $0x1, s0, s23, $0xb8;
	[tilespmem:$0x16580] =	vst v63  }
0xc6: {  	_ =	swait.ge [sflag:s22], $0x7D0  }
0xc7: {  	[sflag:s22] =	ssyncset.done $0x0  }
0xc8: {  	[sflag:s22] =	ssyncadd.s32 $0xFFFFF830  }
0xc9: {  	[spmem:s9] =	stream.indirect.scatter.add.f32 [tilespmem:s30], [sflag:$0x2], $0x1, s0, s23, $0xb8;
	[tilespmem:$0x16580] =	vst v63  }
0xca: {  	_ =	swait.ge [sflag:s22], $0x7D0  }
0xcb: {  	[sflag:s22] =	ssyncset.done $0x0  }
0xcc: {  	[sflag:s22] =	ssyncadd.s32 $0xFFFFF830  }
0xcd: {  	[spmem:s10] =	stream.indirect.scatter.add.f32 [tilespmem:s31], [sflag:$0x2], $0x1, s0, s23, $0xb8;
	[tilespmem:$0x16580] =	vst v63  }
0xce: {  	_ =	swait.ge [sflag:s22], $0x7D0  }
0xcf: {  	[sflag:s22] =	ssyncset.done $0x0  }
0xd0: {  	s8 =	simm.s32 $0x0;
	s5 =	rddreg [dreg:$0xd];
	[sflag:s22] =	ssyncadd.s32 $0xFFFFF830  }
0xd1: {  	[tilespmem:s8], [sflag:$0x2] =	stream.linear.gather [hbm4b:s5+s8], $0x7D0, $0x38;
	[tilespmem:$0x16580] =	vst v63  }
0xd2: {  	_ =	swait.ge [sflag:s22], $0x7D0  }
0xd3: {  	[sflag:s22] =	ssyncset.done $0x0  }
0xd4: {  	s4 =	simm.s32 $0x0;
	[sflag:s22] =	ssyncadd.s32 $0xFFFFF830  }
0xd5: {  	v2 =	vld [tilespmem:s4+$0x0]  }
0xd6: {  	s5 =	simm.s32 $0x40  }
.LBB2_8:
0xd7: {  	p1 =	sne.s32 s5, $0x1F00  }
.Ltmp5:
0xd8: {  	_ = 	snop;
	(pc) =	sbr.rel @p1 .LBB2_8-.Ltmp5, $4  }
0xd9: {  	_ = 	snop  }
0xda: {  	s6 =	sshra.s32 s5, $0x2;
	s5 =	sadd.s32 $0x40, s5;
	vm0 =	vlt.s32 v2, $0x55EFFF  }
0xdb: {  	v3 =	vnsel vm0, $0x55EFFF, v2;
	v2 =	vld [tilespmem:s6+$0x0]  }
0xdc: {  	[tilespmem:s4+$0x800] =	vst v3;
	s4 =	smov.u32 s6  }
0xdd: {  	_ =	sdelay $0x2  }
0xde: {  	vm0 =	vlt.s32 v2, $0x55EFFF  }
0xdf: {  	v2 =	vnsel vm0, $0x55EFFF, v2  }
0xe0: {  	[tilespmem:s4+$0x800] =	vst v2;
	s4 =	simm.s32 $0x1000  }
0xe1: {  	[tilespmem:s4], [sflag:$0x1] =	stream.indirect.gather [hbm4b:s11+s23], $0x1, s24, s23, $0xb8;
	[tilespmem:$0x16580] =	vst v63  }
0xe2: {  	_ =	swait.ge [sflag:s25], $0x7D0  }
0xe3: {  	[sflag:s25] =	ssyncset.done $0x0  }
0xe4: {  	s5 =	simm.s32 $0x0;
	s6 =	rddreg [dreg:$0xe];
	[sflag:s25] =	ssyncadd.s32 $0xFFFFF830  }
0xe5: {  	[tilespmem:s26], [sflag:$0x2] =	stream.linear.gather [hbm4b:s6+s5], $0x7D0, $0x38;
	[tilespmem:$0x16580] =	vst v63  }
0xe6: {  	_ =	swait.ge [sflag:s22], $0x7D0  }
0xe7: {  	[sflag:s22] =	ssyncset.done $0x0  }
0xe8: {  	s8 =	rddreg [dreg:$0xf];
	[sflag:s22] =	ssyncadd.s32 $0xFFFFF830  }
0xe9: {  	[tilespmem:s29], [sflag:$0x2] =	stream.linear.gather [hbm4b:s8+s5], $0x7D0, $0x38;
	[tilespmem:$0x16580] =	vst v63  }
0xea: {  	_ =	swait.ge [sflag:s22], $0x7D0  }
0xeb: {  	[sflag:s22] =	ssyncset.done $0x0  }
0xec: {  	s7 =	rddreg [dreg:$0x10];
	[sflag:s22] =	ssyncadd.s32 $0xFFFFF830  }
0xed: {  	[tilespmem:s30], [sflag:$0x2] =	stream.linear.gather [hbm4b:s7+s5], $0x7D0, $0x38;
	[tilespmem:$0x16580] =	vst v63  }
0xee: {  	_ =	swait.ge [sflag:s22], $0x7D0  }
0xef: {  	[sflag:s22] =	ssyncset.done $0x0  }
0xf0: {  	s8 =	rddreg [dreg:$0x11];
	[sflag:s22] =	ssyncadd.s32 $0xFFFFF830  }
0xf1: {  	[tilespmem:s31], [sflag:$0x2] =	stream.linear.gather [hbm4b:s8+s5], $0x7D0, $0x38;
	[tilespmem:$0x16580] =	vst v63  }
0xf2: {  	_ =	swait.ge [sflag:s22], $0x7D0  }
0xf3: {  	[sflag:s22] =	ssyncset.done $0x0  }
0xf4: {  	[sflag:s22] =	ssyncadd.s32 $0xFFFFF830  }
0xf5: {  	v2 =	vld [tilespmem:s5+$0x0]  }
0xf6: {  	v3 =	vld [tilespmem:s4+$0x0];
	_ =	sdelay $0x3  }
0xf7: {  	v4 =	vadd.s32 s5, v0  }
0xf8: {  	vm15 =	vlt.s32 v2, $0x55F000;
	vm1 =	vlt.s32 v3, $0x3A980;
	v2 =	vand.u32 $0x7F, v4  }
0xf9: {  	vm0 =	vmand vm1, vm15;
	v2 =	vor.u32 $0x3A980, v2  }
0xfa: {  	s4 =	simm.s32 $0x1800;
	v2 =	vsel vm0, v3, v2  }
0xfb: {  	s5 =	simm.s32 $0x10;
	[tilespmem:s4+$0x0] =	vst v2  }
0xfc: {  	s6 =	simm.s32 $0x1010;
	v3 =	vld [tilespmem:s5+$0x0]  }
0xfd: {  	s7 =	simm.s32 $0x1;
	s8 =	simm.s32 $0x2;
	v2 =	vld [tilespmem:s6+$0x0]  }
.LBB2_10:
0xfe: {  	p1 =	sne.s32 s8, $0x7C;
	_ =	sdelay $0x2  }
0xff: {  	v4 =	vadd.s32 s7, v0;
	s7 =	smov.u32 s8  }
0x100: {  	vm0 =	vlt.s32 v3, $0x55F000;
	v3 =	vand.u32 $0x7F, v4;
	vm1 =	vlt.s32 v2, $0x3A980  }
.Ltmp6:
0x101: {  	v3 =	vor.u32 $0x3A980, v3;
	vm0 =	vmand vm1, vm0;
	(pc) =	sbr.rel @p1 .LBB2_10-.Ltmp6, $4  }
0x102: {  	s4 =	sadd.s32 $0x10, s4;
	v2 =	vsel vm0, v2, v3  }
0x103: {  	s5 =	sadd.s32 $0x10, s5;
	[tilespmem:s4+$0x0] =	vst v2  }
0x104: {  	s6 =	sadd.s32 $0x10, s6;
	v3 =	vld [tilespmem:s5+$0x0]  }
0x105: {  	s8 =	sadd.s32 $0x1, s8;
	v2 =	vld [tilespmem:s6+$0x0]  }
0x106: {  	_ =	sdelay $0x2  }
0x107: {  	v4 =	vadd.s32 s7, v0  }
0x108: {  	vm0 =	vlt.s32 v3, $0x55F000;
	v3 =	vand.u32 $0x7F, v4;
	vm1 =	vlt.s32 v2, $0x3A980  }
0x109: {  	v3 =	vor.u32 $0x3A980, v3;
	vm0 =	vmand vm1, vm0  }
0x10a: {  	s4 =	sadd.s32 $0x10, s4;
	v2 =	vsel vm0, v2, v3  }
0x10b: {  	[tilespmem:s4+$0x0] =	vst v2  }
0x10c: {  	[spmem:s28] =	stream.indirect.scatter.add.f32 [tilespmem:s26], [sflag:$0x2], $0x1, s0, s23, $0xb8;
	[tilespmem:$0x16580] =	vst v63  }
0x10d: {  	_ =	swait.ge [sflag:s22], $0x7D0  }
0x10e: {  	[sflag:s22] =	ssyncset.done $0x0  }
0x10f: {  	[sflag:s22] =	ssyncadd.s32 $0xFFFFF830  }
0x110: {  	[spmem:s3] =	stream.indirect.scatter.add.f32 [tilespmem:s29], [sflag:$0x2], $0x1, s0, s23, $0xb8;
	[tilespmem:$0x16580] =	vst v63  }
0x111: {  	_ =	swait.ge [sflag:s22], $0x7D0  }
0x112: {  	[sflag:s22] =	ssyncset.done $0x0  }
0x113: {  	[sflag:s22] =	ssyncadd.s32 $0xFFFFF830  }
0x114: {  	[spmem:s9] =	stream.indirect.scatter.add.f32 [tilespmem:s30], [sflag:$0x2], $0x1, s0, s23, $0xb8;
	[tilespmem:$0x16580] =	vst v63  }
0x115: {  	_ =	swait.ge [sflag:s22], $0x7D0  }
0x116: {  	[sflag:s22] =	ssyncset.done $0x0  }
0x117: {  	[sflag:s22] =	ssyncadd.s32 $0xFFFFF830  }
0x118: {  	[spmem:s10] =	stream.indirect.scatter.add.f32 [tilespmem:s31], [sflag:$0x2], $0x1, s0, s23, $0xb8;
	[tilespmem:$0x16580] =	vst v63  }
0x119: {  	_ =	swait.ge [sflag:s22], $0x7D0  }
0x11a: {  	[sflag:s22] =	ssyncset.done $0x0  }
0x11b: {  	s8 =	simm.s32 $0x0;
	s5 =	rddreg [dreg:$0x12];
	[sflag:s22] =	ssyncadd.s32 $0xFFFFF830  }
0x11c: {  	[tilespmem:s8], [sflag:$0x2] =	stream.linear.gather [hbm4b:s5+s8], $0x7D0, $0x38;
	[tilespmem:$0x16580] =	vst v63  }
0x11d: {  	_ =	swait.ge [sflag:s22], $0x7D0  }
0x11e: {  	[sflag:s22] =	ssyncset.done $0x0  }
0x11f: {  	s4 =	simm.s32 $0x0;
	[sflag:s22] =	ssyncadd.s32 $0xFFFFF830  }
0x120: {  	v2 =	vld [tilespmem:s4+$0x0]  }
0x121: {  	s5 =	simm.s32 $0x40  }
.LBB2_12:
0x122: {  	p1 =	sne.s32 s5, $0x1F00  }
.Ltmp7:
0x123: {  	_ = 	snop;
	(pc) =	sbr.rel @p1 .LBB2_12-.Ltmp7, $4  }
0x124: {  	_ = 	snop  }
0x125: {  	s6 =	sshra.s32 s5, $0x2;
	s5 =	sadd.s32 $0x40, s5;
	vm0 =	vlt.s32 v2, $0x55EFFF  }
0x126: {  	v3 =	vnsel vm0, $0x55EFFF, v2;
	v2 =	vld [tilespmem:s6+$0x0]  }
0x127: {  	[tilespmem:s4+$0x800] =	vst v3;
	s4 =	smov.u32 s6  }
0x128: {  	_ =	sdelay $0x2  }
0x129: {  	vm0 =	vlt.s32 v2, $0x55EFFF  }
0x12a: {  	v2 =	vnsel vm0, $0x55EFFF, v2  }
0x12b: {  	[tilespmem:s4+$0x800] =	vst v2;
	s4 =	simm.s32 $0x1000  }
0x12c: {  	[tilespmem:s4], [sflag:$0x1] =	stream.indirect.gather [hbm4b:s11+s23], $0x1, s24, s23, $0xb8;
	[tilespmem:$0x16580] =	vst v63  }
0x12d: {  	_ =	swait.ge [sflag:s25], $0x7D0  }
0x12e: {  	[sflag:s25] =	ssyncset.done $0x0  }
0x12f: {  	s5 =	simm.s32 $0x0;
	s6 =	rddreg [dreg:$0x13];
	[sflag:s25] =	ssyncadd.s32 $0xFFFFF830  }
0x130: {  	[tilespmem:s26], [sflag:$0x2] =	stream.linear.gather [hbm4b:s6+s5], $0x7D0, $0x38;
	[tilespmem:$0x16580] =	vst v63  }
0x131: {  	_ =	swait.ge [sflag:s22], $0x7D0  }
0x132: {  	[sflag:s22] =	ssyncset.done $0x0  }
0x133: {  	s8 =	rddreg [dreg:$0x14];
	[sflag:s22] =	ssyncadd.s32 $0xFFFFF830  }
0x134: {  	[tilespmem:s29], [sflag:$0x2] =	stream.linear.gather [hbm4b:s8+s5], $0x7D0, $0x38;
	[tilespmem:$0x16580] =	vst v63  }
0x135: {  	_ =	swait.ge [sflag:s22], $0x7D0  }
0x136: {  	[sflag:s22] =	ssyncset.done $0x0  }
0x137: {  	s7 =	rddreg [dreg:$0x15];
	[sflag:s22] =	ssyncadd.s32 $0xFFFFF830  }
0x138: {  	[tilespmem:s30], [sflag:$0x2] =	stream.linear.gather [hbm4b:s7+s5], $0x7D0, $0x38;
	[tilespmem:$0x16580] =	vst v63  }
0x139: {  	_ =	swait.ge [sflag:s22], $0x7D0  }
0x13a: {  	[sflag:s22] =	ssyncset.done $0x0  }
0x13b: {  	s8 =	rddreg [dreg:$0x16];
	[sflag:s22] =	ssyncadd.s32 $0xFFFFF830  }
0x13c: {  	[tilespmem:s31], [sflag:$0x2] =	stream.linear.gather [hbm4b:s8+s5], $0x7D0, $0x38;
	[tilespmem:$0x16580] =	vst v63  }
0x13d: {  	_ =	swait.ge [sflag:s22], $0x7D0  }
0x13e: {  	[sflag:s22] =	ssyncset.done $0x0  }
0x13f: {  	[sflag:s22] =	ssyncadd.s32 $0xFFFFF830  }
0x140: {  	v2 =	vld [tilespmem:s5+$0x0]  }
0x141: {  	v3 =	vld [tilespmem:s4+$0x0];
	_ =	sdelay $0x3  }
0x142: {  	v4 =	vadd.s32 s5, v0  }
0x143: {  	vm15 =	vlt.s32 v2, $0x55F000;
	vm1 =	vlt.s32 v3, $0x3A980;
	v2 =	vand.u32 $0x7F, v4  }
0x144: {  	vm0 =	vmand vm1, vm15;
	v2 =	vor.u32 $0x3A980, v2  }
0x145: {  	s4 =	simm.s32 $0x1800;
	v2 =	vsel vm0, v3, v2  }
0x146: {  	s5 =	simm.s32 $0x10;
	[tilespmem:s4+$0x0] =	vst v2  }
0x147: {  	s6 =	simm.s32 $0x1010;
	v3 =	vld [tilespmem:s5+$0x0]  }
0x148: {  	s7 =	simm.s32 $0x1;
	s8 =	simm.s32 $0x2;
	v2 =	vld [tilespmem:s6+$0x0]  }
.LBB2_14:
0x149: {  	p1 =	sne.s32 s8, $0x7C;
	_ =	sdelay $0x2  }
0x14a: {  	v4 =	vadd.s32 s7, v0;
	s7 =	smov.u32 s8  }
0x14b: {  	vm0 =	vlt.s32 v3, $0x55F000;
	v3 =	vand.u32 $0x7F, v4;
	vm1 =	vlt.s32 v2, $0x3A980  }
.Ltmp8:
0x14c: {  	v3 =	vor.u32 $0x3A980, v3;
	vm0 =	vmand vm1, vm0;
	(pc) =	sbr.rel @p1 .LBB2_14-.Ltmp8, $4  }
0x14d: {  	s4 =	sadd.s32 $0x10, s4;
	v2 =	vsel vm0, v2, v3  }
0x14e: {  	s5 =	sadd.s32 $0x10, s5;
	[tilespmem:s4+$0x0] =	vst v2  }
0x14f: {  	s6 =	sadd.s32 $0x10, s6;
	v3 =	vld [tilespmem:s5+$0x0]  }
0x150: {  	s8 =	sadd.s32 $0x1, s8;
	v2 =	vld [tilespmem:s6+$0x0]  }
0x151: {  	_ =	sdelay $0x2  }
0x152: {  	v4 =	vadd.s32 s7, v0  }
0x153: {  	vm0 =	vlt.s32 v3, $0x55F000;
	v3 =	vand.u32 $0x7F, v4;
	vm1 =	vlt.s32 v2, $0x3A980  }
0x154: {  	v3 =	vor.u32 $0x3A980, v3;
	vm0 =	vmand vm1, vm0  }
0x155: {  	s4 =	sadd.s32 $0x10, s4;
	v2 =	vsel vm0, v2, v3  }
0x156: {  	[tilespmem:s4+$0x0] =	vst v2  }
0x157: {  	[spmem:s28] =	stream.indirect.scatter.add.f32 [tilespmem:s26], [sflag:$0x2], $0x1, s0, s23, $0xb8;
	[tilespmem:$0x16580] =	vst v63  }
0x158: {  	_ =	swait.ge [sflag:s22], $0x7D0  }
0x159: {  	[sflag:s22] =	ssyncset.done $0x0  }
0x15a: {  	[sflag:s22] =	ssyncadd.s32 $0xFFFFF830  }
0x15b: {  	[spmem:s3] =	stream.indirect.scatter.add.f32 [tilespmem:s29], [sflag:$0x2], $0x1, s0, s23, $0xb8;
	[tilespmem:$0x16580] =	vst v63  }
0x15c: {  	_ =	swait.ge [sflag:s22], $0x7D0  }
0x15d: {  	[sflag:s22] =	ssyncset.done $0x0  }
0x15e: {  	[sflag:s22] =	ssyncadd.s32 $0xFFFFF830  }
0x15f: {  	[spmem:s9] =	stream.indirect.scatter.add.f32 [tilespmem:s30], [sflag:$0x2], $0x1, s0, s23, $0xb8;
	[tilespmem:$0x16580] =	vst v63  }
0x160: {  	_ =	swait.ge [sflag:s22], $0x7D0  }
0x161: {  	[sflag:s22] =	ssyncset.done $0x0  }
0x162: {  	[sflag:s22] =	ssyncadd.s32 $0xFFFFF830  }
0x163: {  	[spmem:s10] =	stream.indirect.scatter.add.f32 [tilespmem:s31], [sflag:$0x2], $0x1, s0, s23, $0xb8;
	[tilespmem:$0x16580] =	vst v63  }
0x164: {  	_ =	swait.ge [sflag:s22], $0x7D0  }
0x165: {  	[sflag:s22] =	ssyncset.done $0x0  }
0x166: {  	s8 =	simm.s32 $0x0;
	s5 =	rddreg [dreg:$0x17];
	[sflag:s22] =	ssyncadd.s32 $0xFFFFF830  }
0x167: {  	[tilespmem:s8], [sflag:$0x2] =	stream.linear.gather [hbm4b:s5+s8], $0x7D0, $0x38;
	[tilespmem:$0x16580] =	vst v63  }
0x168: {  	_ =	swait.ge [sflag:s22], $0x7D0  }
0x169: {  	[sflag:s22] =	ssyncset.done $0x0  }
0x16a: {  	s4 =	simm.s32 $0x0;
	[sflag:s22] =	ssyncadd.s32 $0xFFFFF830  }
0x16b: {  	v2 =	vld [tilespmem:s4+$0x0]  }
0x16c: {  	s5 =	simm.s32 $0x40  }
.LBB2_16:
0x16d: {  	p1 =	sne.s32 s5, $0x1F00  }
.Ltmp9:
0x16e: {  	_ = 	snop;
	(pc) =	sbr.rel @p1 .LBB2_16-.Ltmp9, $4  }
0x16f: {  	_ = 	snop  }
0x170: {  	s6 =	sshra.s32 s5, $0x2;
	s5 =	sadd.s32 $0x40, s5;
	vm0 =	vlt.s32 v2, $0x55EFFF  }
0x171: {  	v3 =	vnsel vm0, $0x55EFFF, v2;
	v2 =	vld [tilespmem:s6+$0x0]  }
0x172: {  	[tilespmem:s4+$0x800] =	vst v3;
	s4 =	smov.u32 s6  }
0x173: {  	_ =	sdelay $0x2  }
0x174: {  	vm0 =	vlt.s32 v2, $0x55EFFF  }
0x175: {  	v2 =	vnsel vm0, $0x55EFFF, v2  }
0x176: {  	[tilespmem:s4+$0x800] =	vst v2;
	s4 =	simm.s32 $0x1000  }
0x177: {  	[tilespmem:s4], [sflag:$0x1] =	stream.indirect.gather [hbm4b:s11+s23], $0x1, s24, s23, $0xb8;
	[tilespmem:$0x16580] =	vst v63  }
0x178: {  	_ =	swait.ge [sflag:s25], $0x7D0  }
0x179: {  	[sflag:s25] =	ssyncset.done $0x0  }
0x17a: {  	s5 =	simm.s32 $0x0;
	s6 =	rddreg [dreg:$0x18];
	[sflag:s25] =	ssyncadd.s32 $0xFFFFF830  }
0x17b: {  	[tilespmem:s26], [sflag:$0x2] =	stream.linear.gather [hbm4b:s6+s5], $0x7D0, $0x38;
	[tilespmem:$0x16580] =	vst v63  }
0x17c: {  	_ =	swait.ge [sflag:s22], $0x7D0  }
0x17d: {  	[sflag:s22] =	ssyncset.done $0x0  }
0x17e: {  	s8 =	rddreg [dreg:$0x19];
	[sflag:s22] =	ssyncadd.s32 $0xFFFFF830  }
0x17f: {  	[tilespmem:s29], [sflag:$0x2] =	stream.linear.gather [hbm4b:s8+s5], $0x7D0, $0x38;
	[tilespmem:$0x16580] =	vst v63  }
0x180: {  	_ =	swait.ge [sflag:s22], $0x7D0  }
0x181: {  	[sflag:s22] =	ssyncset.done $0x0  }
0x182: {  	s7 =	rddreg [dreg:$0x1a];
	[sflag:s22] =	ssyncadd.s32 $0xFFFFF830  }
0x183: {  	[tilespmem:s30], [sflag:$0x2] =	stream.linear.gather [hbm4b:s7+s5], $0x7D0, $0x38;
	[tilespmem:$0x16580] =	vst v63  }
0x184: {  	_ =	swait.ge [sflag:s22], $0x7D0  }
0x185: {  	[sflag:s22] =	ssyncset.done $0x0  }
0x186: {  	s8 =	rddreg [dreg:$0x1b];
	[sflag:s22] =	ssyncadd.s32 $0xFFFFF830  }
0x187: {  	[tilespmem:s31], [sflag:$0x2] =	stream.linear.gather [hbm4b:s8+s5], $0x7D0, $0x38;
	[tilespmem:$0x16580] =	vst v63  }
0x188: {  	_ =	swait.ge [sflag:s22], $0x7D0  }
0x189: {  	[sflag:s22] =	ssyncset.done $0x0  }
0x18a: {  	[sflag:s22] =	ssyncadd.s32 $0xFFFFF830  }
0x18b: {  	v2 =	vld [tilespmem:s5+$0x0]  }
0x18c: {  	v3 =	vld [tilespmem:s4+$0x0];
	_ =	sdelay $0x3  }
0x18d: {  	v4 =	vadd.s32 s5, v0  }
0x18e: {  	vm15 =	vlt.s32 v2, $0x55F000;
	vm1 =	vlt.s32 v3, $0x3A980;
	v2 =	vand.u32 $0x7F, v4  }
0x18f: {  	vm0 =	vmand vm1, vm15;
	v2 =	vor.u32 $0x3A980, v2  }
0x190: {  	s4 =	simm.s32 $0x1800;
	v2 =	vsel vm0, v3, v2  }
0x191: {  	s5 =	simm.s32 $0x10;
	[tilespmem:s4+$0x0] =	vst v2  }
0x192: {  	s6 =	simm.s32 $0x1010;
	v3 =	vld [tilespmem:s5+$0x0]  }
0x193: {  	s7 =	simm.s32 $0x1;
	s8 =	simm.s32 $0x2;
	v2 =	vld [tilespmem:s6+$0x0]  }
.LBB2_18:
0x194: {  	p1 =	sne.s32 s8, $0x7C;
	_ =	sdelay $0x2  }
0x195: {  	v4 =	vadd.s32 s7, v0;
	s7 =	smov.u32 s8  }
0x196: {  	vm0 =	vlt.s32 v3, $0x55F000;
	v3 =	vand.u32 $0x7F, v4;
	vm1 =	vlt.s32 v2, $0x3A980  }
.Ltmp10:
0x197: {  	v3 =	vor.u32 $0x3A980, v3;
	vm0 =	vmand vm1, vm0;
	(pc) =	sbr.rel @p1 .LBB2_18-.Ltmp10, $4  }
0x198: {  	s4 =	sadd.s32 $0x10, s4;
	v2 =	vsel vm0, v2, v3  }
0x199: {  	s5 =	sadd.s32 $0x10, s5;
	[tilespmem:s4+$0x0] =	vst v2  }
0x19a: {  	s6 =	sadd.s32 $0x10, s6;
	v3 =	vld [tilespmem:s5+$0x0]  }
0x19b: {  	s8 =	sadd.s32 $0x1, s8;
	v2 =	vld [tilespmem:s6+$0x0]  }
0x19c: {  	_ =	sdelay $0x2  }
0x19d: {  	v4 =	vadd.s32 s7, v0  }
0x19e: {  	vm0 =	vlt.s32 v3, $0x55F000;
	v3 =	vand.u32 $0x7F, v4;
	vm1 =	vlt.s32 v2, $0x3A980  }
0x19f: {  	v3 =	vor.u32 $0x3A980, v3;
	vm0 =	vmand vm1, vm0  }
0x1a0: {  	s4 =	sadd.s32 $0x10, s4;
	v2 =	vsel vm0, v2, v3  }
0x1a1: {  	[tilespmem:s4+$0x0] =	vst v2  }
0x1a2: {  	[spmem:s28] =	stream.indirect.scatter.add.f32 [tilespmem:s26], [sflag:$0x2], $0x1, s0, s23, $0xb8;
	[tilespmem:$0x16580] =	vst v63  }
0x1a3: {  	_ =	swait.ge [sflag:s22], $0x7D0  }
0x1a4: {  	[sflag:s22] =	ssyncset.done $0x0  }
0x1a5: {  	[sflag:s22] =	ssyncadd.s32 $0xFFFFF830  }
0x1a6: {  	[spmem:s3] =	stream.indirect.scatter.add.f32 [tilespmem:s29], [sflag:$0x2], $0x1, s0, s23, $0xb8;
	[tilespmem:$0x16580] =	vst v63  }
0x1a7: {  	_ =	swait.ge [sflag:s22], $0x7D0  }
0x1a8: {  	[sflag:s22] =	ssyncset.done $0x0  }
0x1a9: {  	[sflag:s22] =	ssyncadd.s32 $0xFFFFF830  }
0x1aa: {  	[spmem:s9] =	stream.indirect.scatter.add.f32 [tilespmem:s30], [sflag:$0x2], $0x1, s0, s23, $0xb8;
	[tilespmem:$0x16580] =	vst v63  }
0x1ab: {  	_ =	swait.ge [sflag:s22], $0x7D0  }
0x1ac: {  	[sflag:s22] =	ssyncset.done $0x0  }
0x1ad: {  	[sflag:s22] =	ssyncadd.s32 $0xFFFFF830  }
0x1ae: {  	[spmem:s10] =	stream.indirect.scatter.add.f32 [tilespmem:s31], [sflag:$0x2], $0x1, s0, s23, $0xb8;
	[tilespmem:$0x16580] =	vst v63  }
0x1af: {  	_ =	swait.ge [sflag:s22], $0x7D0  }
0x1b0: {  	[sflag:s22] =	ssyncset.done $0x0  }
0x1b1: {  	s8 =	simm.s32 $0x0;
	s5 =	rddreg [dreg:$0x1c];
	[sflag:s22] =	ssyncadd.s32 $0xFFFFF830  }
0x1b2: {  	[tilespmem:s8], [sflag:$0x2] =	stream.linear.gather [hbm4b:s5+s8], $0x7D0, $0x38;
	[tilespmem:$0x16580] =	vst v63  }
0x1b3: {  	_ =	swait.ge [sflag:s22], $0x7D0  }
0x1b4: {  	[sflag:s22] =	ssyncset.done $0x0  }
0x1b5: {  	s4 =	simm.s32 $0x0;
	[sflag:s22] =	ssyncadd.s32 $0xFFFFF830  }
0x1b6: {  	v2 =	vld [tilespmem:s4+$0x0]  }
0x1b7: {  	s5 =	simm.s32 $0x40  }
.LBB2_20:
0x1b8: {  	p1 =	sne.s32 s5, $0x1F00  }
.Ltmp11:
0x1b9: {  	_ = 	snop;
	(pc) =	sbr.rel @p1 .LBB2_20-.Ltmp11, $4  }
0x1ba: {  	_ = 	snop  }
0x1bb: {  	s6 =	sshra.s32 s5, $0x2;
	s5 =	sadd.s32 $0x40, s5;
	vm0 =	vlt.s32 v2, $0x55EFFF  }
0x1bc: {  	v3 =	vnsel vm0, $0x55EFFF, v2;
	v2 =	vld [tilespmem:s6+$0x0]  }
0x1bd: {  	[tilespmem:s4+$0x800] =	vst v3;
	s4 =	smov.u32 s6  }
0x1be: {  	_ =	sdelay $0x2  }
0x1bf: {  	vm0 =	vlt.s32 v2, $0x55EFFF  }
0x1c0: {  	v2 =	vnsel vm0, $0x55EFFF, v2  }
0x1c1: {  	[tilespmem:s4+$0x800] =	vst v2;
	s4 =	simm.s32 $0x1000  }
0x1c2: {  	[tilespmem:s4], [sflag:$0x1] =	stream.indirect.gather [hbm4b:s11+s23], $0x1, s24, s23, $0xb8;
	[tilespmem:$0x16580] =	vst v63  }
0x1c3: {  	_ =	swait.ge [sflag:s25], $0x7D0  }
0x1c4: {  	[sflag:s25] =	ssyncset.done $0x0  }
0x1c5: {  	s5 =	simm.s32 $0x0;
	s6 =	rddreg [dreg:$0x1d];
	[sflag:s25] =	ssyncadd.s32 $0xFFFFF830  }
0x1c6: {  	[tilespmem:s26], [sflag:$0x2] =	stream.linear.gather [hbm4b:s6+s5], $0x7D0, $0x38;
	[tilespmem:$0x16580] =	vst v63  }
0x1c7: {  	_ =	swait.ge [sflag:s22], $0x7D0  }
0x1c8: {  	[sflag:s22] =	ssyncset.done $0x0  }
0x1c9: {  	s8 =	rddreg [dreg:$0x1e];
	[sflag:s22] =	ssyncadd.s32 $0xFFFFF830  }
0x1ca: {  	[tilespmem:s29], [sflag:$0x2] =	stream.linear.gather [hbm4b:s8+s5], $0x7D0, $0x38;
	[tilespmem:$0x16580] =	vst v63  }
0x1cb: {  	_ =	swait.ge [sflag:s22], $0x7D0  }
0x1cc: {  	[sflag:s22] =	ssyncset.done $0x0  }
0x1cd: {  	s7 =	rddreg [dreg:$0x1f];
	[sflag:s22] =	ssyncadd.s32 $0xFFFFF830  }
0x1ce: {  	[tilespmem:s30], [sflag:$0x2] =	stream.linear.gather [hbm4b:s7+s5], $0x7D0, $0x38;
	[tilespmem:$0x16580] =	vst v63  }
0x1cf: {  	_ =	swait.ge [sflag:s22], $0x7D0  }
0x1d0: {  	s8 =	sld [smem:$0x7EE]  }
0x1d1: {  	[sflag:s22] =	ssyncset.done $0x0  }
0x1d2: {  	[sflag:s22] =	ssyncadd.s32 $0xFFFFF830  }
0x1d3: {  	[tilespmem:s31], [sflag:$0x2] =	stream.linear.gather [hbm4b:s8+s5], $0x7D0, $0x38;
	[tilespmem:$0x16580] =	vst v63  }
0x1d4: {  	_ =	swait.ge [sflag:s22], $0x7D0  }
0x1d5: {  	[sflag:s22] =	ssyncset.done $0x0  }
0x1d6: {  	[sflag:s22] =	ssyncadd.s32 $0xFFFFF830  }
0x1d7: {  	v2 =	vld [tilespmem:s5+$0x0]  }
0x1d8: {  	v3 =	vld [tilespmem:s4+$0x0];
	_ =	sdelay $0x3  }
0x1d9: {  	v4 =	vadd.s32 s5, v0  }
0x1da: {  	vm15 =	vlt.s32 v2, $0x55F000;
	vm1 =	vlt.s32 v3, $0x3A980;
	v2 =	vand.u32 $0x7F, v4  }
0x1db: {  	vm0 =	vmand vm1, vm15;
	v2 =	vor.u32 $0x3A980, v2  }
0x1dc: {  	s4 =	simm.s32 $0x1800;
	v2 =	vsel vm0, v3, v2  }
0x1dd: {  	s5 =	simm.s32 $0x10;
	[tilespmem:s4+$0x0] =	vst v2  }
0x1de: {  	s6 =	simm.s32 $0x1010;
	v3 =	vld [tilespmem:s5+$0x0]  }
0x1df: {  	s7 =	simm.s32 $0x1;
	s8 =	simm.s32 $0x2;
	v2 =	vld [tilespmem:s6+$0x0]  }
.LBB2_22:
0x1e0: {  	p1 =	sne.s32 s8, $0x7C;
	_ =	sdelay $0x2  }
0x1e1: {  	v4 =	vadd.s32 s7, v0;
	s7 =	smov.u32 s8  }
0x1e2: {  	vm0 =	vlt.s32 v3, $0x55F000;
	v3 =	vand.u32 $0x7F, v4;
	vm1 =	vlt.s32 v2, $0x3A980  }
.Ltmp12:
0x1e3: {  	v3 =	vor.u32 $0x3A980, v3;
	vm0 =	vmand vm1, vm0;
	(pc) =	sbr.rel @p1 .LBB2_22-.Ltmp12, $4  }
0x1e4: {  	s4 =	sadd.s32 $0x10, s4;
	v2 =	vsel vm0, v2, v3  }
0x1e5: {  	s5 =	sadd.s32 $0x10, s5;
	[tilespmem:s4+$0x0] =	vst v2  }
0x1e6: {  	s6 =	sadd.s32 $0x10, s6;
	v3 =	vld [tilespmem:s5+$0x0]  }
0x1e7: {  	s8 =	sadd.s32 $0x1, s8;
	v2 =	vld [tilespmem:s6+$0x0]  }
0x1e8: {  	_ =	sdelay $0x2  }
0x1e9: {  	v4 =	vadd.s32 s7, v0  }
0x1ea: {  	vm0 =	vlt.s32 v3, $0x55F000;
	v3 =	vand.u32 $0x7F, v4;
	vm1 =	vlt.s32 v2, $0x3A980  }
0x1eb: {  	v3 =	vor.u32 $0x3A980, v3;
	vm0 =	vmand vm1, vm0  }
0x1ec: {  	s4 =	sadd.s32 $0x10, s4;
	v2 =	vsel vm0, v2, v3  }
0x1ed: {  	[tilespmem:s4+$0x0] =	vst v2  }
0x1ee: {  	[spmem:s28] =	stream.indirect.scatter.add.f32 [tilespmem:s26], [sflag:$0x2], $0x1, s0, s23, $0xb8;
	[tilespmem:$0x16580] =	vst v63  }
0x1ef: {  	_ =	swait.ge [sflag:s22], $0x7D0  }
0x1f0: {  	[sflag:s22] =	ssyncset.done $0x0  }
0x1f1: {  	[sflag:s22] =	ssyncadd.s32 $0xFFFFF830  }
0x1f2: {  	[spmem:s3] =	stream.indirect.scatter.add.f32 [tilespmem:s29], [sflag:$0x2], $0x1, s0, s23, $0xb8;
	[tilespmem:$0x16580] =	vst v63  }
0x1f3: {  	_ =	swait.ge [sflag:s22], $0x7D0  }
0x1f4: {  	[sflag:s22] =	ssyncset.done $0x0  }
0x1f5: {  	[sflag:s22] =	ssyncadd.s32 $0xFFFFF830  }
0x1f6: {  	[spmem:s9] =	stream.indirect.scatter.add.f32 [tilespmem:s30], [sflag:$0x2], $0x1, s0, s23, $0xb8;
	[tilespmem:$0x16580] =	vst v63  }
0x1f7: {  	_ =	swait.ge [sflag:s22], $0x7D0  }
0x1f8: {  	[sflag:s22] =	ssyncset.done $0x0  }
0x1f9: {  	[sflag:s22] =	ssyncadd.s32 $0xFFFFF830  }
0x1fa: {  	[spmem:s10] =	stream.indirect.scatter.add.f32 [tilespmem:s31], [sflag:$0x2], $0x1, s0, s23, $0xb8;
	[tilespmem:$0x16580] =	vst v63  }
0x1fb: {  	_ =	swait.ge [sflag:s22], $0x7D0  }
0x1fc: {  	s5 =	sld [smem:$0x7EF]  }
0x1fd: {  	[sflag:s22] =	ssyncset.done $0x0  }
0x1fe: {  	s8 =	simm.s32 $0x0;
	[sflag:s22] =	ssyncadd.s32 $0xFFFFF830  }
0x1ff: {  	[tilespmem:s8], [sflag:$0x2] =	stream.linear.gather [hbm4b:s5+s8], $0x7D0, $0x38;
	[tilespmem:$0x16580] =	vst v63  }
0x200: {  	_ =	swait.ge [sflag:s22], $0x7D0  }
0x201: {  	[sflag:s22] =	ssyncset.done $0x0  }
0x202: {  	s4 =	simm.s32 $0x0;
	[sflag:s22] =	ssyncadd.s32 $0xFFFFF830  }
0x203: {  	v2 =	vld [tilespmem:s4+$0x0]  }
0x204: {  	s5 =	simm.s32 $0x40  }
.LBB2_24:
0x205: {  	p1 =	sne.s32 s5, $0x1F00  }
.Ltmp13:
0x206: {  	_ = 	snop;
	(pc) =	sbr.rel @p1 .LBB2_24-.Ltmp13, $4  }
0x207: {  	_ = 	snop  }
0x208: {  	s6 =	sshra.s32 s5, $0x2;
	s5 =	sadd.s32 $0x40, s5;
	vm0 =	vlt.s32 v2, $0x55EFFF  }
0x209: {  	v3 =	vnsel vm0, $0x55EFFF, v2;
	v2 =	vld [tilespmem:s6+$0x0]  }
0x20a: {  	[tilespmem:s4+$0x800] =	vst v3;
	s4 =	smov.u32 s6  }
0x20b: {  	_ =	sdelay $0x2  }
0x20c: {  	vm0 =	vlt.s32 v2, $0x55EFFF  }
0x20d: {  	v2 =	vnsel vm0, $0x55EFFF, v2  }
0x20e: {  	[tilespmem:s4+$0x800] =	vst v2;
	s4 =	simm.s32 $0x1000  }
0x20f: {  	[tilespmem:s4], [sflag:$0x1] =	stream.indirect.gather [hbm4b:s11+s23], $0x1, s24, s23, $0xb8;
	[tilespmem:$0x16580] =	vst v63  }
0x210: {  	_ =	swait.ge [sflag:s25], $0x7D0  }
0x211: {  	s6 =	sld [smem:$0x7F0]  }
0x212: {  	[sflag:s25] =	ssyncset.done $0x0  }
0x213: {  	s5 =	simm.s32 $0x0;
	[sflag:s25] =	ssyncadd.s32 $0xFFFFF830  }
0x214: {  	[tilespmem:s26], [sflag:$0x2] =	stream.linear.gather [hbm4b:s6+s5], $0x7D0, $0x38;
	[tilespmem:$0x16580] =	vst v63  }
0x215: {  	_ =	swait.ge [sflag:s22], $0x7D0  }
0x216: {  	s8 =	sld [smem:$0x7F1]  }
0x217: {  	[sflag:s22] =	ssyncset.done $0x0  }
0x218: {  	[sflag:s22] =	ssyncadd.s32 $0xFFFFF830  }
0x219: {  	[tilespmem:s29], [sflag:$0x2] =	stream.linear.gather [hbm4b:s8+s5], $0x7D0, $0x38;
	[tilespmem:$0x16580] =	vst v63  }
0x21a: {  	_ =	swait.ge [sflag:s22], $0x7D0  }
0x21b: {  	s7 =	sld [smem:$0x7F2]  }
0x21c: {  	[sflag:s22] =	ssyncset.done $0x0  }
0x21d: {  	[sflag:s22] =	ssyncadd.s32 $0xFFFFF830  }
0x21e: {  	[tilespmem:s30], [sflag:$0x2] =	stream.linear.gather [hbm4b:s7+s5], $0x7D0, $0x38;
	[tilespmem:$0x16580] =	vst v63  }
0x21f: {  	_ =	swait.ge [sflag:s22], $0x7D0  }
0x220: {  	s8 =	sld [smem:$0x7F3]  }
0x221: {  	[sflag:s22] =	ssyncset.done $0x0  }
0x222: {  	[sflag:s22] =	ssyncadd.s32 $0xFFFFF830  }
0x223: {  	[tilespmem:s31], [sflag:$0x2] =	stream.linear.gather [hbm4b:s8+s5], $0x7D0, $0x38;
	[tilespmem:$0x16580] =	vst v63  }
0x224: {  	_ =	swait.ge [sflag:s22], $0x7D0  }
0x225: {  	[sflag:s22] =	ssyncset.done $0x0  }
0x226: {  	[sflag:s22] =	ssyncadd.s32 $0xFFFFF830  }
0x227: {  	v2 =	vld [tilespmem:s5+$0x0]  }
0x228: {  	v3 =	vld [tilespmem:s4+$0x0];
	_ =	sdelay $0x3  }
0x229: {  	v4 =	vadd.s32 s5, v0  }
0x22a: {  	vm15 =	vlt.s32 v2, $0x55F000;
	vm1 =	vlt.s32 v3, $0x3A980;
	v2 =	vand.u32 $0x7F, v4  }
0x22b: {  	vm0 =	vmand vm1, vm15;
	v2 =	vor.u32 $0x3A980, v2  }
0x22c: {  	s4 =	simm.s32 $0x1800;
	v2 =	vsel vm0, v3, v2  }
0x22d: {  	s5 =	simm.s32 $0x10;
	[tilespmem:s4+$0x0] =	vst v2  }
0x22e: {  	s6 =	simm.s32 $0x1010;
	v3 =	vld [tilespmem:s5+$0x0]  }
0x22f: {  	s7 =	simm.s32 $0x1;
	s8 =	simm.s32 $0x2;
	v2 =	vld [tilespmem:s6+$0x0]  }
.LBB2_26:
0x230: {  	p1 =	sne.s32 s8, $0x7C;
	_ =	sdelay $0x2  }
0x231: {  	v4 =	vadd.s32 s7, v0;
	s7 =	smov.u32 s8  }
0x232: {  	vm0 =	vlt.s32 v3, $0x55F000;
	v3 =	vand.u32 $0x7F, v4;
	vm1 =	vlt.s32 v2, $0x3A980  }
.Ltmp14:
0x233: {  	v3 =	vor.u32 $0x3A980, v3;
	vm0 =	vmand vm1, vm0;
	(pc) =	sbr.rel @p1 .LBB2_26-.Ltmp14, $4  }
0x234: {  	s4 =	sadd.s32 $0x10, s4;
	v2 =	vsel vm0, v2, v3  }
0x235: {  	s5 =	sadd.s32 $0x10, s5;
	[tilespmem:s4+$0x0] =	vst v2  }
0x236: {  	s6 =	sadd.s32 $0x10, s6;
	v3 =	vld [tilespmem:s5+$0x0]  }
0x237: {  	s8 =	sadd.s32 $0x1, s8;
	v2 =	vld [tilespmem:s6+$0x0]  }
0x238: {  	_ =	sdelay $0x2  }
0x239: {  	v4 =	vadd.s32 s7, v0  }
0x23a: {  	vm0 =	vlt.s32 v3, $0x55F000;
	v3 =	vand.u32 $0x7F, v4;
	vm1 =	vlt.s32 v2, $0x3A980  }
0x23b: {  	v3 =	vor.u32 $0x3A980, v3;
	vm0 =	vmand vm1, vm0  }
0x23c: {  	s4 =	sadd.s32 $0x10, s4;
	v2 =	vsel vm0, v2, v3  }
0x23d: {  	[tilespmem:s4+$0x0] =	vst v2  }
0x23e: {  	[spmem:s28] =	stream.indirect.scatter.add.f32 [tilespmem:s26], [sflag:$0x2], $0x1, s0, s23, $0xb8;
	[tilespmem:$0x16580] =	vst v63  }
0x23f: {  	_ =	swait.ge [sflag:s22], $0x7D0  }
0x240: {  	[sflag:s22] =	ssyncset.done $0x0  }
0x241: {  	[sflag:s22] =	ssyncadd.s32 $0xFFFFF830  }
0x242: {  	[spmem:s3] =	stream.indirect.scatter.add.f32 [tilespmem:s29], [sflag:$0x2], $0x1, s0, s23, $0xb8;
	[tilespmem:$0x16580] =	vst v63  }
0x243: {  	_ =	swait.ge [sflag:s22], $0x7D0  }
0x244: {  	[sflag:s22] =	ssyncset.done $0x0  }
0x245: {  	[sflag:s22] =	ssyncadd.s32 $0xFFFFF830  }
0x246: {  	[spmem:s9] =	stream.indirect.scatter.add.f32 [tilespmem:s30], [sflag:$0x2], $0x1, s0, s23, $0xb8;
	[tilespmem:$0x16580] =	vst v63  }
0x247: {  	_ =	swait.ge [sflag:s22], $0x7D0  }
0x248: {  	[sflag:s22] =	ssyncset.done $0x0  }
0x249: {  	[sflag:s22] =	ssyncadd.s32 $0xFFFFF830  }
0x24a: {  	[spmem:s10] =	stream.indirect.scatter.add.f32 [tilespmem:s31], [sflag:$0x2], $0x1, s0, s23, $0xb8;
	[tilespmem:$0x16580] =	vst v63  }
0x24b: {  	_ =	swait.ge [sflag:s22], $0x7D0  }
0x24c: {  	s5 =	sld [smem:$0x7F4]  }
0x24d: {  	[sflag:s22] =	ssyncset.done $0x0  }
0x24e: {  	s8 =	simm.s32 $0x0;
	[sflag:s22] =	ssyncadd.s32 $0xFFFFF830  }
0x24f: {  	[tilespmem:s8], [sflag:$0x2] =	stream.linear.gather [hbm4b:s5+s8], $0x7D0, $0x38;
	[tilespmem:$0x16580] =	vst v63  }
0x250: {  	_ =	swait.ge [sflag:s22], $0x7D0  }
0x251: {  	[sflag:s22] =	ssyncset.done $0x0  }
0x252: {  	s4 =	simm.s32 $0x0;
	[sflag:s22] =	ssyncadd.s32 $0xFFFFF830  }
0x253: {  	v2 =	vld [tilespmem:s4+$0x0]  }
0x254: {  	s5 =	simm.s32 $0x40  }
.LBB2_28:
0x255: {  	p1 =	sne.s32 s5, $0x1F00  }
.Ltmp15:
0x256: {  	_ = 	snop;
	(pc) =	sbr.rel @p1 .LBB2_28-.Ltmp15, $4  }
0x257: {  	_ = 	snop  }
0x258: {  	s6 =	sshra.s32 s5, $0x2;
	s5 =	sadd.s32 $0x40, s5;
	vm0 =	vlt.s32 v2, $0x55EFFF  }
0x259: {  	v3 =	vnsel vm0, $0x55EFFF, v2;
	v2 =	vld [tilespmem:s6+$0x0]  }
0x25a: {  	[tilespmem:s4+$0x800] =	vst v3;
	s4 =	smov.u32 s6  }
0x25b: {  	_ =	sdelay $0x2  }
0x25c: {  	vm0 =	vlt.s32 v2, $0x55EFFF  }
0x25d: {  	v2 =	vnsel vm0, $0x55EFFF, v2  }
0x25e: {  	[tilespmem:s4+$0x800] =	vst v2;
	s4 =	simm.s32 $0x1000  }
0x25f: {  	[tilespmem:s4], [sflag:$0x1] =	stream.indirect.gather [hbm4b:s11+s23], $0x1, s24, s23, $0xb8;
	[tilespmem:$0x16580] =	vst v63  }
0x260: {  	_ =	swait.ge [sflag:s25], $0x7D0  }
0x261: {  	s6 =	sld [smem:$0x7F5]  }
0x262: {  	[sflag:s25] =	ssyncset.done $0x0  }
0x263: {  	s5 =	simm.s32 $0x0;
	[sflag:s25] =	ssyncadd.s32 $0xFFFFF830  }
0x264: {  	[tilespmem:s26], [sflag:$0x2] =	stream.linear.gather [hbm4b:s6+s5], $0x7D0, $0x38;
	[tilespmem:$0x16580] =	vst v63  }
0x265: {  	_ =	swait.ge [sflag:s22], $0x7D0  }
0x266: {  	s8 =	sld [smem:$0x7F6]  }
0x267: {  	[sflag:s22] =	ssyncset.done $0x0  }
0x268: {  	[sflag:s22] =	ssyncadd.s32 $0xFFFFF830  }
0x269: {  	[tilespmem:s29], [sflag:$0x2] =	stream.linear.gather [hbm4b:s8+s5], $0x7D0, $0x38;
	[tilespmem:$0x16580] =	vst v63  }
0x26a: {  	_ =	swait.ge [sflag:s22], $0x7D0  }
0x26b: {  	s7 =	sld [smem:$0x7F7]  }
0x26c: {  	[sflag:s22] =	ssyncset.done $0x0  }
0x26d: {  	[sflag:s22] =	ssyncadd.s32 $0xFFFFF830  }
0x26e: {  	[tilespmem:s30], [sflag:$0x2] =	stream.linear.gather [hbm4b:s7+s5], $0x7D0, $0x38;
	[tilespmem:$0x16580] =	vst v63  }
0x26f: {  	_ =	swait.ge [sflag:s22], $0x7D0  }
0x270: {  	s8 =	sld [smem:$0x7F8]  }
0x271: {  	[sflag:s22] =	ssyncset.done $0x0  }
0x272: {  	[sflag:s22] =	ssyncadd.s32 $0xFFFFF830  }
0x273: {  	[tilespmem:s31], [sflag:$0x2] =	stream.linear.gather [hbm4b:s8+s5], $0x7D0, $0x38;
	[tilespmem:$0x16580] =	vst v63  }
0x274: {  	_ =	swait.ge [sflag:s22], $0x7D0  }
0x275: {  	[sflag:s22] =	ssyncset.done $0x0  }
0x276: {  	[sflag:s22] =	ssyncadd.s32 $0xFFFFF830  }
0x277: {  	v2 =	vld [tilespmem:s5+$0x0]  }
0x278: {  	v3 =	vld [tilespmem:s4+$0x0];
	_ =	sdelay $0x3  }
0x279: {  	v4 =	vadd.s32 s5, v0  }
0x27a: {  	vm15 =	vlt.s32 v2, $0x55F000;
	vm1 =	vlt.s32 v3, $0x3A980;
	v2 =	vand.u32 $0x7F, v4  }
0x27b: {  	vm0 =	vmand vm1, vm15;
	v2 =	vor.u32 $0x3A980, v2  }
0x27c: {  	s4 =	simm.s32 $0x1800;
	v2 =	vsel vm0, v3, v2  }
0x27d: {  	s5 =	simm.s32 $0x10;
	[tilespmem:s4+$0x0] =	vst v2  }
0x27e: {  	s6 =	simm.s32 $0x1010;
	v3 =	vld [tilespmem:s5+$0x0]  }
0x27f: {  	s7 =	simm.s32 $0x1;
	s8 =	simm.s32 $0x2;
	v2 =	vld [tilespmem:s6+$0x0]  }
.LBB2_30:
0x280: {  	p1 =	sne.s32 s8, $0x7C;
	_ =	sdelay $0x2  }
0x281: {  	v4 =	vadd.s32 s7, v0;
	s7 =	smov.u32 s8  }
0x282: {  	vm0 =	vlt.s32 v3, $0x55F000;
	v3 =	vand.u32 $0x7F, v4;
	vm1 =	vlt.s32 v2, $0x3A980  }
.Ltmp16:
0x283: {  	v3 =	vor.u32 $0x3A980, v3;
	vm0 =	vmand vm1, vm0;
	(pc) =	sbr.rel @p1 .LBB2_30-.Ltmp16, $4  }
0x284: {  	s4 =	sadd.s32 $0x10, s4;
	v2 =	vsel vm0, v2, v3  }
0x285: {  	s5 =	sadd.s32 $0x10, s5;
	[tilespmem:s4+$0x0] =	vst v2  }
0x286: {  	s6 =	sadd.s32 $0x10, s6;
	v3 =	vld [tilespmem:s5+$0x0]  }
0x287: {  	s8 =	sadd.s32 $0x1, s8;
	v2 =	vld [tilespmem:s6+$0x0]  }
0x288: {  	_ =	sdelay $0x2  }
0x289: {  	v4 =	vadd.s32 s7, v0  }
0x28a: {  	vm0 =	vlt.s32 v3, $0x55F000;
	v3 =	vand.u32 $0x7F, v4;
	vm1 =	vlt.s32 v2, $0x3A980  }
0x28b: {  	v3 =	vor.u32 $0x3A980, v3;
	vm0 =	vmand vm1, vm0  }
0x28c: {  	s4 =	sadd.s32 $0x10, s4;
	v2 =	vsel vm0, v2, v3  }
0x28d: {  	[tilespmem:s4+$0x0] =	vst v2  }
0x28e: {  	[spmem:s28] =	stream.indirect.scatter.add.f32 [tilespmem:s26], [sflag:$0x2], $0x1, s0, s23, $0xb8;
	[tilespmem:$0x16580] =	vst v63  }
0x28f: {  	_ =	swait.ge [sflag:s22], $0x7D0  }
0x290: {  	[sflag:s22] =	ssyncset.done $0x0  }
0x291: {  	[sflag:s22] =	ssyncadd.s32 $0xFFFFF830  }
0x292: {  	[spmem:s3] =	stream.indirect.scatter.add.f32 [tilespmem:s29], [sflag:$0x2], $0x1, s0, s23, $0xb8;
	[tilespmem:$0x16580] =	vst v63  }
0x293: {  	_ =	swait.ge [sflag:s22], $0x7D0  }
0x294: {  	[sflag:s22] =	ssyncset.done $0x0  }
0x295: {  	[sflag:s22] =	ssyncadd.s32 $0xFFFFF830  }
0x296: {  	[spmem:s9] =	stream.indirect.scatter.add.f32 [tilespmem:s30], [sflag:$0x2], $0x1, s0, s23, $0xb8;
	[tilespmem:$0x16580] =	vst v63  }
0x297: {  	_ =	swait.ge [sflag:s22], $0x7D0  }
0x298: {  	[sflag:s22] =	ssyncset.done $0x0  }
.Ltmp17:
0x299: {  	[sflag:s22] =	ssyncadd.s32 $0xFFFFF830;
	(pc) =	sbr.rel @p0 .LBB2_37-.Ltmp17, $4  }
0x29a: {  	[spmem:s10] =	stream.indirect.scatter.add.f32 [tilespmem:s31], [sflag:$0x2], $0x1, s0, s23, $0xb8;
	[tilespmem:$0x16580] =	vst v63  }
0x29b: {  	_ =	swait.ge [sflag:s22], $0x7D0  }
0x29c: {  	[sflag:s22] =	ssyncset.done $0x0  }
0x29d: {  	[sflag:s22] =	ssyncadd.s32 $0xFFFFF830  }
0x29e: {  	s5 =	sld [smem:$0x7F9];
	_ =	sdelay $0x1  }
0x29f: {  	s4 =	simm.s32 $0x0  }
0x2a0: {  	[tilespmem:s4], [sflag:$0x2] =	stream.linear.gather [hbm4b:s5+s4], $0x7D0, $0x38;
	[tilespmem:$0x16580] =	vst v63  }
0x2a1: {  	_ =	swait.ge [sflag:s22], $0x7D0  }
0x2a2: {  	[sflag:s22] =	ssyncset.done $0x0  }
0x2a3: {  	s4 =	simm.s32 $0x0;
	[sflag:s22] =	ssyncadd.s32 $0xFFFFF830  }
0x2a4: {  	v2 =	vld [tilespmem:s4+$0x0]  }
0x2a5: {  	s5 =	simm.s32 $0x40  }
.LBB2_33:
0x2a6: {  	p1 =	sne.s32 s5, $0x1F00  }
.Ltmp18:
0x2a7: {  	_ = 	snop;
	(pc) =	sbr.rel @p1 .LBB2_33-.Ltmp18, $4  }
0x2a8: {  	_ = 	snop  }
0x2a9: {  	s6 =	sshra.s32 s5, $0x2;
	s5 =	sadd.s32 $0x40, s5;
	vm0 =	vlt.s32 v2, $0x55EFFF  }
0x2aa: {  	v3 =	vnsel vm0, $0x55EFFF, v2;
	v2 =	vld [tilespmem:s6+$0x0]  }
0x2ab: {  	[tilespmem:s4+$0x800] =	vst v3;
	s4 =	smov.u32 s6  }
0x2ac: {  	_ =	sdelay $0x2  }
0x2ad: {  	vm0 =	vlt.s32 v2, $0x55EFFF  }
0x2ae: {  	v2 =	vnsel vm0, $0x55EFFF, v2  }
0x2af: {  	[tilespmem:s4+$0x800] =	vst v2;
	s4 =	simm.s32 $0x1000  }
0x2b0: {  	[tilespmem:s4], [sflag:$0x1] =	stream.indirect.gather [hbm4b:s11+s23], $0x1, s24, s23, $0xb8;
	[tilespmem:$0x16580] =	vst v63  }
0x2b1: {  	_ =	swait.ge [sflag:s25], $0x7D0  }
0x2b2: {  	s6 =	sld [smem:$0x7FA]  }
0x2b3: {  	[sflag:s25] =	ssyncset.done $0x0  }
0x2b4: {  	s5 =	simm.s32 $0x0;
	[sflag:s25] =	ssyncadd.s32 $0xFFFFF830  }
0x2b5: {  	[tilespmem:s26], [sflag:$0x2] =	stream.linear.gather [hbm4b:s6+s5], $0x7D0, $0x38;
	[tilespmem:$0x16580] =	vst v63  }
0x2b6: {  	_ =	swait.ge [sflag:s22], $0x7D0  }
0x2b7: {  	s8 =	sld [smem:$0x7FB]  }
0x2b8: {  	[sflag:s22] =	ssyncset.done $0x0  }
0x2b9: {  	[sflag:s22] =	ssyncadd.s32 $0xFFFFF830  }
0x2ba: {  	[tilespmem:s29], [sflag:$0x2] =	stream.linear.gather [hbm4b:s8+s5], $0x7D0, $0x38;
	[tilespmem:$0x16580] =	vst v63  }
0x2bb: {  	_ =	swait.ge [sflag:s22], $0x7D0  }
0x2bc: {  	s7 =	sld [smem:$0x7FC]  }
0x2bd: {  	[sflag:s22] =	ssyncset.done $0x0  }
0x2be: {  	[sflag:s22] =	ssyncadd.s32 $0xFFFFF830  }
0x2bf: {  	[tilespmem:s30], [sflag:$0x2] =	stream.linear.gather [hbm4b:s7+s5], $0x7D0, $0x38;
	[tilespmem:$0x16580] =	vst v63  }
0x2c0: {  	_ =	swait.ge [sflag:s22], $0x7D0  }
0x2c1: {  	s8 =	sld [smem:$0x7FD]  }
0x2c2: {  	[sflag:s22] =	ssyncset.done $0x0  }
0x2c3: {  	[sflag:s22] =	ssyncadd.s32 $0xFFFFF830  }
0x2c4: {  	[tilespmem:s31], [sflag:$0x2] =	stream.linear.gather [hbm4b:s8+s5], $0x7D0, $0x38;
	[tilespmem:$0x16580] =	vst v63  }
0x2c5: {  	_ =	swait.ge [sflag:s22], $0x7D0  }
0x2c6: {  	[sflag:s22] =	ssyncset.done $0x0  }
0x2c7: {  	[sflag:s22] =	ssyncadd.s32 $0xFFFFF830  }
0x2c8: {  	v2 =	vld [tilespmem:s5+$0x0]  }
0x2c9: {  	v3 =	vld [tilespmem:s4+$0x0];
	_ =	sdelay $0x3  }
0x2ca: {  	v4 =	vadd.s32 s5, v0  }
0x2cb: {  	vm15 =	vlt.s32 v2, $0x55F000;
	vm1 =	vlt.s32 v3, $0x3A980;
	v2 =	vand.u32 $0x7F, v4  }
0x2cc: {  	vm0 =	vmand vm1, vm15;
	v2 =	vor.u32 $0x3A980, v2  }
0x2cd: {  	s4 =	simm.s32 $0x1800;
	v2 =	vsel vm0, v3, v2  }
0x2ce: {  	s5 =	simm.s32 $0x10;
	[tilespmem:s4+$0x0] =	vst v2  }
0x2cf: {  	s6 =	simm.s32 $0x1010;
	v3 =	vld [tilespmem:s5+$0x0]  }
0x2d0: {  	s7 =	simm.s32 $0x1;
	s8 =	simm.s32 $0x2;
	v2 =	vld [tilespmem:s6+$0x0]  }
.LBB2_35:
0x2d1: {  	p1 =	sne.s32 s8, $0x7C;
	_ =	sdelay $0x2  }
0x2d2: {  	v4 =	vadd.s32 s7, v0;
	s7 =	smov.u32 s8  }
0x2d3: {  	vm0 =	vlt.s32 v3, $0x55F000;
	vm1 =	vlt.s32 v2, $0x3A980;
	v3 =	vand.u32 $0x7F, v4  }
.Ltmp19:
0x2d4: {  	vm0 =	vmand vm1, vm0;
	v3 =	vor.u32 $0x3A980, v3;
	(pc) =	sbr.rel @p1 .LBB2_35-.Ltmp19, $4  }
0x2d5: {  	s4 =	sadd.s32 $0x10, s4;
	v2 =	vsel vm0, v2, v3  }
0x2d6: {  	s5 =	sadd.s32 $0x10, s5;
	[tilespmem:s4+$0x0] =	vst v2  }
0x2d7: {  	s6 =	sadd.s32 $0x10, s6;
	v3 =	vld [tilespmem:s5+$0x0]  }
0x2d8: {  	s8 =	sadd.s32 $0x1, s8;
	v2 =	vld [tilespmem:s6+$0x0]  }
.Ltmp20:
0x2d9: {  	_ = 	snop;
	(pc) =	sbr.rel .LBB2_36-.Ltmp20, $1  }
0x2da: {  	_ =	sdelay $0x3  }
.LBB2_38:
0x2db: {  	_ =	sfence.sel $0x180000  }
0x2dc: {  	[bflag:$0x0] =	sbarrier.arrive $0xFFFF  }
0x2dd: {  	_ =	strace $0x90000050  }
0x2de: {  	s0 =	stileid.u32;
	[bflag:$0x2] =	sbarrier.arrive $0xFFFF  }
0x2df: {  	p0 =	sne.s32 s0, $0x0;
	s0 =	rddreg [dreg:$0x7]  }
0x2e0: {  	s0 =	sadd.s32 @!p0 $0x100000, s0  }
0x2e1: {  	[sflag:s0] =	ssyncadd.tile.s32 @!p0 $0x1;
	_ =	shalt  }
.Lfunc_end2:
_tile_overlayer_lowered:
.L_overlay_start_2:
0x2e2: {  	(tag) =	ssettag $0x2  }
0x2e3: {  	s0 =	rddreg [dreg:$0x0];
	s2 =	stileid.u32  }
0x2e4: {  	s1 =	rddreg [dreg:$0x1];
	p0 =	sne.s32 s2, $0x0  }
0x2e5: {  	s3 =	rddreg [dreg:$0x2];
	[bflag:$0x3] =	sbarrier.arrive $0xFFFF;
	s2 =	simm.s32 @!p0 $0x1C02  }
0x2e6: {  	[timem:s3], [sflag:s2] =	dma.local @!p0 [hbm:s0], s1  }
0x2e7: {  	s0 =	simm.s32 @!p0 $0x2  }
0x2e8: {  	_ =	swait.ge @!p0 [sflag:s0], s1  }
0x2e9: {  	s1 =	ssub.s32 @!p0 $0x0, s1;
	[sflag:s0] =	ssyncset.done @!p0 $0x0  }
0x2ea: {  	[sflag:s0] =	ssyncadd.s32 @!p0 s1  }
0x2eb: {  	[bflag:$0x3] =	sbarrier.arrive $0xFFFF  }
0x2ec: {  	_ =	shalt  }

// kernel: _run.7.cloned.1.call-start
scs
__scs_entry_jumppad:
0x0: {  	(pc) =	sbr.rel $0x88, $3  }
0x1: {  	(tag) =	ssettag $0x0;
	lr =	simm.s32 $0x1  }
0x2: {  	[smem:$0x3F9F] =	sst lr;
	_ =	strace $0xD0000000  }
0x3: {  	_ = 	snop  }
0x4: {  	_ = 	snop  }
0x5: {  	_ = 	snop  }
0x6: {  	_ = 	snop  }
0x7: {  	_ = 	snop  }
__scs_overlays_trampoline_lowered:
0x8: {  	[smem:$0x3FAE] =	sst s0  }
0x9: {  	[smem:$0x3FAF] =	sst s1  }
0xa: {  	[smem:$0x3FB0] =	sst s2  }
0xb: {  	[smem:$0x3FB1] =	sst s3  }
0xc: {  	[smem:$0x3FB2] =	sst s4  }
0xd: {  	[smem:$0x3FB3] =	sst s5  }
0xe: {  	[smem:$0x3FB4] =	sst s6  }
0xf: {  	[smem:$0x3FB5] =	sst s7  }
0x10: {  	[smem:$0x3FB6] =	sst s8  }
0x11: {  	[smem:$0x3FB7] =	sst s9;
	s0 =	simm.s32 @!p0 $0x0  }
0x12: {  	s1 =	sld [smem:$0x3F9D];
	s0 =	simm.s32 @p0 $0x1  }
0x13: {  	[smem:$0x3FB8] =	sst s0;
	s0 =	simm.s32 @!p1 $0x0  }
0x14: {  	s2 =	sld [smem:$0x3F9C];
	s0 =	simm.s32 @p1 $0x1  }
0x15: {  	[smem:$0x3FB9] =	sst s0;
	s0 =	simm.s32 @!p2 $0x0  }
0x16: {  	s3 =	sld [smem:$0x3FDB];
	s0 =	simm.s32 @p2 $0x1  }
0x17: {  	s4 =	simm.s32 $0x1BF5;
	[smem:$0x3FBB] =	sst s0  }
0x18: {  	s0 =	sld [smem:$0x3F9E];
	_ =	swait.ge [sflag:s4], $0x0  }
0x19: {  	s7 =	sld [smem:$0x3F9F]  }
0x1a: {  	s8 =	sadd.s32 $0xFFFFE003, lr  }
0x1b: {  	s9 =	sadd.s32 $0xFFFFFEF7, lr;
	s5 =	simm.s32 $0xFFFFFFFF;
	p2 =	slt.u32 s8, $0xFFFFF086  }
0x1c: {  	p1 =	slt.u32 s9, $0xF7A;
	s5 =	simm.s32 @!p2 $0x0  }
0x1d: {  	s5 =	simm.s32 @p1 $0x1;
	p0 =	seq.s32 s7, s2  }
0x1e: {  	s7 =	smul.u32 @!p0 $0xF7A, s2;
	p2 =	seq.s32 @!p0 s5, $0x0  }
0x1f: {  	s9 =	smul.u32 $0xF7A, s1;
	s8 =	simm.s32 @!p0 $0x1BF5;
	p2 =	por !p2, p0  }
0x20: {  	[sflag:s8] =	ssyncset.s32 @!p0 $0xFFFFF086;
	s6 =	sadd.s32 @!p0 s3, s7;
	s7 =	simm.s32 @!p0 $0x108  }
0x21: {  	s3 =	sadd.s32 s3, s9;
	s6 =	sadd.s32 @!p0 $0x88, s6;
	s7 =	simm.s32 @p2 $0x1082  }
0x22: {  	[simem:s7], [sflag:s8] =	dma.local @!p0 [hbm:s6], $0xF7A  }
0x23: {  	s9 =	sor.u32 $0xD0000000, s2;
	s6 =	simm.s32 $0x108;
	_ =	swait.ge @!p0 [sflag:s8], $0x0  }
0x24: {  	s3 =	sadd.s32 $0x88, s3;
	s6 =	simm.s32 @!p1 $0x1082;
	[sflag:s4] =	ssyncset.s32 $0xFFFFF086  }
0x25: {  	[simem:s6], [sflag:s4] =	dma.local [hbm:s3], $0xF7A  }
0x26: {  	[smem:$0x3F9F] =	sst s1;
	(tag) =	ssettag s2;
	_ =	strace s9  }
0x27: {  	s1 =	sld [smem:$0x3FAF]  }
0x28: {  	s2 =	sld [smem:$0x3FB0]  }
0x29: {  	s4 =	sld [smem:$0x3FB2]  }
0x2a: {  	p0 =	seq.s32 s5, $0x0;
	s5 =	sld [smem:$0x3FB3]  }
0x2b: {  	s6 =	sld [smem:$0x3FB4]  }
0x2c: {  	s7 =	sld [smem:$0x3FB5]  }
0x2d: {  	s3 =	simm.s32 $0x108;
	s8 =	sld [smem:$0x3FB6]  }
0x2e: {  	s3 =	simm.s32 @!p0 $0x1082;
	s9 =	sld [smem:$0x3FB7]  }
0x2f: {  	lr =	sadd.s32 s0, s3;
	s0 =	sld [smem:$0x3FAE]  }
0x30: {  	s3 =	sld [smem:$0x3FB1]  }
0x31: {  	[smem:$0x3FBA] =	sst s10  }
0x32: {  	s10 =	sld [smem:$0x3FB8];
	_ =	sdelay $0x3  }
0x33: {  	p0 =	seq.s32 s10, $0x1;
	s10 =	sld [smem:$0x3FBA];
	_ =	sdelay $0x3  }
0x34: {  	[smem:$0x3FBA] =	sst s10  }
0x35: {  	s10 =	sld [smem:$0x3FB9];
	_ =	sdelay $0x3  }
0x36: {  	p1 =	seq.s32 s10, $0x1;
	s10 =	sld [smem:$0x3FBA];
	_ =	sdelay $0x3  }
0x37: {  	[smem:$0x3FBA] =	sst s10  }
0x38: {  	s10 =	sld [smem:$0x3FBB]  }
0x39: {  	_ = 	snop;
	(pc) =	sbr.ind lr, $3  }
0x3a: {  	_ = 	snop  }
0x3b: {  	_ = 	snop  }
0x3c: {  	p2 =	seq.s32 s10, $0x1;
	s10 =	sld [smem:$0x3FBA]  }
0x3d: {  	_ =	shalt  }
0x3e: {  	_ =	shalt  }
0x3f: {  	_ =	shalt  }
0x40: {  	_ =	shalt  }
0x41: {  	_ =	shalt  }
0x42: {  	_ =	shalt  }
0x43: {  	_ =	shalt  }
0x44: {  	_ =	shalt  }
0x45: {  	_ =	shalt  }
0x46: {  	_ =	shalt  }
0x47: {  	_ =	shalt  }
0x48: {  	_ =	shalt  }
0x49: {  	_ =	shalt  }
0x4a: {  	_ =	shalt  }
0x4b: {  	_ =	shalt  }
0x4c: {  	_ =	shalt  }
0x4d: {  	_ =	shalt  }
0x4e: {  	_ =	shalt  }
0x4f: {  	_ =	shalt  }
0x50: {  	_ =	shalt  }
0x51: {  	_ =	shalt  }
0x52: {  	_ =	shalt  }
0x53: {  	_ =	shalt  }
0x54: {  	_ =	shalt  }
0x55: {  	_ =	shalt  }
0x56: {  	_ =	shalt  }
0x57: {  	_ =	shalt  }
0x58: {  	_ =	shalt  }
0x59: {  	_ =	shalt  }
0x5a: {  	_ =	shalt  }
0x5b: {  	_ =	shalt  }
0x5c: {  	_ =	shalt  }
0x5d: {  	_ =	shalt  }
0x5e: {  	_ =	shalt  }
0x5f: {  	_ =	shalt  }
0x60: {  	_ =	shalt  }
0x61: {  	_ =	shalt  }
0x62: {  	_ =	shalt  }
0x63: {  	_ =	shalt  }
0x64: {  	_ =	shalt  }
0x65: {  	_ =	shalt  }
0x66: {  	_ =	shalt  }
0x67: {  	_ =	shalt  }
0x68: {  	_ =	shalt  }
0x69: {  	_ =	shalt  }
0x6a: {  	_ =	shalt  }
0x6b: {  	_ =	shalt  }
0x6c: {  	_ =	shalt  }
0x6d: {  	_ =	shalt  }
0x6e: {  	_ =	shalt  }
0x6f: {  	_ =	shalt  }
0x70: {  	_ =	shalt  }
0x71: {  	_ =	shalt  }
0x72: {  	_ =	shalt  }
0x73: {  	_ =	shalt  }
0x74: {  	_ =	shalt  }
0x75: {  	_ =	shalt  }
0x76: {  	_ =	shalt  }
0x77: {  	_ =	shalt  }
0x78: {  	_ =	shalt  }
0x79: {  	_ =	shalt  }
0x7a: {  	_ =	shalt  }
0x7b: {  	_ =	shalt  }
0x7c: {  	_ =	shalt  }
0x7d: {  	_ =	shalt  }
0x7e: {  	_ =	shalt  }
0x7f: {  	_ =	shalt  }
0x80: {  	_ =	shalt  }
0x81: {  	_ =	shalt  }
0x82: {  	_ =	shalt  }
0x83: {  	_ =	shalt  }
0x84: {  	_ =	shalt  }
0x85: {  	_ =	shalt  }
0x86: {  	_ =	shalt  }
0x87: {  	_ =	shalt  }
.Lfunc_end0:
.L_simem_size_0:
called_computation_lowered:
.L_overlay_start_0:
0x88: {  	s2 =	sld [smem:$0x3FD9]  }
0x89: {  	s3 =	sld [smem:$0x3FFE];
	_ =	sdelay $0x1  }
0x8a: {  	s1 =	srdreg.scid  }
0x8b: {  	s0 =	sand.u32 $0x1, s1  }
0x8c: {  	s14 =	sshll.u32 s0, $0xA;
	s2 =	sadd.s32 s3, s2  }
0x8d: {  	s2 =	sadd.s32 s2, s14  }
0x8e: {  	[smem:$0x3FC6] =	sst s2  }
0x8f: {  	_ = 	snop  }
0x90: {  	s2 =	sld [smem:$0x3FD0];
	_ =	sdelay $0x2  }
0x91: {  	s4 =	simm.s32 $0xA;
	s5 =	simm.s32 $0x10;
	s15 =	sld [smem:$0x3FC8]  }
0x92: {  	[smem:s5], [sflag:s4] =	dma.local [hbm:s2], $0x1  }
0x93: {  	_ =	swait.eq [sflag:s4], $0x1  }
0x94: {  	[sflag:s4] =	ssyncset.done $0x0  }
0x95: {  	[sflag:s4] =	ssyncadd.s32 $0xFFFFFFFF  }
0x96: {  	s16 =	sld [smem:$0x10];
	(tm) =	ssettm $0x1  }
0x97: {  	s17 =	sld [smem:$0x3FFB];
	_ =	sdelay $0x3  }
0x98: {  	_ =	strace s17  }
0x99: {  	s4 =	sld [smem:$0x3FFC];
	_ =	sdelay $0x3  }
0x9a: {  	_ =	strace s4  }
0x9b: {  	s4 =	sld [smem:$0x3FFD];
	_ =	sdelay $0x3  }
0x9c: {  	_ =	strace s4  }
0x9d: {  	_ =	strace $0x8FFFFFFF  }
0x9e: {  	s18 =	sld [smem:$0x3FDB];
	_ =	sdelay $0x1  }
0x9f: {  	s19 =	simm.s32 $_scs_section_size  }
0xa0: {  	s6 =	simm.s32 $_size__tile_overlayer_lowered;
	s7 =	simm.s32 $_tile_overlayer_lowered  }
0xa1: {  	s22 =	simm.s32 $0x1BFF;
	s21 =	sshll.u32 s7, $0x1;
	s4 =	sadd.s32 s19, s18  }
0xa2: {  	s8 =	simm.s32 $0x0;
	s20 =	sshll.u32 s6, $0x1;
	s6 =	sadd.s32 s21, s4  }
0xa3: {  	[timem:s8], [sflag:s22] =	dma.local [hbm:s6], s20  }
0xa4: {  	_ =	swait.ge [sflag:s22], s20  }
0xa5: {  	s5 =	ssub.s32 $0x0, s20;
	[sflag:s22] =	ssyncset.done $0x0  }
0xa6: {  	[sflag:s22] =	ssyncadd.s32 s5;
	_ =	sdelay $0x1  }
0xa7: {  	s23 =	simm.s32 $0x1B8B  }
0xa8: {  	_ =	swait.ge [sflag:s23], $0x1  }
0xa9: {  	[sflag:s23] =	ssyncset.done $0x0  }
0xaa: {  	s25 =	simm.s32 $0x1B8E;
	s24 =	sld [smem:$0x3FFE];
	[sflag:s23] =	ssyncadd.s32 $0xFFFFFFFF  }
0xab: {  	s26 =	simm.s32 $execute0_lowered;
	[smem:$0x3FD2] =	sst s25  }
0xac: {  	s6 =	sshll.u32 s26, $0x1;
	_ =	strace $0x80000046;
	[dreg:$0x1] =	wrdreg $0xFFFFFFFF  }
0xad: {  	s28 =	simm.s32 $_size_execute0_lowered;
	s4 =	sadd.s32 s4, s6;
	[dreg:$0x0] =	wrdreg $0x0  }
0xae: {  	s6 =	sshll.u32 s28, $0x1;
	[dreg:$0x2] =	wrdreg s4  }
0xaf: {  	[dreg:$0x3] =	wrdreg s6  }
0xb0: {  	[dreg:$0x4] =	wrdreg $0xC0  }
0xb1: {  	_ =	task [dreg:s8], $0x5FFFF  }
0xb2: {  	[dreg:$0x1] =	wrdreg $0xFFFFFFFF  }
0xb3: {  	[dreg:$0x0] =	wrdreg $0x60  }
0xb4: {  	[dreg:$0x2] =	wrdreg s24  }
0xb5: {  	[dreg:$0x3] =	wrdreg s16  }
0xb6: {  	[dreg:$0x4] =	wrdreg s15  }
0xb7: {  	[dreg:$0x5] =	wrdreg $0x9  }
0xb8: {  	_ =	task.clear_ibuf [dreg:s8], $0x6FFFF;
	_ =	strace $0x90000046  }
0xb9: {  	s29 =	simm.s32 $0x9;
	_ =	strace $0x80000048  }
0xba: {  	_ =	swait.ge [sflag:s29], $0x1  }
0xbb: {  	[sflag:s29] =	ssyncadd.s32 $0xFFFFFFFF  }
0xbc: {  	_ =	strace $0x90000048  }
0xbd: {  	_ =	sfence  }
0xbe: {  	s30 =	sld [smem:$0x0];
	_ =	sdelay $0x2  }
0xbf: {  	s31 =	sshll.u32 s1, $0xD;
	s1 =	sshrl.u32 s1, $0x2  }
0xc0: {  	s3 =	sand.u32 $0x4000, s31;
	s1 =	sadd.s32 s1, s30  }
0xc1: {  	s0 =	sor.u32 s3, s0;
	s1 =	sshll.u32 s1, $0x11  }
0xc2: {  	s0 =	sor.u32 s1, s0  }
0xc3: {  	s0 =	sadd.s32 $0x8F2B, s0  }
0xc4: {  	[sflag:s0] =	ssyncadd.remote.s32 $0x1  }
0xc5: {  	_ =	sfence.sel $0xFFFF  }
0xc6: {  	[dreg:$0x0] =	wrdreg $0xFFFFFFFF;
	(pc) =	sbr.abs _section_cstart, $3  }
0xc7: {  	[dreg:$0x1] =	wrdreg $0xFFFFFFFF  }
0xc8: {  	_ =	task.clear_ibuf [dreg:s8], $0x2FFFF;
	_ =	strace $0x9FFFFFFF  }
0xc9: {  	(tm) =	ssettm $0x7FFFFFFF  }
tec
execute0_lowered:
.L_overlay_start_1:
0x0: {  	(tag) =	ssettag $0x1  }
0x1: {  	s1 =	srdreg.scid;
	s15 =	stileid.u32  }
0x2: {  	s0 =	rddreg [dreg:$0x0];
	s1 =	sand.u32 $0x1, s1;
	s3 =	sshll.u32 s15, $0x1  }
0x3: {  	s8 =	rddreg [dreg:$0x1];
	s3 =	sor.u32 s1, s3  }
0x4: {  	s9 =	rddreg [dreg:$0x2];
	s2 =	simm.s32 $0x0;
	s4 =	smul.u32 $0xFA, s3  }
0x5: {  	[smem:$0x7FF] =	sst s2;
	s10 =	sadd.s32 $0x10E00, s0  }
0x6: {  	s11 =	sadd.s32 $0x1800, s0;
	_ =	strace $0x80000047;
	s5 =	sadd.s32 s10, s4  }
0x7: {  	s3 =	smul.u32 $0x7D0, s3;
	s6 =	sadd.s32 s11, s4;
	[dreg:$0x4] =	wrdreg s5  }
0x8: {  	s12 =	sadd.s32 $0x20400, s0;
	s7 =	sadd.s32 s8, s4;
	[dreg:$0x5] =	wrdreg s6  }
0x9: {  	s3 =	sshrl.u32 s3, $0x3;
	s16 =	sadd.s32 s9, s4;
	[dreg:$0x6] =	wrdreg s7  }
0xa: {  	s17 =	sadd.s32 s12, s4;
	s14 =	sadd.s32 $0x1F40, s3;
	[dreg:$0x7] =	wrdreg s16  }
0xb: {  	[dreg:$0x8] =	wrdreg s17;
	s18 =	sadd.s32 s10, s14  }
0xc: {  	s19 =	sadd.s32 s11, s14;
	[dreg:$0x9] =	wrdreg s18  }
0xd: {  	p0 =	sgt.u32 s15, $0xC;
	s20 =	sadd.s32 s8, s14;
	[dreg:$0xa] =	wrdreg s19  }
0xe: {  	s1 =	ssub.s32 $0x2, s1;
	s22 =	sadd.s32 s9, s14;
	[dreg:$0xb] =	wrdreg s20  }
0xf: {  	s21 =	sadd.s32 $0x3E80, s3;
	s0 =	sadd.s32 s12, s14;
	[dreg:$0xc] =	wrdreg s22  }
0x10: {  	s26 =	sshrl.u32 s1, $0x1;
	s23 =	sadd.s32 s10, s21;
	[dreg:$0xd] =	wrdreg s0  }
0x11: {  	s13 =	ssub.s32 s1, s26;
	s24 =	sadd.s32 s11, s21;
	[dreg:$0xe] =	wrdreg s23  }
0x12: {  	s26 =	sadd.s32 $0x5DC0, s3;
	s25 =	sadd.s32 s8, s21;
	[dreg:$0xf] =	wrdreg s24  }
0x13: {  	s7 =	sadd.s32 $0x7D00, s3;
	s5 =	sadd.s32 s9, s21;
	[dreg:$0x10] =	wrdreg s25  }
0x14: {  	s1 =	sadd.s32 s12, s21;
	s6 =	sadd.s32 s10, s26;
	[dreg:$0x11] =	wrdreg s5  }
0x15: {  	s21 =	sadd.s32 s9, s26;
	s14 =	sadd.s32 $0x9C40, s3;
	[dreg:$0x12] =	wrdreg s1  }
0x16: {  	s28 =	sadd.s32 s12, s7;
	[dreg:$0x13] =	wrdreg s6;
	s19 =	sadd.s32 s11, s26  }
0x17: {  	v0 =	vimm.f32 $2.000000030e-01;
	s20 =	sadd.s32 s8, s26;
	s22 =	sadd.s32 s12, s26;
	s23 =	sadd.s32 s10, s7  }
0x18: {  	(erf) = vrcp.f32 v0;
	v0 =	vimm.f32 $4.000000060e-01;
	s24 =	sadd.s32 s11, s7;
	s25 =	sadd.s32 s8, s7;
	s26 =	sadd.s32 s9, s7  }
0x19: {  	(erf) = vrcp.f32 v0;
	s29 =	sadd.s32 s10, s14;
	s30 =	sadd.s32 s11, s14;
	s31 =	sadd.s32 s8, s14  }
0x1a: {  	s0 =	sadd.s32 s9, s14;
	s1 =	sadd.s32 s12, s14;
	s7 =	sadd.s32 $0xBB80, s3  }
0x1b: {  	s14 =	sadd.s32 $0xDAC0, s3;
	s3 =	sadd.s32 s10, s7;
	s4 =	sadd.s32 s11, s7  }
0x1c: {  	s5 =	sadd.s32 s8, s7;
	s6 =	sadd.s32 s9, s7;
	s10 =	sadd.s32 s10, s14  }
0x1d: {  	s7 =	sadd.s32 s12, s7;
	s16 =	sadd.s32 s11, s14;
	[dreg:$0x14] =	wrdreg s10  }
.Ltmp0:
0x1e: {  	s8 =	sadd.s32 s8, s14;
	[dreg:$0x15] =	wrdreg s16;
	(pc) =	sbr.rel .LBB2_1-.Ltmp0, $4  }
0x1f: {  	s17 =	sadd.s32 s9, s14;
	s18 =	sadd.s32 s12, s14;
	[dreg:$0x16] =	wrdreg s8  }
0x20: {  	s9 =	simm.s32 $0x1;
	s11 =	simm.s32 $0x1000;
	[dreg:$0x17] =	wrdreg s17  }
0x21: {  	s12 =	simm.s32 $0x1800;
	s14 =	simm.s32 $0x0;
	[dreg:$0x18] =	wrdreg s18;
	v0 =	vpop (erf)  }
0x22: {  	s8 =	smax.u32 s13, $0x1;
	s10 =	simm.s32 $0x800;
	s13 =	simm.s32 $0x2000;
	v1 =	vpop (erf)  }
.LBB2_18:
0x23: {  	vm0 =	vmand vm0, vm1;
	vm9 =	vlt.u32 v2, $0xA;
	v2 =	vadd.s32 v7, v8  }
0x24: {  	vm0 =	vmand vm0, vm9;
	v2 =	vadd.s32 v10, v2  }
0x25: {  	v55 =	vld [tilespmem:s15+$0x1800];
	v2 =	vnsel vm0, $0x55F000, v2  }
0x26: {  	v56 =	vtrunc.f32 v9;
	v3 =	vmul.f32 v3, v0;
	[tilespmem:s17+$0x2000] =	vst v2  }
0x27: {  	v57 =	vadd.f32 $3.000000000e+00, v6;
	v5 =	vtrunc.f32 v5;
	v8 =	vcvt.f32.s32 v56;
	v58 =	vld [tilespmem:s16+$0x0]  }
0x28: {  	v5 =	vcvt.f32.s32 v5;
	v3 =	vtrunc.f32 v3;
	v2 =	vadd.f32 $4.000000000e+01, v4  }
0x29: {  	v59 =	vmul.u32 $0x190, v8;
	v3 =	vcvt.f32.s32 v3;
	v4 =	vmul.f32 v57, v1  }
0x2a: {  	vm11 =	vlt.u32 v5, $0x190;
	vm12 =	vlt.u32 v8, $0xA;
	v7 =	vmul.u32 $0x157C00, v55  }
0x2b: {  	v60 =	vld [tilespmem:s16+$0x1800];
	v2 =	vmul.f32 v2, v0;
	v9 =	vadd.s32 v5, v59;
	v4 =	vtrunc.f32 v4  }
0x2c: {  	vm10 =	vlt.u32 v3, $0x160;
	v4 =	vcvt.f32.s32 v4;
	v6 =	vmul.f32 v58, v0  }
0x2d: {  	v9 =	vmul.u32 $0x160, v9;
	vm0 =	vmand vm10, vm11;
	v2 =	vtrunc.f32 v2  }
0x2e: {  	v2 =	vcvt.f32.s32 v2;
	v61 =	vmul.u32 $0x190, v4;
	v6 =	vtrunc.f32 v6  }
0x2f: {  	v3 =	vadd.s32 v3, v7;
	vm0 =	vmand vm0, vm12;
	v6 =	vcvt.f32.s32 v6  }
0x30: {  	v3 =	vadd.s32 v9, v3;
	v5 =	vmul.u32 $0x157C00, v60;
	v62 =	vadd.s32 v2, v61  }
0x31: {  	vm2 =	vlt.u32 v2, $0x190;
	v2 =	vmul.u32 $0x160, v62;
	vm13 =	vlt.u32 v6, $0x160  }
0x32: {  	vm14 =	vlt.u32 v4, $0xA;
	v63 =	vadd.s32 v6, v5;
	vm1 =	vmand vm13, vm2  }
0x33: {  	v3 =	vnsel vm0, $0x55F000, v3;
	v2 =	vadd.s32 v2, v63;
	vm15 =	vmand vm1, vm14  }
0x34: {  	[tilespmem:s15+$0x2000] =	vst v3;
	v2 =	vnsel vm15, $0x55F000, v2  }
0x35: {  	s18 =	rddreg [dreg:$0x18];
	[tilespmem:s16+$0x2000] =	vst v2  }
0x36: {  	[hbm4b:s18+s2] =	stream.linear.scatter [tilespmem:s13], [sflag:$0x1], $0x7D0, $0x38;
	[tilespmem:$0x2800] =	vst v63  }
0x37: {  	_ =	swait.ge [sflag:s9], $0x7D0  }
0x38: {  	[sflag:s9] =	ssyncset.done $0x0  }
0x39: {  	[sflag:s9] =	ssyncadd.s32 $0xFFFFF830  }
.LBB2_19:
0x3a: {  	s14 =	sadd.s32 $0x1, s14  }
0x3b: {  	p1 =	sne.s32 s14, s8  }
.Ltmp1:
0x3c: {  	_ = 	snop;
	(pc) =	sbr.rel @!p1 .LBB2_20-.Ltmp1, $1  }
0x3d: {  	_ =	sdelay $0x3  }
.LBB2_1:
0x3e: {  	s15 =	rddreg [dreg:$0x4]  }
0x3f: {  	[tilespmem:s2], [sflag:$0x1] =	stream.linear.gather [hbm4b:s15+s2], $0x7D0, $0x38;
	[tilespmem:$0x2800] =	vst v63  }
0x40: {  	_ =	swait.ge [sflag:s9], $0x7D0  }
0x41: {  	[sflag:s9] =	ssyncset.done $0x0  }
0x42: {  	s16 =	rddreg [dreg:$0x5];
	[sflag:s9] =	ssyncadd.s32 $0xFFFFF830  }
0x43: {  	[tilespmem:s10], [sflag:$0x1] =	stream.linear.gather [hbm4b:s16+s2], $0x7D0, $0x38;
	[tilespmem:$0x2800] =	vst v63  }
0x44: {  	_ =	swait.ge [sflag:s9], $0x7D0  }
0x45: {  	[sflag:s9] =	ssyncset.done $0x0  }
0x46: {  	s17 =	rddreg [dreg:$0x6];
	[sflag:s9] =	ssyncadd.s32 $0xFFFFF830  }
0x47: {  	[tilespmem:s11], [sflag:$0x1] =	stream.linear.gather [hbm4b:s17+s2], $0x7D0, $0x38;
	[tilespmem:$0x2800] =	vst v63  }
0x48: {  	_ =	swait.ge [sflag:s9], $0x7D0  }
0x49: {  	[sflag:s9] =	ssyncset.done $0x0  }
0x4a: {  	s18 =	rddreg [dreg:$0x7];
	[sflag:s9] =	ssyncadd.s32 $0xFFFFF830  }
0x4b: {  	[tilespmem:s12], [sflag:$0x1] =	stream.linear.gather [hbm4b:s18+s2], $0x7D0, $0x38;
	[tilespmem:$0x2800] =	vst v63  }
0x4c: {  	_ =	swait.ge [sflag:s9], $0x7D0  }
0x4d: {  	[sflag:s9] =	ssyncset.done $0x0  }
0x4e: {  	s17 =	simm.s32 $0x0;
	[sflag:s9] =	ssyncadd.s32 $0xFFFFF830  }
0x4f: {  	v2 =	vld [tilespmem:s17+$0x1000];
	_ =	sdelay $0x1  }
0x50: {  	v3 =	vld [tilespmem:s17+$0x800]  }
0x51: {  	v4 =	vld [tilespmem:s17+$0x0]  }
0x52: {  	s15 =	simm.s32 $0x10  }
0x53: {  	v6 =	vld [tilespmem:s15+$0x1000];
	v2 =	vadd.f32 $3.000000000e+00, v2  }
0x54: {  	v5 =	vld [tilespmem:s15+$0x800]  }
0x55: {  	v3 =	vadd.f32 $4.000000000e+01, v3;
	v2 =	vmul.f32 v2, v1  }
0x56: {  	v4 =	vmul.f32 v4, v0  }
0x57: {  	v8 =	vld [tilespmem:s17+$0x1800];
	v3 =	vmul.f32 v3, v0;
	v2 =	vtrunc.f32 v2  }
0x58: {  	v6 =	vadd.f32 $3.000000000e+00, v6;
	v2 =	vcvt.f32.s32 v2  }
0x59: {  	s16 =	simm.s32 $0x20;
	v5 =	vadd.f32 $4.000000000e+01, v5;
	v4 =	vtrunc.f32 v4;
	v3 =	vtrunc.f32 v3  }
0x5a: {  	v9 =	vmul.f32 v6, v1;
	v6 =	vld [tilespmem:s16+$0x1000];
	v10 =	vcvt.f32.s32 v3;
	v11 =	vmul.u32 $0x190, v2  }
0x5b: {  	v7 =	vcvt.f32.s32 v4;
	v3 =	vld [tilespmem:s15+$0x0]  }
0x5c: {  	v8 =	vmul.u32 $0x157C00, v8;
	v5 =	vmul.f32 v5, v0;
	v4 =	vld [tilespmem:s16+$0x800];
	v11 =	vadd.s32 v10, v11  }
0x5d: {  	s18 =	simm.s32 $0xC0;
	vm0 =	vlt.u32 v7, $0x160;
	vm1 =	vlt.u32 v10, $0x190;
	v10 =	vmul.u32 $0x160, v11  }
.LBB2_2:
0x5e: {  	p1 =	sne.s32 s18, $0x1F00;
	v11 =	vld [tilespmem:s15+$0x1800];
	vm0 =	vmand vm0, vm1;
	vm1 =	vlt.u32 v2, $0xA;
	v2 =	vadd.s32 v7, v8  }
0x5f: {  	v7 =	vtrunc.f32 v9;
	vm0 =	vmand vm0, vm1;
	v8 =	vadd.s32 v10, v2  }
0x60: {  	v9 =	vmul.f32 v3, v0;
	v2 =	vcvt.f32.s32 v7;
	v3 =	vnsel vm0, $0x55F000, v8  }
.Ltmp2:
0x61: {  	v10 =	vadd.f32 $4.000000000e+01, v4;
	v4 =	vtrunc.f32 v5;
	v12 =	vadd.f32 $3.000000000e+00, v6;
	[tilespmem:s17+$0x2000] =	vst v3;
	s17 =	smov.u32 s15;
	s15 =	smov.u32 s16;
	(pc) =	sbr.rel @p1 .LBB2_2-.Ltmp2, $4  }
0x62: {  	s16 =	sshra.s32 s18, $0x2;
	v5 =	vtrunc.f32 v9;
	v13 =	vcvt.f32.s32 v4;
	v14 =	vmul.u32 $0x190, v2;
	v3 =	vld [tilespmem:s15+$0x0]  }
0x63: {  	v7 =	vcvt.f32.s32 v5;
	v4 =	vld [tilespmem:s16+$0x800];
	v8 =	vmul.u32 $0x157C00, v11  }
0x64: {  	v5 =	vmul.f32 v10, v0;
	v9 =	vmul.f32 v12, v1;
	v10 =	vadd.s32 v13, v14;
	v6 =	vld [tilespmem:s16+$0x1000]  }
0x65: {  	s18 =	sadd.s32 $0x40, s18;
	vm1 =	vlt.u32 v13, $0x190;
	vm0 =	vlt.u32 v7, $0x160;
	v10 =	vmul.u32 $0x160, v10  }
0x66: {  	vm0 =	vmand vm0, vm1;
	vm1 =	vlt.u32 v2, $0xA;
	v2 =	vadd.s32 v7, v8  }
0x67: {  	vm0 =	vmand vm0, vm1;
	v2 =	vadd.s32 v10, v2  }
0x68: {  	v7 =	vld [tilespmem:s15+$0x1800];
	v8 =	vtrunc.f32 v9;
	v2 =	vnsel vm0, $0x55F000, v2  }
0x69: {  	v5 =	vtrunc.f32 v5;
	v3 =	vmul.f32 v3, v0;
	[tilespmem:s17+$0x2000] =	vst v2  }
0x6a: {  	v8 =	vcvt.f32.s32 v8;
	v2 =	vadd.f32 $4.000000000e+01, v4;
	v4 =	vadd.f32 $3.000000000e+00, v6;
	v6 =	vld [tilespmem:s16+$0x0]  }
0x6b: {  	v5 =	vcvt.f32.s32 v5;
	v3 =	vtrunc.f32 v3  }
0x6c: {  	v9 =	vmul.u32 $0x190, v8;
	v3 =	vcvt.f32.s32 v3;
	v4 =	vmul.f32 v4, v1  }
0x6d: {  	vm1 =	vlt.u32 v5, $0x190;
	v7 =	vmul.u32 $0x157C00, v7;
	v2 =	vmul.f32 v2, v0  }
0x6e: {  	v9 =	vadd.s32 v5, v9;
	v5 =	vld [tilespmem:s16+$0x1800];
	vm0 =	vlt.u32 v3, $0x160;
	v4 =	vtrunc.f32 v4  }
0x6f: {  	v9 =	vmul.u32 $0x160, v9;
	v4 =	vcvt.f32.s32 v4;
	v6 =	vmul.f32 v6, v0  }
0x70: {  	vm0 =	vmand vm0, vm1;
	vm1 =	vlt.u32 v8, $0xA;
	v2 =	vtrunc.f32 v2  }
0x71: {  	v2 =	vcvt.f32.s32 v2;
	v8 =	vmul.u32 $0x190, v4;
	v6 =	vtrunc.f32 v6  }
0x72: {  	v3 =	vadd.s32 v3, v7;
	vm0 =	vmand vm0, vm1;
	v6 =	vcvt.f32.s32 v6  }
0x73: {  	v3 =	vadd.s32 v9, v3;
	v5 =	vmul.u32 $0x157C00, v5;
	v7 =	vadd.s32 v2, v8  }
0x74: {  	vm2 =	vlt.u32 v2, $0x190;
	v2 =	vmul.u32 $0x160, v7;
	vm1 =	vlt.u32 v6, $0x160  }
0x75: {  	vm1 =	vmand vm1, vm2;
	vm2 =	vlt.u32 v4, $0xA;
	v4 =	vadd.s32 v6, v5  }
0x76: {  	v3 =	vnsel vm0, $0x55F000, v3;
	vm0 =	vmand vm1, vm2;
	v2 =	vadd.s32 v2, v4  }
0x77: {  	[tilespmem:s15+$0x2000] =	vst v3;
	v2 =	vnsel vm0, $0x55F000, v2  }
0x78: {  	s18 =	rddreg [dreg:$0x8];
	s15 =	simm.s32 $0x0;
	[tilespmem:s16+$0x2000] =	vst v2  }
0x79: {  	[hbm4b:s18+s15] =	stream.linear.scatter [tilespmem:s13], [sflag:$0x1], $0x7D0, $0x38;
	[tilespmem:$0x2800] =	vst v63  }
0x7a: {  	_ =	swait.ge [sflag:s9], $0x7D0  }
0x7b: {  	[sflag:s9] =	ssyncset.done $0x0  }
0x7c: {  	s17 =	rddreg [dreg:$0x9];
	[sflag:s9] =	ssyncadd.s32 $0xFFFFF830  }
0x7d: {  	[tilespmem:s15], [sflag:$0x1] =	stream.linear.gather [hbm4b:s17+s15], $0x7D0, $0x38;
	[tilespmem:$0x2800] =	vst v63  }
0x7e: {  	_ =	swait.ge [sflag:s9], $0x7D0  }
0x7f: {  	[sflag:s9] =	ssyncset.done $0x0  }
0x80: {  	s18 =	rddreg [dreg:$0xa];
	[sflag:s9] =	ssyncadd.s32 $0xFFFFF830  }
0x81: {  	[tilespmem:s10], [sflag:$0x1] =	stream.linear.gather [hbm4b:s18+s15], $0x7D0, $0x38;
	[tilespmem:$0x2800] =	vst v63  }
0x82: {  	_ =	swait.ge [sflag:s9], $0x7D0  }
0x83: {  	[sflag:s9] =	ssyncset.done $0x0  }
0x84: {  	s17 =	rddreg [dreg:$0xb];
	[sflag:s9] =	ssyncadd.s32 $0xFFFFF830  }
0x85: {  	[tilespmem:s11], [sflag:$0x1] =	stream.linear.gather [hbm4b:s17+s15], $0x7D0, $0x38;
	[tilespmem:$0x2800] =	vst v63  }
0x86: {  	_ =	swait.ge [sflag:s9], $0x7D0  }
0x87: {  	[sflag:s9] =	ssyncset.done $0x0  }
0x88: {  	s18 =	rddreg [dreg:$0xc];
	[sflag:s9] =	ssyncadd.s32 $0xFFFFF830  }
0x89: {  	[tilespmem:s12], [sflag:$0x1] =	stream.linear.gather [hbm4b:s18+s15], $0x7D0, $0x38;
	[tilespmem:$0x2800] =	vst v63  }
0x8a: {  	_ =	swait.ge [sflag:s9], $0x7D0  }
0x8b: {  	[sflag:s9] =	ssyncset.done $0x0  }
0x8c: {  	s17 =	simm.s32 $0x0;
	[sflag:s9] =	ssyncadd.s32 $0xFFFFF830  }
0x8d: {  	v2 =	vld [tilespmem:s17+$0x1000];
	_ =	sdelay $0x1  }
0x8e: {  	v3 =	vld [tilespmem:s17+$0x800]  }
0x8f: {  	v4 =	vld [tilespmem:s17+$0x0]  }
0x90: {  	s15 =	simm.s32 $0x10  }
0x91: {  	v6 =	vld [tilespmem:s15+$0x1000];
	v2 =	vadd.f32 $3.000000000e+00, v2  }
0x92: {  	v5 =	vld [tilespmem:s15+$0x800]  }
0x93: {  	v3 =	vadd.f32 $4.000000000e+01, v3;
	v2 =	vmul.f32 v2, v1  }
0x94: {  	v4 =	vmul.f32 v4, v0  }
0x95: {  	v8 =	vld [tilespmem:s17+$0x1800];
	v3 =	vmul.f32 v3, v0;
	v2 =	vtrunc.f32 v2  }
0x96: {  	v6 =	vadd.f32 $3.000000000e+00, v6;
	v2 =	vcvt.f32.s32 v2  }
0x97: {  	s16 =	simm.s32 $0x20;
	v5 =	vadd.f32 $4.000000000e+01, v5;
	v4 =	vtrunc.f32 v4;
	v3 =	vtrunc.f32 v3  }
0x98: {  	v9 =	vmul.f32 v6, v1;
	v6 =	vld [tilespmem:s16+$0x1000];
	v10 =	vcvt.f32.s32 v3;
	v11 =	vmul.u32 $0x190, v2  }
0x99: {  	v7 =	vcvt.f32.s32 v4;
	v3 =	vld [tilespmem:s15+$0x0]  }
0x9a: {  	v8 =	vmul.u32 $0x157C00, v8;
	v5 =	vmul.f32 v5, v0;
	v4 =	vld [tilespmem:s16+$0x800];
	v11 =	vadd.s32 v10, v11  }
0x9b: {  	s18 =	simm.s32 $0xC0;
	vm0 =	vlt.u32 v7, $0x160;
	vm1 =	vlt.u32 v10, $0x190;
	v10 =	vmul.u32 $0x160, v11  }
.LBB2_4:
0x9c: {  	p1 =	sne.s32 s18, $0x1F00;
	v11 =	vld [tilespmem:s15+$0x1800];
	vm0 =	vmand vm0, vm1;
	vm1 =	vlt.u32 v2, $0xA;
	v2 =	vadd.s32 v7, v8  }
0x9d: {  	v7 =	vtrunc.f32 v9;
	vm0 =	vmand vm0, vm1;
	v8 =	vadd.s32 v10, v2  }
0x9e: {  	v9 =	vmul.f32 v3, v0;
	v2 =	vcvt.f32.s32 v7;
	v3 =	vnsel vm0, $0x55F000, v8  }
.Ltmp3:
0x9f: {  	v10 =	vadd.f32 $4.000000000e+01, v4;
	v4 =	vtrunc.f32 v5;
	v12 =	vadd.f32 $3.000000000e+00, v6;
	[tilespmem:s17+$0x2000] =	vst v3;
	s17 =	smov.u32 s15;
	s15 =	smov.u32 s16;
	(pc) =	sbr.rel @p1 .LBB2_4-.Ltmp3, $4  }
0xa0: {  	s16 =	sshra.s32 s18, $0x2;
	v5 =	vtrunc.f32 v9;
	v13 =	vcvt.f32.s32 v4;
	v14 =	vmul.u32 $0x190, v2;
	v3 =	vld [tilespmem:s15+$0x0]  }
0xa1: {  	v7 =	vcvt.f32.s32 v5;
	v4 =	vld [tilespmem:s16+$0x800];
	v8 =	vmul.u32 $0x157C00, v11  }
0xa2: {  	v5 =	vmul.f32 v10, v0;
	v9 =	vmul.f32 v12, v1;
	v10 =	vadd.s32 v13, v14;
	v6 =	vld [tilespmem:s16+$0x1000]  }
0xa3: {  	s18 =	sadd.s32 $0x40, s18;
	vm1 =	vlt.u32 v13, $0x190;
	vm0 =	vlt.u32 v7, $0x160;
	v10 =	vmul.u32 $0x160, v10  }
0xa4: {  	vm0 =	vmand vm0, vm1;
	vm1 =	vlt.u32 v2, $0xA;
	v2 =	vadd.s32 v7, v8  }
0xa5: {  	vm0 =	vmand vm0, vm1;
	v2 =	vadd.s32 v10, v2  }
0xa6: {  	v7 =	vld [tilespmem:s15+$0x1800];
	v8 =	vtrunc.f32 v9;
	v2 =	vnsel vm0, $0x55F000, v2  }
0xa7: {  	v5 =	vtrunc.f32 v5;
	v3 =	vmul.f32 v3, v0;
	[tilespmem:s17+$0x2000] =	vst v2  }
0xa8: {  	v8 =	vcvt.f32.s32 v8;
	v2 =	vadd.f32 $4.000000000e+01, v4;
	v4 =	vadd.f32 $3.000000000e+00, v6;
	v6 =	vld [tilespmem:s16+$0x0]  }
0xa9: {  	v5 =	vcvt.f32.s32 v5;
	v3 =	vtrunc.f32 v3  }
0xaa: {  	v9 =	vmul.u32 $0x190, v8;
	v3 =	vcvt.f32.s32 v3;
	v4 =	vmul.f32 v4, v1  }
0xab: {  	vm1 =	vlt.u32 v5, $0x190;
	v7 =	vmul.u32 $0x157C00, v7;
	v2 =	vmul.f32 v2, v0  }
0xac: {  	v9 =	vadd.s32 v5, v9;
	v5 =	vld [tilespmem:s16+$0x1800];
	vm0 =	vlt.u32 v3, $0x160;
	v4 =	vtrunc.f32 v4  }
0xad: {  	v9 =	vmul.u32 $0x160, v9;
	v4 =	vcvt.f32.s32 v4;
	v6 =	vmul.f32 v6, v0  }
0xae: {  	vm0 =	vmand vm0, vm1;
	vm1 =	vlt.u32 v8, $0xA;
	v2 =	vtrunc.f32 v2  }
0xaf: {  	v2 =	vcvt.f32.s32 v2;
	v8 =	vmul.u32 $0x190, v4;
	v6 =	vtrunc.f32 v6  }
0xb0: {  	v3 =	vadd.s32 v3, v7;
	vm0 =	vmand vm0, vm1;
	v6 =	vcvt.f32.s32 v6  }
0xb1: {  	v3 =	vadd.s32 v9, v3;
	v5 =	vmul.u32 $0x157C00, v5;
	v7 =	vadd.s32 v2, v8  }
0xb2: {  	vm2 =	vlt.u32 v2, $0x190;
	v2 =	vmul.u32 $0x160, v7;
	vm1 =	vlt.u32 v6, $0x160  }
0xb3: {  	vm1 =	vmand vm1, vm2;
	vm2 =	vlt.u32 v4, $0xA;
	v4 =	vadd.s32 v6, v5  }
0xb4: {  	v3 =	vnsel vm0, $0x55F000, v3;
	vm0 =	vmand vm1, vm2;
	v2 =	vadd.s32 v2, v4  }
0xb5: {  	[tilespmem:s15+$0x2000] =	vst v3;
	v2 =	vnsel vm0, $0x55F000, v2  }
0xb6: {  	s18 =	rddreg [dreg:$0xd];
	s15 =	simm.s32 $0x0;
	[tilespmem:s16+$0x2000] =	vst v2  }
0xb7: {  	[hbm4b:s18+s15] =	stream.linear.scatter [tilespmem:s13], [sflag:$0x1], $0x7D0, $0x38;
	[tilespmem:$0x2800] =	vst v63  }
0xb8: {  	_ =	swait.ge [sflag:s9], $0x7D0  }
0xb9: {  	[sflag:s9] =	ssyncset.done $0x0  }
0xba: {  	s17 =	rddreg [dreg:$0xe];
	[sflag:s9] =	ssyncadd.s32 $0xFFFFF830  }
0xbb: {  	[tilespmem:s15], [sflag:$0x1] =	stream.linear.gather [hbm4b:s17+s15], $0x7D0, $0x38;
	[tilespmem:$0x2800] =	vst v63  }
0xbc: {  	_ =	swait.ge [sflag:s9], $0x7D0  }
0xbd: {  	[sflag:s9] =	ssyncset.done $0x0  }
0xbe: {  	s18 =	rddreg [dreg:$0xf];
	[sflag:s9] =	ssyncadd.s32 $0xFFFFF830  }
0xbf: {  	[tilespmem:s10], [sflag:$0x1] =	stream.linear.gather [hbm4b:s18+s15], $0x7D0, $0x38;
	[tilespmem:$0x2800] =	vst v63  }
0xc0: {  	_ =	swait.ge [sflag:s9], $0x7D0  }
0xc1: {  	[sflag:s9] =	ssyncset.done $0x0  }
0xc2: {  	s17 =	rddreg [dreg:$0x10];
	[sflag:s9] =	ssyncadd.s32 $0xFFFFF830  }
0xc3: {  	[tilespmem:s11], [sflag:$0x1] =	stream.linear.gather [hbm4b:s17+s15], $0x7D0, $0x38;
	[tilespmem:$0x2800] =	vst v63  }
0xc4: {  	_ =	swait.ge [sflag:s9], $0x7D0  }
0xc5: {  	[sflag:s9] =	ssyncset.done $0x0  }
0xc6: {  	s18 =	rddreg [dreg:$0x11];
	[sflag:s9] =	ssyncadd.s32 $0xFFFFF830  }
0xc7: {  	[tilespmem:s12], [sflag:$0x1] =	stream.linear.gather [hbm4b:s18+s15], $0x7D0, $0x38;
	[tilespmem:$0x2800] =	vst v63  }
0xc8: {  	_ =	swait.ge [sflag:s9], $0x7D0  }
0xc9: {  	[sflag:s9] =	ssyncset.done $0x0  }
0xca: {  	s17 =	simm.s32 $0x0;
	[sflag:s9] =	ssyncadd.s32 $0xFFFFF830  }
0xcb: {  	v2 =	vld [tilespmem:s17+$0x1000];
	_ =	sdelay $0x1  }
0xcc: {  	v3 =	vld [tilespmem:s17+$0x800]  }
0xcd: {  	v4 =	vld [tilespmem:s17+$0x0]  }
0xce: {  	s15 =	simm.s32 $0x10  }
0xcf: {  	v6 =	vld [tilespmem:s15+$0x1000];
	v2 =	vadd.f32 $3.000000000e+00, v2  }
0xd0: {  	v5 =	vld [tilespmem:s15+$0x800]  }
0xd1: {  	v3 =	vadd.f32 $4.000000000e+01, v3;
	v2 =	vmul.f32 v2, v1  }
0xd2: {  	v4 =	vmul.f32 v4, v0  }
0xd3: {  	v8 =	vld [tilespmem:s17+$0x1800];
	v3 =	vmul.f32 v3, v0;
	v2 =	vtrunc.f32 v2  }
0xd4: {  	v6 =	vadd.f32 $3.000000000e+00, v6;
	v2 =	vcvt.f32.s32 v2  }
0xd5: {  	s16 =	simm.s32 $0x20;
	v5 =	vadd.f32 $4.000000000e+01, v5;
	v4 =	vtrunc.f32 v4;
	v3 =	vtrunc.f32 v3  }
0xd6: {  	v9 =	vmul.f32 v6, v1;
	v6 =	vld [tilespmem:s16+$0x1000];
	v10 =	vcvt.f32.s32 v3;
	v11 =	vmul.u32 $0x190, v2  }
0xd7: {  	v7 =	vcvt.f32.s32 v4;
	v3 =	vld [tilespmem:s15+$0x0]  }
0xd8: {  	v8 =	vmul.u32 $0x157C00, v8;
	v5 =	vmul.f32 v5, v0;
	v4 =	vld [tilespmem:s16+$0x800];
	v11 =	vadd.s32 v10, v11  }
0xd9: {  	s18 =	simm.s32 $0xC0;
	vm0 =	vlt.u32 v7, $0x160;
	vm1 =	vlt.u32 v10, $0x190;
	v10 =	vmul.u32 $0x160, v11  }
.LBB2_6:
0xda: {  	p1 =	sne.s32 s18, $0x1F00;
	v11 =	vld [tilespmem:s15+$0x1800];
	vm0 =	vmand vm0, vm1;
	vm1 =	vlt.u32 v2, $0xA;
	v2 =	vadd.s32 v7, v8  }
0xdb: {  	v7 =	vtrunc.f32 v9;
	vm0 =	vmand vm0, vm1;
	v8 =	vadd.s32 v10, v2  }
0xdc: {  	v9 =	vmul.f32 v3, v0;
	v2 =	vcvt.f32.s32 v7;
	v3 =	vnsel vm0, $0x55F000, v8  }
.Ltmp4:
0xdd: {  	v10 =	vadd.f32 $4.000000000e+01, v4;
	v4 =	vtrunc.f32 v5;
	v12 =	vadd.f32 $3.000000000e+00, v6;
	[tilespmem:s17+$0x2000] =	vst v3;
	s17 =	smov.u32 s15;
	s15 =	smov.u32 s16;
	(pc) =	sbr.rel @p1 .LBB2_6-.Ltmp4, $4  }
0xde: {  	s16 =	sshra.s32 s18, $0x2;
	v5 =	vtrunc.f32 v9;
	v13 =	vcvt.f32.s32 v4;
	v14 =	vmul.u32 $0x190, v2;
	v3 =	vld [tilespmem:s15+$0x0]  }
0xdf: {  	v7 =	vcvt.f32.s32 v5;
	v4 =	vld [tilespmem:s16+$0x800];
	v8 =	vmul.u32 $0x157C00, v11  }
0xe0: {  	v5 =	vmul.f32 v10, v0;
	v9 =	vmul.f32 v12, v1;
	v10 =	vadd.s32 v13, v14;
	v6 =	vld [tilespmem:s16+$0x1000]  }
0xe1: {  	s18 =	sadd.s32 $0x40, s18;
	vm1 =	vlt.u32 v13, $0x190;
	vm0 =	vlt.u32 v7, $0x160;
	v10 =	vmul.u32 $0x160, v10  }
0xe2: {  	vm0 =	vmand vm0, vm1;
	vm1 =	vlt.u32 v2, $0xA;
	v2 =	vadd.s32 v7, v8  }
0xe3: {  	vm0 =	vmand vm0, vm1;
	v2 =	vadd.s32 v10, v2  }
0xe4: {  	v7 =	vld [tilespmem:s15+$0x1800];
	v8 =	vtrunc.f32 v9;
	v2 =	vnsel vm0, $0x55F000, v2  }
0xe5: {  	v5 =	vtrunc.f32 v5;
	v3 =	vmul.f32 v3, v0;
	[tilespmem:s17+$0x2000] =	vst v2  }
0xe6: {  	v8 =	vcvt.f32.s32 v8;
	v2 =	vadd.f32 $4.000000000e+01, v4;
	v4 =	vadd.f32 $3.000000000e+00, v6;
	v6 =	vld [tilespmem:s16+$0x0]  }
0xe7: {  	v5 =	vcvt.f32.s32 v5;
	v3 =	vtrunc.f32 v3  }
0xe8: {  	v9 =	vmul.u32 $0x190, v8;
	v3 =	vcvt.f32.s32 v3;
	v4 =	vmul.f32 v4, v1  }
0xe9: {  	vm1 =	vlt.u32 v5, $0x190;
	v7 =	vmul.u32 $0x157C00, v7;
	v2 =	vmul.f32 v2, v0  }
0xea: {  	v9 =	vadd.s32 v5, v9;
	v5 =	vld [tilespmem:s16+$0x1800];
	vm0 =	vlt.u32 v3, $0x160;
	v4 =	vtrunc.f32 v4  }
0xeb: {  	v9 =	vmul.u32 $0x160, v9;
	v4 =	vcvt.f32.s32 v4;
	v6 =	vmul.f32 v6, v0  }
0xec: {  	vm0 =	vmand vm0, vm1;
	vm1 =	vlt.u32 v8, $0xA;
	v2 =	vtrunc.f32 v2  }
0xed: {  	v2 =	vcvt.f32.s32 v2;
	v8 =	vmul.u32 $0x190, v4;
	v6 =	vtrunc.f32 v6  }
0xee: {  	v3 =	vadd.s32 v3, v7;
	vm0 =	vmand vm0, vm1;
	v6 =	vcvt.f32.s32 v6  }
0xef: {  	v3 =	vadd.s32 v9, v3;
	v5 =	vmul.u32 $0x157C00, v5;
	v7 =	vadd.s32 v2, v8  }
0xf0: {  	vm2 =	vlt.u32 v2, $0x190;
	v2 =	vmul.u32 $0x160, v7;
	vm1 =	vlt.u32 v6, $0x160  }
0xf1: {  	vm1 =	vmand vm1, vm2;
	vm2 =	vlt.u32 v4, $0xA;
	v4 =	vadd.s32 v6, v5  }
0xf2: {  	v3 =	vnsel vm0, $0x55F000, v3;
	vm0 =	vmand vm1, vm2;
	v2 =	vadd.s32 v2, v4  }
0xf3: {  	[tilespmem:s15+$0x2000] =	vst v3;
	v2 =	vnsel vm0, $0x55F000, v2  }
0xf4: {  	s17 =	rddreg [dreg:$0x12];
	s15 =	simm.s32 $0x0;
	[tilespmem:s16+$0x2000] =	vst v2  }
0xf5: {  	[hbm4b:s17+s15] =	stream.linear.scatter [tilespmem:s13], [sflag:$0x1], $0x7D0, $0x38;
	[tilespmem:$0x2800] =	vst v63  }
0xf6: {  	_ =	swait.ge [sflag:s9], $0x7D0  }
0xf7: {  	[sflag:s9] =	ssyncset.done $0x0  }
0xf8: {  	s18 =	rddreg [dreg:$0x13];
	[sflag:s9] =	ssyncadd.s32 $0xFFFFF830  }
0xf9: {  	[tilespmem:s15], [sflag:$0x1] =	stream.linear.gather [hbm4b:s18+s15], $0x7D0, $0x38;
	[tilespmem:$0x2800] =	vst v63  }
0xfa: {  	_ =	swait.ge [sflag:s9], $0x7D0  }
0xfb: {  	[sflag:s9] =	ssyncset.done $0x0  }
0xfc: {  	[sflag:s9] =	ssyncadd.s32 $0xFFFFF830  }
0xfd: {  	[tilespmem:s10], [sflag:$0x1] =	stream.linear.gather [hbm4b:s19+s15], $0x7D0, $0x38;
	[tilespmem:$0x2800] =	vst v63  }
0xfe: {  	_ =	swait.ge [sflag:s9], $0x7D0  }
0xff: {  	[sflag:s9] =	ssyncset.done $0x0  }
0x100: {  	[sflag:s9] =	ssyncadd.s32 $0xFFFFF830  }
0x101: {  	[tilespmem:s11], [sflag:$0x1] =	stream.linear.gather [hbm4b:s20+s15], $0x7D0, $0x38;
	[tilespmem:$0x2800] =	vst v63  }
0x102: {  	_ =	swait.ge [sflag:s9], $0x7D0  }
0x103: {  	[sflag:s9] =	ssyncset.done $0x0  }
0x104: {  	[sflag:s9] =	ssyncadd.s32 $0xFFFFF830  }
0x105: {  	[tilespmem:s12], [sflag:$0x1] =	stream.linear.gather [hbm4b:s21+s15], $0x7D0, $0x38;
	[tilespmem:$0x2800] =	vst v63  }
0x106: {  	_ =	swait.ge [sflag:s9], $0x7D0  }
0x107: {  	[sflag:s9] =	ssyncset.done $0x0  }
0x108: {  	s17 =	simm.s32 $0x0;
	[sflag:s9] =	ssyncadd.s32 $0xFFFFF830  }
0x109: {  	v2 =	vld [tilespmem:s17+$0x1000];
	_ =	sdelay $0x1  }
0x10a: {  	v3 =	vld [tilespmem:s17+$0x800]  }
0x10b: {  	v4 =	vld [tilespmem:s17+$0x0]  }
0x10c: {  	s15 =	simm.s32 $0x10  }
0x10d: {  	v6 =	vld [tilespmem:s15+$0x1000];
	v2 =	vadd.f32 $3.000000000e+00, v2  }
0x10e: {  	v5 =	vld [tilespmem:s15+$0x800]  }
0x10f: {  	v3 =	vadd.f32 $4.000000000e+01, v3;
	v2 =	vmul.f32 v2, v1  }
0x110: {  	v4 =	vmul.f32 v4, v0  }
0x111: {  	v8 =	vld [tilespmem:s17+$0x1800];
	v3 =	vmul.f32 v3, v0;
	v2 =	vtrunc.f32 v2  }
0x112: {  	v6 =	vadd.f32 $3.000000000e+00, v6;
	v2 =	vcvt.f32.s32 v2  }
0x113: {  	s16 =	simm.s32 $0x20;
	v5 =	vadd.f32 $4.000000000e+01, v5;
	v4 =	vtrunc.f32 v4;
	v3 =	vtrunc.f32 v3  }
0x114: {  	v9 =	vmul.f32 v6, v1;
	v6 =	vld [tilespmem:s16+$0x1000];
	v10 =	vcvt.f32.s32 v3;
	v11 =	vmul.u32 $0x190, v2  }
0x115: {  	v7 =	vcvt.f32.s32 v4;
	v3 =	vld [tilespmem:s15+$0x0]  }
0x116: {  	v8 =	vmul.u32 $0x157C00, v8;
	v5 =	vmul.f32 v5, v0;
	v4 =	vld [tilespmem:s16+$0x800];
	v11 =	vadd.s32 v10, v11  }
0x117: {  	s18 =	simm.s32 $0xC0;
	vm0 =	vlt.u32 v7, $0x160;
	vm1 =	vlt.u32 v10, $0x190;
	v10 =	vmul.u32 $0x160, v11  }
.LBB2_8:
0x118: {  	p1 =	sne.s32 s18, $0x1F00;
	v11 =	vld [tilespmem:s15+$0x1800];
	vm0 =	vmand vm0, vm1;
	vm1 =	vlt.u32 v2, $0xA;
	v2 =	vadd.s32 v7, v8  }
0x119: {  	v7 =	vtrunc.f32 v9;
	vm0 =	vmand vm0, vm1;
	v8 =	vadd.s32 v10, v2  }
0x11a: {  	v9 =	vmul.f32 v3, v0;
	v2 =	vcvt.f32.s32 v7;
	v3 =	vnsel vm0, $0x55F000, v8  }
.Ltmp5:
0x11b: {  	v10 =	vadd.f32 $4.000000000e+01, v4;
	v4 =	vtrunc.f32 v5;
	v12 =	vadd.f32 $3.000000000e+00, v6;
	[tilespmem:s17+$0x2000] =	vst v3;
	s17 =	smov.u32 s15;
	s15 =	smov.u32 s16;
	(pc) =	sbr.rel @p1 .LBB2_8-.Ltmp5, $4  }
0x11c: {  	s16 =	sshra.s32 s18, $0x2;
	v5 =	vtrunc.f32 v9;
	v13 =	vcvt.f32.s32 v4;
	v14 =	vmul.u32 $0x190, v2;
	v3 =	vld [tilespmem:s15+$0x0]  }
0x11d: {  	v7 =	vcvt.f32.s32 v5;
	v4 =	vld [tilespmem:s16+$0x800];
	v8 =	vmul.u32 $0x157C00, v11  }
0x11e: {  	v5 =	vmul.f32 v10, v0;
	v9 =	vmul.f32 v12, v1;
	v10 =	vadd.s32 v13, v14;
	v6 =	vld [tilespmem:s16+$0x1000]  }
0x11f: {  	s18 =	sadd.s32 $0x40, s18;
	vm1 =	vlt.u32 v13, $0x190;
	vm0 =	vlt.u32 v7, $0x160;
	v10 =	vmul.u32 $0x160, v10  }
0x120: {  	vm0 =	vmand vm0, vm1;
	vm1 =	vlt.u32 v2, $0xA;
	v2 =	vadd.s32 v7, v8  }
0x121: {  	vm0 =	vmand vm0, vm1;
	v2 =	vadd.s32 v10, v2  }
0x122: {  	v7 =	vld [tilespmem:s15+$0x1800];
	v8 =	vtrunc.f32 v9;
	v2 =	vnsel vm0, $0x55F000, v2  }
0x123: {  	v5 =	vtrunc.f32 v5;
	v3 =	vmul.f32 v3, v0;
	[tilespmem:s17+$0x2000] =	vst v2  }
0x124: {  	v8 =	vcvt.f32.s32 v8;
	v2 =	vadd.f32 $4.000000000e+01, v4;
	v4 =	vadd.f32 $3.000000000e+00, v6;
	v6 =	vld [tilespmem:s16+$0x0]  }
0x125: {  	v5 =	vcvt.f32.s32 v5;
	v3 =	vtrunc.f32 v3  }
0x126: {  	v9 =	vmul.u32 $0x190, v8;
	v3 =	vcvt.f32.s32 v3;
	v4 =	vmul.f32 v4, v1  }
0x127: {  	vm1 =	vlt.u32 v5, $0x190;
	v7 =	vmul.u32 $0x157C00, v7;
	v2 =	vmul.f32 v2, v0  }
0x128: {  	v9 =	vadd.s32 v5, v9;
	v5 =	vld [tilespmem:s16+$0x1800];
	vm0 =	vlt.u32 v3, $0x160;
	v4 =	vtrunc.f32 v4  }
0x129: {  	v9 =	vmul.u32 $0x160, v9;
	v4 =	vcvt.f32.s32 v4;
	v6 =	vmul.f32 v6, v0  }
0x12a: {  	vm0 =	vmand vm0, vm1;
	vm1 =	vlt.u32 v8, $0xA;
	v2 =	vtrunc.f32 v2  }
0x12b: {  	v2 =	vcvt.f32.s32 v2;
	v8 =	vmul.u32 $0x190, v4;
	v6 =	vtrunc.f32 v6  }
0x12c: {  	v3 =	vadd.s32 v3, v7;
	vm0 =	vmand vm0, vm1;
	v6 =	vcvt.f32.s32 v6  }
0x12d: {  	v3 =	vadd.s32 v9, v3;
	v5 =	vmul.u32 $0x157C00, v5;
	v7 =	vadd.s32 v2, v8  }
0x12e: {  	vm2 =	vlt.u32 v2, $0x190;
	v2 =	vmul.u32 $0x160, v7;
	vm1 =	vlt.u32 v6, $0x160  }
0x12f: {  	vm1 =	vmand vm1, vm2;
	vm2 =	vlt.u32 v4, $0xA;
	v4 =	vadd.s32 v6, v5  }
0x130: {  	v3 =	vnsel vm0, $0x55F000, v3;
	vm0 =	vmand vm1, vm2;
	v2 =	vadd.s32 v2, v4  }
0x131: {  	[tilespmem:s15+$0x2000] =	vst v3;
	v2 =	vnsel vm0, $0x55F000, v2  }
0x132: {  	s18 =	simm.s32 $0x0;
	[tilespmem:s16+$0x2000] =	vst v2  }
0x133: {  	[hbm4b:s22+s18] =	stream.linear.scatter [tilespmem:s13], [sflag:$0x1], $0x7D0, $0x38;
	[tilespmem:$0x2800] =	vst v63  }
0x134: {  	_ =	swait.ge [sflag:s9], $0x7D0  }
0x135: {  	[sflag:s9] =	ssyncset.done $0x0  }
0x136: {  	[sflag:s9] =	ssyncadd.s32 $0xFFFFF830  }
0x137: {  	[tilespmem:s18], [sflag:$0x1] =	stream.linear.gather [hbm4b:s23+s18], $0x7D0, $0x38;
	[tilespmem:$0x2800] =	vst v63  }
0x138: {  	_ =	swait.ge [sflag:s9], $0x7D0  }
0x139: {  	[sflag:s9] =	ssyncset.done $0x0  }
0x13a: {  	[sflag:s9] =	ssyncadd.s32 $0xFFFFF830  }
0x13b: {  	[tilespmem:s10], [sflag:$0x1] =	stream.linear.gather [hbm4b:s24+s18], $0x7D0, $0x38;
	[tilespmem:$0x2800] =	vst v63  }
0x13c: {  	_ =	swait.ge [sflag:s9], $0x7D0  }
0x13d: {  	[sflag:s9] =	ssyncset.done $0x0  }
0x13e: {  	[sflag:s9] =	ssyncadd.s32 $0xFFFFF830  }
0x13f: {  	[tilespmem:s11], [sflag:$0x1] =	stream.linear.gather [hbm4b:s25+s18], $0x7D0, $0x38;
	[tilespmem:$0x2800] =	vst v63  }
0x140: {  	_ =	swait.ge [sflag:s9], $0x7D0  }
0x141: {  	[sflag:s9] =	ssyncset.done $0x0  }
0x142: {  	[sflag:s9] =	ssyncadd.s32 $0xFFFFF830  }
0x143: {  	[tilespmem:s12], [sflag:$0x1] =	stream.linear.gather [hbm4b:s26+s18], $0x7D0, $0x38;
	[tilespmem:$0x2800] =	vst v63  }
0x144: {  	_ =	swait.ge [sflag:s9], $0x7D0  }
0x145: {  	[sflag:s9] =	ssyncset.done $0x0  }
0x146: {  	s17 =	simm.s32 $0x0;
	[sflag:s9] =	ssyncadd.s32 $0xFFFFF830  }
0x147: {  	v2 =	vld [tilespmem:s17+$0x1000];
	_ =	sdelay $0x1  }
0x148: {  	v3 =	vld [tilespmem:s17+$0x800]  }
0x149: {  	v4 =	vld [tilespmem:s17+$0x0]  }
0x14a: {  	s15 =	simm.s32 $0x10  }
0x14b: {  	v6 =	vld [tilespmem:s15+$0x1000];
	v2 =	vadd.f32 $3.000000000e+00, v2  }
0x14c: {  	v5 =	vld [tilespmem:s15+$0x800]  }
0x14d: {  	v3 =	vadd.f32 $4.000000000e+01, v3;
	v2 =	vmul.f32 v2, v1  }
0x14e: {  	v4 =	vmul.f32 v4, v0  }
0x14f: {  	v8 =	vld [tilespmem:s17+$0x1800];
	v3 =	vmul.f32 v3, v0;
	v2 =	vtrunc.f32 v2  }
0x150: {  	v6 =	vadd.f32 $3.000000000e+00, v6;
	v2 =	vcvt.f32.s32 v2  }
0x151: {  	s16 =	simm.s32 $0x20;
	v5 =	vadd.f32 $4.000000000e+01, v5;
	v4 =	vtrunc.f32 v4;
	v3 =	vtrunc.f32 v3  }
0x152: {  	v9 =	vmul.f32 v6, v1;
	v6 =	vld [tilespmem:s16+$0x1000];
	v10 =	vcvt.f32.s32 v3;
	v11 =	vmul.u32 $0x190, v2  }
0x153: {  	v7 =	vcvt.f32.s32 v4;
	v3 =	vld [tilespmem:s15+$0x0]  }
0x154: {  	v8 =	vmul.u32 $0x157C00, v8;
	v5 =	vmul.f32 v5, v0;
	v4 =	vld [tilespmem:s16+$0x800];
	v11 =	vadd.s32 v10, v11  }
0x155: {  	s18 =	simm.s32 $0xC0;
	vm0 =	vlt.u32 v7, $0x160;
	vm1 =	vlt.u32 v10, $0x190;
	v10 =	vmul.u32 $0x160, v11  }
.LBB2_10:
0x156: {  	p1 =	sne.s32 s18, $0x1F00;
	v11 =	vld [tilespmem:s15+$0x1800];
	vm0 =	vmand vm0, vm1;
	vm1 =	vlt.u32 v2, $0xA;
	v2 =	vadd.s32 v7, v8  }
0x157: {  	v7 =	vtrunc.f32 v9;
	vm0 =	vmand vm0, vm1;
	v8 =	vadd.s32 v10, v2  }
0x158: {  	v9 =	vmul.f32 v3, v0;
	v2 =	vcvt.f32.s32 v7;
	v3 =	vnsel vm0, $0x55F000, v8  }
.Ltmp6:
0x159: {  	v10 =	vadd.f32 $4.000000000e+01, v4;
	v4 =	vtrunc.f32 v5;
	v12 =	vadd.f32 $3.000000000e+00, v6;
	[tilespmem:s17+$0x2000] =	vst v3;
	s17 =	smov.u32 s15;
	s15 =	smov.u32 s16;
	(pc) =	sbr.rel @p1 .LBB2_10-.Ltmp6, $4  }
0x15a: {  	s16 =	sshra.s32 s18, $0x2;
	v5 =	vtrunc.f32 v9;
	v13 =	vcvt.f32.s32 v4;
	v14 =	vmul.u32 $0x190, v2;
	v3 =	vld [tilespmem:s15+$0x0]  }
0x15b: {  	v7 =	vcvt.f32.s32 v5;
	v4 =	vld [tilespmem:s16+$0x800];
	v8 =	vmul.u32 $0x157C00, v11  }
0x15c: {  	v5 =	vmul.f32 v10, v0;
	v9 =	vmul.f32 v12, v1;
	v10 =	vadd.s32 v13, v14;
	v6 =	vld [tilespmem:s16+$0x1000]  }
0x15d: {  	s18 =	sadd.s32 $0x40, s18;
	vm1 =	vlt.u32 v13, $0x190;
	vm0 =	vlt.u32 v7, $0x160;
	v10 =	vmul.u32 $0x160, v10  }
0x15e: {  	vm0 =	vmand vm0, vm1;
	vm1 =	vlt.u32 v2, $0xA;
	v2 =	vadd.s32 v7, v8  }
0x15f: {  	vm0 =	vmand vm0, vm1;
	v2 =	vadd.s32 v10, v2  }
0x160: {  	v7 =	vld [tilespmem:s15+$0x1800];
	v8 =	vtrunc.f32 v9;
	v2 =	vnsel vm0, $0x55F000, v2  }
0x161: {  	v5 =	vtrunc.f32 v5;
	v3 =	vmul.f32 v3, v0;
	[tilespmem:s17+$0x2000] =	vst v2  }
0x162: {  	v8 =	vcvt.f32.s32 v8;
	v2 =	vadd.f32 $4.000000000e+01, v4;
	v4 =	vadd.f32 $3.000000000e+00, v6;
	v6 =	vld [tilespmem:s16+$0x0]  }
0x163: {  	v5 =	vcvt.f32.s32 v5;
	v3 =	vtrunc.f32 v3  }
0x164: {  	v9 =	vmul.u32 $0x190, v8;
	v3 =	vcvt.f32.s32 v3;
	v4 =	vmul.f32 v4, v1  }
0x165: {  	vm1 =	vlt.u32 v5, $0x190;
	v7 =	vmul.u32 $0x157C00, v7;
	v2 =	vmul.f32 v2, v0  }
0x166: {  	v9 =	vadd.s32 v5, v9;
	v5 =	vld [tilespmem:s16+$0x1800];
	vm0 =	vlt.u32 v3, $0x160;
	v4 =	vtrunc.f32 v4  }
0x167: {  	v9 =	vmul.u32 $0x160, v9;
	v4 =	vcvt.f32.s32 v4;
	v6 =	vmul.f32 v6, v0  }
0x168: {  	vm0 =	vmand vm0, vm1;
	vm1 =	vlt.u32 v8, $0xA;
	v2 =	vtrunc.f32 v2  }
0x169: {  	v2 =	vcvt.f32.s32 v2;
	v8 =	vmul.u32 $0x190, v4;
	v6 =	vtrunc.f32 v6  }
0x16a: {  	v3 =	vadd.s32 v3, v7;
	vm0 =	vmand vm0, vm1;
	v6 =	vcvt.f32.s32 v6  }
0x16b: {  	v3 =	vadd.s32 v9, v3;
	v5 =	vmul.u32 $0x157C00, v5;
	v7 =	vadd.s32 v2, v8  }
0x16c: {  	vm2 =	vlt.u32 v2, $0x190;
	v2 =	vmul.u32 $0x160, v7;
	vm1 =	vlt.u32 v6, $0x160  }
0x16d: {  	vm1 =	vmand vm1, vm2;
	vm2 =	vlt.u32 v4, $0xA;
	v4 =	vadd.s32 v6, v5  }
0x16e: {  	v3 =	vnsel vm0, $0x55F000, v3;
	vm0 =	vmand vm1, vm2;
	v2 =	vadd.s32 v2, v4  }
0x16f: {  	[tilespmem:s15+$0x2000] =	vst v3;
	v2 =	vnsel vm0, $0x55F000, v2  }
0x170: {  	s18 =	simm.s32 $0x0;
	[tilespmem:s16+$0x2000] =	vst v2  }
0x171: {  	[hbm4b:s28+s18] =	stream.linear.scatter [tilespmem:s13], [sflag:$0x1], $0x7D0, $0x38;
	[tilespmem:$0x2800] =	vst v63  }
0x172: {  	_ =	swait.ge [sflag:s9], $0x7D0  }
0x173: {  	[sflag:s9] =	ssyncset.done $0x0  }
0x174: {  	[sflag:s9] =	ssyncadd.s32 $0xFFFFF830  }
0x175: {  	[tilespmem:s18], [sflag:$0x1] =	stream.linear.gather [hbm4b:s29+s18], $0x7D0, $0x38;
	[tilespmem:$0x2800] =	vst v63  }
0x176: {  	_ =	swait.ge [sflag:s9], $0x7D0  }
0x177: {  	[sflag:s9] =	ssyncset.done $0x0  }
0x178: {  	[sflag:s9] =	ssyncadd.s32 $0xFFFFF830  }
0x179: {  	[tilespmem:s10], [sflag:$0x1] =	stream.linear.gather [hbm4b:s30+s18], $0x7D0, $0x38;
	[tilespmem:$0x2800] =	vst v63  }
0x17a: {  	_ =	swait.ge [sflag:s9], $0x7D0  }
0x17b: {  	[sflag:s9] =	ssyncset.done $0x0  }
0x17c: {  	[sflag:s9] =	ssyncadd.s32 $0xFFFFF830  }
0x17d: {  	[tilespmem:s11], [sflag:$0x1] =	stream.linear.gather [hbm4b:s31+s18], $0x7D0, $0x38;
	[tilespmem:$0x2800] =	vst v63  }
0x17e: {  	_ =	swait.ge [sflag:s9], $0x7D0  }
0x17f: {  	[sflag:s9] =	ssyncset.done $0x0  }
0x180: {  	[sflag:s9] =	ssyncadd.s32 $0xFFFFF830  }
0x181: {  	[tilespmem:s12], [sflag:$0x1] =	stream.linear.gather [hbm4b:s0+s18], $0x7D0, $0x38;
	[tilespmem:$0x2800] =	vst v63  }
0x182: {  	_ =	swait.ge [sflag:s9], $0x7D0  }
0x183: {  	[sflag:s9] =	ssyncset.done $0x0  }
0x184: {  	s17 =	simm.s32 $0x0;
	[sflag:s9] =	ssyncadd.s32 $0xFFFFF830  }
0x185: {  	v2 =	vld [tilespmem:s17+$0x1000];
	_ =	sdelay $0x1  }
0x186: {  	v3 =	vld [tilespmem:s17+$0x800]  }
0x187: {  	v4 =	vld [tilespmem:s17+$0x0]  }
0x188: {  	s15 =	simm.s32 $0x10  }
0x189: {  	v6 =	vld [tilespmem:s15+$0x1000];
	v2 =	vadd.f32 $3.000000000e+00, v2  }
0x18a: {  	v5 =	vld [tilespmem:s15+$0x800]  }
0x18b: {  	v3 =	vadd.f32 $4.000000000e+01, v3;
	v2 =	vmul.f32 v2, v1  }
0x18c: {  	v4 =	vmul.f32 v4, v0  }
0x18d: {  	v8 =	vld [tilespmem:s17+$0x1800];
	v3 =	vmul.f32 v3, v0;
	v2 =	vtrunc.f32 v2  }
0x18e: {  	v6 =	vadd.f32 $3.000000000e+00, v6;
	v2 =	vcvt.f32.s32 v2  }
0x18f: {  	s16 =	simm.s32 $0x20;
	v5 =	vadd.f32 $4.000000000e+01, v5;
	v4 =	vtrunc.f32 v4;
	v3 =	vtrunc.f32 v3  }
0x190: {  	v9 =	vmul.f32 v6, v1;
	v6 =	vld [tilespmem:s16+$0x1000];
	v10 =	vcvt.f32.s32 v3;
	v11 =	vmul.u32 $0x190, v2  }
0x191: {  	v7 =	vcvt.f32.s32 v4;
	v3 =	vld [tilespmem:s15+$0x0]  }
0x192: {  	v8 =	vmul.u32 $0x157C00, v8;
	v5 =	vmul.f32 v5, v0;
	v4 =	vld [tilespmem:s16+$0x800];
	v11 =	vadd.s32 v10, v11  }
0x193: {  	s18 =	simm.s32 $0xC0;
	vm0 =	vlt.u32 v7, $0x160;
	vm1 =	vlt.u32 v10, $0x190;
	v10 =	vmul.u32 $0x160, v11  }
.LBB2_12:
0x194: {  	p1 =	sne.s32 s18, $0x1F00;
	v11 =	vld [tilespmem:s15+$0x1800];
	vm0 =	vmand vm0, vm1;
	vm1 =	vlt.u32 v2, $0xA;
	v2 =	vadd.s32 v7, v8  }
0x195: {  	v7 =	vtrunc.f32 v9;
	vm0 =	vmand vm0, vm1;
	v8 =	vadd.s32 v10, v2  }
0x196: {  	v9 =	vmul.f32 v3, v0;
	v2 =	vcvt.f32.s32 v7;
	v3 =	vnsel vm0, $0x55F000, v8  }
.Ltmp7:
0x197: {  	v10 =	vadd.f32 $4.000000000e+01, v4;
	v4 =	vtrunc.f32 v5;
	v12 =	vadd.f32 $3.000000000e+00, v6;
	[tilespmem:s17+$0x2000] =	vst v3;
	s17 =	smov.u32 s15;
	s15 =	smov.u32 s16;
	(pc) =	sbr.rel @p1 .LBB2_12-.Ltmp7, $4  }
0x198: {  	s16 =	sshra.s32 s18, $0x2;
	v5 =	vtrunc.f32 v9;
	v13 =	vcvt.f32.s32 v4;
	v14 =	vmul.u32 $0x190, v2;
	v3 =	vld [tilespmem:s15+$0x0]  }
0x199: {  	v7 =	vcvt.f32.s32 v5;
	v4 =	vld [tilespmem:s16+$0x800];
	v8 =	vmul.u32 $0x157C00, v11  }
0x19a: {  	v5 =	vmul.f32 v10, v0;
	v9 =	vmul.f32 v12, v1;
	v10 =	vadd.s32 v13, v14;
	v6 =	vld [tilespmem:s16+$0x1000]  }
0x19b: {  	s18 =	sadd.s32 $0x40, s18;
	vm1 =	vlt.u32 v13, $0x190;
	vm0 =	vlt.u32 v7, $0x160;
	v10 =	vmul.u32 $0x160, v10  }
0x19c: {  	vm0 =	vmand vm0, vm1;
	vm1 =	vlt.u32 v2, $0xA;
	v2 =	vadd.s32 v7, v8  }
0x19d: {  	vm0 =	vmand vm0, vm1;
	v2 =	vadd.s32 v10, v2  }
0x19e: {  	v7 =	vld [tilespmem:s15+$0x1800];
	v8 =	vtrunc.f32 v9;
	v2 =	vnsel vm0, $0x55F000, v2  }
0x19f: {  	v5 =	vtrunc.f32 v5;
	v3 =	vmul.f32 v3, v0;
	[tilespmem:s17+$0x2000] =	vst v2  }
0x1a0: {  	v8 =	vcvt.f32.s32 v8;
	v2 =	vadd.f32 $4.000000000e+01, v4;
	v4 =	vadd.f32 $3.000000000e+00, v6;
	v6 =	vld [tilespmem:s16+$0x0]  }
0x1a1: {  	v5 =	vcvt.f32.s32 v5;
	v3 =	vtrunc.f32 v3  }
0x1a2: {  	v9 =	vmul.u32 $0x190, v8;
	v3 =	vcvt.f32.s32 v3;
	v4 =	vmul.f32 v4, v1  }
0x1a3: {  	vm1 =	vlt.u32 v5, $0x190;
	v7 =	vmul.u32 $0x157C00, v7;
	v2 =	vmul.f32 v2, v0  }
0x1a4: {  	v9 =	vadd.s32 v5, v9;
	v5 =	vld [tilespmem:s16+$0x1800];
	vm0 =	vlt.u32 v3, $0x160;
	v4 =	vtrunc.f32 v4  }
0x1a5: {  	v9 =	vmul.u32 $0x160, v9;
	v4 =	vcvt.f32.s32 v4;
	v6 =	vmul.f32 v6, v0  }
0x1a6: {  	vm0 =	vmand vm0, vm1;
	vm1 =	vlt.u32 v8, $0xA;
	v2 =	vtrunc.f32 v2  }
0x1a7: {  	v2 =	vcvt.f32.s32 v2;
	v8 =	vmul.u32 $0x190, v4;
	v6 =	vtrunc.f32 v6  }
0x1a8: {  	v3 =	vadd.s32 v3, v7;
	vm0 =	vmand vm0, vm1;
	v6 =	vcvt.f32.s32 v6  }
0x1a9: {  	v3 =	vadd.s32 v9, v3;
	v5 =	vmul.u32 $0x157C00, v5;
	v7 =	vadd.s32 v2, v8  }
0x1aa: {  	vm2 =	vlt.u32 v2, $0x190;
	v2 =	vmul.u32 $0x160, v7;
	vm1 =	vlt.u32 v6, $0x160  }
0x1ab: {  	vm1 =	vmand vm1, vm2;
	vm2 =	vlt.u32 v4, $0xA;
	v4 =	vadd.s32 v6, v5  }
0x1ac: {  	v3 =	vnsel vm0, $0x55F000, v3;
	vm0 =	vmand vm1, vm2;
	v2 =	vadd.s32 v2, v4  }
0x1ad: {  	[tilespmem:s15+$0x2000] =	vst v3;
	v2 =	vnsel vm0, $0x55F000, v2  }
0x1ae: {  	s18 =	simm.s32 $0x0;
	[tilespmem:s16+$0x2000] =	vst v2  }
0x1af: {  	[hbm4b:s1+s18] =	stream.linear.scatter [tilespmem:s13], [sflag:$0x1], $0x7D0, $0x38;
	[tilespmem:$0x2800] =	vst v63  }
0x1b0: {  	_ =	swait.ge [sflag:s9], $0x7D0  }
0x1b1: {  	[sflag:s9] =	ssyncset.done $0x0  }
0x1b2: {  	[sflag:s9] =	ssyncadd.s32 $0xFFFFF830  }
0x1b3: {  	[tilespmem:s18], [sflag:$0x1] =	stream.linear.gather [hbm4b:s3+s18], $0x7D0, $0x38;
	[tilespmem:$0x2800] =	vst v63  }
0x1b4: {  	_ =	swait.ge [sflag:s9], $0x7D0  }
0x1b5: {  	[sflag:s9] =	ssyncset.done $0x0  }
0x1b6: {  	[sflag:s9] =	ssyncadd.s32 $0xFFFFF830  }
0x1b7: {  	[tilespmem:s10], [sflag:$0x1] =	stream.linear.gather [hbm4b:s4+s18], $0x7D0, $0x38;
	[tilespmem:$0x2800] =	vst v63  }
0x1b8: {  	_ =	swait.ge [sflag:s9], $0x7D0  }
0x1b9: {  	[sflag:s9] =	ssyncset.done $0x0  }
0x1ba: {  	[sflag:s9] =	ssyncadd.s32 $0xFFFFF830  }
0x1bb: {  	[tilespmem:s11], [sflag:$0x1] =	stream.linear.gather [hbm4b:s5+s18], $0x7D0, $0x38;
	[tilespmem:$0x2800] =	vst v63  }
0x1bc: {  	_ =	swait.ge [sflag:s9], $0x7D0  }
0x1bd: {  	[sflag:s9] =	ssyncset.done $0x0  }
0x1be: {  	[sflag:s9] =	ssyncadd.s32 $0xFFFFF830  }
0x1bf: {  	[tilespmem:s12], [sflag:$0x1] =	stream.linear.gather [hbm4b:s6+s18], $0x7D0, $0x38;
	[tilespmem:$0x2800] =	vst v63  }
0x1c0: {  	_ =	swait.ge [sflag:s9], $0x7D0  }
0x1c1: {  	[sflag:s9] =	ssyncset.done $0x0  }
0x1c2: {  	s17 =	simm.s32 $0x0;
	[sflag:s9] =	ssyncadd.s32 $0xFFFFF830  }
0x1c3: {  	v2 =	vld [tilespmem:s17+$0x1000];
	_ =	sdelay $0x1  }
0x1c4: {  	v3 =	vld [tilespmem:s17+$0x800]  }
0x1c5: {  	v4 =	vld [tilespmem:s17+$0x0]  }
0x1c6: {  	s15 =	simm.s32 $0x10  }
0x1c7: {  	v6 =	vld [tilespmem:s15+$0x1000];
	v2 =	vadd.f32 $3.000000000e+00, v2  }
0x1c8: {  	v5 =	vld [tilespmem:s15+$0x800]  }
0x1c9: {  	v3 =	vadd.f32 $4.000000000e+01, v3;
	v2 =	vmul.f32 v2, v1  }
0x1ca: {  	v4 =	vmul.f32 v4, v0  }
0x1cb: {  	v8 =	vld [tilespmem:s17+$0x1800];
	v3 =	vmul.f32 v3, v0;
	v2 =	vtrunc.f32 v2  }
0x1cc: {  	v6 =	vadd.f32 $3.000000000e+00, v6;
	v2 =	vcvt.f32.s32 v2  }
0x1cd: {  	s16 =	simm.s32 $0x20;
	v5 =	vadd.f32 $4.000000000e+01, v5;
	v4 =	vtrunc.f32 v4;
	v3 =	vtrunc.f32 v3  }
0x1ce: {  	v9 =	vmul.f32 v6, v1;
	v6 =	vld [tilespmem:s16+$0x1000];
	v10 =	vcvt.f32.s32 v3;
	v11 =	vmul.u32 $0x190, v2  }
0x1cf: {  	v7 =	vcvt.f32.s32 v4;
	v3 =	vld [tilespmem:s15+$0x0]  }
0x1d0: {  	v8 =	vmul.u32 $0x157C00, v8;
	v5 =	vmul.f32 v5, v0;
	v4 =	vld [tilespmem:s16+$0x800];
	v11 =	vadd.s32 v10, v11  }
0x1d1: {  	s18 =	simm.s32 $0xC0;
	vm0 =	vlt.u32 v7, $0x160;
	vm1 =	vlt.u32 v10, $0x190;
	v10 =	vmul.u32 $0x160, v11  }
.LBB2_14:
0x1d2: {  	p1 =	sne.s32 s18, $0x1F00;
	v11 =	vld [tilespmem:s15+$0x1800];
	vm0 =	vmand vm0, vm1;
	vm1 =	vlt.u32 v2, $0xA;
	v2 =	vadd.s32 v7, v8  }
0x1d3: {  	v7 =	vtrunc.f32 v9;
	vm0 =	vmand vm0, vm1;
	v8 =	vadd.s32 v10, v2  }
0x1d4: {  	v9 =	vmul.f32 v3, v0;
	v2 =	vcvt.f32.s32 v7;
	v3 =	vnsel vm0, $0x55F000, v8  }
.Ltmp8:
0x1d5: {  	v10 =	vadd.f32 $4.000000000e+01, v4;
	v4 =	vtrunc.f32 v5;
	v12 =	vadd.f32 $3.000000000e+00, v6;
	[tilespmem:s17+$0x2000] =	vst v3;
	s17 =	smov.u32 s15;
	s15 =	smov.u32 s16;
	(pc) =	sbr.rel @p1 .LBB2_14-.Ltmp8, $4  }
0x1d6: {  	s16 =	sshra.s32 s18, $0x2;
	v5 =	vtrunc.f32 v9;
	v13 =	vcvt.f32.s32 v4;
	v14 =	vmul.u32 $0x190, v2;
	v3 =	vld [tilespmem:s15+$0x0]  }
0x1d7: {  	v7 =	vcvt.f32.s32 v5;
	v4 =	vld [tilespmem:s16+$0x800];
	v8 =	vmul.u32 $0x157C00, v11  }
0x1d8: {  	v5 =	vmul.f32 v10, v0;
	v9 =	vmul.f32 v12, v1;
	v10 =	vadd.s32 v13, v14;
	v6 =	vld [tilespmem:s16+$0x1000]  }
0x1d9: {  	s18 =	sadd.s32 $0x40, s18;
	vm1 =	vlt.u32 v13, $0x190;
	vm0 =	vlt.u32 v7, $0x160;
	v10 =	vmul.u32 $0x160, v10  }
0x1da: {  	vm0 =	vmand vm0, vm1;
	vm9 =	vlt.u32 v2, $0xA;
	v2 =	vadd.s32 v7, v8  }
0x1db: {  	vm0 =	vmand vm0, vm9;
	v2 =	vadd.s32 v10, v2  }
0x1dc: {  	v55 =	vld [tilespmem:s15+$0x1800];
	v56 =	vtrunc.f32 v9;
	v2 =	vnsel vm0, $0x55F000, v2  }
0x1dd: {  	v5 =	vtrunc.f32 v5;
	v3 =	vmul.f32 v3, v0;
	[tilespmem:s17+$0x2000] =	vst v2  }
0x1de: {  	v8 =	vcvt.f32.s32 v56;
	v5 =	vcvt.f32.s32 v5;
	v57 =	vadd.f32 $3.000000000e+00, v6;
	v58 =	vld [tilespmem:s16+$0x0]  }
0x1df: {  	v2 =	vadd.f32 $4.000000000e+01, v4;
	v3 =	vtrunc.f32 v3  }
0x1e0: {  	v59 =	vmul.u32 $0x190, v8;
	vm11 =	vlt.u32 v5, $0x190;
	v4 =	vmul.f32 v57, v1  }
0x1e1: {  	vm12 =	vlt.u32 v8, $0xA;
	v3 =	vcvt.f32.s32 v3;
	v7 =	vmul.u32 $0x157C00, v55  }
0x1e2: {  	v60 =	vld [tilespmem:s16+$0x1800];
	v2 =	vmul.f32 v2, v0;
	v9 =	vadd.s32 v5, v59;
	v4 =	vtrunc.f32 v4  }
0x1e3: {  	vm10 =	vlt.u32 v3, $0x160;
	v4 =	vcvt.f32.s32 v4;
	v6 =	vmul.f32 v58, v0  }
0x1e4: {  	v9 =	vmul.u32 $0x160, v9;
	vm0 =	vmand vm10, vm11;
	v2 =	vtrunc.f32 v2  }
0x1e5: {  	v2 =	vcvt.f32.s32 v2;
	v61 =	vmul.u32 $0x190, v4;
	v6 =	vtrunc.f32 v6  }
0x1e6: {  	v3 =	vadd.s32 v3, v7;
	vm0 =	vmand vm0, vm12;
	v6 =	vcvt.f32.s32 v6  }
0x1e7: {  	v3 =	vadd.s32 v9, v3;
	v5 =	vmul.u32 $0x157C00, v60;
	v62 =	vadd.s32 v2, v61  }
0x1e8: {  	vm2 =	vlt.u32 v2, $0x190;
	v2 =	vmul.u32 $0x160, v62;
	vm13 =	vlt.u32 v6, $0x160  }
0x1e9: {  	vm14 =	vlt.u32 v4, $0xA;
	v63 =	vadd.s32 v6, v5;
	vm1 =	vmand vm13, vm2  }
0x1ea: {  	v3 =	vnsel vm0, $0x55F000, v3;
	v2 =	vadd.s32 v2, v63;
	vm15 =	vmand vm1, vm14  }
0x1eb: {  	[tilespmem:s15+$0x2000] =	vst v3;
	v2 =	vnsel vm15, $0x55F000, v2  }
.Ltmp9:
0x1ec: {  	[tilespmem:s16+$0x2000] =	vst v2;
	(pc) =	sbr.rel @p0 .LBB2_19-.Ltmp9, $4  }
0x1ed: {  	[hbm4b:s7+s2] =	stream.linear.scatter [tilespmem:s13], [sflag:$0x1], $0x7D0, $0x38;
	[tilespmem:$0x2800] =	vst v63  }
0x1ee: {  	_ =	swait.ge [sflag:s9], $0x7D0  }
0x1ef: {  	[sflag:s9] =	ssyncset.done $0x0  }
0x1f0: {  	[sflag:s9] =	ssyncadd.s32 $0xFFFFF830  }
0x1f1: {  	s15 =	simm.s32 $0x0;
	s16 =	rddreg [dreg:$0x14]  }
0x1f2: {  	[tilespmem:s15], [sflag:$0x1] =	stream.linear.gather [hbm4b:s16+s15], $0x7D0, $0x38;
	[tilespmem:$0x2800] =	vst v63  }
0x1f3: {  	_ =	swait.ge [sflag:s9], $0x7D0  }
0x1f4: {  	[sflag:s9] =	ssyncset.done $0x0  }
0x1f5: {  	s18 =	rddreg [dreg:$0x15];
	[sflag:s9] =	ssyncadd.s32 $0xFFFFF830  }
0x1f6: {  	[tilespmem:s10], [sflag:$0x1] =	stream.linear.gather [hbm4b:s18+s15], $0x7D0, $0x38;
	[tilespmem:$0x2800] =	vst v63  }
0x1f7: {  	_ =	swait.ge [sflag:s9], $0x7D0  }
0x1f8: {  	[sflag:s9] =	ssyncset.done $0x0  }
0x1f9: {  	s17 =	rddreg [dreg:$0x16];
	[sflag:s9] =	ssyncadd.s32 $0xFFFFF830  }
0x1fa: {  	[tilespmem:s11], [sflag:$0x1] =	stream.linear.gather [hbm4b:s17+s15], $0x7D0, $0x38;
	[tilespmem:$0x2800] =	vst v63  }
0x1fb: {  	_ =	swait.ge [sflag:s9], $0x7D0  }
0x1fc: {  	[sflag:s9] =	ssyncset.done $0x0  }
0x1fd: {  	s18 =	rddreg [dreg:$0x17];
	[sflag:s9] =	ssyncadd.s32 $0xFFFFF830  }
0x1fe: {  	[tilespmem:s12], [sflag:$0x1] =	stream.linear.gather [hbm4b:s18+s15], $0x7D0, $0x38;
	[tilespmem:$0x2800] =	vst v63  }
0x1ff: {  	_ =	swait.ge [sflag:s9], $0x7D0  }
0x200: {  	[sflag:s9] =	ssyncset.done $0x0  }
0x201: {  	s17 =	simm.s32 $0x0;
	[sflag:s9] =	ssyncadd.s32 $0xFFFFF830  }
0x202: {  	v2 =	vld [tilespmem:s17+$0x1000];
	_ =	sdelay $0x1  }
0x203: {  	v3 =	vld [tilespmem:s17+$0x800]  }
0x204: {  	v4 =	vld [tilespmem:s17+$0x0]  }
0x205: {  	s15 =	simm.s32 $0x10  }
0x206: {  	v6 =	vld [tilespmem:s15+$0x1000];
	v2 =	vadd.f32 $3.000000000e+00, v2  }
0x207: {  	v5 =	vld [tilespmem:s15+$0x800]  }
0x208: {  	v3 =	vadd.f32 $4.000000000e+01, v3;
	v2 =	vmul.f32 v2, v1  }
0x209: {  	v4 =	vmul.f32 v4, v0  }
0x20a: {  	v8 =	vld [tilespmem:s17+$0x1800];
	v3 =	vmul.f32 v3, v0;
	v2 =	vtrunc.f32 v2  }
0x20b: {  	v6 =	vadd.f32 $3.000000000e+00, v6;
	v2 =	vcvt.f32.s32 v2  }
0x20c: {  	s16 =	simm.s32 $0x20;
	v5 =	vadd.f32 $4.000000000e+01, v5;
	v4 =	vtrunc.f32 v4;
	v3 =	vtrunc.f32 v3  }
0x20d: {  	v9 =	vmul.f32 v6, v1;
	v6 =	vld [tilespmem:s16+$0x1000];
	v10 =	vcvt.f32.s32 v3;
	v11 =	vmul.u32 $0x190, v2  }
0x20e: {  	v7 =	vcvt.f32.s32 v4;
	v3 =	vld [tilespmem:s15+$0x0]  }
0x20f: {  	v8 =	vmul.u32 $0x157C00, v8;
	v5 =	vmul.f32 v5, v0;
	v4 =	vld [tilespmem:s16+$0x800];
	v11 =	vadd.s32 v10, v11  }
0x210: {  	s18 =	simm.s32 $0xC0;
	vm0 =	vlt.u32 v7, $0x160;
	vm1 =	vlt.u32 v10, $0x190;
	v10 =	vmul.u32 $0x160, v11  }
.LBB2_17:
0x211: {  	p1 =	sne.s32 s18, $0x1F00;
	v11 =	vld [tilespmem:s15+$0x1800];
	vm0 =	vmand vm0, vm1;
	vm1 =	vlt.u32 v2, $0xA;
	v2 =	vadd.s32 v7, v8  }
0x212: {  	v7 =	vtrunc.f32 v9;
	vm0 =	vmand vm0, vm1;
	v8 =	vadd.s32 v10, v2  }
0x213: {  	v9 =	vmul.f32 v3, v0;
	v2 =	vcvt.f32.s32 v7;
	v3 =	vnsel vm0, $0x55F000, v8  }
.Ltmp10:
0x214: {  	v12 =	vadd.f32 $3.000000000e+00, v6;
	v10 =	vadd.f32 $4.000000000e+01, v4;
	v4 =	vtrunc.f32 v5;
	[tilespmem:s17+$0x2000] =	vst v3;
	s17 =	smov.u32 s15;
	s15 =	smov.u32 s16;
	(pc) =	sbr.rel @p1 .LBB2_17-.Ltmp10, $4  }
0x215: {  	v5 =	vtrunc.f32 v9;
	v13 =	vcvt.f32.s32 v4;
	s16 =	sshra.s32 s18, $0x2;
	v14 =	vmul.u32 $0x190, v2;
	v3 =	vld [tilespmem:s15+$0x0]  }
0x216: {  	v7 =	vcvt.f32.s32 v5;
	v4 =	vld [tilespmem:s16+$0x800];
	v8 =	vmul.u32 $0x157C00, v11  }
0x217: {  	v9 =	vmul.f32 v12, v1;
	v5 =	vmul.f32 v10, v0;
	v10 =	vadd.s32 v13, v14;
	v6 =	vld [tilespmem:s16+$0x1000]  }
0x218: {  	s18 =	sadd.s32 $0x40, s18;
	vm1 =	vlt.u32 v13, $0x190;
	vm0 =	vlt.u32 v7, $0x160;
	v10 =	vmul.u32 $0x160, v10  }
.Ltmp11:
0x219: {  	_ = 	snop;
	(pc) =	sbr.rel .LBB2_18-.Ltmp11, $1  }
0x21a: {  	_ =	sdelay $0x3  }
.LBB2_20:
0x21b: {  	_ =	sfence.sel $0x180000  }
0x21c: {  	[bflag:$0x0] =	sbarrier.arrive $0xFFFF  }
0x21d: {  	_ =	strace $0x90000047  }
0x21e: {  	s0 =	stileid.u32;
	[bflag:$0x2] =	sbarrier.arrive $0xFFFF  }
0x21f: {  	p0 =	sne.s32 s0, $0x0;
	s0 =	rddreg [dreg:$0x3]  }
0x220: {  	s0 =	sadd.s32 @!p0 $0x100000, s0  }
0x221: {  	[sflag:s0] =	ssyncadd.tile.s32 @!p0 $0x1;
	_ =	shalt  }
.Lfunc_end2:
_tile_overlayer_lowered:
.L_overlay_start_2:
0x222: {  	(tag) =	ssettag $0x2  }
0x223: {  	s0 =	rddreg [dreg:$0x0];
	s2 =	stileid.u32  }
0x224: {  	s1 =	rddreg [dreg:$0x1];
	p0 =	sne.s32 s2, $0x0  }
0x225: {  	s3 =	rddreg [dreg:$0x2];
	[bflag:$0x3] =	sbarrier.arrive $0xFFFF;
	s2 =	simm.s32 @!p0 $0x1C01  }
0x226: {  	[timem:s3], [sflag:s2] =	dma.local @!p0 [hbm:s0], s1  }
0x227: {  	s0 =	simm.s32 @!p0 $0x1  }
0x228: {  	_ =	swait.ge @!p0 [sflag:s0], s1  }
0x229: {  	s1 =	ssub.s32 @!p0 $0x0, s1;
	[sflag:s0] =	ssyncset.done @!p0 $0x0  }
0x22a: {  	[sflag:s0] =	ssyncadd.s32 @!p0 s1  }
0x22b: {  	[bflag:$0x3] =	sbarrier.arrive $0xFFFF  }
0x22c: {  	_ =	shalt  }

</sc_bundles>
